<compile_context>
chip_gen: v7x
topology: tpu7x:2x2x1
jax: 0.10.2.dev20260603
libtpu: 0.0.44.dev20260713+nightly
codegen_flags: <defaults>
</compile_context>

<pallas_src>
import functools

import jax
import jax.numpy as jnp
from jax import lax
from jax.experimental import pallas as pl
from jax.experimental.pallas import tpu as pltpu
from jax.experimental.pallas import tpu_sc as plsc

S = 100000
DS = 32
N = 524288
DB = 26
DE = 26
H = 32
CP = 128
EOFF = 64


_S_BLK = 2048


def _mlp_body(sft, wb1, bb1, wb2, bb2, we1, be1, we2, be2, tbl_out):
    xt = sft[...]
    dims = (((0,), (0,)), ((), ()))
    hb = jax.nn.silu(
        lax.dot_general(xt, wb1[...], dims,
                        preferred_element_type=jnp.float32) + bb1[...])
    b = jnp.dot(hb, wb2[...], preferred_element_type=jnp.float32) + bb2[...]
    he = jax.nn.silu(
        lax.dot_general(xt, we1[...], dims,
                        preferred_element_type=jnp.float32) + be1[...])
    e = jnp.dot(he, we2[...], preferred_element_type=jnp.float32) + be2[...]
    tbl_out[...] = jnp.concatenate([b, e], axis=1)


def _mlp_table(sft, Wb1, bb1, Wb2, bb2, We1, be1, We2, be2):
    Wb2p = jnp.pad(Wb2, ((0, 0), (0, EOFF - DB)))
    bb2p = jnp.pad(bb2, (0, EOFF - DB)).reshape(1, EOFF)
    We2p = jnp.pad(We2, ((0, 0), (0, EOFF - DE)))
    be2p = jnp.pad(be2, (0, EOFF - DE)).reshape(1, EOFF)
    bb1r = bb1.reshape(1, H)
    be1r = be1.reshape(1, H)

    grid = (S + _S_BLK - 1) // _S_BLK
    full = lambda i: (0, 0)
    return pl.pallas_call(
        _mlp_body,
        grid=(grid,),
        in_specs=[
            pl.BlockSpec((DS, _S_BLK), lambda i: (0, i)),
            pl.BlockSpec((DS, H), full),
            pl.BlockSpec((1, H), full),
            pl.BlockSpec((H, EOFF), full),
            pl.BlockSpec((1, EOFF), full),
            pl.BlockSpec((DS, H), full),
            pl.BlockSpec((1, H), full),
            pl.BlockSpec((H, EOFF), full),
            pl.BlockSpec((1, EOFF), full),
        ],
        out_specs=pl.BlockSpec((_S_BLK, CP), lambda i: (i, 0)),
        out_shape=jax.ShapeDtypeStruct((S, CP), jnp.float32),
    )(sft, Wb1, bb1r, Wb2p, bb2p, We1, be1r, We2p, be2p)



_NC = 2
_NS = 16
_NW = _NC * _NS
_ROWS_W = N // _NW
_CHUNK = 256
_NCHUNK = _ROWS_W // _CHUNK
_NGRP = _CHUNK // 16
_SEG = 8
_SEG_ROWS = _ROWS_W // _SEG


def _sc_fused(loc_ind, tbl, bft, eft, csm, alert):
    mesh = plsc.VectorSubcoreMesh(core_axis_name="c", subcore_axis_name="s")

    @functools.partial(
        pl.kernel,
        mesh=mesh,
        out_type=(
            jax.ShapeDtypeStruct((N,), jnp.float32),
            jax.ShapeDtypeStruct((N,), jnp.float32),
            jax.ShapeDtypeStruct((N,), jnp.float32),
        ),
        scratch_types=[
            pltpu.VMEM((_CHUNK,), jnp.int32),
            pltpu.VMEM((_CHUNK,), jnp.int32),
            pltpu.VMEM((_CHUNK, CP), jnp.float32),
            pltpu.VMEM((_CHUNK, CP), jnp.float32),
            pltpu.VMEM((DB, _CHUNK), jnp.float32),
            pltpu.VMEM((DB, _CHUNK), jnp.float32),
            pltpu.VMEM((DE, _CHUNK), jnp.float32),
            pltpu.VMEM((DE, _CHUNK), jnp.float32),
            pltpu.VMEM((_CHUNK,), jnp.float32),
            pltpu.VMEM((_CHUNK,), jnp.float32),
            pltpu.VMEM((_CHUNK,), jnp.float32),
            pltpu.VMEM((_CHUNK,), jnp.float32),
            pltpu.VMEM((_SEG_ROWS,), jnp.float32),
            pltpu.VMEM((_SEG_ROWS,), jnp.float32),
            pltpu.VMEM((_SEG_ROWS,), jnp.float32),
            pltpu.SemaphoreType.DMA,
            pltpu.SemaphoreType.DMA,
            pltpu.SemaphoreType.DMA,
            pltpu.SemaphoreType.DMA,
            pltpu.SemaphoreType.DMA,
            pltpu.SemaphoreType.DMA,
        ],
        compiler_params=pltpu.CompilerParams(needs_layout_passes=False),
    )
    def k(idx_hbm, tbl_hbm, bft_hbm, eft_hbm, csm_hbm, al_hbm,
          eff_hbm, base_hbm, outc_hbm,
          idx_a, idx_b, rows_a, rows_b, bft_a, bft_b, eft_a, eft_b,
          csm_a, csm_b, al_a, al_b, eff_w, base_w, outc_w,
          sidx_a, sidx_b, sin_a, sin_b, sg_a, sg_b):
        wid = lax.axis_index("s") * _NC + lax.axis_index("c")
        wbase = wid * _ROWS_W
        lane = lax.iota(jnp.int32, 16)
        last = _NCHUNK - 1

        def issue_inputs(c, idx_v, bft_v, eft_v, csm_v, al_v, sidx, sin):
            base = wbase + c * _CHUNK
            pltpu.async_copy(idx_hbm.at[pl.ds(base, _CHUNK)], idx_v, sidx)
            pltpu.async_copy(bft_hbm.at[:, pl.ds(base, _CHUNK)], bft_v, sin)
            pltpu.async_copy(eft_hbm.at[:, pl.ds(base, _CHUNK)], eft_v, sin)
            pltpu.async_copy(csm_hbm.at[pl.ds(base, _CHUNK)], csm_v, sin)
            pltpu.async_copy(al_hbm.at[pl.ds(base, _CHUNK)], al_v, sin)

        def wait_inputs(c, idx_v, bft_v, eft_v, csm_v, al_v, sidx, sin,
                        idx_only):
            base = wbase + c * _CHUNK
            if idx_only:
                pltpu.make_async_copy(
                    idx_hbm.at[pl.ds(base, _CHUNK)], idx_v, sidx).wait()
            else:
                pltpu.make_async_copy(
                    bft_hbm.at[:, pl.ds(base, _CHUNK)], bft_v, sin).wait()
                pltpu.make_async_copy(
                    eft_hbm.at[:, pl.ds(base, _CHUNK)], eft_v, sin).wait()
                pltpu.make_async_copy(
                    csm_hbm.at[pl.ds(base, _CHUNK)], csm_v, sin).wait()
                pltpu.make_async_copy(
                    al_hbm.at[pl.ds(base, _CHUNK)], al_v, sin).wait()

        def compute(c, seg_off, rows_v, bft_v, eft_v, csm_v, al_v):
            off = c * _CHUNK - seg_off

            @plsc.parallel_loop(0, _NGRP, 1)
            def group(g):
                r = g * 16 + lane
                acc_b0 = jnp.zeros((16,), jnp.float32)
                acc_b1 = jnp.zeros((16,), jnp.float32)
                acc_e0 = jnp.zeros((16,), jnp.float32)
                acc_e1 = jnp.zeros((16,), jnp.float32)
                for d in range(DB):
                    js = lax.rem(lane + d, jnp.full((16,), DB, jnp.int32))
                    jse = js + EOFF
                    pb = (plsc.load_gather(rows_v, [r, js])
                          * plsc.load_gather(bft_v, [js, r]))
                    pe = (plsc.load_gather(rows_v, [r, jse])
                          * plsc.load_gather(eft_v, [js, r]))
                    if d % 2 == 0:
                        acc_b0 += pb
                        acc_e0 += pe
                    else:
                        acc_b1 += pb
                        acc_e1 += pe
                acc_b = acc_b0 + acc_b1
                acc_e = acc_e0 + acc_e1
                baseline = jnp.minimum(jnp.exp(acc_b), 1e6)
                eff = 1.0 / (1.0 + jnp.exp(4.0 - acc_e))
                eff = jnp.clip(eff, 1e-6, 1.0 - 1e-6)
                sl = pl.ds(g * 16, 16)
                wsl = pl.ds(off + g * 16, 16)
                csm16 = csm_v[sl]
                al16 = al_v[sl]
                eff_w[wsl] = eff
                base_w[wsl] = baseline
                outc_w[wsl] = csm16 * baseline * (1.0 - al16 * eff)

        def issue_gather(rows_v, idx_v, sg):
            pltpu.async_copy(tbl_hbm.at[idx_v], rows_v, sg)

        def wait_gather(rows_v, idx_v, sg):
            pltpu.make_async_copy(tbl_hbm.at[idx_v], rows_v, sg).wait()

        issue_inputs(0, idx_a, bft_a, eft_a, csm_a, al_a, sidx_a, sin_a)
        issue_inputs(1, idx_b, bft_b, eft_b, csm_b, al_b, sidx_b, sin_b)
        wait_inputs(0, idx_a, bft_a, eft_a, csm_a, al_a, sidx_a, sin_a, True)
        issue_gather(rows_a, idx_a, sg_a)

        def pair(i, carry):
            seg_off = carry
            c0 = 2 * i
            c1 = 2 * i + 1
            wait_inputs(c1, idx_b, bft_b, eft_b, csm_b, al_b,
                        sidx_b, sin_b, True)
            issue_gather(rows_b, idx_b, sg_b)
            wait_gather(rows_a, idx_a, sg_a)
            wait_inputs(c0, idx_a, bft_a, eft_a, csm_a, al_a,
                        sidx_a, sin_a, False)
            compute(c0, seg_off, rows_a, bft_a, eft_a, csm_a, al_a)
            issue_inputs(jnp.minimum(c0 + 2, last), idx_a, bft_a, eft_a,
                         csm_a, al_a, sidx_a, sin_a)
            wait_gather(rows_b, idx_b, sg_b)
            wait_inputs(c1, idx_b, bft_b, eft_b, csm_b, al_b,
                        sidx_b, sin_b, False)
            compute(c1, seg_off, rows_b, bft_b, eft_b, csm_b, al_b)
            wait_inputs(jnp.minimum(c0 + 2, last), idx_a, bft_a, eft_a,
                        csm_a, al_a, sidx_a, sin_a, True)
            issue_gather(rows_a, idx_a, sg_a)
            issue_inputs(jnp.minimum(c1 + 2, last), idx_b, bft_b, eft_b,
                         csm_b, al_b, sidx_b, sin_b)
            return carry

        pairs_per_seg = _NCHUNK // 2 // _SEG

        def seg_body(s, carry):
            seg_off = s * _SEG_ROWS
            lax.fori_loop(s * pairs_per_seg, (s + 1) * pairs_per_seg,
                          pair, seg_off)
            sb = wbase + seg_off
            pltpu.sync_copy(eff_w, eff_hbm.at[pl.ds(sb, _SEG_ROWS)])
            pltpu.sync_copy(base_w, base_hbm.at[pl.ds(sb, _SEG_ROWS)])
            pltpu.sync_copy(outc_w, outc_hbm.at[pl.ds(sb, _SEG_ROWS)])
            return carry

        lax.fori_loop(0, _SEG, seg_body, 0)

        wait_gather(rows_a, idx_a, sg_a)
        wait_inputs(last, idx_a, bft_a, eft_a, csm_a, al_a,
                    sidx_a, sin_a, False)
        wait_inputs(last, idx_b, bft_b, eft_b, csm_b, al_b,
                    sidx_b, sin_b, True)
        wait_inputs(last, idx_b, bft_b, eft_b, csm_b, al_b,
                    sidx_b, sin_b, False)


    return k(loc_ind, tbl, bft, eft, csm, alert)


def kernel(hosps, loc_ind, county_summer_mean, alert, baseline_features,
           eff_features, index, spatial_features,
           Wb1, bb1, Wb2, bb2, We1, be1, We2, be2):
    tbl = _mlp_table(spatial_features.T, Wb1, bb1, Wb2, bb2,
                     We1, be1, We2, be2)
    eff, base, outc = _sc_fused(loc_ind, tbl, baseline_features.T,
                                eff_features.T, county_summer_mean, alert)
    return jnp.stack([eff, base, outc], axis=1)

# --- scband reference (transcript-rebuilt; emitter-appended) ---
"""Pipeline reference for scband-heat-alert-model-55113020342719 (READ-ONLY COPY).

The authoritative reference and input builder live on the scoring server;
editing this copy changes nothing except your own understanding.
"""

import jax, jax.numpy as jnp
import numpy as np

S = 100000      # number of spatial locations
DS = 32         # d_spatial
N = 524288      # data_size (rows)
DB = 26         # d_baseline
DE = 26         # d_effectiveness
H = 32          # hidden_dim


def setup_inputs(seed: int = 0) -> dict:
    key = jax.random.key(seed)
    ks = jax.random.split(key, 16)
    inp = {}
    # forward args
    inp["hosps"] = jax.random.uniform(ks[0], (N,), dtype=jnp.float32) * 10.0
    inp["loc_ind"] = jax.random.randint(ks[1], (N,), 0, S, dtype=jnp.int32)
    inp["county_summer_mean"] = jax.random.uniform(ks[2], (N,), dtype=jnp.float32)
    inp["alert"] = jnp.round(jax.random.uniform(ks[3], (N,), dtype=jnp.float32))
    inp["baseline_features"] = jax.random.normal(ks[4], (N, DB), dtype=jnp.float32) * 0.1
    inp["eff_features"] = jax.random.normal(ks[5], (N, DE), dtype=jnp.float32) * 0.1
    inp["index"] = jnp.arange(N, dtype=jnp.int32)
    # learned parameters / buffers
    inp["spatial_features"] = jax.random.normal(ks[6], (S, DS), dtype=jnp.float32)
    inp["Wb1"] = jax.random.normal(ks[7], (DS, H), dtype=jnp.float32) * 0.05
    inp["bb1"] = jnp.zeros((H,), dtype=jnp.float32)
    inp["Wb2"] = jax.random.normal(ks[8], (H, DB), dtype=jnp.float32) * 0.05
    inp["bb2"] = jnp.zeros((DB,), dtype=jnp.float32)
    inp["We1"] = jax.random.normal(ks[9], (DS, H), dtype=jnp.float32) * 0.05
    inp["be1"] = jnp.zeros((H,), dtype=jnp.float32)
    inp["We2"] = jax.random.normal(ks[10], (H, DE), dtype=jnp.float32) * 0.05
    inp["be2"] = jnp.zeros((DE,), dtype=jnp.float32)
    return inp


def reference(hosps, loc_ind, county_summer_mean, alert, baseline_features,
              eff_features, index, spatial_features,
              Wb1, bb1, Wb2, bb2, We1, be1, We2, be2):
    # MLP coefficient heads over spatial features (pyro.sample at Normal mean = loc)
    hb = jax.nn.silu(spatial_features @ Wb1 + bb1)
    baseline_loc = hb @ Wb2 + bb2            # [S, DB]
    he = jax.nn.silu(spatial_features @ We1 + be1)
    eff_loc = he @ We2 + be2                 # [S, DE]

    # baseline_bias ~ Uniform(-0.5, 0.5): mean = 0.0
    # eff_bias      ~ Uniform(-10, 2):    mean = -4.0
    baseline_bias_mean = 0.0
    eff_bias_mean = -4.0

    # gather per-row coefficients by location (memory-bound gathers)
    b_coefs = jnp.take(baseline_loc, loc_ind, axis=0)   # [N, DB]
    baseline_lin = jnp.sum(b_coefs * baseline_features, axis=1) + baseline_bias_mean
    baseline = jnp.exp(baseline_lin)
    baseline = jnp.minimum(baseline, 1e6)

    e_coefs = jnp.take(eff_loc, loc_ind, axis=0)        # [N, DE]
    eff_lin = jnp.sum(e_coefs * eff_features, axis=1) + eff_bias_mean
    effectiveness = jax.nn.sigmoid(eff_lin)
    effectiveness = jnp.clip(effectiveness, 1e-6, 1.0 - 1e-6)

    outcome_mean = county_summer_mean * baseline * (1.0 - alert * effectiveness)
    # return_outcomes=True path of the torch module
    return jnp.stack([effectiveness, baseline, outcome_mean], axis=1)  # [N, 3]

if __name__ == "__main__":
    import jax
    _d = setup_inputs()
    print(jax.jit(kernel)(*tuple(_d.values())))

</pallas_src>

<mosaic_0001>
#map = affine_map<(d0, d1) -> (0)>
#map1 = affine_map<(d0, d1) -> (0, 0)>
module attributes {stable_mosaic.version = 14 : i64} {
  func.func @k(%arg0: i32, %arg1: i32, %arg2: memref<524288xi32, #tpu.memory_space<hbm>>, %arg3: memref<100000x128xf32, #tpu.memory_space<hbm>>, %arg4: memref<26x524288xf32, #tpu.memory_space<hbm>>, %arg5: memref<26x524288xf32, #tpu.memory_space<hbm>>, %arg6: memref<524288xf32, #tpu.memory_space<hbm>>, %arg7: memref<524288xf32, #tpu.memory_space<hbm>>, %arg8: memref<524288xf32, #tpu.memory_space<hbm>>, %arg9: memref<524288xf32, #tpu.memory_space<hbm>>, %arg10: memref<524288xf32, #tpu.memory_space<hbm>>, %arg11: memref<256xi32, #tpu.memory_space<vmem>>, %arg12: memref<256xi32, #tpu.memory_space<vmem>>, %arg13: memref<256x128xf32, #tpu.memory_space<vmem>>, %arg14: memref<256x128xf32, #tpu.memory_space<vmem>>, %arg15: memref<26x256xf32, #tpu.memory_space<vmem>>, %arg16: memref<26x256xf32, #tpu.memory_space<vmem>>, %arg17: memref<26x256xf32, #tpu.memory_space<vmem>>, %arg18: memref<26x256xf32, #tpu.memory_space<vmem>>, %arg19: memref<256xf32, #tpu.memory_space<vmem>>, %arg20: memref<256xf32, #tpu.memory_space<vmem>>, %arg21: memref<256xf32, #tpu.memory_space<vmem>>, %arg22: memref<256xf32, #tpu.memory_space<vmem>>, %arg23: memref<2048xf32, #tpu.memory_space<vmem>>, %arg24: memref<2048xf32, #tpu.memory_space<vmem>>, %arg25: memref<2048xf32, #tpu.memory_space<vmem>>, %arg26: memref<!tpu.dma_semaphore, #tpu.memory_space<semaphore_mem>>, %arg27: memref<!tpu.dma_semaphore, #tpu.memory_space<semaphore_mem>>, %arg28: memref<!tpu.dma_semaphore, #tpu.memory_space<semaphore_mem>>, %arg29: memref<!tpu.dma_semaphore, #tpu.memory_space<semaphore_mem>>, %arg30: memref<!tpu.dma_semaphore, #tpu.memory_space<semaphore_mem>>, %arg31: memref<!tpu.dma_semaphore, #tpu.memory_space<semaphore_mem>>) attributes {dimension_semantics = [#tpu.dimension_semantics<core_parallel>, #tpu.dimension_semantics<subcore_parallel>], iteration_bounds = array<i64: 2, 16>, scalar_prefetch = 0 : i64, scratch_operands = 21 : i64, tpu.core_type = #tpu.core_type<sc_vector_subcore>, window_params = [{transform_indices = #map}, {transform_indices = #map1}, {transform_indices = #map1}, {transform_indices = #map1}, {transform_indices = #map}, {transform_indices = #map}, {transform_indices = #map}, {transform_indices = #map}, {transform_indices = #map}]} {
    %mul3A = arith.constant 2 : i32
    %mul3A_0 = arith.muli %arg1, %mul3A : i32
    %add3A = arith.addi %mul3A_0, %arg0 : i32
    %mul3A_1 = arith.constant 16384 : i32
    %mul3A_2 = arith.muli %add3A, %mul3A_1 : i32
    %iota3A = tpu.iota {dimensions = array<i32: 0>} : vector<16xi32>
    %add3A_3 = arith.constant 0 : i32
    %add3A_4 = arith.addi %mul3A_2, %add3A_3 : i32
    %dma_start3A = tpu.memref_slice %arg2[%add3A_4] : memref<524288xi32, #tpu.memory_space<hbm>> -> memref<256xi32, #tpu.memory_space<hbm>>
    %dma_start3A_5 = tpu.memref_slice %arg2[%add3A_4] : memref<524288xi32, #tpu.memory_space<hbm>> -> memref<256xi32, #tpu.memory_space<hbm>>
    tpu.enqueue_dma source(%dma_start3A_5 : memref<256xi32, #tpu.memory_space<hbm>>) target(%arg11 : memref<256xi32, #tpu.memory_space<vmem>>) target_semaphore(%arg26 : memref<!tpu.dma_semaphore, #tpu.memory_space<semaphore_mem>>)
    %dma_start3A_6 = arith.constant 0 : i32
    %dma_start3A_7 = tpu.memref_slice %arg4[%dma_start3A_6, %add3A_4] : memref<26x524288xf32, #tpu.memory_space<hbm>> -> memref<26x256xf32, #tpu.memory_space<hbm>>
    %dma_start3A_8 = arith.constant 0 : i32
    %dma_start3A_9 = tpu.memref_slice %arg4[%dma_start3A_8, %add3A_4] : memref<26x524288xf32, #tpu.memory_space<hbm>> -> memref<26x256xf32, #tpu.memory_space<hbm>>
    tpu.enqueue_dma source(%dma_start3A_9 : memref<26x256xf32, #tpu.memory_space<hbm>>) target(%arg15 : memref<26x256xf32, #tpu.memory_space<vmem>>) target_semaphore(%arg28 : memref<!tpu.dma_semaphore, #tpu.memory_space<semaphore_mem>>)
    %dma_start3A_10 = arith.constant 0 : i32
    %dma_start3A_11 = tpu.memref_slice %arg5[%dma_start3A_10, %add3A_4] : memref<26x524288xf32, #tpu.memory_space<hbm>> -> memref<26x256xf32, #tpu.memory_space<hbm>>
    %dma_start3A_12 = arith.constant 0 : i32
    %dma_start3A_13 = tpu.memref_slice %arg5[%dma_start3A_12, %add3A_4] : memref<26x524288xf32, #tpu.memory_space<hbm>> -> memref<26x256xf32, #tpu.memory_space<hbm>>
    tpu.enqueue_dma source(%dma_start3A_13 : memref<26x256xf32, #tpu.memory_space<hbm>>) target(%arg17 : memref<26x256xf32, #tpu.memory_space<vmem>>) target_semaphore(%arg28 : memref<!tpu.dma_semaphore, #tpu.memory_space<semaphore_mem>>)
    %dma_start3A_14 = tpu.memref_slice %arg6[%add3A_4] : memref<524288xf32, #tpu.memory_space<hbm>> -> memref<256xf32, #tpu.memory_space<hbm>>
    %dma_start3A_15 = tpu.memref_slice %arg6[%add3A_4] : memref<524288xf32, #tpu.memory_space<hbm>> -> memref<256xf32, #tpu.memory_space<hbm>>
    tpu.enqueue_dma source(%dma_start3A_15 : memref<256xf32, #tpu.memory_space<hbm>>) target(%arg19 : memref<256xf32, #tpu.memory_space<vmem>>) target_semaphore(%arg28 : memref<!tpu.dma_semaphore, #tpu.memory_space<semaphore_mem>>)
    %dma_start3A_16 = tpu.memref_slice %arg7[%add3A_4] : memref<524288xf32, #tpu.memory_space<hbm>> -> memref<256xf32, #tpu.memory_space<hbm>>
    %dma_start3A_17 = tpu.memref_slice %arg7[%add3A_4] : memref<524288xf32, #tpu.memory_space<hbm>> -> memref<256xf32, #tpu.memory_space<hbm>>
    tpu.enqueue_dma source(%dma_start3A_17 : memref<256xf32, #tpu.memory_space<hbm>>) target(%arg21 : memref<256xf32, #tpu.memory_space<vmem>>) target_semaphore(%arg28 : memref<!tpu.dma_semaphore, #tpu.memory_space<semaphore_mem>>)
    %add3A_18 = arith.constant 256 : i32
    %add3A_19 = arith.addi %mul3A_2, %add3A_18 : i32
    %dma_start3A_20 = tpu.memref_slice %arg2[%add3A_19] : memref<524288xi32, #tpu.memory_space<hbm>> -> memref<256xi32, #tpu.memory_space<hbm>>
    %dma_start3A_21 = tpu.memref_slice %arg2[%add3A_19] : memref<524288xi32, #tpu.memory_space<hbm>> -> memref<256xi32, #tpu.memory_space<hbm>>
    tpu.enqueue_dma source(%dma_start3A_21 : memref<256xi32, #tpu.memory_space<hbm>>) target(%arg12 : memref<256xi32, #tpu.memory_space<vmem>>) target_semaphore(%arg27 : memref<!tpu.dma_semaphore, #tpu.memory_space<semaphore_mem>>)
    %dma_start3A_22 = arith.constant 0 : i32
    %dma_start3A_23 = tpu.memref_slice %arg4[%dma_start3A_22, %add3A_19] : memref<26x524288xf32, #tpu.memory_space<hbm>> -> memref<26x256xf32, #tpu.memory_space<hbm>>
    %dma_start3A_24 = arith.constant 0 : i32
    %dma_start3A_25 = tpu.memref_slice %arg4[%dma_start3A_24, %add3A_19] : memref<26x524288xf32, #tpu.memory_space<hbm>> -> memref<26x256xf32, #tpu.memory_space<hbm>>
    tpu.enqueue_dma source(%dma_start3A_25 : memref<26x256xf32, #tpu.memory_space<hbm>>) target(%arg16 : memref<26x256xf32, #tpu.memory_space<vmem>>) target_semaphore(%arg29 : memref<!tpu.dma_semaphore, #tpu.memory_space<semaphore_mem>>)
    %dma_start3A_26 = arith.constant 0 : i32
    %dma_start3A_27 = tpu.memref_slice %arg5[%dma_start3A_26, %add3A_19] : memref<26x524288xf32, #tpu.memory_space<hbm>> -> memref<26x256xf32, #tpu.memory_space<hbm>>
    %dma_start3A_28 = arith.constant 0 : i32
    %dma_start3A_29 = tpu.memref_slice %arg5[%dma_start3A_28, %add3A_19] : memref<26x524288xf32, #tpu.memory_space<hbm>> -> memref<26x256xf32, #tpu.memory_space<hbm>>
    tpu.enqueue_dma source(%dma_start3A_29 : memref<26x256xf32, #tpu.memory_space<hbm>>) target(%arg18 : memref<26x256xf32, #tpu.memory_space<vmem>>) target_semaphore(%arg29 : memref<!tpu.dma_semaphore, #tpu.memory_space<semaphore_mem>>)
    %dma_start3A_30 = tpu.memref_slice %arg6[%add3A_19] : memref<524288xf32, #tpu.memory_space<hbm>> -> memref<256xf32, #tpu.memory_space<hbm>>
    %dma_start3A_31 = tpu.memref_slice %arg6[%add3A_19] : memref<524288xf32, #tpu.memory_space<hbm>> -> memref<256xf32, #tpu.memory_space<hbm>>
    tpu.enqueue_dma source(%dma_start3A_31 : memref<256xf32, #tpu.memory_space<hbm>>) target(%arg20 : memref<256xf32, #tpu.memory_space<vmem>>) target_semaphore(%arg29 : memref<!tpu.dma_semaphore, #tpu.memory_space<semaphore_mem>>)
    %dma_start3A_32 = tpu.memref_slice %arg7[%add3A_19] : memref<524288xf32, #tpu.memory_space<hbm>> -> memref<256xf32, #tpu.memory_space<hbm>>
    %dma_start3A_33 = tpu.memref_slice %arg7[%add3A_19] : memref<524288xf32, #tpu.memory_space<hbm>> -> memref<256xf32, #tpu.memory_space<hbm>>
    tpu.enqueue_dma source(%dma_start3A_33 : memref<256xf32, #tpu.memory_space<hbm>>) target(%arg22 : memref<256xf32, #tpu.memory_space<vmem>>) target_semaphore(%arg29 : memref<!tpu.dma_semaphore, #tpu.memory_space<semaphore_mem>>)
    %add3A_34 = arith.constant 0 : i32
    %add3A_35 = arith.addi %mul3A_2, %add3A_34 : i32
    %dma_wait3A = tpu.memref_slice %arg2[%add3A_35] : memref<524288xi32, #tpu.memory_space<hbm>> -> memref<256xi32, #tpu.memory_space<hbm>>
    %dma_wait3A_36 = tpu.memref_slice %arg2[%add3A_35] : memref<524288xi32, #tpu.memory_space<hbm>> -> memref<256xi32, #tpu.memory_space<hbm>>
    tpu.wait_dma2 semaphore(%arg26 : memref<!tpu.dma_semaphore, #tpu.memory_space<semaphore_mem>>) src(%dma_wait3A_36 : memref<256xi32, #tpu.memory_space<hbm>>) dst(%arg11 : memref<256xi32, #tpu.memory_space<vmem>>)
    %dma_start3A_37 = arith.constant 0 : i32
    %dma_start3A_38 = arith.constant 0 : i32
    %dma_start3A_39 = tpu.memref_slice %arg3[%dma_start3A_37, %dma_start3A_38] : memref<100000x128xf32, #tpu.memory_space<hbm>> -> memref<100000x128xf32, #tpu.memory_space<hbm>>
    tpu.enqueue_indirect_dma source(%dma_start3A_39 : memref<100000x128xf32, #tpu.memory_space<hbm>>) target(%arg13 : memref<256x128xf32, #tpu.memory_space<vmem>>) offsets(%arg11 : memref<256xi32, #tpu.memory_space<vmem>>) semaphore(%arg30 : memref<!tpu.dma_semaphore, #tpu.memory_space<semaphore_mem>>)
    %scan3A = arith.constant 0 : i32
    %scan3A_40 = arith.constant 0 : i32
    %scan3A_41 = arith.constant 8 : i32
    %scan3A_42 = arith.addi %scan3A_40, %scan3A_41 : i32
    %scan3A_43 = arith.constant 1 : i32
    scf.for %scan3A_80 = %scan3A_40 to %scan3A_42 step %scan3A_43  : i32 {
      %mul3A_81 = arith.constant 2048 : i32
      %mul3A_82 = arith.muli %scan3A_80, %mul3A_81 : i32
      %mul3A_83 = arith.constant 4 : i32
      %mul3A_84 = arith.muli %scan3A_80, %mul3A_83 : i32
      %add3A_85 = arith.constant 1 : i32
      %add3A_86 = arith.addi %scan3A_80, %add3A_85 : i32
      %mul3A_87 = arith.constant 4 : i32
      %mul3A_88 = arith.muli %add3A_86, %mul3A_87 : i32
      %while3A = arith.subi %mul3A_88, %mul3A_84 : i32
      %while3A_89 = arith.addi %mul3A_84, %while3A : i32
      %while3A_90 = arith.constant 1 : i32
      %while3A_91 = arith.divsi %while3A, %while3A_90 : i32
      %while3A_92 = arith.muli %while3A_91, %while3A_90 : i32
      %while3A_93 = arith.addi %mul3A_84, %while3A_92 : i32
      %while3A_94 = arith.constant 1 : i32
      scf.for %while3A_97 = %mul3A_84 to %while3A_93 step %while3A_94  : i32 {
        %mul3A_98 = arith.constant 2 : i32
        %mul3A_99 = arith.muli %mul3A_98, %while3A_97 : i32
        %mul3A_100 = arith.constant 2 : i32
        %mul3A_101 = arith.muli %mul3A_100, %while3A_97 : i32
        %add3A_102 = arith.constant 1 : i32
        %add3A_103 = arith.addi %mul3A_101, %add3A_102 : i32
        %mul3A_104 = arith.constant 256 : i32
        %mul3A_105 = arith.muli %add3A_103, %mul3A_104 : i32
        %add3A_106 = arith.addi %mul3A_2, %mul3A_105 : i32
        %dma_wait3A_107 = tpu.memref_slice %arg2[%add3A_106] : memref<524288xi32, #tpu.memory_space<hbm>> -> memref<256xi32, #tpu.memory_space<hbm>>
        %dma_wait3A_108 = tpu.memref_slice %arg2[%add3A_106] : memref<524288xi32, #tpu.memory_space<hbm>> -> memref<256xi32, #tpu.memory_space<hbm>>
        tpu.wait_dma2 semaphore(%arg27 : memref<!tpu.dma_semaphore, #tpu.memory_space<semaphore_mem>>) src(%dma_wait3A_108 : memref<256xi32, #tpu.memory_space<hbm>>) dst(%arg12 : memref<256xi32, #tpu.memory_space<vmem>>)
        %dma_start3A_109 = arith.constant 0 : i32
        %dma_start3A_110 = arith.constant 0 : i32
        %dma_start3A_111 = tpu.memref_slice %arg3[%dma_start3A_109, %dma_start3A_110] : memref<100000x128xf32, #tpu.memory_space<hbm>> -> memref<100000x128xf32, #tpu.memory_space<hbm>>
        tpu.enqueue_indirect_dma source(%dma_start3A_111 : memref<100000x128xf32, #tpu.memory_space<hbm>>) target(%arg14 : memref<256x128xf32, #tpu.memory_space<vmem>>) offsets(%arg12 : memref<256xi32, #tpu.memory_space<vmem>>) semaphore(%arg31 : memref<!tpu.dma_semaphore, #tpu.memory_space<semaphore_mem>>)
        %dma_wait3A_112 = arith.constant 0 : i32
        %dma_wait3A_113 = arith.constant 0 : i32
        %dma_wait3A_114 = tpu.memref_slice %arg3[%dma_wait3A_112, %dma_wait3A_113] : memref<100000x128xf32, #tpu.memory_space<hbm>> -> memref<100000x128xf32, #tpu.memory_space<hbm>>
        tpu.wait_indirect_dma semaphore(%arg30 : memref<!tpu.dma_semaphore, #tpu.memory_space<semaphore_mem>>) src(%dma_wait3A_114 : memref<100000x128xf32, #tpu.memory_space<hbm>>) dst(%arg13 : memref<256x128xf32, #tpu.memory_space<vmem>>)
        %mul3A_115 = arith.constant 256 : i32
        %mul3A_116 = arith.muli %mul3A_99, %mul3A_115 : i32
        %add3A_117 = arith.addi %mul3A_2, %mul3A_116 : i32
        %dma_wait3A_118 = arith.constant 0 : i32
        %dma_wait3A_119 = tpu.memref_slice %arg4[%dma_wait3A_118, %add3A_117] : memref<26x524288xf32, #tpu.memory_space<hbm>> -> memref<26x256xf32, #tpu.memory_space<hbm>>
        %dma_wait3A_120 = arith.constant 0 : i32
        %dma_wait3A_121 = tpu.memref_slice %arg4[%dma_wait3A_120, %add3A_117] : memref<26x524288xf32, #tpu.memory_space<hbm>> -> memref<26x256xf32, #tpu.memory_space<hbm>>
        tpu.wait_dma2 semaphore(%arg28 : memref<!tpu.dma_semaphore, #tpu.memory_space<semaphore_mem>>) src(%dma_wait3A_121 : memref<26x256xf32, #tpu.memory_space<hbm>>) dst(%arg15 : memref<26x256xf32, #tpu.memory_space<vmem>>)
        %dma_wait3A_122 = arith.constant 0 : i32
        %dma_wait3A_123 = tpu.memref_slice %arg5[%dma_wait3A_122, %add3A_117] : memref<26x524288xf32, #tpu.memory_space<hbm>> -> memref<26x256xf32, #tpu.memory_space<hbm>>
        %dma_wait3A_124 = arith.constant 0 : i32
        %dma_wait3A_125 = tpu.memref_slice %arg5[%dma_wait3A_124, %add3A_117] : memref<26x524288xf32, #tpu.memory_space<hbm>> -> memref<26x256xf32, #tpu.memory_space<hbm>>
        tpu.wait_dma2 semaphore(%arg28 : memref<!tpu.dma_semaphore, #tpu.memory_space<semaphore_mem>>) src(%dma_wait3A_125 : memref<26x256xf32, #tpu.memory_space<hbm>>) dst(%arg17 : memref<26x256xf32, #tpu.memory_space<vmem>>)
        %dma_wait3A_126 = tpu.memref_slice %arg6[%add3A_117] : memref<524288xf32, #tpu.memory_space<hbm>> -> memref<256xf32, #tpu.memory_space<hbm>>
        %dma_wait3A_127 = tpu.memref_slice %arg6[%add3A_117] : memref<524288xf32, #tpu.memory_space<hbm>> -> memref<256xf32, #tpu.memory_space<hbm>>
        tpu.wait_dma2 semaphore(%arg28 : memref<!tpu.dma_semaphore, #tpu.memory_space<semaphore_mem>>) src(%dma_wait3A_127 : memref<256xf32, #tpu.memory_space<hbm>>) dst(%arg19 : memref<256xf32, #tpu.memory_space<vmem>>)
        %dma_wait3A_128 = tpu.memref_slice %arg7[%add3A_117] : memref<524288xf32, #tpu.memory_space<hbm>> -> memref<256xf32, #tpu.memory_space<hbm>>
        %dma_wait3A_129 = tpu.memref_slice %arg7[%add3A_117] : memref<524288xf32, #tpu.memory_space<hbm>> -> memref<256xf32, #tpu.memory_space<hbm>>
        tpu.wait_dma2 semaphore(%arg28 : memref<!tpu.dma_semaphore, #tpu.memory_space<semaphore_mem>>) src(%dma_wait3A_129 : memref<256xf32, #tpu.memory_space<hbm>>) dst(%arg21 : memref<256xf32, #tpu.memory_space<vmem>>)
        %mul3A_130 = arith.constant 256 : i32
        %mul3A_131 = arith.muli %mul3A_99, %mul3A_130 : i32
        %sub3A = arith.subi %mul3A_131, %mul3A_82 : i32
        %parallel_loop3A = arith.constant 0 : i32
        %parallel_loop3A_132 = arith.constant 16 : i32
        %parallel_loop3A_133 = arith.constant 1 : i32
        scf.for %parallel_loop3A_211 = %parallel_loop3A to %parallel_loop3A_132 step %parallel_loop3A_133  : i32 {
          %parallel_loop3A_212 = arith.constant 16 : i32
          %parallel_loop3A_213 = arith.muli %parallel_loop3A_211, %parallel_loop3A_212 : i32
          %parallel_loop3A_214 = vector.broadcast %parallel_loop3A_213 : i32 to vector<16xi32>
          %parallel_loop3A_215 = arith.addi %parallel_loop3A_214, %iota3A : vector<16xi32>
          %parallel_loop3A_216 = arith.constant 0.000000e+00 : f32
          %parallel_loop3A_217 = vector.broadcast %parallel_loop3A_216 : f32 to vector<16xf32>
          %parallel_loop3A_218 = arith.constant 0.000000e+00 : f32
          %parallel_loop3A_219 = vector.broadcast %parallel_loop3A_218 : f32 to vector<16xf32>
          %parallel_loop3A_220 = arith.constant 0.000000e+00 : f32
          %parallel_loop3A_221 = vector.broadcast %parallel_loop3A_220 : f32 to vector<16xf32>
          %parallel_loop3A_222 = arith.constant 0.000000e+00 : f32
          %parallel_loop3A_223 = vector.broadcast %parallel_loop3A_222 : f32 to vector<16xf32>
          %parallel_loop3A_224 = arith.constant 0 : i32
          %parallel_loop3A_225 = vector.broadcast %parallel_loop3A_224 : i32 to vector<16xi32>
          %parallel_loop3A_226 = arith.addi %iota3A, %parallel_loop3A_225 : vector<16xi32>
          %parallel_loop3A_227 = arith.constant 26 : i32
          %parallel_loop3A_228 = vector.broadcast %parallel_loop3A_227 : i32 to vector<16xi32>
          %parallel_loop3A_229 = arith.remsi %parallel_loop3A_226, %parallel_loop3A_228 : vector<16xi32>
          %parallel_loop3A_230 = arith.constant 64 : i32
          %parallel_loop3A_231 = vector.broadcast %parallel_loop3A_230 : i32 to vector<16xi32>
          %parallel_loop3A_232 = arith.addi %parallel_loop3A_229, %parallel_loop3A_231 : vector<16xi32>
          %parallel_loop3A_233 = tpu.vector_load_idx %arg13[%parallel_loop3A_215, %parallel_loop3A_229] : memref<256x128xf32, #tpu.memory_space<vmem>>[vector<16xi32>, vector<16xi32>], vector<16xf32>,
          %parallel_loop3A_234 = tpu.vector_load_idx %arg15[%parallel_loop3A_229, %parallel_loop3A_215] : memref<26x256xf32, #tpu.memory_space<vmem>>[vector<16xi32>, vector<16xi32>], vector<16xf32>,
          %parallel_loop3A_235 = arith.mulf %parallel_loop3A_233, %parallel_loop3A_234 : vector<16xf32>
          %parallel_loop3A_236 = tpu.vector_load_idx %arg13[%parallel_loop3A_215, %parallel_loop3A_232] : memref<256x128xf32, #tpu.memory_space<vmem>>[vector<16xi32>, vector<16xi32>], vector<16xf32>,
          %parallel_loop3A_237 = tpu.vector_load_idx %arg17[%parallel_loop3A_229, %parallel_loop3A_215] : memref<26x256xf32, #tpu.memory_space<vmem>>[vector<16xi32>, vector<16xi32>], vector<16xf32>,
          %parallel_loop3A_238 = arith.mulf %parallel_loop3A_236, %parallel_loop3A_237 : vector<16xf32>
          %parallel_loop3A_239 = arith.addf %parallel_loop3A_217, %parallel_loop3A_235 : vector<16xf32>
          %parallel_loop3A_240 = arith.addf %parallel_loop3A_221, %parallel_loop3A_238 : vector<16xf32>
          %parallel_loop3A_241 = arith.constant 1 : i32
          %parallel_loop3A_242 = vector.broadcast %parallel_loop3A_241 : i32 to vector<16xi32>
          %parallel_loop3A_243 = arith.addi %iota3A, %parallel_loop3A_242 : vector<16xi32>
          %parallel_loop3A_244 = arith.constant 26 : i32
          %parallel_loop3A_245 = vector.broadcast %parallel_loop3A_244 : i32 to vector<16xi32>
          %parallel_loop3A_246 = arith.remsi %parallel_loop3A_243, %parallel_loop3A_245 : vector<16xi32>
          %parallel_loop3A_247 = arith.constant 64 : i32
          %parallel_loop3A_248 = vector.broadcast %parallel_loop3A_247 : i32 to vector<16xi32>
          %parallel_loop3A_249 = arith.addi %parallel_loop3A_246, %parallel_loop3A_248 : vector<16xi32>
          %parallel_loop3A_250 = tpu.vector_load_idx %arg13[%parallel_loop3A_215, %parallel_loop3A_246] : memref<256x128xf32, #tpu.memory_space<vmem>>[vector<16xi32>, vector<16xi32>], vector<16xf32>,
          %parallel_loop3A_251 = tpu.vector_load_idx %arg15[%parallel_loop3A_246, %parallel_loop3A_215] : memref<26x256xf32, #tpu.memory_space<vmem>>[vector<16xi32>, vector<16xi32>], vector<16xf32>,
          %parallel_loop3A_252 = arith.mulf %parallel_loop3A_250, %parallel_loop3A_251 : vector<16xf32>
          %parallel_loop3A_253 = tpu.vector_load_idx %arg13[%parallel_loop3A_215, %parallel_loop3A_249] : memref<256x128xf32, #tpu.memory_space<vmem>>[vector<16xi32>, vector<16xi32>], vector<16xf32>,
          %parallel_loop3A_254 = tpu.vector_load_idx %arg17[%parallel_loop3A_246, %parallel_loop3A_215] : memref<26x256xf32, #tpu.memory_space<vmem>>[vector<16xi32>, vector<16xi32>], vector<16xf32>,
          %parallel_loop3A_255 = arith.mulf %parallel_loop3A_253, %parallel_loop3A_254 : vector<16xf32>
          %parallel_loop3A_256 = arith.addf %parallel_loop3A_219, %parallel_loop3A_252 : vector<16xf32>
          %parallel_loop3A_257 = arith.addf %parallel_loop3A_223, %parallel_loop3A_255 : vector<16xf32>
          %parallel_loop3A_258 = arith.constant 2 : i32
          %parallel_loop3A_259 = vector.broadcast %parallel_loop3A_258 : i32 to vector<16xi32>
          %parallel_loop3A_260 = arith.addi %iota3A, %parallel_loop3A_259 : vector<16xi32>
          %parallel_loop3A_261 = arith.constant 26 : i32
          %parallel_loop3A_262 = vector.broadcast %parallel_loop3A_261 : i32 to vector<16xi32>
          %parallel_loop3A_263 = arith.remsi %parallel_loop3A_260, %parallel_loop3A_262 : vector<16xi32>
          %parallel_loop3A_264 = arith.constant 64 : i32
          %parallel_loop3A_265 = vector.broadcast %parallel_loop3A_264 : i32 to vector<16xi32>
          %parallel_loop3A_266 = arith.addi %parallel_loop3A_263, %parallel_loop3A_265 : vector<16xi32>
          %parallel_loop3A_267 = tpu.vector_load_idx %arg13[%parallel_loop3A_215, %parallel_loop3A_263] : memref<256x128xf32, #tpu.memory_space<vmem>>[vector<16xi32>, vector<16xi32>], vector<16xf32>,
          %parallel_loop3A_268 = tpu.vector_load_idx %arg15[%parallel_loop3A_263, %parallel_loop3A_215] : memref<26x256xf32, #tpu.memory_space<vmem>>[vector<16xi32>, vector<16xi32>], vector<16xf32>,
          %parallel_loop3A_269 = arith.mulf %parallel_loop3A_267, %parallel_loop3A_268 : vector<16xf32>
          %parallel_loop3A_270 = tpu.vector_load_idx %arg13[%parallel_loop3A_215, %parallel_loop3A_266] : memref<256x128xf32, #tpu.memory_space<vmem>>[vector<16xi32>, vector<16xi32>], vector<16xf32>,
          %parallel_loop3A_271 = tpu.vector_load_idx %arg17[%parallel_loop3A_263, %parallel_loop3A_215] : memref<26x256xf32, #tpu.memory_space<vmem>>[vector<16xi32>, vector<16xi32>], vector<16xf32>,
          %parallel_loop3A_272 = arith.mulf %parallel_loop3A_270, %parallel_loop3A_271 : vector<16xf32>
          %parallel_loop3A_273 = arith.addf %parallel_loop3A_239, %parallel_loop3A_269 : vector<16xf32>
          %parallel_loop3A_274 = arith.addf %parallel_loop3A_240, %parallel_loop3A_272 : vector<16xf32>
          %parallel_loop3A_275 = arith.constant 3 : i32
          %parallel_loop3A_276 = vector.broadcast %parallel_loop3A_275 : i32 to vector<16xi32>
          %parallel_loop3A_277 = arith.addi %iota3A, %parallel_loop3A_276 : vector<16xi32>
          %parallel_loop3A_278 = arith.constant 26 : i32
          %parallel_loop3A_279 = vector.broadcast %parallel_loop3A_278 : i32 to vector<16xi32>
          %parallel_loop3A_280 = arith.remsi %parallel_loop3A_277, %parallel_loop3A_279 : vector<16xi32>
          %parallel_loop3A_281 = arith.constant 64 : i32
          %parallel_loop3A_282 = vector.broadcast %parallel_loop3A_281 : i32 to vector<16xi32>
          %parallel_loop3A_283 = arith.addi %parallel_loop3A_280, %parallel_loop3A_282 : vector<16xi32>
          %parallel_loop3A_284 = tpu.vector_load_idx %arg13[%parallel_loop3A_215, %parallel_loop3A_280] : memref<256x128xf32, #tpu.memory_space<vmem>>[vector<16xi32>, vector<16xi32>], vector<16xf32>,
          %parallel_loop3A_285 = tpu.vector_load_idx %arg15[%parallel_loop3A_280, %parallel_loop3A_215] : memref<26x256xf32, #tpu.memory_space<vmem>>[vector<16xi32>, vector<16xi32>], vector<16xf32>,
          %parallel_loop3A_286 = arith.mulf %parallel_loop3A_284, %parallel_loop3A_285 : vector<16xf32>
          %parallel_loop3A_287 = tpu.vector_load_idx %arg13[%parallel_loop3A_215, %parallel_loop3A_283] : memref<256x128xf32, #tpu.memory_space<vmem>>[vector<16xi32>, vector<16xi32>], vector<16xf32>,
          %parallel_loop3A_288 = tpu.vector_load_idx %arg17[%parallel_loop3A_280, %parallel_loop3A_215] : memref<26x256xf32, #tpu.memory_space<vmem>>[vector<16xi32>, vector<16xi32>], vector<16xf32>,
          %parallel_loop3A_289 = arith.mulf %parallel_loop3A_287, %parallel_loop3A_288 : vector<16xf32>
          %parallel_loop3A_290 = arith.addf %parallel_loop3A_256, %parallel_loop3A_286 : vector<16xf32>
          %parallel_loop3A_291 = arith.addf %parallel_loop3A_257, %parallel_loop3A_289 : vector<16xf32>
          %parallel_loop3A_292 = arith.constant 4 : i32
          %parallel_loop3A_293 = vector.broadcast %parallel_loop3A_292 : i32 to vector<16xi32>
          %parallel_loop3A_294 = arith.addi %iota3A, %parallel_loop3A_293 : vector<16xi32>
          %parallel_loop3A_295 = arith.constant 26 : i32
          %parallel_loop3A_296 = vector.broadcast %parallel_loop3A_295 : i32 to vector<16xi32>
          %parallel_loop3A_297 = arith.remsi %parallel_loop3A_294, %parallel_loop3A_296 : vector<16xi32>
          %parallel_loop3A_298 = arith.constant 64 : i32
          %parallel_loop3A_299 = vector.broadcast %parallel_loop3A_298 : i32 to vector<16xi32>
          %parallel_loop3A_300 = arith.addi %parallel_loop3A_297, %parallel_loop3A_299 : vector<16xi32>
          %parallel_loop3A_301 = tpu.vector_load_idx %arg13[%parallel_loop3A_215, %parallel_loop3A_297] : memref<256x128xf32, #tpu.memory_space<vmem>>[vector<16xi32>, vector<16xi32>], vector<16xf32>,
          %parallel_loop3A_302 = tpu.vector_load_idx %arg15[%parallel_loop3A_297, %parallel_loop3A_215] : memref<26x256xf32, #tpu.memory_space<vmem>>[vector<16xi32>, vector<16xi32>], vector<16xf32>,
          %parallel_loop3A_303 = arith.mulf %parallel_loop3A_301, %parallel_loop3A_302 : vector<16xf32>
          %parallel_loop3A_304 = tpu.vector_load_idx %arg13[%parallel_loop3A_215, %parallel_loop3A_300] : memref<256x128xf32, #tpu.memory_space<vmem>>[vector<16xi32>, vector<16xi32>], vector<16xf32>,
          %parallel_loop3A_305 = tpu.vector_load_idx %arg17[%parallel_loop3A_297, %parallel_loop3A_215] : memref<26x256xf32, #tpu.memory_space<vmem>>[vector<16xi32>, vector<16xi32>], vector<16xf32>,
          %parallel_loop3A_306 = arith.mulf %parallel_loop3A_304, %parallel_loop3A_305 : vector<16xf32>
          %parallel_loop3A_307 = arith.addf %parallel_loop3A_273, %parallel_loop3A_303 : vector<16xf32>
          %parallel_loop3A_308 = arith.addf %parallel_loop3A_274, %parallel_loop3A_306 : vector<16xf32>
          %parallel_loop3A_309 = arith.constant 5 : i32
          %parallel_loop3A_310 = vector.broadcast %parallel_loop3A_309 : i32 to vector<16xi32>
          %parallel_loop3A_311 = arith.addi %iota3A, %parallel_loop3A_310 : vector<16xi32>
          %parallel_loop3A_312 = arith.constant 26 : i32
          %parallel_loop3A_313 = vector.broadcast %parallel_loop3A_312 : i32 to vector<16xi32>
          %parallel_loop3A_314 = arith.remsi %parallel_loop3A_311, %parallel_loop3A_313 : vector<16xi32>
          %parallel_loop3A_315 = arith.constant 64 : i32
          %parallel_loop3A_316 = vector.broadcast %parallel_loop3A_315 : i32 to vector<16xi32>
          %parallel_loop3A_317 = arith.addi %parallel_loop3A_314, %parallel_loop3A_316 : vector<16xi32>
          %parallel_loop3A_318 = tpu.vector_load_idx %arg13[%parallel_loop3A_215, %parallel_loop3A_314] : memref<256x128xf32, #tpu.memory_space<vmem>>[vector<16xi32>, vector<16xi32>], vector<16xf32>,
          %parallel_loop3A_319 = tpu.vector_load_idx %arg15[%parallel_loop3A_314, %parallel_loop3A_215] : memref<26x256xf32, #tpu.memory_space<vmem>>[vector<16xi32>, vector<16xi32>], vector<16xf32>,
          %parallel_loop3A_320 = arith.mulf %parallel_loop3A_318, %parallel_loop3A_319 : vector<16xf32>
          %parallel_loop3A_321 = tpu.vector_load_idx %arg13[%parallel_loop3A_215, %parallel_loop3A_317] : memref<256x128xf32, #tpu.memory_space<vmem>>[vector<16xi32>, vector<16xi32>], vector<16xf32>,
          %parallel_loop3A_322 = tpu.vector_load_idx %arg17[%parallel_loop3A_314, %parallel_loop3A_215] : memref<26x256xf32, #tpu.memory_space<vmem>>[vector<16xi32>, vector<16xi32>], vector<16xf32>,
          %parallel_loop3A_323 = arith.mulf %parallel_loop3A_321, %parallel_loop3A_322 : vector<16xf32>
          %parallel_loop3A_324 = arith.addf %parallel_loop3A_290, %parallel_loop3A_320 : vector<16xf32>
          %parallel_loop3A_325 = arith.addf %parallel_loop3A_291, %parallel_loop3A_323 : vector<16xf32>
          %parallel_loop3A_326 = arith.constant 6 : i32
          %parallel_loop3A_327 = vector.broadcast %parallel_loop3A_326 : i32 to vector<16xi32>
          %parallel_loop3A_328 = arith.addi %iota3A, %parallel_loop3A_327 : vector<16xi32>
          %parallel_loop3A_329 = arith.constant 26 : i32
          %parallel_loop3A_330 = vector.broadcast %parallel_loop3A_329 : i32 to vector<16xi32>
          %parallel_loop3A_331 = arith.remsi %parallel_loop3A_328, %parallel_loop3A_330 : vector<16xi32>
          %parallel_loop3A_332 = arith.constant 64 : i32
          %parallel_loop3A_333 = vector.broadcast %parallel_loop3A_332 : i32 to vector<16xi32>
          %parallel_loop3A_334 = arith.addi %parallel_loop3A_331, %parallel_loop3A_333 : vector<16xi32>
          %parallel_loop3A_335 = tpu.vector_load_idx %arg13[%parallel_loop3A_215, %parallel_loop3A_331] : memref<256x128xf32, #tpu.memory_space<vmem>>[vector<16xi32>, vector<16xi32>], vector<16xf32>,
          %parallel_loop3A_336 = tpu.vector_load_idx %arg15[%parallel_loop3A_331, %parallel_loop3A_215] : memref<26x256xf32, #tpu.memory_space<vmem>>[vector<16xi32>, vector<16xi32>], vector<16xf32>,
          %parallel_loop3A_337 = arith.mulf %parallel_loop3A_335, %parallel_loop3A_336 : vector<16xf32>
          %parallel_loop3A_338 = tpu.vector_load_idx %arg13[%parallel_loop3A_215, %parallel_loop3A_334] : memref<256x128xf32, #tpu.memory_space<vmem>>[vector<16xi32>, vector<16xi32>], vector<16xf32>,
          %parallel_loop3A_339 = tpu.vector_load_idx %arg17[%parallel_loop3A_331, %parallel_loop3A_215] : memref<26x256xf32, #tpu.memory_space<vmem>>[vector<16xi32>, vector<16xi32>], vector<16xf32>,
          %parallel_loop3A_340 = arith.mulf %parallel_loop3A_338, %parallel_loop3A_339 : vector<16xf32>
          %parallel_loop3A_341 = arith.addf %parallel_loop3A_307, %parallel_loop3A_337 : vector<16xf32>
          %parallel_loop3A_342 = arith.addf %parallel_loop3A_308, %parallel_loop3A_340 : vector<16xf32>
          %parallel_loop3A_343 = arith.constant 7 : i32
          %parallel_loop3A_344 = vector.broadcast %parallel_loop3A_343 : i32 to vector<16xi32>
          %parallel_loop3A_345 = arith.addi %iota3A, %parallel_loop3A_344 : vector<16xi32>
          %parallel_loop3A_346 = arith.constant 26 : i32
          %parallel_loop3A_347 = vector.broadcast %parallel_loop3A_346 : i32 to vector<16xi32>
          %parallel_loop3A_348 = arith.remsi %parallel_loop3A_345, %parallel_loop3A_347 : vector<16xi32>
          %parallel_loop3A_349 = arith.constant 64 : i32
          %parallel_loop3A_350 = vector.broadcast %parallel_loop3A_349 : i32 to vector<16xi32>
          %parallel_loop3A_351 = arith.addi %parallel_loop3A_348, %parallel_loop3A_350 : vector<16xi32>
          %parallel_loop3A_352 = tpu.vector_load_idx %arg13[%parallel_loop3A_215, %parallel_loop3A_348] : memref<256x128xf32, #tpu.memory_space<vmem>>[vector<16xi32>, vector<16xi32>], vector<16xf32>,
          %parallel_loop3A_353 = tpu.vector_load_idx %arg15[%parallel_loop3A_348, %parallel_loop3A_215] : memref<26x256xf32, #tpu.memory_space<vmem>>[vector<16xi32>, vector<16xi32>], vector<16xf32>,
          %parallel_loop3A_354 = arith.mulf %parallel_loop3A_352, %parallel_loop3A_353 : vector<16xf32>
          %parallel_loop3A_355 = tpu.vector_load_idx %arg13[%parallel_loop3A_215, %parallel_loop3A_351] : memref<256x128xf32, #tpu.memory_space<vmem>>[vector<16xi32>, vector<16xi32>], vector<16xf32>,
          %parallel_loop3A_356 = tpu.vector_load_idx %arg17[%parallel_loop3A_348, %parallel_loop3A_215] : memref<26x256xf32, #tpu.memory_space<vmem>>[vector<16xi32>, vector<16xi32>], vector<16xf32>,
          %parallel_loop3A_357 = arith.mulf %parallel_loop3A_355, %parallel_loop3A_356 : vector<16xf32>
          %parallel_loop3A_358 = arith.addf %parallel_loop3A_324, %parallel_loop3A_354 : vector<16xf32>
          %parallel_loop3A_359 = arith.addf %parallel_loop3A_325, %parallel_loop3A_357 : vector<16xf32>
          %parallel_loop3A_360 = arith.constant 8 : i32
          %parallel_loop3A_361 = vector.broadcast %parallel_loop3A_360 : i32 to vector<16xi32>
          %parallel_loop3A_362 = arith.addi %iota3A, %parallel_loop3A_361 : vector<16xi32>
          %parallel_loop3A_363 = arith.constant 26 : i32
          %parallel_loop3A_364 = vector.broadcast %parallel_loop3A_363 : i32 to vector<16xi32>
          %parallel_loop3A_365 = arith.remsi %parallel_loop3A_362, %parallel_loop3A_364 : vector<16xi32>
          %parallel_loop3A_366 = arith.constant 64 : i32
          %parallel_loop3A_367 = vector.broadcast %parallel_loop3A_366 : i32 to vector<16xi32>
          %parallel_loop3A_368 = arith.addi %parallel_loop3A_365, %parallel_loop3A_367 : vector<16xi32>
          %parallel_loop3A_369 = tpu.vector_load_idx %arg13[%parallel_loop3A_215, %parallel_loop3A_365] : memref<256x128xf32, #tpu.memory_space<vmem>>[vector<16xi32>, vector<16xi32>], vector<16xf32>,
          %parallel_loop3A_370 = tpu.vector_load_idx %arg15[%parallel_loop3A_365, %parallel_loop3A_215] : memref<26x256xf32, #tpu.memory_space<vmem>>[vector<16xi32>, vector<16xi32>], vector<16xf32>,
          %parallel_loop3A_371 = arith.mulf %parallel_loop3A_369, %parallel_loop3A_370 : vector<16xf32>
          %parallel_loop3A_372 = tpu.vector_load_idx %arg13[%parallel_loop3A_215, %parallel_loop3A_368] : memref<256x128xf32, #tpu.memory_space<vmem>>[vector<16xi32>, vector<16xi32>], vector<16xf32>,
          %parallel_loop3A_373 = tpu.vector_load_idx %arg17[%parallel_loop3A_365, %parallel_loop3A_215] : memref<26x256xf32, #tpu.memory_space<vmem>>[vector<16xi32>, vector<16xi32>], vector<16xf32>,
          %parallel_loop3A_374 = arith.mulf %parallel_loop3A_372, %parallel_loop3A_373 : vector<16xf32>
          %parallel_loop3A_375 = arith.addf %parallel_loop3A_341, %parallel_loop3A_371 : vector<16xf32>
          %parallel_loop3A_376 = arith.addf %parallel_loop3A_342, %parallel_loop3A_374 : vector<16xf32>
          %parallel_loop3A_377 = arith.constant 9 : i32
          %parallel_loop3A_378 = vector.broadcast %parallel_loop3A_377 : i32 to vector<16xi32>
          %parallel_loop3A_379 = arith.addi %iota3A, %parallel_loop3A_378 : vector<16xi32>
          %parallel_loop3A_380 = arith.constant 26 : i32
          %parallel_loop3A_381 = vector.broadcast %parallel_loop3A_380 : i32 to vector<16xi32>
          %parallel_loop3A_382 = arith.remsi %parallel_loop3A_379, %parallel_loop3A_381 : vector<16xi32>
          %parallel_loop3A_383 = arith.constant 64 : i32
          %parallel_loop3A_384 = vector.broadcast %parallel_loop3A_383 : i32 to vector<16xi32>
          %parallel_loop3A_385 = arith.addi %parallel_loop3A_382, %parallel_loop3A_384 : vector<16xi32>
          %parallel_loop3A_386 = tpu.vector_load_idx %arg13[%parallel_loop3A_215, %parallel_loop3A_382] : memref<256x128xf32, #tpu.memory_space<vmem>>[vector<16xi32>, vector<16xi32>], vector<16xf32>,
          %parallel_loop3A_387 = tpu.vector_load_idx %arg15[%parallel_loop3A_382, %parallel_loop3A_215] : memref<26x256xf32, #tpu.memory_space<vmem>>[vector<16xi32>, vector<16xi32>], vector<16xf32>,
          %parallel_loop3A_388 = arith.mulf %parallel_loop3A_386, %parallel_loop3A_387 : vector<16xf32>
          %parallel_loop3A_389 = tpu.vector_load_idx %arg13[%parallel_loop3A_215, %parallel_loop3A_385] : memref<256x128xf32, #tpu.memory_space<vmem>>[vector<16xi32>, vector<16xi32>], vector<16xf32>,
          %parallel_loop3A_390 = tpu.vector_load_idx %arg17[%parallel_loop3A_382, %parallel_loop3A_215] : memref<26x256xf32, #tpu.memory_space<vmem>>[vector<16xi32>, vector<16xi32>], vector<16xf32>,
          %parallel_loop3A_391 = arith.mulf %parallel_loop3A_389, %parallel_loop3A_390 : vector<16xf32>
          %parallel_loop3A_392 = arith.addf %parallel_loop3A_358, %parallel_loop3A_388 : vector<16xf32>
          %parallel_loop3A_393 = arith.addf %parallel_loop3A_359, %parallel_loop3A_391 : vector<16xf32>
          %parallel_loop3A_394 = arith.constant 10 : i32
          %parallel_loop3A_395 = vector.broadcast %parallel_loop3A_394 : i32 to vector<16xi32>
          %parallel_loop3A_396 = arith.addi %iota3A, %parallel_loop3A_395 : vector<16xi32>
          %parallel_loop3A_397 = arith.constant 26 : i32
          %parallel_loop3A_398 = vector.broadcast %parallel_loop3A_397 : i32 to vector<16xi32>
          %parallel_loop3A_399 = arith.remsi %parallel_loop3A_396, %parallel_loop3A_398 : vector<16xi32>
          %parallel_loop3A_400 = arith.constant 64 : i32
          %parallel_loop3A_401 = vector.broadcast %parallel_loop3A_400 : i32 to vector<16xi32>
          %parallel_loop3A_402 = arith.addi %parallel_loop3A_399, %parallel_loop3A_401 : vector<16xi32>
          %parallel_loop3A_403 = tpu.vector_load_idx %arg13[%parallel_loop3A_215, %parallel_loop3A_399] : memref<256x128xf32, #tpu.memory_space<vmem>>[vector<16xi32>, vector<16xi32>], vector<16xf32>,
          %parallel_loop3A_404 = tpu.vector_load_idx %arg15[%parallel_loop3A_399, %parallel_loop3A_215] : memref<26x256xf32, #tpu.memory_space<vmem>>[vector<16xi32>, vector<16xi32>], vector<16xf32>,
          %parallel_loop3A_405 = arith.mulf %parallel_loop3A_403, %parallel_loop3A_404 : vector<16xf32>
          %parallel_loop3A_406 = tpu.vector_load_idx %arg13[%parallel_loop3A_215, %parallel_loop3A_402] : memref<256x128xf32, #tpu.memory_space<vmem>>[vector<16xi32>, vector<16xi32>], vector<16xf32>,
          %parallel_loop3A_407 = tpu.vector_load_idx %arg17[%parallel_loop3A_399, %parallel_loop3A_215] : memref<26x256xf32, #tpu.memory_space<vmem>>[vector<16xi32>, vector<16xi32>], vector<16xf32>,
          %parallel_loop3A_408 = arith.mulf %parallel_loop3A_406, %parallel_loop3A_407 : vector<16xf32>
          %parallel_loop3A_409 = arith.addf %parallel_loop3A_375, %parallel_loop3A_405 : vector<16xf32>
          %parallel_loop3A_410 = arith.addf %parallel_loop3A_376, %parallel_loop3A_408 : vector<16xf32>
          %parallel_loop3A_411 = arith.constant 11 : i32
          %parallel_loop3A_412 = vector.broadcast %parallel_loop3A_411 : i32 to vector<16xi32>
          %parallel_loop3A_413 = arith.addi %iota3A, %parallel_loop3A_412 : vector<16xi32>
          %parallel_loop3A_414 = arith.constant 26 : i32
          %parallel_loop3A_415 = vector.broadcast %parallel_loop3A_414 : i32 to vector<16xi32>
          %parallel_loop3A_416 = arith.remsi %parallel_loop3A_413, %parallel_loop3A_415 : vector<16xi32>
          %parallel_loop3A_417 = arith.constant 64 : i32
          %parallel_loop3A_418 = vector.broadcast %parallel_loop3A_417 : i32 to vector<16xi32>
          %parallel_loop3A_419 = arith.addi %parallel_loop3A_416, %parallel_loop3A_418 : vector<16xi32>
          %parallel_loop3A_420 = tpu.vector_load_idx %arg13[%parallel_loop3A_215, %parallel_loop3A_416] : memref<256x128xf32, #tpu.memory_space<vmem>>[vector<16xi32>, vector<16xi32>], vector<16xf32>,
          %parallel_loop3A_421 = tpu.vector_load_idx %arg15[%parallel_loop3A_416, %parallel_loop3A_215] : memref<26x256xf32, #tpu.memory_space<vmem>>[vector<16xi32>, vector<16xi32>], vector<16xf32>,
          %parallel_loop3A_422 = arith.mulf %parallel_loop3A_420, %parallel_loop3A_421 : vector<16xf32>
          %parallel_loop3A_423 = tpu.vector_load_idx %arg13[%parallel_loop3A_215, %parallel_loop3A_419] : memref<256x128xf32, #tpu.memory_space<vmem>>[vector<16xi32>, vector<16xi32>], vector<16xf32>,
          %parallel_loop3A_424 = tpu.vector_load_idx %arg17[%parallel_loop3A_416, %parallel_loop3A_215] : memref<26x256xf32, #tpu.memory_space<vmem>>[vector<16xi32>, vector<16xi32>], vector<16xf32>,
          %parallel_loop3A_425 = arith.mulf %parallel_loop3A_423, %parallel_loop3A_424 : vector<16xf32>
          %parallel_loop3A_426 = arith.addf %parallel_loop3A_392, %parallel_loop3A_422 : vector<16xf32>
          %parallel_loop3A_427 = arith.addf %parallel_loop3A_393, %parallel_loop3A_425 : vector<16xf32>
          %parallel_loop3A_428 = arith.constant 12 : i32
          %parallel_loop3A_429 = vector.broadcast %parallel_loop3A_428 : i32 to vector<16xi32>
          %parallel_loop3A_430 = arith.addi %iota3A, %parallel_loop3A_429 : vector<16xi32>
          %parallel_loop3A_431 = arith.constant 26 : i32
          %parallel_loop3A_432 = vector.broadcast %parallel_loop3A_431 : i32 to vector<16xi32>
          %parallel_loop3A_433 = arith.remsi %parallel_loop3A_430, %parallel_loop3A_432 : vector<16xi32>
          %parallel_loop3A_434 = arith.constant 64 : i32
          %parallel_loop3A_435 = vector.broadcast %parallel_loop3A_434 : i32 to vector<16xi32>
          %parallel_loop3A_436 = arith.addi %parallel_loop3A_433, %parallel_loop3A_435 : vector<16xi32>
          %parallel_loop3A_437 = tpu.vector_load_idx %arg13[%parallel_loop3A_215, %parallel_loop3A_433] : memref<256x128xf32, #tpu.memory_space<vmem>>[vector<16xi32>, vector<16xi32>], vector<16xf32>,
          %parallel_loop3A_438 = tpu.vector_load_idx %arg15[%parallel_loop3A_433, %parallel_loop3A_215] : memref<26x256xf32, #tpu.memory_space<vmem>>[vector<16xi32>, vector<16xi32>], vector<16xf32>,
          %parallel_loop3A_439 = arith.mulf %parallel_loop3A_437, %parallel_loop3A_438 : vector<16xf32>
          %parallel_loop3A_440 = tpu.vector_load_idx %arg13[%parallel_loop3A_215, %parallel_loop3A_436] : memref<256x128xf32, #tpu.memory_space<vmem>>[vector<16xi32>, vector<16xi32>], vector<16xf32>,
          %parallel_loop3A_441 = tpu.vector_load_idx %arg17[%parallel_loop3A_433, %parallel_loop3A_215] : memref<26x256xf32, #tpu.memory_space<vmem>>[vector<16xi32>, vector<16xi32>], vector<16xf32>,
          %parallel_loop3A_442 = arith.mulf %parallel_loop3A_440, %parallel_loop3A_441 : vector<16xf32>
          %parallel_loop3A_443 = arith.addf %parallel_loop3A_409, %parallel_loop3A_439 : vector<16xf32>
          %parallel_loop3A_444 = arith.addf %parallel_loop3A_410, %parallel_loop3A_442 : vector<16xf32>
          %parallel_loop3A_445 = arith.constant 13 : i32
          %parallel_loop3A_446 = vector.broadcast %parallel_loop3A_445 : i32 to vector<16xi32>
          %parallel_loop3A_447 = arith.addi %iota3A, %parallel_loop3A_446 : vector<16xi32>
          %parallel_loop3A_448 = arith.constant 26 : i32
          %parallel_loop3A_449 = vector.broadcast %parallel_loop3A_448 : i32 to vector<16xi32>
          %parallel_loop3A_450 = arith.remsi %parallel_loop3A_447, %parallel_loop3A_449 : vector<16xi32>
          %parallel_loop3A_451 = arith.constant 64 : i32
          %parallel_loop3A_452 = vector.broadcast %parallel_loop3A_451 : i32 to vector<16xi32>
          %parallel_loop3A_453 = arith.addi %parallel_loop3A_450, %parallel_loop3A_452 : vector<16xi32>
          %parallel_loop3A_454 = tpu.vector_load_idx %arg13[%parallel_loop3A_215, %parallel_loop3A_450] : memref<256x128xf32, #tpu.memory_space<vmem>>[vector<16xi32>, vector<16xi32>], vector<16xf32>,
          %parallel_loop3A_455 = tpu.vector_load_idx %arg15[%parallel_loop3A_450, %parallel_loop3A_215] : memref<26x256xf32, #tpu.memory_space<vmem>>[vector<16xi32>, vector<16xi32>], vector<16xf32>,
          %parallel_loop3A_456 = arith.mulf %parallel_loop3A_454, %parallel_loop3A_455 : vector<16xf32>
          %parallel_loop3A_457 = tpu.vector_load_idx %arg13[%parallel_loop3A_215, %parallel_loop3A_453] : memref<256x128xf32, #tpu.memory_space<vmem>>[vector<16xi32>, vector<16xi32>], vector<16xf32>,
          %parallel_loop3A_458 = tpu.vector_load_idx %arg17[%parallel_loop3A_450, %parallel_loop3A_215] : memref<26x256xf32, #tpu.memory_space<vmem>>[vector<16xi32>, vector<16xi32>], vector<16xf32>,
          %parallel_loop3A_459 = arith.mulf %parallel_loop3A_457, %parallel_loop3A_458 : vector<16xf32>
          %parallel_loop3A_460 = arith.addf %parallel_loop3A_426, %parallel_loop3A_456 : vector<16xf32>
          %parallel_loop3A_461 = arith.addf %parallel_loop3A_427, %parallel_loop3A_459 : vector<16xf32>
          %parallel_loop3A_462 = arith.constant 14 : i32
          %parallel_loop3A_463 = vector.broadcast %parallel_loop3A_462 : i32 to vector<16xi32>
          %parallel_loop3A_464 = arith.addi %iota3A, %parallel_loop3A_463 : vector<16xi32>
          %parallel_loop3A_465 = arith.constant 26 : i32
          %parallel_loop3A_466 = vector.broadcast %parallel_loop3A_465 : i32 to vector<16xi32>
          %parallel_loop3A_467 = arith.remsi %parallel_loop3A_464, %parallel_loop3A_466 : vector<16xi32>
          %parallel_loop3A_468 = arith.constant 64 : i32
          %parallel_loop3A_469 = vector.broadcast %parallel_loop3A_468 : i32 to vector<16xi32>
          %parallel_loop3A_470 = arith.addi %parallel_loop3A_467, %parallel_loop3A_469 : vector<16xi32>
          %parallel_loop3A_471 = tpu.vector_load_idx %arg13[%parallel_loop3A_215, %parallel_loop3A_467] : memref<256x128xf32, #tpu.memory_space<vmem>>[vector<16xi32>, vector<16xi32>], vector<16xf32>,
          %parallel_loop3A_472 = tpu.vector_load_idx %arg15[%parallel_loop3A_467, %parallel_loop3A_215] : memref<26x256xf32, #tpu.memory_space<vmem>>[vector<16xi32>, vector<16xi32>], vector<16xf32>,
          %parallel_loop3A_473 = arith.mulf %parallel_loop3A_471, %parallel_loop3A_472 : vector<16xf32>
          %parallel_loop3A_474 = tpu.vector_load_idx %arg13[%parallel_loop3A_215, %parallel_loop3A_470] : memref<256x128xf32, #tpu.memory_space<vmem>>[vector<16xi32>, vector<16xi32>], vector<16xf32>,
          %parallel_loop3A_475 = tpu.vector_load_idx %arg17[%parallel_loop3A_467, %parallel_loop3A_215] : memref<26x256xf32, #tpu.memory_space<vmem>>[vector<16xi32>, vector<16xi32>], vector<16xf32>,
          %parallel_loop3A_476 = arith.mulf %parallel_loop3A_474, %parallel_loop3A_475 : vector<16xf32>
          %parallel_loop3A_477 = arith.addf %parallel_loop3A_443, %parallel_loop3A_473 : vector<16xf32>
          %parallel_loop3A_478 = arith.addf %parallel_loop3A_444, %parallel_loop3A_476 : vector<16xf32>
          %parallel_loop3A_479 = arith.constant 15 : i32
          %parallel_loop3A_480 = vector.broadcast %parallel_loop3A_479 : i32 to vector<16xi32>
          %parallel_loop3A_481 = arith.addi %iota3A, %parallel_loop3A_480 : vector<16xi32>
          %parallel_loop3A_482 = arith.constant 26 : i32
          %parallel_loop3A_483 = vector.broadcast %parallel_loop3A_482 : i32 to vector<16xi32>
          %parallel_loop3A_484 = arith.remsi %parallel_loop3A_481, %parallel_loop3A_483 : vector<16xi32>
          %parallel_loop3A_485 = arith.constant 64 : i32
          %parallel_loop3A_486 = vector.broadcast %parallel_loop3A_485 : i32 to vector<16xi32>
          %parallel_loop3A_487 = arith.addi %parallel_loop3A_484, %parallel_loop3A_486 : vector<16xi32>
          %parallel_loop3A_488 = tpu.vector_load_idx %arg13[%parallel_loop3A_215, %parallel_loop3A_484] : memref<256x128xf32, #tpu.memory_space<vmem>>[vector<16xi32>, vector<16xi32>], vector<16xf32>,
          %parallel_loop3A_489 = tpu.vector_load_idx %arg15[%parallel_loop3A_484, %parallel_loop3A_215] : memref<26x256xf32, #tpu.memory_space<vmem>>[vector<16xi32>, vector<16xi32>], vector<16xf32>,
          %parallel_loop3A_490 = arith.mulf %parallel_loop3A_488, %parallel_loop3A_489 : vector<16xf32>
          %parallel_loop3A_491 = tpu.vector_load_idx %arg13[%parallel_loop3A_215, %parallel_loop3A_487] : memref<256x128xf32, #tpu.memory_space<vmem>>[vector<16xi32>, vector<16xi32>], vector<16xf32>,
          %parallel_loop3A_492 = tpu.vector_load_idx %arg17[%parallel_loop3A_484, %parallel_loop3A_215] : memref<26x256xf32, #tpu.memory_space<vmem>>[vector<16xi32>, vector<16xi32>], vector<16xf32>,
          %parallel_loop3A_493 = arith.mulf %parallel_loop3A_491, %parallel_loop3A_492 : vector<16xf32>
          %parallel_loop3A_494 = arith.addf %parallel_loop3A_460, %parallel_loop3A_490 : vector<16xf32>
          %parallel_loop3A_495 = arith.addf %parallel_loop3A_461, %parallel_loop3A_493 : vector<16xf32>
          %parallel_loop3A_496 = arith.constant 16 : i32
          %parallel_loop3A_497 = vector.broadcast %parallel_loop3A_496 : i32 to vector<16xi32>
          %parallel_loop3A_498 = arith.addi %iota3A, %parallel_loop3A_497 : vector<16xi32>
          %parallel_loop3A_499 = arith.constant 26 : i32
          %parallel_loop3A_500 = vector.broadcast %parallel_loop3A_499 : i32 to vector<16xi32>
          %parallel_loop3A_501 = arith.remsi %parallel_loop3A_498, %parallel_loop3A_500 : vector<16xi32>
          %parallel_loop3A_502 = arith.constant 64 : i32
          %parallel_loop3A_503 = vector.broadcast %parallel_loop3A_502 : i32 to vector<16xi32>
          %parallel_loop3A_504 = arith.addi %parallel_loop3A_501, %parallel_loop3A_503 : vector<16xi32>
          %parallel_loop3A_505 = tpu.vector_load_idx %arg13[%parallel_loop3A_215, %parallel_loop3A_501] : memref<256x128xf32, #tpu.memory_space<vmem>>[vector<16xi32>, vector<16xi32>], vector<16xf32>,
          %parallel_loop3A_506 = tpu.vector_load_idx %arg15[%parallel_loop3A_501, %parallel_loop3A_215] : memref<26x256xf32, #tpu.memory_space<vmem>>[vector<16xi32>, vector<16xi32>], vector<16xf32>,
          %parallel_loop3A_507 = arith.mulf %parallel_loop3A_505, %parallel_loop3A_506 : vector<16xf32>
          %parallel_loop3A_508 = tpu.vector_load_idx %arg13[%parallel_loop3A_215, %parallel_loop3A_504] : memref<256x128xf32, #tpu.memory_space<vmem>>[vector<16xi32>, vector<16xi32>], vector<16xf32>,
          %parallel_loop3A_509 = tpu.vector_load_idx %arg17[%parallel_loop3A_501, %parallel_loop3A_215] : memref<26x256xf32, #tpu.memory_space<vmem>>[vector<16xi32>, vector<16xi32>], vector<16xf32>,
          %parallel_loop3A_510 = arith.mulf %parallel_loop3A_508, %parallel_loop3A_509 : vector<16xf32>
          %parallel_loop3A_511 = arith.addf %parallel_loop3A_477, %parallel_loop3A_507 : vector<16xf32>
          %parallel_loop3A_512 = arith.addf %parallel_loop3A_478, %parallel_loop3A_510 : vector<16xf32>
          %parallel_loop3A_513 = arith.constant 17 : i32
          %parallel_loop3A_514 = vector.broadcast %parallel_loop3A_513 : i32 to vector<16xi32>
          %parallel_loop3A_515 = arith.addi %iota3A, %parallel_loop3A_514 : vector<16xi32>
          %parallel_loop3A_516 = arith.constant 26 : i32
          %parallel_loop3A_517 = vector.broadcast %parallel_loop3A_516 : i32 to vector<16xi32>
          %parallel_loop3A_518 = arith.remsi %parallel_loop3A_515, %parallel_loop3A_517 : vector<16xi32>
          %parallel_loop3A_519 = arith.constant 64 : i32
          %parallel_loop3A_520 = vector.broadcast %parallel_loop3A_519 : i32 to vector<16xi32>
          %parallel_loop3A_521 = arith.addi %parallel_loop3A_518, %parallel_loop3A_520 : vector<16xi32>
          %parallel_loop3A_522 = tpu.vector_load_idx %arg13[%parallel_loop3A_215, %parallel_loop3A_518] : memref<256x128xf32, #tpu.memory_space<vmem>>[vector<16xi32>, vector<16xi32>], vector<16xf32>,
          %parallel_loop3A_523 = tpu.vector_load_idx %arg15[%parallel_loop3A_518, %parallel_loop3A_215] : memref<26x256xf32, #tpu.memory_space<vmem>>[vector<16xi32>, vector<16xi32>], vector<16xf32>,
          %parallel_loop3A_524 = arith.mulf %parallel_loop3A_522, %parallel_loop3A_523 : vector<16xf32>
          %parallel_loop3A_525 = tpu.vector_load_idx %arg13[%parallel_loop3A_215, %parallel_loop3A_521] : memref<256x128xf32, #tpu.memory_space<vmem>>[vector<16xi32>, vector<16xi32>], vector<16xf32>,
          %parallel_loop3A_526 = tpu.vector_load_idx %arg17[%parallel_loop3A_518, %parallel_loop3A_215] : memref<26x256xf32, #tpu.memory_space<vmem>>[vector<16xi32>, vector<16xi32>], vector<16xf32>,
          %parallel_loop3A_527 = arith.mulf %parallel_loop3A_525, %parallel_loop3A_526 : vector<16xf32>
          %parallel_loop3A_528 = arith.addf %parallel_loop3A_494, %parallel_loop3A_524 : vector<16xf32>
          %parallel_loop3A_529 = arith.addf %parallel_loop3A_495, %parallel_loop3A_527 : vector<16xf32>
          %parallel_loop3A_530 = arith.constant 18 : i32
          %parallel_loop3A_531 = vector.broadcast %parallel_loop3A_530 : i32 to vector<16xi32>
          %parallel_loop3A_532 = arith.addi %iota3A, %parallel_loop3A_531 : vector<16xi32>
          %parallel_loop3A_533 = arith.constant 26 : i32
          %parallel_loop3A_534 = vector.broadcast %parallel_loop3A_533 : i32 to vector<16xi32>
          %parallel_loop3A_535 = arith.remsi %parallel_loop3A_532, %parallel_loop3A_534 : vector<16xi32>
          %parallel_loop3A_536 = arith.constant 64 : i32
          %parallel_loop3A_537 = vector.broadcast %parallel_loop3A_536 : i32 to vector<16xi32>
          %parallel_loop3A_538 = arith.addi %parallel_loop3A_535, %parallel_loop3A_537 : vector<16xi32>
          %parallel_loop3A_539 = tpu.vector_load_idx %arg13[%parallel_loop3A_215, %parallel_loop3A_535] : memref<256x128xf32, #tpu.memory_space<vmem>>[vector<16xi32>, vector<16xi32>], vector<16xf32>,
          %parallel_loop3A_540 = tpu.vector_load_idx %arg15[%parallel_loop3A_535, %parallel_loop3A_215] : memref<26x256xf32, #tpu.memory_space<vmem>>[vector<16xi32>, vector<16xi32>], vector<16xf32>,
          %parallel_loop3A_541 = arith.mulf %parallel_loop3A_539, %parallel_loop3A_540 : vector<16xf32>
          %parallel_loop3A_542 = tpu.vector_load_idx %arg13[%parallel_loop3A_215, %parallel_loop3A_538] : memref<256x128xf32, #tpu.memory_space<vmem>>[vector<16xi32>, vector<16xi32>], vector<16xf32>,
          %parallel_loop3A_543 = tpu.vector_load_idx %arg17[%parallel_loop3A_535, %parallel_loop3A_215] : memref<26x256xf32, #tpu.memory_space<vmem>>[vector<16xi32>, vector<16xi32>], vector<16xf32>,
          %parallel_loop3A_544 = arith.mulf %parallel_loop3A_542, %parallel_loop3A_543 : vector<16xf32>
          %parallel_loop3A_545 = arith.addf %parallel_loop3A_511, %parallel_loop3A_541 : vector<16xf32>
          %parallel_loop3A_546 = arith.addf %parallel_loop3A_512, %parallel_loop3A_544 : vector<16xf32>
          %parallel_loop3A_547 = arith.constant 19 : i32
          %parallel_loop3A_548 = vector.broadcast %parallel_loop3A_547 : i32 to vector<16xi32>
          %parallel_loop3A_549 = arith.addi %iota3A, %parallel_loop3A_548 : vector<16xi32>
          %parallel_loop3A_550 = arith.constant 26 : i32
          %parallel_loop3A_551 = vector.broadcast %parallel_loop3A_550 : i32 to vector<16xi32>
          %parallel_loop3A_552 = arith.remsi %parallel_loop3A_549, %parallel_loop3A_551 : vector<16xi32>
          %parallel_loop3A_553 = arith.constant 64 : i32
          %parallel_loop3A_554 = vector.broadcast %parallel_loop3A_553 : i32 to vector<16xi32>
          %parallel_loop3A_555 = arith.addi %parallel_loop3A_552, %parallel_loop3A_554 : vector<16xi32>
          %parallel_loop3A_556 = tpu.vector_load_idx %arg13[%parallel_loop3A_215, %parallel_loop3A_552] : memref<256x128xf32, #tpu.memory_space<vmem>>[vector<16xi32>, vector<16xi32>], vector<16xf32>,
          %parallel_loop3A_557 = tpu.vector_load_idx %arg15[%parallel_loop3A_552, %parallel_loop3A_215] : memref<26x256xf32, #tpu.memory_space<vmem>>[vector<16xi32>, vector<16xi32>], vector<16xf32>,
          %parallel_loop3A_558 = arith.mulf %parallel_loop3A_556, %parallel_loop3A_557 : vector<16xf32>
          %parallel_loop3A_559 = tpu.vector_load_idx %arg13[%parallel_loop3A_215, %parallel_loop3A_555] : memref<256x128xf32, #tpu.memory_space<vmem>>[vector<16xi32>, vector<16xi32>], vector<16xf32>,
          %parallel_loop3A_560 = tpu.vector_load_idx %arg17[%parallel_loop3A_552, %parallel_loop3A_215] : memref<26x256xf32, #tpu.memory_space<vmem>>[vector<16xi32>, vector<16xi32>], vector<16xf32>,
          %parallel_loop3A_561 = arith.mulf %parallel_loop3A_559, %parallel_loop3A_560 : vector<16xf32>
          %parallel_loop3A_562 = arith.addf %parallel_loop3A_528, %parallel_loop3A_558 : vector<16xf32>
          %parallel_loop3A_563 = arith.addf %parallel_loop3A_529, %parallel_loop3A_561 : vector<16xf32>
          %parallel_loop3A_564 = arith.constant 20 : i32
          %parallel_loop3A_565 = vector.broadcast %parallel_loop3A_564 : i32 to vector<16xi32>
          %parallel_loop3A_566 = arith.addi %iota3A, %parallel_loop3A_565 : vector<16xi32>
          %parallel_loop3A_567 = arith.constant 26 : i32
          %parallel_loop3A_568 = vector.broadcast %parallel_loop3A_567 : i32 to vector<16xi32>
          %parallel_loop3A_569 = arith.remsi %parallel_loop3A_566, %parallel_loop3A_568 : vector<16xi32>
          %parallel_loop3A_570 = arith.constant 64 : i32
          %parallel_loop3A_571 = vector.broadcast %parallel_loop3A_570 : i32 to vector<16xi32>
          %parallel_loop3A_572 = arith.addi %parallel_loop3A_569, %parallel_loop3A_571 : vector<16xi32>
          %parallel_loop3A_573 = tpu.vector_load_idx %arg13[%parallel_loop3A_215, %parallel_loop3A_569] : memref<256x128xf32, #tpu.memory_space<vmem>>[vector<16xi32>, vector<16xi32>], vector<16xf32>,
          %parallel_loop3A_574 = tpu.vector_load_idx %arg15[%parallel_loop3A_569, %parallel_loop3A_215] : memref<26x256xf32, #tpu.memory_space<vmem>>[vector<16xi32>, vector<16xi32>], vector<16xf32>,
          %parallel_loop3A_575 = arith.mulf %parallel_loop3A_573, %parallel_loop3A_574 : vector<16xf32>
          %parallel_loop3A_576 = tpu.vector_load_idx %arg13[%parallel_loop3A_215, %parallel_loop3A_572] : memref<256x128xf32, #tpu.memory_space<vmem>>[vector<16xi32>, vector<16xi32>], vector<16xf32>,
          %parallel_loop3A_577 = tpu.vector_load_idx %arg17[%parallel_loop3A_569, %parallel_loop3A_215] : memref<26x256xf32, #tpu.memory_space<vmem>>[vector<16xi32>, vector<16xi32>], vector<16xf32>,
          %parallel_loop3A_578 = arith.mulf %parallel_loop3A_576, %parallel_loop3A_577 : vector<16xf32>
          %parallel_loop3A_579 = arith.addf %parallel_loop3A_545, %parallel_loop3A_575 : vector<16xf32>
          %parallel_loop3A_580 = arith.addf %parallel_loop3A_546, %parallel_loop3A_578 : vector<16xf32>
          %parallel_loop3A_581 = arith.constant 21 : i32
          %parallel_loop3A_582 = vector.broadcast %parallel_loop3A_581 : i32 to vector<16xi32>
          %parallel_loop3A_583 = arith.addi %iota3A, %parallel_loop3A_582 : vector<16xi32>
          %parallel_loop3A_584 = arith.constant 26 : i32
          %parallel_loop3A_585 = vector.broadcast %parallel_loop3A_584 : i32 to vector<16xi32>
          %parallel_loop3A_586 = arith.remsi %parallel_loop3A_583, %parallel_loop3A_585 : vector<16xi32>
          %parallel_loop3A_587 = arith.constant 64 : i32
          %parallel_loop3A_588 = vector.broadcast %parallel_loop3A_587 : i32 to vector<16xi32>
          %parallel_loop3A_589 = arith.addi %parallel_loop3A_586, %parallel_loop3A_588 : vector<16xi32>
          %parallel_loop3A_590 = tpu.vector_load_idx %arg13[%parallel_loop3A_215, %parallel_loop3A_586] : memref<256x128xf32, #tpu.memory_space<vmem>>[vector<16xi32>, vector<16xi32>], vector<16xf32>,
          %parallel_loop3A_591 = tpu.vector_load_idx %arg15[%parallel_loop3A_586, %parallel_loop3A_215] : memref<26x256xf32, #tpu.memory_space<vmem>>[vector<16xi32>, vector<16xi32>], vector<16xf32>,
          %parallel_loop3A_592 = arith.mulf %parallel_loop3A_590, %parallel_loop3A_591 : vector<16xf32>
          %parallel_loop3A_593 = tpu.vector_load_idx %arg13[%parallel_loop3A_215, %parallel_loop3A_589] : memref<256x128xf32, #tpu.memory_space<vmem>>[vector<16xi32>, vector<16xi32>], vector<16xf32>,
          %parallel_loop3A_594 = tpu.vector_load_idx %arg17[%parallel_loop3A_586, %parallel_loop3A_215] : memref<26x256xf32, #tpu.memory_space<vmem>>[vector<16xi32>, vector<16xi32>], vector<16xf32>,
          %parallel_loop3A_595 = arith.mulf %parallel_loop3A_593, %parallel_loop3A_594 : vector<16xf32>
          %parallel_loop3A_596 = arith.addf %parallel_loop3A_562, %parallel_loop3A_592 : vector<16xf32>
          %parallel_loop3A_597 = arith.addf %parallel_loop3A_563, %parallel_loop3A_595 : vector<16xf32>
          %parallel_loop3A_598 = arith.constant 22 : i32
          %parallel_loop3A_599 = vector.broadcast %parallel_loop3A_598 : i32 to vector<16xi32>
          %parallel_loop3A_600 = arith.addi %iota3A, %parallel_loop3A_599 : vector<16xi32>
          %parallel_loop3A_601 = arith.constant 26 : i32
          %parallel_loop3A_602 = vector.broadcast %parallel_loop3A_601 : i32 to vector<16xi32>
          %parallel_loop3A_603 = arith.remsi %parallel_loop3A_600, %parallel_loop3A_602 : vector<16xi32>
          %parallel_loop3A_604 = arith.constant 64 : i32
          %parallel_loop3A_605 = vector.broadcast %parallel_loop3A_604 : i32 to vector<16xi32>
          %parallel_loop3A_606 = arith.addi %parallel_loop3A_603, %parallel_loop3A_605 : vector<16xi32>
          %parallel_loop3A_607 = tpu.vector_load_idx %arg13[%parallel_loop3A_215, %parallel_loop3A_603] : memref<256x128xf32, #tpu.memory_space<vmem>>[vector<16xi32>, vector<16xi32>], vector<16xf32>,
          %parallel_loop3A_608 = tpu.vector_load_idx %arg15[%parallel_loop3A_603, %parallel_loop3A_215] : memref<26x256xf32, #tpu.memory_space<vmem>>[vector<16xi32>, vector<16xi32>], vector<16xf32>,
          %parallel_loop3A_609 = arith.mulf %parallel_loop3A_607, %parallel_loop3A_608 : vector<16xf32>
          %parallel_loop3A_610 = tpu.vector_load_idx %arg13[%parallel_loop3A_215, %parallel_loop3A_606] : memref<256x128xf32, #tpu.memory_space<vmem>>[vector<16xi32>, vector<16xi32>], vector<16xf32>,
          %parallel_loop3A_611 = tpu.vector_load_idx %arg17[%parallel_loop3A_603, %parallel_loop3A_215] : memref<26x256xf32, #tpu.memory_space<vmem>>[vector<16xi32>, vector<16xi32>], vector<16xf32>,
          %parallel_loop3A_612 = arith.mulf %parallel_loop3A_610, %parallel_loop3A_611 : vector<16xf32>
          %parallel_loop3A_613 = arith.addf %parallel_loop3A_579, %parallel_loop3A_609 : vector<16xf32>
          %parallel_loop3A_614 = arith.addf %parallel_loop3A_580, %parallel_loop3A_612 : vector<16xf32>
          %parallel_loop3A_615 = arith.constant 23 : i32
          %parallel_loop3A_616 = vector.broadcast %parallel_loop3A_615 : i32 to vector<16xi32>
          %parallel_loop3A_617 = arith.addi %iota3A, %parallel_loop3A_616 : vector<16xi32>
          %parallel_loop3A_618 = arith.constant 26 : i32
          %parallel_loop3A_619 = vector.broadcast %parallel_loop3A_618 : i32 to vector<16xi32>
          %parallel_loop3A_620 = arith.remsi %parallel_loop3A_617, %parallel_loop3A_619 : vector<16xi32>
          %parallel_loop3A_621 = arith.constant 64 : i32
          %parallel_loop3A_622 = vector.broadcast %parallel_loop3A_621 : i32 to vector<16xi32>
          %parallel_loop3A_623 = arith.addi %parallel_loop3A_620, %parallel_loop3A_622 : vector<16xi32>
          %parallel_loop3A_624 = tpu.vector_load_idx %arg13[%parallel_loop3A_215, %parallel_loop3A_620] : memref<256x128xf32, #tpu.memory_space<vmem>>[vector<16xi32>, vector<16xi32>], vector<16xf32>,
          %parallel_loop3A_625 = tpu.vector_load_idx %arg15[%parallel_loop3A_620, %parallel_loop3A_215] : memref<26x256xf32, #tpu.memory_space<vmem>>[vector<16xi32>, vector<16xi32>], vector<16xf32>,
          %parallel_loop3A_626 = arith.mulf %parallel_loop3A_624, %parallel_loop3A_625 : vector<16xf32>
          %parallel_loop3A_627 = tpu.vector_load_idx %arg13[%parallel_loop3A_215, %parallel_loop3A_623] : memref<256x128xf32, #tpu.memory_space<vmem>>[vector<16xi32>, vector<16xi32>], vector<16xf32>,
          %parallel_loop3A_628 = tpu.vector_load_idx %arg17[%parallel_loop3A_620, %parallel_loop3A_215] : memref<26x256xf32, #tpu.memory_space<vmem>>[vector<16xi32>, vector<16xi32>], vector<16xf32>,
          %parallel_loop3A_629 = arith.mulf %parallel_loop3A_627, %parallel_loop3A_628 : vector<16xf32>
          %parallel_loop3A_630 = arith.addf %parallel_loop3A_596, %parallel_loop3A_626 : vector<16xf32>
          %parallel_loop3A_631 = arith.addf %parallel_loop3A_597, %parallel_loop3A_629 : vector<16xf32>
          %parallel_loop3A_632 = arith.constant 24 : i32
          %parallel_loop3A_633 = vector.broadcast %parallel_loop3A_632 : i32 to vector<16xi32>
          %parallel_loop3A_634 = arith.addi %iota3A, %parallel_loop3A_633 : vector<16xi32>
          %parallel_loop3A_635 = arith.constant 26 : i32
          %parallel_loop3A_636 = vector.broadcast %parallel_loop3A_635 : i32 to vector<16xi32>
          %parallel_loop3A_637 = arith.remsi %parallel_loop3A_634, %parallel_loop3A_636 : vector<16xi32>
          %parallel_loop3A_638 = arith.constant 64 : i32
          %parallel_loop3A_639 = vector.broadcast %parallel_loop3A_638 : i32 to vector<16xi32>
          %parallel_loop3A_640 = arith.addi %parallel_loop3A_637, %parallel_loop3A_639 : vector<16xi32>
          %parallel_loop3A_641 = tpu.vector_load_idx %arg13[%parallel_loop3A_215, %parallel_loop3A_637] : memref<256x128xf32, #tpu.memory_space<vmem>>[vector<16xi32>, vector<16xi32>], vector<16xf32>,
          %parallel_loop3A_642 = tpu.vector_load_idx %arg15[%parallel_loop3A_637, %parallel_loop3A_215] : memref<26x256xf32, #tpu.memory_space<vmem>>[vector<16xi32>, vector<16xi32>], vector<16xf32>,
          %parallel_loop3A_643 = arith.mulf %parallel_loop3A_641, %parallel_loop3A_642 : vector<16xf32>
          %parallel_loop3A_644 = tpu.vector_load_idx %arg13[%parallel_loop3A_215, %parallel_loop3A_640] : memref<256x128xf32, #tpu.memory_space<vmem>>[vector<16xi32>, vector<16xi32>], vector<16xf32>,
          %parallel_loop3A_645 = tpu.vector_load_idx %arg17[%parallel_loop3A_637, %parallel_loop3A_215] : memref<26x256xf32, #tpu.memory_space<vmem>>[vector<16xi32>, vector<16xi32>], vector<16xf32>,
          %parallel_loop3A_646 = arith.mulf %parallel_loop3A_644, %parallel_loop3A_645 : vector<16xf32>
          %parallel_loop3A_647 = arith.addf %parallel_loop3A_613, %parallel_loop3A_643 : vector<16xf32>
          %parallel_loop3A_648 = arith.addf %parallel_loop3A_614, %parallel_loop3A_646 : vector<16xf32>
          %parallel_loop3A_649 = arith.constant 25 : i32
          %parallel_loop3A_650 = vector.broadcast %parallel_loop3A_649 : i32 to vector<16xi32>
          %parallel_loop3A_651 = arith.addi %iota3A, %parallel_loop3A_650 : vector<16xi32>
          %parallel_loop3A_652 = arith.constant 26 : i32
          %parallel_loop3A_653 = vector.broadcast %parallel_loop3A_652 : i32 to vector<16xi32>
          %parallel_loop3A_654 = arith.remsi %parallel_loop3A_651, %parallel_loop3A_653 : vector<16xi32>
          %parallel_loop3A_655 = arith.constant 64 : i32
          %parallel_loop3A_656 = vector.broadcast %parallel_loop3A_655 : i32 to vector<16xi32>
          %parallel_loop3A_657 = arith.addi %parallel_loop3A_654, %parallel_loop3A_656 : vector<16xi32>
          %parallel_loop3A_658 = tpu.vector_load_idx %arg13[%parallel_loop3A_215, %parallel_loop3A_654] : memref<256x128xf32, #tpu.memory_space<vmem>>[vector<16xi32>, vector<16xi32>], vector<16xf32>,
          %parallel_loop3A_659 = tpu.vector_load_idx %arg15[%parallel_loop3A_654, %parallel_loop3A_215] : memref<26x256xf32, #tpu.memory_space<vmem>>[vector<16xi32>, vector<16xi32>], vector<16xf32>,
          %parallel_loop3A_660 = arith.mulf %parallel_loop3A_658, %parallel_loop3A_659 : vector<16xf32>
          %parallel_loop3A_661 = tpu.vector_load_idx %arg13[%parallel_loop3A_215, %parallel_loop3A_657] : memref<256x128xf32, #tpu.memory_space<vmem>>[vector<16xi32>, vector<16xi32>], vector<16xf32>,
          %parallel_loop3A_662 = tpu.vector_load_idx %arg17[%parallel_loop3A_654, %parallel_loop3A_215] : memref<26x256xf32, #tpu.memory_space<vmem>>[vector<16xi32>, vector<16xi32>], vector<16xf32>,
          %parallel_loop3A_663 = arith.mulf %parallel_loop3A_661, %parallel_loop3A_662 : vector<16xf32>
          %parallel_loop3A_664 = arith.addf %parallel_loop3A_630, %parallel_loop3A_660 : vector<16xf32>
          %parallel_loop3A_665 = arith.addf %parallel_loop3A_631, %parallel_loop3A_663 : vector<16xf32>
          %parallel_loop3A_666 = arith.addf %parallel_loop3A_647, %parallel_loop3A_664 : vector<16xf32>
          %parallel_loop3A_667 = arith.addf %parallel_loop3A_648, %parallel_loop3A_665 : vector<16xf32>
          %parallel_loop3A_668 = math.exp %parallel_loop3A_666 : vector<16xf32>
          %parallel_loop3A_669 = arith.constant 1.000000e+06 : f32
          %parallel_loop3A_670 = vector.broadcast %parallel_loop3A_669 : f32 to vector<16xf32>
          %parallel_loop3A_671 = arith.minimumf %parallel_loop3A_668, %parallel_loop3A_670 : vector<16xf32>
          %parallel_loop3A_672 = arith.constant 4.000000e+00 : f32
          %parallel_loop3A_673 = vector.broadcast %parallel_loop3A_672 : f32 to vector<16xf32>
          %parallel_loop3A_674 = arith.subf %parallel_loop3A_673, %parallel_loop3A_667 : vector<16xf32>
          %parallel_loop3A_675 = math.exp %parallel_loop3A_674 : vector<16xf32>
          %parallel_loop3A_676 = arith.constant 1.000000e+00 : f32
          %parallel_loop3A_677 = vector.broadcast %parallel_loop3A_676 : f32 to vector<16xf32>
          %parallel_loop3A_678 = arith.addf %parallel_loop3A_677, %parallel_loop3A_675 : vector<16xf32>
          %parallel_loop3A_679 = arith.constant 1.000000e+00 : f32
          %parallel_loop3A_680 = vector.broadcast %parallel_loop3A_679 : f32 to vector<16xf32>
          %parallel_loop3A_681 = arith.divf %parallel_loop3A_680, %parallel_loop3A_678 : vector<16xf32>
          %parallel_loop3A_682 = arith.constant 9.99999997E-7 : f32
          %parallel_loop3A_683 = arith.constant 0.999998986 : f32
          %parallel_loop3A_684 = vector.broadcast %parallel_loop3A_682 : f32 to vector<16xf32>
          %parallel_loop3A_685 = arith.maximumf %parallel_loop3A_684, %parallel_loop3A_681 : vector<16xf32>
          %parallel_loop3A_686 = vector.broadcast %parallel_loop3A_683 : f32 to vector<16xf32>
          %parallel_loop3A_687 = arith.minimumf %parallel_loop3A_686, %parallel_loop3A_685 : vector<16xf32>
          %parallel_loop3A_688 = arith.constant 16 : i32
          %parallel_loop3A_689 = arith.muli %parallel_loop3A_211, %parallel_loop3A_688 : i32
          %parallel_loop3A_690 = arith.constant 16 : i32
          %parallel_loop3A_691 = arith.muli %parallel_loop3A_211, %parallel_loop3A_690 : i32
          %parallel_loop3A_692 = arith.addi %sub3A, %parallel_loop3A_691 : i32
          %parallel_loop3A_693 = arith.index_cast %parallel_loop3A_689 : i32 to index
          %parallel_loop3A_694 = tpu.vector_load %arg19[%parallel_loop3A_693] {strides = array<i32>} : memref<256xf32, #tpu.memory_space<vmem>>, vector<16xf32>,
          %parallel_loop3A_695 = arith.index_cast %parallel_loop3A_689 : i32 to index
          %parallel_loop3A_696 = tpu.vector_load %arg21[%parallel_loop3A_695] {strides = array<i32>} : memref<256xf32, #tpu.memory_space<vmem>>, vector<16xf32>,
          %parallel_loop3A_697 = arith.index_cast %parallel_loop3A_692 : i32 to index
          %parallel_loop3A_698 = tpu.vector_load %arg23[%parallel_loop3A_697] {strides = array<i32>} : memref<2048xf32, #tpu.memory_space<vmem>>, vector<16xf32>,
          tpu.vector_store %arg23[%parallel_loop3A_697], %parallel_loop3A_687 {strides = array<i32>} : memref<2048xf32, #tpu.memory_space<vmem>>, vector<16xf32>,
          %parallel_loop3A_699 = arith.index_cast %parallel_loop3A_692 : i32 to index
          %parallel_loop3A_700 = tpu.vector_load %arg24[%parallel_loop3A_699] {strides = array<i32>} : memref<2048xf32, #tpu.memory_space<vmem>>, vector<16xf32>,
          tpu.vector_store %arg24[%parallel_loop3A_699], %parallel_loop3A_671 {strides = array<i32>} : memref<2048xf32, #tpu.memory_space<vmem>>, vector<16xf32>,
          %parallel_loop3A_701 = arith.mulf %parallel_loop3A_694, %parallel_loop3A_671 : vector<16xf32>
          %parallel_loop3A_702 = arith.mulf %parallel_loop3A_696, %parallel_loop3A_687 : vector<16xf32>
          %parallel_loop3A_703 = arith.constant 1.000000e+00 : f32
          %parallel_loop3A_704 = vector.broadcast %parallel_loop3A_703 : f32 to vector<16xf32>
          %parallel_loop3A_705 = arith.subf %parallel_loop3A_704, %parallel_loop3A_702 : vector<16xf32>
          %parallel_loop3A_706 = arith.mulf %parallel_loop3A_701, %parallel_loop3A_705 : vector<16xf32>
          %parallel_loop3A_707 = arith.index_cast %parallel_loop3A_692 : i32 to index
          %parallel_loop3A_708 = tpu.vector_load %arg25[%parallel_loop3A_707] {strides = array<i32>} : memref<2048xf32, #tpu.memory_space<vmem>>, vector<16xf32>,
          tpu.vector_store %arg25[%parallel_loop3A_707], %parallel_loop3A_706 {strides = array<i32>} : memref<2048xf32, #tpu.memory_space<vmem>>, vector<16xf32>,
        } {sc.loop_unroll_factor = 1 : i64, sc.parallel_access}
        %add3A_134 = arith.constant 2 : i32
        %add3A_135 = arith.addi %mul3A_99, %add3A_134 : i32
        %min3A = arith.constant 63 : i32
        %min3A_136 = arith.minsi %add3A_135, %min3A : i32
        %mul3A_137 = arith.constant 256 : i32
        %mul3A_138 = arith.muli %min3A_136, %mul3A_137 : i32
        %add3A_139 = arith.addi %mul3A_2, %mul3A_138 : i32
        %dma_start3A_140 = tpu.memref_slice %arg2[%add3A_139] : memref<524288xi32, #tpu.memory_space<hbm>> -> memref<256xi32, #tpu.memory_space<hbm>>
        %dma_start3A_141 = tpu.memref_slice %arg2[%add3A_139] : memref<524288xi32, #tpu.memory_space<hbm>> -> memref<256xi32, #tpu.memory_space<hbm>>
        tpu.enqueue_dma source(%dma_start3A_141 : memref<256xi32, #tpu.memory_space<hbm>>) target(%arg11 : memref<256xi32, #tpu.memory_space<vmem>>) target_semaphore(%arg26 : memref<!tpu.dma_semaphore, #tpu.memory_space<semaphore_mem>>)
        %dma_start3A_142 = arith.constant 0 : i32
        %dma_start3A_143 = tpu.memref_slice %arg4[%dma_start3A_142, %add3A_139] : memref<26x524288xf32, #tpu.memory_space<hbm>> -> memref<26x256xf32, #tpu.memory_space<hbm>>
        %dma_start3A_144 = arith.constant 0 : i32
        %dma_start3A_145 = tpu.memref_slice %arg4[%dma_start3A_144, %add3A_139] : memref<26x524288xf32, #tpu.memory_space<hbm>> -> memref<26x256xf32, #tpu.memory_space<hbm>>
        tpu.enqueue_dma source(%dma_start3A_145 : memref<26x256xf32, #tpu.memory_space<hbm>>) target(%arg15 : memref<26x256xf32, #tpu.memory_space<vmem>>) target_semaphore(%arg28 : memref<!tpu.dma_semaphore, #tpu.memory_space<semaphore_mem>>)
        %dma_start3A_146 = arith.constant 0 : i32
        %dma_start3A_147 = tpu.memref_slice %arg5[%dma_start3A_146, %add3A_139] : memref<26x524288xf32, #tpu.memory_space<hbm>> -> memref<26x256xf32, #tpu.memory_space<hbm>>
        %dma_start3A_148 = arith.constant 0 : i32
        %dma_start3A_149 = tpu.memref_slice %arg5[%dma_start3A_148, %add3A_139] : memref<26x524288xf32, #tpu.memory_space<hbm>> -> memref<26x256xf32, #tpu.memory_space<hbm>>
        tpu.enqueue_dma source(%dma_start3A_149 : memref<26x256xf32, #tpu.memory_space<hbm>>) target(%arg17 : memref<26x256xf32, #tpu.memory_space<vmem>>) target_semaphore(%arg28 : memref<!tpu.dma_semaphore, #tpu.memory_space<semaphore_mem>>)
        %dma_start3A_150 = tpu.memref_slice %arg6[%add3A_139] : memref<524288xf32, #tpu.memory_space<hbm>> -> memref<256xf32, #tpu.memory_space<hbm>>
        %dma_start3A_151 = tpu.memref_slice %arg6[%add3A_139] : memref<524288xf32, #tpu.memory_space<hbm>> -> memref<256xf32, #tpu.memory_space<hbm>>
        tpu.enqueue_dma source(%dma_start3A_151 : memref<256xf32, #tpu.memory_space<hbm>>) target(%arg19 : memref<256xf32, #tpu.memory_space<vmem>>) target_semaphore(%arg28 : memref<!tpu.dma_semaphore, #tpu.memory_space<semaphore_mem>>)
        %dma_start3A_152 = tpu.memref_slice %arg7[%add3A_139] : memref<524288xf32, #tpu.memory_space<hbm>> -> memref<256xf32, #tpu.memory_space<hbm>>
        %dma_start3A_153 = tpu.memref_slice %arg7[%add3A_139] : memref<524288xf32, #tpu.memory_space<hbm>> -> memref<256xf32, #tpu.memory_space<hbm>>
        tpu.enqueue_dma source(%dma_start3A_153 : memref<256xf32, #tpu.memory_space<hbm>>) target(%arg21 : memref<256xf32, #tpu.memory_space<vmem>>) target_semaphore(%arg28 : memref<!tpu.dma_semaphore, #tpu.memory_space<semaphore_mem>>)
        %dma_wait3A_154 = arith.constant 0 : i32
        %dma_wait3A_155 = arith.constant 0 : i32
        %dma_wait3A_156 = tpu.memref_slice %arg3[%dma_wait3A_154, %dma_wait3A_155] : memref<100000x128xf32, #tpu.memory_space<hbm>> -> memref<100000x128xf32, #tpu.memory_space<hbm>>
        tpu.wait_indirect_dma semaphore(%arg31 : memref<!tpu.dma_semaphore, #tpu.memory_space<semaphore_mem>>) src(%dma_wait3A_156 : memref<100000x128xf32, #tpu.memory_space<hbm>>) dst(%arg14 : memref<256x128xf32, #tpu.memory_space<vmem>>)
        %mul3A_157 = arith.constant 256 : i32
        %mul3A_158 = arith.muli %add3A_103, %mul3A_157 : i32
        %add3A_159 = arith.addi %mul3A_2, %mul3A_158 : i32
        %dma_wait3A_160 = arith.constant 0 : i32
        %dma_wait3A_161 = tpu.memref_slice %arg4[%dma_wait3A_160, %add3A_159] : memref<26x524288xf32, #tpu.memory_space<hbm>> -> memref<26x256xf32, #tpu.memory_space<hbm>>
        %dma_wait3A_162 = arith.constant 0 : i32
        %dma_wait3A_163 = tpu.memref_slice %arg4[%dma_wait3A_162, %add3A_159] : memref<26x524288xf32, #tpu.memory_space<hbm>> -> memref<26x256xf32, #tpu.memory_space<hbm>>
        tpu.wait_dma2 semaphore(%arg29 : memref<!tpu.dma_semaphore, #tpu.memory_space<semaphore_mem>>) src(%dma_wait3A_163 : memref<26x256xf32, #tpu.memory_space<hbm>>) dst(%arg16 : memref<26x256xf32, #tpu.memory_space<vmem>>)
        %dma_wait3A_164 = arith.constant 0 : i32
        %dma_wait3A_165 = tpu.memref_slice %arg5[%dma_wait3A_164, %add3A_159] : memref<26x524288xf32, #tpu.memory_space<hbm>> -> memref<26x256xf32, #tpu.memory_space<hbm>>
        %dma_wait3A_166 = arith.constant 0 : i32
        %dma_wait3A_167 = tpu.memref_slice %arg5[%dma_wait3A_166, %add3A_159] : memref<26x524288xf32, #tpu.memory_space<hbm>> -> memref<26x256xf32, #tpu.memory_space<hbm>>
        tpu.wait_dma2 semaphore(%arg29 : memref<!tpu.dma_semaphore, #tpu.memory_space<semaphore_mem>>) src(%dma_wait3A_167 : memref<26x256xf32, #tpu.memory_space<hbm>>) dst(%arg18 : memref<26x256xf32, #tpu.memory_space<vmem>>)
        %dma_wait3A_168 = tpu.memref_slice %arg6[%add3A_159] : memref<524288xf32, #tpu.memory_space<hbm>> -> memref<256xf32, #tpu.memory_space<hbm>>
        %dma_wait3A_169 = tpu.memref_slice %arg6[%add3A_159] : memref<524288xf32, #tpu.memory_space<hbm>> -> memref<256xf32, #tpu.memory_space<hbm>>
        tpu.wait_dma2 semaphore(%arg29 : memref<!tpu.dma_semaphore, #tpu.memory_space<semaphore_mem>>) src(%dma_wait3A_169 : memref<256xf32, #tpu.memory_space<hbm>>) dst(%arg20 : memref<256xf32, #tpu.memory_space<vmem>>)
        %dma_wait3A_170 = tpu.memref_slice %arg7[%add3A_159] : memref<524288xf32, #tpu.memory_space<hbm>> -> memref<256xf32, #tpu.memory_space<hbm>>
        %dma_wait3A_171 = tpu.memref_slice %arg7[%add3A_159] : memref<524288xf32, #tpu.memory_space<hbm>> -> memref<256xf32, #tpu.memory_space<hbm>>
        tpu.wait_dma2 semaphore(%arg29 : memref<!tpu.dma_semaphore, #tpu.memory_space<semaphore_mem>>) src(%dma_wait3A_171 : memref<256xf32, #tpu.memory_space<hbm>>) dst(%arg22 : memref<256xf32, #tpu.memory_space<vmem>>)
        %mul3A_172 = arith.constant 256 : i32
        %mul3A_173 = arith.muli %add3A_103, %mul3A_172 : i32
        %sub3A_174 = arith.subi %mul3A_173, %mul3A_82 : i32
        %parallel_loop3A_175 = arith.constant 0 : i32
        %parallel_loop3A_176 = arith.constant 16 : i32
        %parallel_loop3A_177 = arith.constant 1 : i32
        scf.for %parallel_loop3A_211 = %parallel_loop3A_175 to %parallel_loop3A_176 step %parallel_loop3A_177  : i32 {
          %parallel_loop3A_212 = arith.constant 16 : i32
          %parallel_loop3A_213 = arith.muli %parallel_loop3A_211, %parallel_loop3A_212 : i32
          %parallel_loop3A_214 = vector.broadcast %parallel_loop3A_213 : i32 to vector<16xi32>
          %parallel_loop3A_215 = arith.addi %parallel_loop3A_214, %iota3A : vector<16xi32>
          %parallel_loop3A_216 = arith.constant 0.000000e+00 : f32
          %parallel_loop3A_217 = vector.broadcast %parallel_loop3A_216 : f32 to vector<16xf32>
          %parallel_loop3A_218 = arith.constant 0.000000e+00 : f32
          %parallel_loop3A_219 = vector.broadcast %parallel_loop3A_218 : f32 to vector<16xf32>
          %parallel_loop3A_220 = arith.constant 0.000000e+00 : f32
          %parallel_loop3A_221 = vector.broadcast %parallel_loop3A_220 : f32 to vector<16xf32>
          %parallel_loop3A_222 = arith.constant 0.000000e+00 : f32
          %parallel_loop3A_223 = vector.broadcast %parallel_loop3A_222 : f32 to vector<16xf32>
          %parallel_loop3A_224 = arith.constant 0 : i32
          %parallel_loop3A_225 = vector.broadcast %parallel_loop3A_224 : i32 to vector<16xi32>
          %parallel_loop3A_226 = arith.addi %iota3A, %parallel_loop3A_225 : vector<16xi32>
          %parallel_loop3A_227 = arith.constant 26 : i32
          %parallel_loop3A_228 = vector.broadcast %parallel_loop3A_227 : i32 to vector<16xi32>
          %parallel_loop3A_229 = arith.remsi %parallel_loop3A_226, %parallel_loop3A_228 : vector<16xi32>
          %parallel_loop3A_230 = arith.constant 64 : i32
          %parallel_loop3A_231 = vector.broadcast %parallel_loop3A_230 : i32 to vector<16xi32>
          %parallel_loop3A_232 = arith.addi %parallel_loop3A_229, %parallel_loop3A_231 : vector<16xi32>
          %parallel_loop3A_233 = tpu.vector_load_idx %arg14[%parallel_loop3A_215, %parallel_loop3A_229] : memref<256x128xf32, #tpu.memory_space<vmem>>[vector<16xi32>, vector<16xi32>], vector<16xf32>,
          %parallel_loop3A_234 = tpu.vector_load_idx %arg16[%parallel_loop3A_229, %parallel_loop3A_215] : memref<26x256xf32, #tpu.memory_space<vmem>>[vector<16xi32>, vector<16xi32>], vector<16xf32>,
          %parallel_loop3A_235 = arith.mulf %parallel_loop3A_233, %parallel_loop3A_234 : vector<16xf32>
          %parallel_loop3A_236 = tpu.vector_load_idx %arg14[%parallel_loop3A_215, %parallel_loop3A_232] : memref<256x128xf32, #tpu.memory_space<vmem>>[vector<16xi32>, vector<16xi32>], vector<16xf32>,
          %parallel_loop3A_237 = tpu.vector_load_idx %arg18[%parallel_loop3A_229, %parallel_loop3A_215] : memref<26x256xf32, #tpu.memory_space<vmem>>[vector<16xi32>, vector<16xi32>], vector<16xf32>,
          %parallel_loop3A_238 = arith.mulf %parallel_loop3A_236, %parallel_loop3A_237 : vector<16xf32>
          %parallel_loop3A_239 = arith.addf %parallel_loop3A_217, %parallel_loop3A_235 : vector<16xf32>
          %parallel_loop3A_240 = arith.addf %parallel_loop3A_221, %parallel_loop3A_238 : vector<16xf32>
          %parallel_loop3A_241 = arith.constant 1 : i32
          %parallel_loop3A_242 = vector.broadcast %parallel_loop3A_241 : i32 to vector<16xi32>
          %parallel_loop3A_243 = arith.addi %iota3A, %parallel_loop3A_242 : vector<16xi32>
          %parallel_loop3A_244 = arith.constant 26 : i32
          %parallel_loop3A_245 = vector.broadcast %parallel_loop3A_244 : i32 to vector<16xi32>
          %parallel_loop3A_246 = arith.remsi %parallel_loop3A_243, %parallel_loop3A_245 : vector<16xi32>
          %parallel_loop3A_247 = arith.constant 64 : i32
          %parallel_loop3A_248 = vector.broadcast %parallel_loop3A_247 : i32 to vector<16xi32>
          %parallel_loop3A_249 = arith.addi %parallel_loop3A_246, %parallel_loop3A_248 : vector<16xi32>
          %parallel_loop3A_250 = tpu.vector_load_idx %arg14[%parallel_loop3A_215, %parallel_loop3A_246] : memref<256x128xf32, #tpu.memory_space<vmem>>[vector<16xi32>, vector<16xi32>], vector<16xf32>,
          %parallel_loop3A_251 = tpu.vector_load_idx %arg16[%parallel_loop3A_246, %parallel_loop3A_215] : memref<26x256xf32, #tpu.memory_space<vmem>>[vector<16xi32>, vector<16xi32>], vector<16xf32>,
          %parallel_loop3A_252 = arith.mulf %parallel_loop3A_250, %parallel_loop3A_251 : vector<16xf32>
          %parallel_loop3A_253 = tpu.vector_load_idx %arg14[%parallel_loop3A_215, %parallel_loop3A_249] : memref<256x128xf32, #tpu.memory_space<vmem>>[vector<16xi32>, vector<16xi32>], vector<16xf32>,
          %parallel_loop3A_254 = tpu.vector_load_idx %arg18[%parallel_loop3A_246, %parallel_loop3A_215] : memref<26x256xf32, #tpu.memory_space<vmem>>[vector<16xi32>, vector<16xi32>], vector<16xf32>,
          %parallel_loop3A_255 = arith.mulf %parallel_loop3A_253, %parallel_loop3A_254 : vector<16xf32>
          %parallel_loop3A_256 = arith.addf %parallel_loop3A_219, %parallel_loop3A_252 : vector<16xf32>
          %parallel_loop3A_257 = arith.addf %parallel_loop3A_223, %parallel_loop3A_255 : vector<16xf32>
          %parallel_loop3A_258 = arith.constant 2 : i32
          %parallel_loop3A_259 = vector.broadcast %parallel_loop3A_258 : i32 to vector<16xi32>
          %parallel_loop3A_260 = arith.addi %iota3A, %parallel_loop3A_259 : vector<16xi32>
          %parallel_loop3A_261 = arith.constant 26 : i32
          %parallel_loop3A_262 = vector.broadcast %parallel_loop3A_261 : i32 to vector<16xi32>
          %parallel_loop3A_263 = arith.remsi %parallel_loop3A_260, %parallel_loop3A_262 : vector<16xi32>
          %parallel_loop3A_264 = arith.constant 64 : i32
          %parallel_loop3A_265 = vector.broadcast %parallel_loop3A_264 : i32 to vector<16xi32>
          %parallel_loop3A_266 = arith.addi %parallel_loop3A_263, %parallel_loop3A_265 : vector<16xi32>
          %parallel_loop3A_267 = tpu.vector_load_idx %arg14[%parallel_loop3A_215, %parallel_loop3A_263] : memref<256x128xf32, #tpu.memory_space<vmem>>[vector<16xi32>, vector<16xi32>], vector<16xf32>,
          %parallel_loop3A_268 = tpu.vector_load_idx %arg16[%parallel_loop3A_263, %parallel_loop3A_215] : memref<26x256xf32, #tpu.memory_space<vmem>>[vector<16xi32>, vector<16xi32>], vector<16xf32>,
          %parallel_loop3A_269 = arith.mulf %parallel_loop3A_267, %parallel_loop3A_268 : vector<16xf32>
          %parallel_loop3A_270 = tpu.vector_load_idx %arg14[%parallel_loop3A_215, %parallel_loop3A_266] : memref<256x128xf32, #tpu.memory_space<vmem>>[vector<16xi32>, vector<16xi32>], vector<16xf32>,
          %parallel_loop3A_271 = tpu.vector_load_idx %arg18[%parallel_loop3A_263, %parallel_loop3A_215] : memref<26x256xf32, #tpu.memory_space<vmem>>[vector<16xi32>, vector<16xi32>], vector<16xf32>,
          %parallel_loop3A_272 = arith.mulf %parallel_loop3A_270, %parallel_loop3A_271 : vector<16xf32>
          %parallel_loop3A_273 = arith.addf %parallel_loop3A_239, %parallel_loop3A_269 : vector<16xf32>
          %parallel_loop3A_274 = arith.addf %parallel_loop3A_240, %parallel_loop3A_272 : vector<16xf32>
          %parallel_loop3A_275 = arith.constant 3 : i32
          %parallel_loop3A_276 = vector.broadcast %parallel_loop3A_275 : i32 to vector<16xi32>
          %parallel_loop3A_277 = arith.addi %iota3A, %parallel_loop3A_276 : vector<16xi32>
          %parallel_loop3A_278 = arith.constant 26 : i32
          %parallel_loop3A_279 = vector.broadcast %parallel_loop3A_278 : i32 to vector<16xi32>
          %parallel_loop3A_280 = arith.remsi %parallel_loop3A_277, %parallel_loop3A_279 : vector<16xi32>
          %parallel_loop3A_281 = arith.constant 64 : i32
          %parallel_loop3A_282 = vector.broadcast %parallel_loop3A_281 : i32 to vector<16xi32>
          %parallel_loop3A_283 = arith.addi %parallel_loop3A_280, %parallel_loop3A_282 : vector<16xi32>
          %parallel_loop3A_284 = tpu.vector_load_idx %arg14[%parallel_loop3A_215, %parallel_loop3A_280] : memref<256x128xf32, #tpu.memory_space<vmem>>[vector<16xi32>, vector<16xi32>], vector<16xf32>,
          %parallel_loop3A_285 = tpu.vector_load_idx %arg16[%parallel_loop3A_280, %parallel_loop3A_215] : memref<26x256xf32, #tpu.memory_space<vmem>>[vector<16xi32>, vector<16xi32>], vector<16xf32>,
          %parallel_loop3A_286 = arith.mulf %parallel_loop3A_284, %parallel_loop3A_285 : vector<16xf32>
          %parallel_loop3A_287 = tpu.vector_load_idx %arg14[%parallel_loop3A_215, %parallel_loop3A_283] : memref<256x128xf32, #tpu.memory_space<vmem>>[vector<16xi32>, vector<16xi32>], vector<16xf32>,
          %parallel_loop3A_288 = tpu.vector_load_idx %arg18[%parallel_loop3A_280, %parallel_loop3A_215] : memref<26x256xf32, #tpu.memory_space<vmem>>[vector<16xi32>, vector<16xi32>], vector<16xf32>,
          %parallel_loop3A_289 = arith.mulf %parallel_loop3A_287, %parallel_loop3A_288 : vector<16xf32>
          %parallel_loop3A_290 = arith.addf %parallel_loop3A_256, %parallel_loop3A_286 : vector<16xf32>
          %parallel_loop3A_291 = arith.addf %parallel_loop3A_257, %parallel_loop3A_289 : vector<16xf32>
          %parallel_loop3A_292 = arith.constant 4 : i32
          %parallel_loop3A_293 = vector.broadcast %parallel_loop3A_292 : i32 to vector<16xi32>
          %parallel_loop3A_294 = arith.addi %iota3A, %parallel_loop3A_293 : vector<16xi32>
          %parallel_loop3A_295 = arith.constant 26 : i32
          %parallel_loop3A_296 = vector.broadcast %parallel_loop3A_295 : i32 to vector<16xi32>
          %parallel_loop3A_297 = arith.remsi %parallel_loop3A_294, %parallel_loop3A_296 : vector<16xi32>
          %parallel_loop3A_298 = arith.constant 64 : i32
          %parallel_loop3A_299 = vector.broadcast %parallel_loop3A_298 : i32 to vector<16xi32>
          %parallel_loop3A_300 = arith.addi %parallel_loop3A_297, %parallel_loop3A_299 : vector<16xi32>
          %parallel_loop3A_301 = tpu.vector_load_idx %arg14[%parallel_loop3A_215, %parallel_loop3A_297] : memref<256x128xf32, #tpu.memory_space<vmem>>[vector<16xi32>, vector<16xi32>], vector<16xf32>,
          %parallel_loop3A_302 = tpu.vector_load_idx %arg16[%parallel_loop3A_297, %parallel_loop3A_215] : memref<26x256xf32, #tpu.memory_space<vmem>>[vector<16xi32>, vector<16xi32>], vector<16xf32>,
          %parallel_loop3A_303 = arith.mulf %parallel_loop3A_301, %parallel_loop3A_302 : vector<16xf32>
          %parallel_loop3A_304 = tpu.vector_load_idx %arg14[%parallel_loop3A_215, %parallel_loop3A_300] : memref<256x128xf32, #tpu.memory_space<vmem>>[vector<16xi32>, vector<16xi32>], vector<16xf32>,
          %parallel_loop3A_305 = tpu.vector_load_idx %arg18[%parallel_loop3A_297, %parallel_loop3A_215] : memref<26x256xf32, #tpu.memory_space<vmem>>[vector<16xi32>, vector<16xi32>], vector<16xf32>,
          %parallel_loop3A_306 = arith.mulf %parallel_loop3A_304, %parallel_loop3A_305 : vector<16xf32>
          %parallel_loop3A_307 = arith.addf %parallel_loop3A_273, %parallel_loop3A_303 : vector<16xf32>
          %parallel_loop3A_308 = arith.addf %parallel_loop3A_274, %parallel_loop3A_306 : vector<16xf32>
          %parallel_loop3A_309 = arith.constant 5 : i32
          %parallel_loop3A_310 = vector.broadcast %parallel_loop3A_309 : i32 to vector<16xi32>
          %parallel_loop3A_311 = arith.addi %iota3A, %parallel_loop3A_310 : vector<16xi32>
          %parallel_loop3A_312 = arith.constant 26 : i32
          %parallel_loop3A_313 = vector.broadcast %parallel_loop3A_312 : i32 to vector<16xi32>
          %parallel_loop3A_314 = arith.remsi %parallel_loop3A_311, %parallel_loop3A_313 : vector<16xi32>
          %parallel_loop3A_315 = arith.constant 64 : i32
          %parallel_loop3A_316 = vector.broadcast %parallel_loop3A_315 : i32 to vector<16xi32>
          %parallel_loop3A_317 = arith.addi %parallel_loop3A_314, %parallel_loop3A_316 : vector<16xi32>
          %parallel_loop3A_318 = tpu.vector_load_idx %arg14[%parallel_loop3A_215, %parallel_loop3A_314] : memref<256x128xf32, #tpu.memory_space<vmem>>[vector<16xi32>, vector<16xi32>], vector<16xf32>,
          %parallel_loop3A_319 = tpu.vector_load_idx %arg16[%parallel_loop3A_314, %parallel_loop3A_215] : memref<26x256xf32, #tpu.memory_space<vmem>>[vector<16xi32>, vector<16xi32>], vector<16xf32>,
          %parallel_loop3A_320 = arith.mulf %parallel_loop3A_318, %parallel_loop3A_319 : vector<16xf32>
          %parallel_loop3A_321 = tpu.vector_load_idx %arg14[%parallel_loop3A_215, %parallel_loop3A_317] : memref<256x128xf32, #tpu.memory_space<vmem>>[vector<16xi32>, vector<16xi32>], vector<16xf32>,
          %parallel_loop3A_322 = tpu.vector_load_idx %arg18[%parallel_loop3A_314, %parallel_loop3A_215] : memref<26x256xf32, #tpu.memory_space<vmem>>[vector<16xi32>, vector<16xi32>], vector<16xf32>,
          %parallel_loop3A_323 = arith.mulf %parallel_loop3A_321, %parallel_loop3A_322 : vector<16xf32>
          %parallel_loop3A_324 = arith.addf %parallel_loop3A_290, %parallel_loop3A_320 : vector<16xf32>
          %parallel_loop3A_325 = arith.addf %parallel_loop3A_291, %parallel_loop3A_323 : vector<16xf32>
          %parallel_loop3A_326 = arith.constant 6 : i32
          %parallel_loop3A_327 = vector.broadcast %parallel_loop3A_326 : i32 to vector<16xi32>
          %parallel_loop3A_328 = arith.addi %iota3A, %parallel_loop3A_327 : vector<16xi32>
          %parallel_loop3A_329 = arith.constant 26 : i32
          %parallel_loop3A_330 = vector.broadcast %parallel_loop3A_329 : i32 to vector<16xi32>
          %parallel_loop3A_331 = arith.remsi %parallel_loop3A_328, %parallel_loop3A_330 : vector<16xi32>
          %parallel_loop3A_332 = arith.constant 64 : i32
          %parallel_loop3A_333 = vector.broadcast %parallel_loop3A_332 : i32 to vector<16xi32>
          %parallel_loop3A_334 = arith.addi %parallel_loop3A_331, %parallel_loop3A_333 : vector<16xi32>
          %parallel_loop3A_335 = tpu.vector_load_idx %arg14[%parallel_loop3A_215, %parallel_loop3A_331] : memref<256x128xf32, #tpu.memory_space<vmem>>[vector<16xi32>, vector<16xi32>], vector<16xf32>,
          %parallel_loop3A_336 = tpu.vector_load_idx %arg16[%parallel_loop3A_331, %parallel_loop3A_215] : memref<26x256xf32, #tpu.memory_space<vmem>>[vector<16xi32>, vector<16xi32>], vector<16xf32>,
          %parallel_loop3A_337 = arith.mulf %parallel_loop3A_335, %parallel_loop3A_336 : vector<16xf32>
          %parallel_loop3A_338 = tpu.vector_load_idx %arg14[%parallel_loop3A_215, %parallel_loop3A_334] : memref<256x128xf32, #tpu.memory_space<vmem>>[vector<16xi32>, vector<16xi32>], vector<16xf32>,
          %parallel_loop3A_339 = tpu.vector_load_idx %arg18[%parallel_loop3A_331, %parallel_loop3A_215] : memref<26x256xf32, #tpu.memory_space<vmem>>[vector<16xi32>, vector<16xi32>], vector<16xf32>,
          %parallel_loop3A_340 = arith.mulf %parallel_loop3A_338, %parallel_loop3A_339 : vector<16xf32>
          %parallel_loop3A_341 = arith.addf %parallel_loop3A_307, %parallel_loop3A_337 : vector<16xf32>
          %parallel_loop3A_342 = arith.addf %parallel_loop3A_308, %parallel_loop3A_340 : vector<16xf32>
          %parallel_loop3A_343 = arith.constant 7 : i32
          %parallel_loop3A_344 = vector.broadcast %parallel_loop3A_343 : i32 to vector<16xi32>
          %parallel_loop3A_345 = arith.addi %iota3A, %parallel_loop3A_344 : vector<16xi32>
          %parallel_loop3A_346 = arith.constant 26 : i32
          %parallel_loop3A_347 = vector.broadcast %parallel_loop3A_346 : i32 to vector<16xi32>
          %parallel_loop3A_348 = arith.remsi %parallel_loop3A_345, %parallel_loop3A_347 : vector<16xi32>
          %parallel_loop3A_349 = arith.constant 64 : i32
          %parallel_loop3A_350 = vector.broadcast %parallel_loop3A_349 : i32 to vector<16xi32>
          %parallel_loop3A_351 = arith.addi %parallel_loop3A_348, %parallel_loop3A_350 : vector<16xi32>
          %parallel_loop3A_352 = tpu.vector_load_idx %arg14[%parallel_loop3A_215, %parallel_loop3A_348] : memref<256x128xf32, #tpu.memory_space<vmem>>[vector<16xi32>, vector<16xi32>], vector<16xf32>,
          %parallel_loop3A_353 = tpu.vector_load_idx %arg16[%parallel_loop3A_348, %parallel_loop3A_215] : memref<26x256xf32, #tpu.memory_space<vmem>>[vector<16xi32>, vector<16xi32>], vector<16xf32>,
          %parallel_loop3A_354 = arith.mulf %parallel_loop3A_352, %parallel_loop3A_353 : vector<16xf32>
          %parallel_loop3A_355 = tpu.vector_load_idx %arg14[%parallel_loop3A_215, %parallel_loop3A_351] : memref<256x128xf32, #tpu.memory_space<vmem>>[vector<16xi32>, vector<16xi32>], vector<16xf32>,
          %parallel_loop3A_356 = tpu.vector_load_idx %arg18[%parallel_loop3A_348, %parallel_loop3A_215] : memref<26x256xf32, #tpu.memory_space<vmem>>[vector<16xi32>, vector<16xi32>], vector<16xf32>,
          %parallel_loop3A_357 = arith.mulf %parallel_loop3A_355, %parallel_loop3A_356 : vector<16xf32>
          %parallel_loop3A_358 = arith.addf %parallel_loop3A_324, %parallel_loop3A_354 : vector<16xf32>
          %parallel_loop3A_359 = arith.addf %parallel_loop3A_325, %parallel_loop3A_357 : vector<16xf32>
          %parallel_loop3A_360 = arith.constant 8 : i32
          %parallel_loop3A_361 = vector.broadcast %parallel_loop3A_360 : i32 to vector<16xi32>
          %parallel_loop3A_362 = arith.addi %iota3A, %parallel_loop3A_361 : vector<16xi32>
          %parallel_loop3A_363 = arith.constant 26 : i32
          %parallel_loop3A_364 = vector.broadcast %parallel_loop3A_363 : i32 to vector<16xi32>
          %parallel_loop3A_365 = arith.remsi %parallel_loop3A_362, %parallel_loop3A_364 : vector<16xi32>
          %parallel_loop3A_366 = arith.constant 64 : i32
          %parallel_loop3A_367 = vector.broadcast %parallel_loop3A_366 : i32 to vector<16xi32>
          %parallel_loop3A_368 = arith.addi %parallel_loop3A_365, %parallel_loop3A_367 : vector<16xi32>
          %parallel_loop3A_369 = tpu.vector_load_idx %arg14[%parallel_loop3A_215, %parallel_loop3A_365] : memref<256x128xf32, #tpu.memory_space<vmem>>[vector<16xi32>, vector<16xi32>], vector<16xf32>,
          %parallel_loop3A_370 = tpu.vector_load_idx %arg16[%parallel_loop3A_365, %parallel_loop3A_215] : memref<26x256xf32, #tpu.memory_space<vmem>>[vector<16xi32>, vector<16xi32>], vector<16xf32>,
          %parallel_loop3A_371 = arith.mulf %parallel_loop3A_369, %parallel_loop3A_370 : vector<16xf32>
          %parallel_loop3A_372 = tpu.vector_load_idx %arg14[%parallel_loop3A_215, %parallel_loop3A_368] : memref<256x128xf32, #tpu.memory_space<vmem>>[vector<16xi32>, vector<16xi32>], vector<16xf32>,
          %parallel_loop3A_373 = tpu.vector_load_idx %arg18[%parallel_loop3A_365, %parallel_loop3A_215] : memref<26x256xf32, #tpu.memory_space<vmem>>[vector<16xi32>, vector<16xi32>], vector<16xf32>,
          %parallel_loop3A_374 = arith.mulf %parallel_loop3A_372, %parallel_loop3A_373 : vector<16xf32>
          %parallel_loop3A_375 = arith.addf %parallel_loop3A_341, %parallel_loop3A_371 : vector<16xf32>
          %parallel_loop3A_376 = arith.addf %parallel_loop3A_342, %parallel_loop3A_374 : vector<16xf32>
          %parallel_loop3A_377 = arith.constant 9 : i32
          %parallel_loop3A_378 = vector.broadcast %parallel_loop3A_377 : i32 to vector<16xi32>
          %parallel_loop3A_379 = arith.addi %iota3A, %parallel_loop3A_378 : vector<16xi32>
          %parallel_loop3A_380 = arith.constant 26 : i32
          %parallel_loop3A_381 = vector.broadcast %parallel_loop3A_380 : i32 to vector<16xi32>
          %parallel_loop3A_382 = arith.remsi %parallel_loop3A_379, %parallel_loop3A_381 : vector<16xi32>
          %parallel_loop3A_383 = arith.constant 64 : i32
          %parallel_loop3A_384 = vector.broadcast %parallel_loop3A_383 : i32 to vector<16xi32>
          %parallel_loop3A_385 = arith.addi %parallel_loop3A_382, %parallel_loop3A_384 : vector<16xi32>
          %parallel_loop3A_386 = tpu.vector_load_idx %arg14[%parallel_loop3A_215, %parallel_loop3A_382] : memref<256x128xf32, #tpu.memory_space<vmem>>[vector<16xi32>, vector<16xi32>], vector<16xf32>,
          %parallel_loop3A_387 = tpu.vector_load_idx %arg16[%parallel_loop3A_382, %parallel_loop3A_215] : memref<26x256xf32, #tpu.memory_space<vmem>>[vector<16xi32>, vector<16xi32>], vector<16xf32>,
          %parallel_loop3A_388 = arith.mulf %parallel_loop3A_386, %parallel_loop3A_387 : vector<16xf32>
          %parallel_loop3A_389 = tpu.vector_load_idx %arg14[%parallel_loop3A_215, %parallel_loop3A_385] : memref<256x128xf32, #tpu.memory_space<vmem>>[vector<16xi32>, vector<16xi32>], vector<16xf32>,
          %parallel_loop3A_390 = tpu.vector_load_idx %arg18[%parallel_loop3A_382, %parallel_loop3A_215] : memref<26x256xf32, #tpu.memory_space<vmem>>[vector<16xi32>, vector<16xi32>], vector<16xf32>,
          %parallel_loop3A_391 = arith.mulf %parallel_loop3A_389, %parallel_loop3A_390 : vector<16xf32>
          %parallel_loop3A_392 = arith.addf %parallel_loop3A_358, %parallel_loop3A_388 : vector<16xf32>
          %parallel_loop3A_393 = arith.addf %parallel_loop3A_359, %parallel_loop3A_391 : vector<16xf32>
          %parallel_loop3A_394 = arith.constant 10 : i32
          %parallel_loop3A_395 = vector.broadcast %parallel_loop3A_394 : i32 to vector<16xi32>
          %parallel_loop3A_396 = arith.addi %iota3A, %parallel_loop3A_395 : vector<16xi32>
          %parallel_loop3A_397 = arith.constant 26 : i32
          %parallel_loop3A_398 = vector.broadcast %parallel_loop3A_397 : i32 to vector<16xi32>
          %parallel_loop3A_399 = arith.remsi %parallel_loop3A_396, %parallel_loop3A_398 : vector<16xi32>
          %parallel_loop3A_400 = arith.constant 64 : i32
          %parallel_loop3A_401 = vector.broadcast %parallel_loop3A_400 : i32 to vector<16xi32>
          %parallel_loop3A_402 = arith.addi %parallel_loop3A_399, %parallel_loop3A_401 : vector<16xi32>
          %parallel_loop3A_403 = tpu.vector_load_idx %arg14[%parallel_loop3A_215, %parallel_loop3A_399] : memref<256x128xf32, #tpu.memory_space<vmem>>[vector<16xi32>, vector<16xi32>], vector<16xf32>,
          %parallel_loop3A_404 = tpu.vector_load_idx %arg16[%parallel_loop3A_399, %parallel_loop3A_215] : memref<26x256xf32, #tpu.memory_space<vmem>>[vector<16xi32>, vector<16xi32>], vector<16xf32>,
          %parallel_loop3A_405 = arith.mulf %parallel_loop3A_403, %parallel_loop3A_404 : vector<16xf32>
          %parallel_loop3A_406 = tpu.vector_load_idx %arg14[%parallel_loop3A_215, %parallel_loop3A_402] : memref<256x128xf32, #tpu.memory_space<vmem>>[vector<16xi32>, vector<16xi32>], vector<16xf32>,
          %parallel_loop3A_407 = tpu.vector_load_idx %arg18[%parallel_loop3A_399, %parallel_loop3A_215] : memref<26x256xf32, #tpu.memory_space<vmem>>[vector<16xi32>, vector<16xi32>], vector<16xf32>,
          %parallel_loop3A_408 = arith.mulf %parallel_loop3A_406, %parallel_loop3A_407 : vector<16xf32>
          %parallel_loop3A_409 = arith.addf %parallel_loop3A_375, %parallel_loop3A_405 : vector<16xf32>
          %parallel_loop3A_410 = arith.addf %parallel_loop3A_376, %parallel_loop3A_408 : vector<16xf32>
          %parallel_loop3A_411 = arith.constant 11 : i32
          %parallel_loop3A_412 = vector.broadcast %parallel_loop3A_411 : i32 to vector<16xi32>
          %parallel_loop3A_413 = arith.addi %iota3A, %parallel_loop3A_412 : vector<16xi32>
          %parallel_loop3A_414 = arith.constant 26 : i32
          %parallel_loop3A_415 = vector.broadcast %parallel_loop3A_414 : i32 to vector<16xi32>
          %parallel_loop3A_416 = arith.remsi %parallel_loop3A_413, %parallel_loop3A_415 : vector<16xi32>
          %parallel_loop3A_417 = arith.constant 64 : i32
          %parallel_loop3A_418 = vector.broadcast %parallel_loop3A_417 : i32 to vector<16xi32>
          %parallel_loop3A_419 = arith.addi %parallel_loop3A_416, %parallel_loop3A_418 : vector<16xi32>
          %parallel_loop3A_420 = tpu.vector_load_idx %arg14[%parallel_loop3A_215, %parallel_loop3A_416] : memref<256x128xf32, #tpu.memory_space<vmem>>[vector<16xi32>, vector<16xi32>], vector<16xf32>,
          %parallel_loop3A_421 = tpu.vector_load_idx %arg16[%parallel_loop3A_416, %parallel_loop3A_215] : memref<26x256xf32, #tpu.memory_space<vmem>>[vector<16xi32>, vector<16xi32>], vector<16xf32>,
          %parallel_loop3A_422 = arith.mulf %parallel_loop3A_420, %parallel_loop3A_421 : vector<16xf32>
          %parallel_loop3A_423 = tpu.vector_load_idx %arg14[%parallel_loop3A_215, %parallel_loop3A_419] : memref<256x128xf32, #tpu.memory_space<vmem>>[vector<16xi32>, vector<16xi32>], vector<16xf32>,
          %parallel_loop3A_424 = tpu.vector_load_idx %arg18[%parallel_loop3A_416, %parallel_loop3A_215] : memref<26x256xf32, #tpu.memory_space<vmem>>[vector<16xi32>, vector<16xi32>], vector<16xf32>,
          %parallel_loop3A_425 = arith.mulf %parallel_loop3A_423, %parallel_loop3A_424 : vector<16xf32>
          %parallel_loop3A_426 = arith.addf %parallel_loop3A_392, %parallel_loop3A_422 : vector<16xf32>
          %parallel_loop3A_427 = arith.addf %parallel_loop3A_393, %parallel_loop3A_425 : vector<16xf32>
          %parallel_loop3A_428 = arith.constant 12 : i32
          %parallel_loop3A_429 = vector.broadcast %parallel_loop3A_428 : i32 to vector<16xi32>
          %parallel_loop3A_430 = arith.addi %iota3A, %parallel_loop3A_429 : vector<16xi32>
          %parallel_loop3A_431 = arith.constant 26 : i32
          %parallel_loop3A_432 = vector.broadcast %parallel_loop3A_431 : i32 to vector<16xi32>
          %parallel_loop3A_433 = arith.remsi %parallel_loop3A_430, %parallel_loop3A_432 : vector<16xi32>
          %parallel_loop3A_434 = arith.constant 64 : i32
          %parallel_loop3A_435 = vector.broadcast %parallel_loop3A_434 : i32 to vector<16xi32>
          %parallel_loop3A_436 = arith.addi %parallel_loop3A_433, %parallel_loop3A_435 : vector<16xi32>
          %parallel_loop3A_437 = tpu.vector_load_idx %arg14[%parallel_loop3A_215, %parallel_loop3A_433] : memref<256x128xf32, #tpu.memory_space<vmem>>[vector<16xi32>, vector<16xi32>], vector<16xf32>,
          %parallel_loop3A_438 = tpu.vector_load_idx %arg16[%parallel_loop3A_433, %parallel_loop3A_215] : memref<26x256xf32, #tpu.memory_space<vmem>>[vector<16xi32>, vector<16xi32>], vector<16xf32>,
          %parallel_loop3A_439 = arith.mulf %parallel_loop3A_437, %parallel_loop3A_438 : vector<16xf32>
          %parallel_loop3A_440 = tpu.vector_load_idx %arg14[%parallel_loop3A_215, %parallel_loop3A_436] : memref<256x128xf32, #tpu.memory_space<vmem>>[vector<16xi32>, vector<16xi32>], vector<16xf32>,
          %parallel_loop3A_441 = tpu.vector_load_idx %arg18[%parallel_loop3A_433, %parallel_loop3A_215] : memref<26x256xf32, #tpu.memory_space<vmem>>[vector<16xi32>, vector<16xi32>], vector<16xf32>,
          %parallel_loop3A_442 = arith.mulf %parallel_loop3A_440, %parallel_loop3A_441 : vector<16xf32>
          %parallel_loop3A_443 = arith.addf %parallel_loop3A_409, %parallel_loop3A_439 : vector<16xf32>
          %parallel_loop3A_444 = arith.addf %parallel_loop3A_410, %parallel_loop3A_442 : vector<16xf32>
          %parallel_loop3A_445 = arith.constant 13 : i32
          %parallel_loop3A_446 = vector.broadcast %parallel_loop3A_445 : i32 to vector<16xi32>
          %parallel_loop3A_447 = arith.addi %iota3A, %parallel_loop3A_446 : vector<16xi32>
          %parallel_loop3A_448 = arith.constant 26 : i32
          %parallel_loop3A_449 = vector.broadcast %parallel_loop3A_448 : i32 to vector<16xi32>
          %parallel_loop3A_450 = arith.remsi %parallel_loop3A_447, %parallel_loop3A_449 : vector<16xi32>
          %parallel_loop3A_451 = arith.constant 64 : i32
          %parallel_loop3A_452 = vector.broadcast %parallel_loop3A_451 : i32 to vector<16xi32>
          %parallel_loop3A_453 = arith.addi %parallel_loop3A_450, %parallel_loop3A_452 : vector<16xi32>
          %parallel_loop3A_454 = tpu.vector_load_idx %arg14[%parallel_loop3A_215, %parallel_loop3A_450] : memref<256x128xf32, #tpu.memory_space<vmem>>[vector<16xi32>, vector<16xi32>], vector<16xf32>,
          %parallel_loop3A_455 = tpu.vector_load_idx %arg16[%parallel_loop3A_450, %parallel_loop3A_215] : memref<26x256xf32, #tpu.memory_space<vmem>>[vector<16xi32>, vector<16xi32>], vector<16xf32>,
          %parallel_loop3A_456 = arith.mulf %parallel_loop3A_454, %parallel_loop3A_455 : vector<16xf32>
          %parallel_loop3A_457 = tpu.vector_load_idx %arg14[%parallel_loop3A_215, %parallel_loop3A_453] : memref<256x128xf32, #tpu.memory_space<vmem>>[vector<16xi32>, vector<16xi32>], vector<16xf32>,
          %parallel_loop3A_458 = tpu.vector_load_idx %arg18[%parallel_loop3A_450, %parallel_loop3A_215] : memref<26x256xf32, #tpu.memory_space<vmem>>[vector<16xi32>, vector<16xi32>], vector<16xf32>,
          %parallel_loop3A_459 = arith.mulf %parallel_loop3A_457, %parallel_loop3A_458 : vector<16xf32>
          %parallel_loop3A_460 = arith.addf %parallel_loop3A_426, %parallel_loop3A_456 : vector<16xf32>
          %parallel_loop3A_461 = arith.addf %parallel_loop3A_427, %parallel_loop3A_459 : vector<16xf32>
          %parallel_loop3A_462 = arith.constant 14 : i32
          %parallel_loop3A_463 = vector.broadcast %parallel_loop3A_462 : i32 to vector<16xi32>
          %parallel_loop3A_464 = arith.addi %iota3A, %parallel_loop3A_463 : vector<16xi32>
          %parallel_loop3A_465 = arith.constant 26 : i32
          %parallel_loop3A_466 = vector.broadcast %parallel_loop3A_465 : i32 to vector<16xi32>
          %parallel_loop3A_467 = arith.remsi %parallel_loop3A_464, %parallel_loop3A_466 : vector<16xi32>
          %parallel_loop3A_468 = arith.constant 64 : i32
          %parallel_loop3A_469 = vector.broadcast %parallel_loop3A_468 : i32 to vector<16xi32>
          %parallel_loop3A_470 = arith.addi %parallel_loop3A_467, %parallel_loop3A_469 : vector<16xi32>
          %parallel_loop3A_471 = tpu.vector_load_idx %arg14[%parallel_loop3A_215, %parallel_loop3A_467] : memref<256x128xf32, #tpu.memory_space<vmem>>[vector<16xi32>, vector<16xi32>], vector<16xf32>,
          %parallel_loop3A_472 = tpu.vector_load_idx %arg16[%parallel_loop3A_467, %parallel_loop3A_215] : memref<26x256xf32, #tpu.memory_space<vmem>>[vector<16xi32>, vector<16xi32>], vector<16xf32>,
          %parallel_loop3A_473 = arith.mulf %parallel_loop3A_471, %parallel_loop3A_472 : vector<16xf32>
          %parallel_loop3A_474 = tpu.vector_load_idx %arg14[%parallel_loop3A_215, %parallel_loop3A_470] : memref<256x128xf32, #tpu.memory_space<vmem>>[vector<16xi32>, vector<16xi32>], vector<16xf32>,
          %parallel_loop3A_475 = tpu.vector_load_idx %arg18[%parallel_loop3A_467, %parallel_loop3A_215] : memref<26x256xf32, #tpu.memory_space<vmem>>[vector<16xi32>, vector<16xi32>], vector<16xf32>,
          %parallel_loop3A_476 = arith.mulf %parallel_loop3A_474, %parallel_loop3A_475 : vector<16xf32>
          %parallel_loop3A_477 = arith.addf %parallel_loop3A_443, %parallel_loop3A_473 : vector<16xf32>
          %parallel_loop3A_478 = arith.addf %parallel_loop3A_444, %parallel_loop3A_476 : vector<16xf32>
          %parallel_loop3A_479 = arith.constant 15 : i32
          %parallel_loop3A_480 = vector.broadcast %parallel_loop3A_479 : i32 to vector<16xi32>
          %parallel_loop3A_481 = arith.addi %iota3A, %parallel_loop3A_480 : vector<16xi32>
          %parallel_loop3A_482 = arith.constant 26 : i32
          %parallel_loop3A_483 = vector.broadcast %parallel_loop3A_482 : i32 to vector<16xi32>
          %parallel_loop3A_484 = arith.remsi %parallel_loop3A_481, %parallel_loop3A_483 : vector<16xi32>
          %parallel_loop3A_485 = arith.constant 64 : i32
          %parallel_loop3A_486 = vector.broadcast %parallel_loop3A_485 : i32 to vector<16xi32>
          %parallel_loop3A_487 = arith.addi %parallel_loop3A_484, %parallel_loop3A_486 : vector<16xi32>
          %parallel_loop3A_488 = tpu.vector_load_idx %arg14[%parallel_loop3A_215, %parallel_loop3A_484] : memref<256x128xf32, #tpu.memory_space<vmem>>[vector<16xi32>, vector<16xi32>], vector<16xf32>,
          %parallel_loop3A_489 = tpu.vector_load_idx %arg16[%parallel_loop3A_484, %parallel_loop3A_215] : memref<26x256xf32, #tpu.memory_space<vmem>>[vector<16xi32>, vector<16xi32>], vector<16xf32>,
          %parallel_loop3A_490 = arith.mulf %parallel_loop3A_488, %parallel_loop3A_489 : vector<16xf32>
          %parallel_loop3A_491 = tpu.vector_load_idx %arg14[%parallel_loop3A_215, %parallel_loop3A_487] : memref<256x128xf32, #tpu.memory_space<vmem>>[vector<16xi32>, vector<16xi32>], vector<16xf32>,
          %parallel_loop3A_492 = tpu.vector_load_idx %arg18[%parallel_loop3A_484, %parallel_loop3A_215] : memref<26x256xf32, #tpu.memory_space<vmem>>[vector<16xi32>, vector<16xi32>], vector<16xf32>,
          %parallel_loop3A_493 = arith.mulf %parallel_loop3A_491, %parallel_loop3A_492 : vector<16xf32>
          %parallel_loop3A_494 = arith.addf %parallel_loop3A_460, %parallel_loop3A_490 : vector<16xf32>
          %parallel_loop3A_495 = arith.addf %parallel_loop3A_461, %parallel_loop3A_493 : vector<16xf32>
          %parallel_loop3A_496 = arith.constant 16 : i32
          %parallel_loop3A_497 = vector.broadcast %parallel_loop3A_496 : i32 to vector<16xi32>
          %parallel_loop3A_498 = arith.addi %iota3A, %parallel_loop3A_497 : vector<16xi32>
          %parallel_loop3A_499 = arith.constant 26 : i32
          %parallel_loop3A_500 = vector.broadcast %parallel_loop3A_499 : i32 to vector<16xi32>
          %parallel_loop3A_501 = arith.remsi %parallel_loop3A_498, %parallel_loop3A_500 : vector<16xi32>
          %parallel_loop3A_502 = arith.constant 64 : i32
          %parallel_loop3A_503 = vector.broadcast %parallel_loop3A_502 : i32 to vector<16xi32>
          %parallel_loop3A_504 = arith.addi %parallel_loop3A_501, %parallel_loop3A_503 : vector<16xi32>
          %parallel_loop3A_505 = tpu.vector_load_idx %arg14[%parallel_loop3A_215, %parallel_loop3A_501] : memref<256x128xf32, #tpu.memory_space<vmem>>[vector<16xi32>, vector<16xi32>], vector<16xf32>,
          %parallel_loop3A_506 = tpu.vector_load_idx %arg16[%parallel_loop3A_501, %parallel_loop3A_215] : memref<26x256xf32, #tpu.memory_space<vmem>>[vector<16xi32>, vector<16xi32>], vector<16xf32>,
          %parallel_loop3A_507 = arith.mulf %parallel_loop3A_505, %parallel_loop3A_506 : vector<16xf32>
          %parallel_loop3A_508 = tpu.vector_load_idx %arg14[%parallel_loop3A_215, %parallel_loop3A_504] : memref<256x128xf32, #tpu.memory_space<vmem>>[vector<16xi32>, vector<16xi32>], vector<16xf32>,
          %parallel_loop3A_509 = tpu.vector_load_idx %arg18[%parallel_loop3A_501, %parallel_loop3A_215] : memref<26x256xf32, #tpu.memory_space<vmem>>[vector<16xi32>, vector<16xi32>], vector<16xf32>,
          %parallel_loop3A_510 = arith.mulf %parallel_loop3A_508, %parallel_loop3A_509 : vector<16xf32>
          %parallel_loop3A_511 = arith.addf %parallel_loop3A_477, %parallel_loop3A_507 : vector<16xf32>
          %parallel_loop3A_512 = arith.addf %parallel_loop3A_478, %parallel_loop3A_510 : vector<16xf32>
          %parallel_loop3A_513 = arith.constant 17 : i32
          %parallel_loop3A_514 = vector.broadcast %parallel_loop3A_513 : i32 to vector<16xi32>
          %parallel_loop3A_515 = arith.addi %iota3A, %parallel_loop3A_514 : vector<16xi32>
          %parallel_loop3A_516 = arith.constant 26 : i32
          %parallel_loop3A_517 = vector.broadcast %parallel_loop3A_516 : i32 to vector<16xi32>
          %parallel_loop3A_518 = arith.remsi %parallel_loop3A_515, %parallel_loop3A_517 : vector<16xi32>
          %parallel_loop3A_519 = arith.constant 64 : i32
          %parallel_loop3A_520 = vector.broadcast %parallel_loop3A_519 : i32 to vector<16xi32>
          %parallel_loop3A_521 = arith.addi %parallel_loop3A_518, %parallel_loop3A_520 : vector<16xi32>
          %parallel_loop3A_522 = tpu.vector_load_idx %arg14[%parallel_loop3A_215, %parallel_loop3A_518] : memref<256x128xf32, #tpu.memory_space<vmem>>[vector<16xi32>, vector<16xi32>], vector<16xf32>,
          %parallel_loop3A_523 = tpu.vector_load_idx %arg16[%parallel_loop3A_518, %parallel_loop3A_215] : memref<26x256xf32, #tpu.memory_space<vmem>>[vector<16xi32>, vector<16xi32>], vector<16xf32>,
          %parallel_loop3A_524 = arith.mulf %parallel_loop3A_522, %parallel_loop3A_523 : vector<16xf32>
          %parallel_loop3A_525 = tpu.vector_load_idx %arg14[%parallel_loop3A_215, %parallel_loop3A_521] : memref<256x128xf32, #tpu.memory_space<vmem>>[vector<16xi32>, vector<16xi32>], vector<16xf32>,
          %parallel_loop3A_526 = tpu.vector_load_idx %arg18[%parallel_loop3A_518, %parallel_loop3A_215] : memref<26x256xf32, #tpu.memory_space<vmem>>[vector<16xi32>, vector<16xi32>], vector<16xf32>,
          %parallel_loop3A_527 = arith.mulf %parallel_loop3A_525, %parallel_loop3A_526 : vector<16xf32>
          %parallel_loop3A_528 = arith.addf %parallel_loop3A_494, %parallel_loop3A_524 : vector<16xf32>
          %parallel_loop3A_529 = arith.addf %parallel_loop3A_495, %parallel_loop3A_527 : vector<16xf32>
          %parallel_loop3A_530 = arith.constant 18 : i32
          %parallel_loop3A_531 = vector.broadcast %parallel_loop3A_530 : i32 to vector<16xi32>
          %parallel_loop3A_532 = arith.addi %iota3A, %parallel_loop3A_531 : vector<16xi32>
          %parallel_loop3A_533 = arith.constant 26 : i32
          %parallel_loop3A_534 = vector.broadcast %parallel_loop3A_533 : i32 to vector<16xi32>
          %parallel_loop3A_535 = arith.remsi %parallel_loop3A_532, %parallel_loop3A_534 : vector<16xi32>
          %parallel_loop3A_536 = arith.constant 64 : i32
          %parallel_loop3A_537 = vector.broadcast %parallel_loop3A_536 : i32 to vector<16xi32>
          %parallel_loop3A_538 = arith.addi %parallel_loop3A_535, %parallel_loop3A_537 : vector<16xi32>
          %parallel_loop3A_539 = tpu.vector_load_idx %arg14[%parallel_loop3A_215, %parallel_loop3A_535] : memref<256x128xf32, #tpu.memory_space<vmem>>[vector<16xi32>, vector<16xi32>], vector<16xf32>,
          %parallel_loop3A_540 = tpu.vector_load_idx %arg16[%parallel_loop3A_535, %parallel_loop3A_215] : memref<26x256xf32, #tpu.memory_space<vmem>>[vector<16xi32>, vector<16xi32>], vector<16xf32>,
          %parallel_loop3A_541 = arith.mulf %parallel_loop3A_539, %parallel_loop3A_540 : vector<16xf32>
          %parallel_loop3A_542 = tpu.vector_load_idx %arg14[%parallel_loop3A_215, %parallel_loop3A_538] : memref<256x128xf32, #tpu.memory_space<vmem>>[vector<16xi32>, vector<16xi32>], vector<16xf32>,
          %parallel_loop3A_543 = tpu.vector_load_idx %arg18[%parallel_loop3A_535, %parallel_loop3A_215] : memref<26x256xf32, #tpu.memory_space<vmem>>[vector<16xi32>, vector<16xi32>], vector<16xf32>,
          %parallel_loop3A_544 = arith.mulf %parallel_loop3A_542, %parallel_loop3A_543 : vector<16xf32>
          %parallel_loop3A_545 = arith.addf %parallel_loop3A_511, %parallel_loop3A_541 : vector<16xf32>
          %parallel_loop3A_546 = arith.addf %parallel_loop3A_512, %parallel_loop3A_544 : vector<16xf32>
          %parallel_loop3A_547 = arith.constant 19 : i32
          %parallel_loop3A_548 = vector.broadcast %parallel_loop3A_547 : i32 to vector<16xi32>
          %parallel_loop3A_549 = arith.addi %iota3A, %parallel_loop3A_548 : vector<16xi32>
          %parallel_loop3A_550 = arith.constant 26 : i32
          %parallel_loop3A_551 = vector.broadcast %parallel_loop3A_550 : i32 to vector<16xi32>
          %parallel_loop3A_552 = arith.remsi %parallel_loop3A_549, %parallel_loop3A_551 : vector<16xi32>
          %parallel_loop3A_553 = arith.constant 64 : i32
          %parallel_loop3A_554 = vector.broadcast %parallel_loop3A_553 : i32 to vector<16xi32>
          %parallel_loop3A_555 = arith.addi %parallel_loop3A_552, %parallel_loop3A_554 : vector<16xi32>
          %parallel_loop3A_556 = tpu.vector_load_idx %arg14[%parallel_loop3A_215, %parallel_loop3A_552] : memref<256x128xf32, #tpu.memory_space<vmem>>[vector<16xi32>, vector<16xi32>], vector<16xf32>,
          %parallel_loop3A_557 = tpu.vector_load_idx %arg16[%parallel_loop3A_552, %parallel_loop3A_215] : memref<26x256xf32, #tpu.memory_space<vmem>>[vector<16xi32>, vector<16xi32>], vector<16xf32>,
          %parallel_loop3A_558 = arith.mulf %parallel_loop3A_556, %parallel_loop3A_557 : vector<16xf32>
          %parallel_loop3A_559 = tpu.vector_load_idx %arg14[%parallel_loop3A_215, %parallel_loop3A_555] : memref<256x128xf32, #tpu.memory_space<vmem>>[vector<16xi32>, vector<16xi32>], vector<16xf32>,
          %parallel_loop3A_560 = tpu.vector_load_idx %arg18[%parallel_loop3A_552, %parallel_loop3A_215] : memref<26x256xf32, #tpu.memory_space<vmem>>[vector<16xi32>, vector<16xi32>], vector<16xf32>,
          %parallel_loop3A_561 = arith.mulf %parallel_loop3A_559, %parallel_loop3A_560 : vector<16xf32>
          %parallel_loop3A_562 = arith.addf %parallel_loop3A_528, %parallel_loop3A_558 : vector<16xf32>
          %parallel_loop3A_563 = arith.addf %parallel_loop3A_529, %parallel_loop3A_561 : vector<16xf32>
          %parallel_loop3A_564 = arith.constant 20 : i32
          %parallel_loop3A_565 = vector.broadcast %parallel_loop3A_564 : i32 to vector<16xi32>
          %parallel_loop3A_566 = arith.addi %iota3A, %parallel_loop3A_565 : vector<16xi32>
          %parallel_loop3A_567 = arith.constant 26 : i32
          %parallel_loop3A_568 = vector.broadcast %parallel_loop3A_567 : i32 to vector<16xi32>
          %parallel_loop3A_569 = arith.remsi %parallel_loop3A_566, %parallel_loop3A_568 : vector<16xi32>
          %parallel_loop3A_570 = arith.constant 64 : i32
          %parallel_loop3A_571 = vector.broadcast %parallel_loop3A_570 : i32 to vector<16xi32>
          %parallel_loop3A_572 = arith.addi %parallel_loop3A_569, %parallel_loop3A_571 : vector<16xi32>
          %parallel_loop3A_573 = tpu.vector_load_idx %arg14[%parallel_loop3A_215, %parallel_loop3A_569] : memref<256x128xf32, #tpu.memory_space<vmem>>[vector<16xi32>, vector<16xi32>], vector<16xf32>,
          %parallel_loop3A_574 = tpu.vector_load_idx %arg16[%parallel_loop3A_569, %parallel_loop3A_215] : memref<26x256xf32, #tpu.memory_space<vmem>>[vector<16xi32>, vector<16xi32>], vector<16xf32>,
          %parallel_loop3A_575 = arith.mulf %parallel_loop3A_573, %parallel_loop3A_574 : vector<16xf32>
          %parallel_loop3A_576 = tpu.vector_load_idx %arg14[%parallel_loop3A_215, %parallel_loop3A_572] : memref<256x128xf32, #tpu.memory_space<vmem>>[vector<16xi32>, vector<16xi32>], vector<16xf32>,
          %parallel_loop3A_577 = tpu.vector_load_idx %arg18[%parallel_loop3A_569, %parallel_loop3A_215] : memref<26x256xf32, #tpu.memory_space<vmem>>[vector<16xi32>, vector<16xi32>], vector<16xf32>,
          %parallel_loop3A_578 = arith.mulf %parallel_loop3A_576, %parallel_loop3A_577 : vector<16xf32>
          %parallel_loop3A_579 = arith.addf %parallel_loop3A_545, %parallel_loop3A_575 : vector<16xf32>
          %parallel_loop3A_580 = arith.addf %parallel_loop3A_546, %parallel_loop3A_578 : vector<16xf32>
          %parallel_loop3A_581 = arith.constant 21 : i32
          %parallel_loop3A_582 = vector.broadcast %parallel_loop3A_581 : i32 to vector<16xi32>
          %parallel_loop3A_583 = arith.addi %iota3A, %parallel_loop3A_582 : vector<16xi32>
          %parallel_loop3A_584 = arith.constant 26 : i32
          %parallel_loop3A_585 = vector.broadcast %parallel_loop3A_584 : i32 to vector<16xi32>
          %parallel_loop3A_586 = arith.remsi %parallel_loop3A_583, %parallel_loop3A_585 : vector<16xi32>
          %parallel_loop3A_587 = arith.constant 64 : i32
          %parallel_loop3A_588 = vector.broadcast %parallel_loop3A_587 : i32 to vector<16xi32>
          %parallel_loop3A_589 = arith.addi %parallel_loop3A_586, %parallel_loop3A_588 : vector<16xi32>
          %parallel_loop3A_590 = tpu.vector_load_idx %arg14[%parallel_loop3A_215, %parallel_loop3A_586] : memref<256x128xf32, #tpu.memory_space<vmem>>[vector<16xi32>, vector<16xi32>], vector<16xf32>,
          %parallel_loop3A_591 = tpu.vector_load_idx %arg16[%parallel_loop3A_586, %parallel_loop3A_215] : memref<26x256xf32, #tpu.memory_space<vmem>>[vector<16xi32>, vector<16xi32>], vector<16xf32>,
          %parallel_loop3A_592 = arith.mulf %parallel_loop3A_590, %parallel_loop3A_591 : vector<16xf32>
          %parallel_loop3A_593 = tpu.vector_load_idx %arg14[%parallel_loop3A_215, %parallel_loop3A_589] : memref<256x128xf32, #tpu.memory_space<vmem>>[vector<16xi32>, vector<16xi32>], vector<16xf32>,
          %parallel_loop3A_594 = tpu.vector_load_idx %arg18[%parallel_loop3A_586, %parallel_loop3A_215] : memref<26x256xf32, #tpu.memory_space<vmem>>[vector<16xi32>, vector<16xi32>], vector<16xf32>,
          %parallel_loop3A_595 = arith.mulf %parallel_loop3A_593, %parallel_loop3A_594 : vector<16xf32>
          %parallel_loop3A_596 = arith.addf %parallel_loop3A_562, %parallel_loop3A_592 : vector<16xf32>
          %parallel_loop3A_597 = arith.addf %parallel_loop3A_563, %parallel_loop3A_595 : vector<16xf32>
          %parallel_loop3A_598 = arith.constant 22 : i32
          %parallel_loop3A_599 = vector.broadcast %parallel_loop3A_598 : i32 to vector<16xi32>
          %parallel_loop3A_600 = arith.addi %iota3A, %parallel_loop3A_599 : vector<16xi32>
          %parallel_loop3A_601 = arith.constant 26 : i32
          %parallel_loop3A_602 = vector.broadcast %parallel_loop3A_601 : i32 to vector<16xi32>
          %parallel_loop3A_603 = arith.remsi %parallel_loop3A_600, %parallel_loop3A_602 : vector<16xi32>
          %parallel_loop3A_604 = arith.constant 64 : i32
          %parallel_loop3A_605 = vector.broadcast %parallel_loop3A_604 : i32 to vector<16xi32>
          %parallel_loop3A_606 = arith.addi %parallel_loop3A_603, %parallel_loop3A_605 : vector<16xi32>
          %parallel_loop3A_607 = tpu.vector_load_idx %arg14[%parallel_loop3A_215, %parallel_loop3A_603] : memref<256x128xf32, #tpu.memory_space<vmem>>[vector<16xi32>, vector<16xi32>], vector<16xf32>,
          %parallel_loop3A_608 = tpu.vector_load_idx %arg16[%parallel_loop3A_603, %parallel_loop3A_215] : memref<26x256xf32, #tpu.memory_space<vmem>>[vector<16xi32>, vector<16xi32>], vector<16xf32>,
          %parallel_loop3A_609 = arith.mulf %parallel_loop3A_607, %parallel_loop3A_608 : vector<16xf32>
          %parallel_loop3A_610 = tpu.vector_load_idx %arg14[%parallel_loop3A_215, %parallel_loop3A_606] : memref<256x128xf32, #tpu.memory_space<vmem>>[vector<16xi32>, vector<16xi32>], vector<16xf32>,
          %parallel_loop3A_611 = tpu.vector_load_idx %arg18[%parallel_loop3A_603, %parallel_loop3A_215] : memref<26x256xf32, #tpu.memory_space<vmem>>[vector<16xi32>, vector<16xi32>], vector<16xf32>,
          %parallel_loop3A_612 = arith.mulf %parallel_loop3A_610, %parallel_loop3A_611 : vector<16xf32>
          %parallel_loop3A_613 = arith.addf %parallel_loop3A_579, %parallel_loop3A_609 : vector<16xf32>
          %parallel_loop3A_614 = arith.addf %parallel_loop3A_580, %parallel_loop3A_612 : vector<16xf32>
          %parallel_loop3A_615 = arith.constant 23 : i32
          %parallel_loop3A_616 = vector.broadcast %parallel_loop3A_615 : i32 to vector<16xi32>
          %parallel_loop3A_617 = arith.addi %iota3A, %parallel_loop3A_616 : vector<16xi32>
          %parallel_loop3A_618 = arith.constant 26 : i32
          %parallel_loop3A_619 = vector.broadcast %parallel_loop3A_618 : i32 to vector<16xi32>
          %parallel_loop3A_620 = arith.remsi %parallel_loop3A_617, %parallel_loop3A_619 : vector<16xi32>
          %parallel_loop3A_621 = arith.constant 64 : i32
          %parallel_loop3A_622 = vector.broadcast %parallel_loop3A_621 : i32 to vector<16xi32>
          %parallel_loop3A_623 = arith.addi %parallel_loop3A_620, %parallel_loop3A_622 : vector<16xi32>
          %parallel_loop3A_624 = tpu.vector_load_idx %arg14[%parallel_loop3A_215, %parallel_loop3A_620] : memref<256x128xf32, #tpu.memory_space<vmem>>[vector<16xi32>, vector<16xi32>], vector<16xf32>,
          %parallel_loop3A_625 = tpu.vector_load_idx %arg16[%parallel_loop3A_620, %parallel_loop3A_215] : memref<26x256xf32, #tpu.memory_space<vmem>>[vector<16xi32>, vector<16xi32>], vector<16xf32>,
          %parallel_loop3A_626 = arith.mulf %parallel_loop3A_624, %parallel_loop3A_625 : vector<16xf32>
          %parallel_loop3A_627 = tpu.vector_load_idx %arg14[%parallel_loop3A_215, %parallel_loop3A_623] : memref<256x128xf32, #tpu.memory_space<vmem>>[vector<16xi32>, vector<16xi32>], vector<16xf32>,
          %parallel_loop3A_628 = tpu.vector_load_idx %arg18[%parallel_loop3A_620, %parallel_loop3A_215] : memref<26x256xf32, #tpu.memory_space<vmem>>[vector<16xi32>, vector<16xi32>], vector<16xf32>,
          %parallel_loop3A_629 = arith.mulf %parallel_loop3A_627, %parallel_loop3A_628 : vector<16xf32>
          %parallel_loop3A_630 = arith.addf %parallel_loop3A_596, %parallel_loop3A_626 : vector<16xf32>
          %parallel_loop3A_631 = arith.addf %parallel_loop3A_597, %parallel_loop3A_629 : vector<16xf32>
          %parallel_loop3A_632 = arith.constant 24 : i32
          %parallel_loop3A_633 = vector.broadcast %parallel_loop3A_632 : i32 to vector<16xi32>
          %parallel_loop3A_634 = arith.addi %iota3A, %parallel_loop3A_633 : vector<16xi32>
          %parallel_loop3A_635 = arith.constant 26 : i32
          %parallel_loop3A_636 = vector.broadcast %parallel_loop3A_635 : i32 to vector<16xi32>
          %parallel_loop3A_637 = arith.remsi %parallel_loop3A_634, %parallel_loop3A_636 : vector<16xi32>
          %parallel_loop3A_638 = arith.constant 64 : i32
          %parallel_loop3A_639 = vector.broadcast %parallel_loop3A_638 : i32 to vector<16xi32>
          %parallel_loop3A_640 = arith.addi %parallel_loop3A_637, %parallel_loop3A_639 : vector<16xi32>
          %parallel_loop3A_641 = tpu.vector_load_idx %arg14[%parallel_loop3A_215, %parallel_loop3A_637] : memref<256x128xf32, #tpu.memory_space<vmem>>[vector<16xi32>, vector<16xi32>], vector<16xf32>,
          %parallel_loop3A_642 = tpu.vector_load_idx %arg16[%parallel_loop3A_637, %parallel_loop3A_215] : memref<26x256xf32, #tpu.memory_space<vmem>>[vector<16xi32>, vector<16xi32>], vector<16xf32>,
          %parallel_loop3A_643 = arith.mulf %parallel_loop3A_641, %parallel_loop3A_642 : vector<16xf32>
          %parallel_loop3A_644 = tpu.vector_load_idx %arg14[%parallel_loop3A_215, %parallel_loop3A_640] : memref<256x128xf32, #tpu.memory_space<vmem>>[vector<16xi32>, vector<16xi32>], vector<16xf32>,
          %parallel_loop3A_645 = tpu.vector_load_idx %arg18[%parallel_loop3A_637, %parallel_loop3A_215] : memref<26x256xf32, #tpu.memory_space<vmem>>[vector<16xi32>, vector<16xi32>], vector<16xf32>,
          %parallel_loop3A_646 = arith.mulf %parallel_loop3A_644, %parallel_loop3A_645 : vector<16xf32>
          %parallel_loop3A_647 = arith.addf %parallel_loop3A_613, %parallel_loop3A_643 : vector<16xf32>
          %parallel_loop3A_648 = arith.addf %parallel_loop3A_614, %parallel_loop3A_646 : vector<16xf32>
          %parallel_loop3A_649 = arith.constant 25 : i32
          %parallel_loop3A_650 = vector.broadcast %parallel_loop3A_649 : i32 to vector<16xi32>
          %parallel_loop3A_651 = arith.addi %iota3A, %parallel_loop3A_650 : vector<16xi32>
          %parallel_loop3A_652 = arith.constant 26 : i32
          %parallel_loop3A_653 = vector.broadcast %parallel_loop3A_652 : i32 to vector<16xi32>
          %parallel_loop3A_654 = arith.remsi %parallel_loop3A_651, %parallel_loop3A_653 : vector<16xi32>
          %parallel_loop3A_655 = arith.constant 64 : i32
          %parallel_loop3A_656 = vector.broadcast %parallel_loop3A_655 : i32 to vector<16xi32>
          %parallel_loop3A_657 = arith.addi %parallel_loop3A_654, %parallel_loop3A_656 : vector<16xi32>
          %parallel_loop3A_658 = tpu.vector_load_idx %arg14[%parallel_loop3A_215, %parallel_loop3A_654] : memref<256x128xf32, #tpu.memory_space<vmem>>[vector<16xi32>, vector<16xi32>], vector<16xf32>,
          %parallel_loop3A_659 = tpu.vector_load_idx %arg16[%parallel_loop3A_654, %parallel_loop3A_215] : memref<26x256xf32, #tpu.memory_space<vmem>>[vector<16xi32>, vector<16xi32>], vector<16xf32>,
          %parallel_loop3A_660 = arith.mulf %parallel_loop3A_658, %parallel_loop3A_659 : vector<16xf32>
          %parallel_loop3A_661 = tpu.vector_load_idx %arg14[%parallel_loop3A_215, %parallel_loop3A_657] : memref<256x128xf32, #tpu.memory_space<vmem>>[vector<16xi32>, vector<16xi32>], vector<16xf32>,
          %parallel_loop3A_662 = tpu.vector_load_idx %arg18[%parallel_loop3A_654, %parallel_loop3A_215] : memref<26x256xf32, #tpu.memory_space<vmem>>[vector<16xi32>, vector<16xi32>], vector<16xf32>,
          %parallel_loop3A_663 = arith.mulf %parallel_loop3A_661, %parallel_loop3A_662 : vector<16xf32>
          %parallel_loop3A_664 = arith.addf %parallel_loop3A_630, %parallel_loop3A_660 : vector<16xf32>
          %parallel_loop3A_665 = arith.addf %parallel_loop3A_631, %parallel_loop3A_663 : vector<16xf32>
          %parallel_loop3A_666 = arith.addf %parallel_loop3A_647, %parallel_loop3A_664 : vector<16xf32>
          %parallel_loop3A_667 = arith.addf %parallel_loop3A_648, %parallel_loop3A_665 : vector<16xf32>
          %parallel_loop3A_668 = math.exp %parallel_loop3A_666 : vector<16xf32>
          %parallel_loop3A_669 = arith.constant 1.000000e+06 : f32
          %parallel_loop3A_670 = vector.broadcast %parallel_loop3A_669 : f32 to vector<16xf32>
          %parallel_loop3A_671 = arith.minimumf %parallel_loop3A_668, %parallel_loop3A_670 : vector<16xf32>
          %parallel_loop3A_672 = arith.constant 4.000000e+00 : f32
          %parallel_loop3A_673 = vector.broadcast %parallel_loop3A_672 : f32 to vector<16xf32>
          %parallel_loop3A_674 = arith.subf %parallel_loop3A_673, %parallel_loop3A_667 : vector<16xf32>
          %parallel_loop3A_675 = math.exp %parallel_loop3A_674 : vector<16xf32>
          %parallel_loop3A_676 = arith.constant 1.000000e+00 : f32
          %parallel_loop3A_677 = vector.broadcast %parallel_loop3A_676 : f32 to vector<16xf32>
          %parallel_loop3A_678 = arith.addf %parallel_loop3A_677, %parallel_loop3A_675 : vector<16xf32>
          %parallel_loop3A_679 = arith.constant 1.000000e+00 : f32
          %parallel_loop3A_680 = vector.broadcast %parallel_loop3A_679 : f32 to vector<16xf32>
          %parallel_loop3A_681 = arith.divf %parallel_loop3A_680, %parallel_loop3A_678 : vector<16xf32>
          %parallel_loop3A_682 = arith.constant 9.99999997E-7 : f32
          %parallel_loop3A_683 = arith.constant 0.999998986 : f32
          %parallel_loop3A_684 = vector.broadcast %parallel_loop3A_682 : f32 to vector<16xf32>
          %parallel_loop3A_685 = arith.maximumf %parallel_loop3A_684, %parallel_loop3A_681 : vector<16xf32>
          %parallel_loop3A_686 = vector.broadcast %parallel_loop3A_683 : f32 to vector<16xf32>
          %parallel_loop3A_687 = arith.minimumf %parallel_loop3A_686, %parallel_loop3A_685 : vector<16xf32>
          %parallel_loop3A_688 = arith.constant 16 : i32
          %parallel_loop3A_689 = arith.muli %parallel_loop3A_211, %parallel_loop3A_688 : i32
          %parallel_loop3A_690 = arith.constant 16 : i32
          %parallel_loop3A_691 = arith.muli %parallel_loop3A_211, %parallel_loop3A_690 : i32
          %parallel_loop3A_692 = arith.addi %sub3A_174, %parallel_loop3A_691 : i32
          %parallel_loop3A_693 = arith.index_cast %parallel_loop3A_689 : i32 to index
          %parallel_loop3A_694 = tpu.vector_load %arg20[%parallel_loop3A_693] {strides = array<i32>} : memref<256xf32, #tpu.memory_space<vmem>>, vector<16xf32>,
          %parallel_loop3A_695 = arith.index_cast %parallel_loop3A_689 : i32 to index
          %parallel_loop3A_696 = tpu.vector_load %arg22[%parallel_loop3A_695] {strides = array<i32>} : memref<256xf32, #tpu.memory_space<vmem>>, vector<16xf32>,
          %parallel_loop3A_697 = arith.index_cast %parallel_loop3A_692 : i32 to index
          %parallel_loop3A_698 = tpu.vector_load %arg23[%parallel_loop3A_697] {strides = array<i32>} : memref<2048xf32, #tpu.memory_space<vmem>>, vector<16xf32>,
          tpu.vector_store %arg23[%parallel_loop3A_697], %parallel_loop3A_687 {strides = array<i32>} : memref<2048xf32, #tpu.memory_space<vmem>>, vector<16xf32>,
          %parallel_loop3A_699 = arith.index_cast %parallel_loop3A_692 : i32 to index
          %parallel_loop3A_700 = tpu.vector_load %arg24[%parallel_loop3A_699] {strides = array<i32>} : memref<2048xf32, #tpu.memory_space<vmem>>, vector<16xf32>,
          tpu.vector_store %arg24[%parallel_loop3A_699], %parallel_loop3A_671 {strides = array<i32>} : memref<2048xf32, #tpu.memory_space<vmem>>, vector<16xf32>,
          %parallel_loop3A_701 = arith.mulf %parallel_loop3A_694, %parallel_loop3A_671 : vector<16xf32>
          %parallel_loop3A_702 = arith.mulf %parallel_loop3A_696, %parallel_loop3A_687 : vector<16xf32>
          %parallel_loop3A_703 = arith.constant 1.000000e+00 : f32
          %parallel_loop3A_704 = vector.broadcast %parallel_loop3A_703 : f32 to vector<16xf32>
          %parallel_loop3A_705 = arith.subf %parallel_loop3A_704, %parallel_loop3A_702 : vector<16xf32>
          %parallel_loop3A_706 = arith.mulf %parallel_loop3A_701, %parallel_loop3A_705 : vector<16xf32>
          %parallel_loop3A_707 = arith.index_cast %parallel_loop3A_692 : i32 to index
          %parallel_loop3A_708 = tpu.vector_load %arg25[%parallel_loop3A_707] {strides = array<i32>} : memref<2048xf32, #tpu.memory_space<vmem>>, vector<16xf32>,
          tpu.vector_store %arg25[%parallel_loop3A_707], %parallel_loop3A_706 {strides = array<i32>} : memref<2048xf32, #tpu.memory_space<vmem>>, vector<16xf32>,
        } {sc.loop_unroll_factor = 1 : i64, sc.parallel_access}
        %add3A_178 = arith.constant 2 : i32
        %add3A_179 = arith.addi %mul3A_99, %add3A_178 : i32
        %min3A_180 = arith.constant 63 : i32
        %min3A_181 = arith.minsi %add3A_179, %min3A_180 : i32
        %mul3A_182 = arith.constant 256 : i32
        %mul3A_183 = arith.muli %min3A_181, %mul3A_182 : i32
        %add3A_184 = arith.addi %mul3A_2, %mul3A_183 : i32
        %dma_wait3A_185 = tpu.memref_slice %arg2[%add3A_184] : memref<524288xi32, #tpu.memory_space<hbm>> -> memref<256xi32, #tpu.memory_space<hbm>>
        %dma_wait3A_186 = tpu.memref_slice %arg2[%add3A_184] : memref<524288xi32, #tpu.memory_space<hbm>> -> memref<256xi32, #tpu.memory_space<hbm>>
        tpu.wait_dma2 semaphore(%arg26 : memref<!tpu.dma_semaphore, #tpu.memory_space<semaphore_mem>>) src(%dma_wait3A_186 : memref<256xi32, #tpu.memory_space<hbm>>) dst(%arg11 : memref<256xi32, #tpu.memory_space<vmem>>)
        %dma_start3A_187 = arith.constant 0 : i32
        %dma_start3A_188 = arith.constant 0 : i32
        %dma_start3A_189 = tpu.memref_slice %arg3[%dma_start3A_187, %dma_start3A_188] : memref<100000x128xf32, #tpu.memory_space<hbm>> -> memref<100000x128xf32, #tpu.memory_space<hbm>>
        tpu.enqueue_indirect_dma source(%dma_start3A_189 : memref<100000x128xf32, #tpu.memory_space<hbm>>) target(%arg13 : memref<256x128xf32, #tpu.memory_space<vmem>>) offsets(%arg11 : memref<256xi32, #tpu.memory_space<vmem>>) semaphore(%arg30 : memref<!tpu.dma_semaphore, #tpu.memory_space<semaphore_mem>>)
        %add3A_190 = arith.constant 2 : i32
        %add3A_191 = arith.addi %add3A_103, %add3A_190 : i32
        %min3A_192 = arith.constant 63 : i32
        %min3A_193 = arith.minsi %add3A_191, %min3A_192 : i32
        %mul3A_194 = arith.constant 256 : i32
        %mul3A_195 = arith.muli %min3A_193, %mul3A_194 : i32
        %add3A_196 = arith.addi %mul3A_2, %mul3A_195 : i32
        %dma_start3A_197 = tpu.memref_slice %arg2[%add3A_196] : memref<524288xi32, #tpu.memory_space<hbm>> -> memref<256xi32, #tpu.memory_space<hbm>>
        %dma_start3A_198 = tpu.memref_slice %arg2[%add3A_196] : memref<524288xi32, #tpu.memory_space<hbm>> -> memref<256xi32, #tpu.memory_space<hbm>>
        tpu.enqueue_dma source(%dma_start3A_198 : memref<256xi32, #tpu.memory_space<hbm>>) target(%arg12 : memref<256xi32, #tpu.memory_space<vmem>>) target_semaphore(%arg27 : memref<!tpu.dma_semaphore, #tpu.memory_space<semaphore_mem>>)
        %dma_start3A_199 = arith.constant 0 : i32
        %dma_start3A_200 = tpu.memref_slice %arg4[%dma_start3A_199, %add3A_196] : memref<26x524288xf32, #tpu.memory_space<hbm>> -> memref<26x256xf32, #tpu.memory_space<hbm>>
        %dma_start3A_201 = arith.constant 0 : i32
        %dma_start3A_202 = tpu.memref_slice %arg4[%dma_start3A_201, %add3A_196] : memref<26x524288xf32, #tpu.memory_space<hbm>> -> memref<26x256xf32, #tpu.memory_space<hbm>>
        tpu.enqueue_dma source(%dma_start3A_202 : memref<26x256xf32, #tpu.memory_space<hbm>>) target(%arg16 : memref<26x256xf32, #tpu.memory_space<vmem>>) target_semaphore(%arg29 : memref<!tpu.dma_semaphore, #tpu.memory_space<semaphore_mem>>)
        %dma_start3A_203 = arith.constant 0 : i32
        %dma_start3A_204 = tpu.memref_slice %arg5[%dma_start3A_203, %add3A_196] : memref<26x524288xf32, #tpu.memory_space<hbm>> -> memref<26x256xf32, #tpu.memory_space<hbm>>
        %dma_start3A_205 = arith.constant 0 : i32
        %dma_start3A_206 = tpu.memref_slice %arg5[%dma_start3A_205, %add3A_196] : memref<26x524288xf32, #tpu.memory_space<hbm>> -> memref<26x256xf32, #tpu.memory_space<hbm>>
        tpu.enqueue_dma source(%dma_start3A_206 : memref<26x256xf32, #tpu.memory_space<hbm>>) target(%arg18 : memref<26x256xf32, #tpu.memory_space<vmem>>) target_semaphore(%arg29 : memref<!tpu.dma_semaphore, #tpu.memory_space<semaphore_mem>>)
        %dma_start3A_207 = tpu.memref_slice %arg6[%add3A_196] : memref<524288xf32, #tpu.memory_space<hbm>> -> memref<256xf32, #tpu.memory_space<hbm>>
        %dma_start3A_208 = tpu.memref_slice %arg6[%add3A_196] : memref<524288xf32, #tpu.memory_space<hbm>> -> memref<256xf32, #tpu.memory_space<hbm>>
        tpu.enqueue_dma source(%dma_start3A_208 : memref<256xf32, #tpu.memory_space<hbm>>) target(%arg20 : memref<256xf32, #tpu.memory_space<vmem>>) target_semaphore(%arg29 : memref<!tpu.dma_semaphore, #tpu.memory_space<semaphore_mem>>)
        %dma_start3A_209 = tpu.memref_slice %arg7[%add3A_196] : memref<524288xf32, #tpu.memory_space<hbm>> -> memref<256xf32, #tpu.memory_space<hbm>>
        %dma_start3A_210 = tpu.memref_slice %arg7[%add3A_196] : memref<524288xf32, #tpu.memory_space<hbm>> -> memref<256xf32, #tpu.memory_space<hbm>>
        tpu.enqueue_dma source(%dma_start3A_210 : memref<256xf32, #tpu.memory_space<hbm>>) target(%arg22 : memref<256xf32, #tpu.memory_space<vmem>>) target_semaphore(%arg29 : memref<!tpu.dma_semaphore, #tpu.memory_space<semaphore_mem>>)
      }
      %while3A_95 = arith.constant 1 : i32
      scf.for %while3A_97 = %while3A_93 to %while3A_89 step %while3A_95  : i32 {
        %mul3A_98 = arith.constant 2 : i32
        %mul3A_99 = arith.muli %mul3A_98, %while3A_97 : i32
        %mul3A_100 = arith.constant 2 : i32
        %mul3A_101 = arith.muli %mul3A_100, %while3A_97 : i32
        %add3A_102 = arith.constant 1 : i32
        %add3A_103 = arith.addi %mul3A_101, %add3A_102 : i32
        %mul3A_104 = arith.constant 256 : i32
        %mul3A_105 = arith.muli %add3A_103, %mul3A_104 : i32
        %add3A_106 = arith.addi %mul3A_2, %mul3A_105 : i32
        %dma_wait3A_107 = tpu.memref_slice %arg2[%add3A_106] : memref<524288xi32, #tpu.memory_space<hbm>> -> memref<256xi32, #tpu.memory_space<hbm>>
        %dma_wait3A_108 = tpu.memref_slice %arg2[%add3A_106] : memref<524288xi32, #tpu.memory_space<hbm>> -> memref<256xi32, #tpu.memory_space<hbm>>
        tpu.wait_dma2 semaphore(%arg27 : memref<!tpu.dma_semaphore, #tpu.memory_space<semaphore_mem>>) src(%dma_wait3A_108 : memref<256xi32, #tpu.memory_space<hbm>>) dst(%arg12 : memref<256xi32, #tpu.memory_space<vmem>>)
        %dma_start3A_109 = arith.constant 0 : i32
        %dma_start3A_110 = arith.constant 0 : i32
        %dma_start3A_111 = tpu.memref_slice %arg3[%dma_start3A_109, %dma_start3A_110] : memref<100000x128xf32, #tpu.memory_space<hbm>> -> memref<100000x128xf32, #tpu.memory_space<hbm>>
        tpu.enqueue_indirect_dma source(%dma_start3A_111 : memref<100000x128xf32, #tpu.memory_space<hbm>>) target(%arg14 : memref<256x128xf32, #tpu.memory_space<vmem>>) offsets(%arg12 : memref<256xi32, #tpu.memory_space<vmem>>) semaphore(%arg31 : memref<!tpu.dma_semaphore, #tpu.memory_space<semaphore_mem>>)
        %dma_wait3A_112 = arith.constant 0 : i32
        %dma_wait3A_113 = arith.constant 0 : i32
        %dma_wait3A_114 = tpu.memref_slice %arg3[%dma_wait3A_112, %dma_wait3A_113] : memref<100000x128xf32, #tpu.memory_space<hbm>> -> memref<100000x128xf32, #tpu.memory_space<hbm>>
        tpu.wait_indirect_dma semaphore(%arg30 : memref<!tpu.dma_semaphore, #tpu.memory_space<semaphore_mem>>) src(%dma_wait3A_114 : memref<100000x128xf32, #tpu.memory_space<hbm>>) dst(%arg13 : memref<256x128xf32, #tpu.memory_space<vmem>>)
        %mul3A_115 = arith.constant 256 : i32
        %mul3A_116 = arith.muli %mul3A_99, %mul3A_115 : i32
        %add3A_117 = arith.addi %mul3A_2, %mul3A_116 : i32
        %dma_wait3A_118 = arith.constant 0 : i32
        %dma_wait3A_119 = tpu.memref_slice %arg4[%dma_wait3A_118, %add3A_117] : memref<26x524288xf32, #tpu.memory_space<hbm>> -> memref<26x256xf32, #tpu.memory_space<hbm>>
        %dma_wait3A_120 = arith.constant 0 : i32
        %dma_wait3A_121 = tpu.memref_slice %arg4[%dma_wait3A_120, %add3A_117] : memref<26x524288xf32, #tpu.memory_space<hbm>> -> memref<26x256xf32, #tpu.memory_space<hbm>>
        tpu.wait_dma2 semaphore(%arg28 : memref<!tpu.dma_semaphore, #tpu.memory_space<semaphore_mem>>) src(%dma_wait3A_121 : memref<26x256xf32, #tpu.memory_space<hbm>>) dst(%arg15 : memref<26x256xf32, #tpu.memory_space<vmem>>)
        %dma_wait3A_122 = arith.constant 0 : i32
        %dma_wait3A_123 = tpu.memref_slice %arg5[%dma_wait3A_122, %add3A_117] : memref<26x524288xf32, #tpu.memory_space<hbm>> -> memref<26x256xf32, #tpu.memory_space<hbm>>
        %dma_wait3A_124 = arith.constant 0 : i32
        %dma_wait3A_125 = tpu.memref_slice %arg5[%dma_wait3A_124, %add3A_117] : memref<26x524288xf32, #tpu.memory_space<hbm>> -> memref<26x256xf32, #tpu.memory_space<hbm>>
        tpu.wait_dma2 semaphore(%arg28 : memref<!tpu.dma_semaphore, #tpu.memory_space<semaphore_mem>>) src(%dma_wait3A_125 : memref<26x256xf32, #tpu.memory_space<hbm>>) dst(%arg17 : memref<26x256xf32, #tpu.memory_space<vmem>>)
        %dma_wait3A_126 = tpu.memref_slice %arg6[%add3A_117] : memref<524288xf32, #tpu.memory_space<hbm>> -> memref<256xf32, #tpu.memory_space<hbm>>
        %dma_wait3A_127 = tpu.memref_slice %arg6[%add3A_117] : memref<524288xf32, #tpu.memory_space<hbm>> -> memref<256xf32, #tpu.memory_space<hbm>>
        tpu.wait_dma2 semaphore(%arg28 : memref<!tpu.dma_semaphore, #tpu.memory_space<semaphore_mem>>) src(%dma_wait3A_127 : memref<256xf32, #tpu.memory_space<hbm>>) dst(%arg19 : memref<256xf32, #tpu.memory_space<vmem>>)
        %dma_wait3A_128 = tpu.memref_slice %arg7[%add3A_117] : memref<524288xf32, #tpu.memory_space<hbm>> -> memref<256xf32, #tpu.memory_space<hbm>>
        %dma_wait3A_129 = tpu.memref_slice %arg7[%add3A_117] : memref<524288xf32, #tpu.memory_space<hbm>> -> memref<256xf32, #tpu.memory_space<hbm>>
        tpu.wait_dma2 semaphore(%arg28 : memref<!tpu.dma_semaphore, #tpu.memory_space<semaphore_mem>>) src(%dma_wait3A_129 : memref<256xf32, #tpu.memory_space<hbm>>) dst(%arg21 : memref<256xf32, #tpu.memory_space<vmem>>)
        %mul3A_130 = arith.constant 256 : i32
        %mul3A_131 = arith.muli %mul3A_99, %mul3A_130 : i32
        %sub3A = arith.subi %mul3A_131, %mul3A_82 : i32
        %parallel_loop3A = arith.constant 0 : i32
        %parallel_loop3A_132 = arith.constant 16 : i32
        %parallel_loop3A_133 = arith.constant 1 : i32
        scf.for %parallel_loop3A_211 = %parallel_loop3A to %parallel_loop3A_132 step %parallel_loop3A_133  : i32 {
          %parallel_loop3A_212 = arith.constant 16 : i32
          %parallel_loop3A_213 = arith.muli %parallel_loop3A_211, %parallel_loop3A_212 : i32
          %parallel_loop3A_214 = vector.broadcast %parallel_loop3A_213 : i32 to vector<16xi32>
          %parallel_loop3A_215 = arith.addi %parallel_loop3A_214, %iota3A : vector<16xi32>
          %parallel_loop3A_216 = arith.constant 0.000000e+00 : f32
          %parallel_loop3A_217 = vector.broadcast %parallel_loop3A_216 : f32 to vector<16xf32>
          %parallel_loop3A_218 = arith.constant 0.000000e+00 : f32
          %parallel_loop3A_219 = vector.broadcast %parallel_loop3A_218 : f32 to vector<16xf32>
          %parallel_loop3A_220 = arith.constant 0.000000e+00 : f32
          %parallel_loop3A_221 = vector.broadcast %parallel_loop3A_220 : f32 to vector<16xf32>
          %parallel_loop3A_222 = arith.constant 0.000000e+00 : f32
          %parallel_loop3A_223 = vector.broadcast %parallel_loop3A_222 : f32 to vector<16xf32>
          %parallel_loop3A_224 = arith.constant 0 : i32
          %parallel_loop3A_225 = vector.broadcast %parallel_loop3A_224 : i32 to vector<16xi32>
          %parallel_loop3A_226 = arith.addi %iota3A, %parallel_loop3A_225 : vector<16xi32>
          %parallel_loop3A_227 = arith.constant 26 : i32
          %parallel_loop3A_228 = vector.broadcast %parallel_loop3A_227 : i32 to vector<16xi32>
          %parallel_loop3A_229 = arith.remsi %parallel_loop3A_226, %parallel_loop3A_228 : vector<16xi32>
          %parallel_loop3A_230 = arith.constant 64 : i32
          %parallel_loop3A_231 = vector.broadcast %parallel_loop3A_230 : i32 to vector<16xi32>
          %parallel_loop3A_232 = arith.addi %parallel_loop3A_229, %parallel_loop3A_231 : vector<16xi32>
          %parallel_loop3A_233 = tpu.vector_load_idx %arg13[%parallel_loop3A_215, %parallel_loop3A_229] : memref<256x128xf32, #tpu.memory_space<vmem>>[vector<16xi32>, vector<16xi32>], vector<16xf32>,
          %parallel_loop3A_234 = tpu.vector_load_idx %arg15[%parallel_loop3A_229, %parallel_loop3A_215] : memref<26x256xf32, #tpu.memory_space<vmem>>[vector<16xi32>, vector<16xi32>], vector<16xf32>,
          %parallel_loop3A_235 = arith.mulf %parallel_loop3A_233, %parallel_loop3A_234 : vector<16xf32>
          %parallel_loop3A_236 = tpu.vector_load_idx %arg13[%parallel_loop3A_215, %parallel_loop3A_232] : memref<256x128xf32, #tpu.memory_space<vmem>>[vector<16xi32>, vector<16xi32>], vector<16xf32>,
          %parallel_loop3A_237 = tpu.vector_load_idx %arg17[%parallel_loop3A_229, %parallel_loop3A_215] : memref<26x256xf32, #tpu.memory_space<vmem>>[vector<16xi32>, vector<16xi32>], vector<16xf32>,
          %parallel_loop3A_238 = arith.mulf %parallel_loop3A_236, %parallel_loop3A_237 : vector<16xf32>
          %parallel_loop3A_239 = arith.addf %parallel_loop3A_217, %parallel_loop3A_235 : vector<16xf32>
          %parallel_loop3A_240 = arith.addf %parallel_loop3A_221, %parallel_loop3A_238 : vector<16xf32>
          %parallel_loop3A_241 = arith.constant 1 : i32
          %parallel_loop3A_242 = vector.broadcast %parallel_loop3A_241 : i32 to vector<16xi32>
          %parallel_loop3A_243 = arith.addi %iota3A, %parallel_loop3A_242 : vector<16xi32>
          %parallel_loop3A_244 = arith.constant 26 : i32
          %parallel_loop3A_245 = vector.broadcast %parallel_loop3A_244 : i32 to vector<16xi32>
          %parallel_loop3A_246 = arith.remsi %parallel_loop3A_243, %parallel_loop3A_245 : vector<16xi32>
          %parallel_loop3A_247 = arith.constant 64 : i32
          %parallel_loop3A_248 = vector.broadcast %parallel_loop3A_247 : i32 to vector<16xi32>
          %parallel_loop3A_249 = arith.addi %parallel_loop3A_246, %parallel_loop3A_248 : vector<16xi32>
          %parallel_loop3A_250 = tpu.vector_load_idx %arg13[%parallel_loop3A_215, %parallel_loop3A_246] : memref<256x128xf32, #tpu.memory_space<vmem>>[vector<16xi32>, vector<16xi32>], vector<16xf32>,
          %parallel_loop3A_251 = tpu.vector_load_idx %arg15[%parallel_loop3A_246, %parallel_loop3A_215] : memref<26x256xf32, #tpu.memory_space<vmem>>[vector<16xi32>, vector<16xi32>], vector<16xf32>,
          %parallel_loop3A_252 = arith.mulf %parallel_loop3A_250, %parallel_loop3A_251 : vector<16xf32>
          %parallel_loop3A_253 = tpu.vector_load_idx %arg13[%parallel_loop3A_215, %parallel_loop3A_249] : memref<256x128xf32, #tpu.memory_space<vmem>>[vector<16xi32>, vector<16xi32>], vector<16xf32>,
          %parallel_loop3A_254 = tpu.vector_load_idx %arg17[%parallel_loop3A_246, %parallel_loop3A_215] : memref<26x256xf32, #tpu.memory_space<vmem>>[vector<16xi32>, vector<16xi32>], vector<16xf32>,
          %parallel_loop3A_255 = arith.mulf %parallel_loop3A_253, %parallel_loop3A_254 : vector<16xf32>
          %parallel_loop3A_256 = arith.addf %parallel_loop3A_219, %parallel_loop3A_252 : vector<16xf32>
          %parallel_loop3A_257 = arith.addf %parallel_loop3A_223, %parallel_loop3A_255 : vector<16xf32>
          %parallel_loop3A_258 = arith.constant 2 : i32
          %parallel_loop3A_259 = vector.broadcast %parallel_loop3A_258 : i32 to vector<16xi32>
          %parallel_loop3A_260 = arith.addi %iota3A, %parallel_loop3A_259 : vector<16xi32>
          %parallel_loop3A_261 = arith.constant 26 : i32
          %parallel_loop3A_262 = vector.broadcast %parallel_loop3A_261 : i32 to vector<16xi32>
          %parallel_loop3A_263 = arith.remsi %parallel_loop3A_260, %parallel_loop3A_262 : vector<16xi32>
          %parallel_loop3A_264 = arith.constant 64 : i32
          %parallel_loop3A_265 = vector.broadcast %parallel_loop3A_264 : i32 to vector<16xi32>
          %parallel_loop3A_266 = arith.addi %parallel_loop3A_263, %parallel_loop3A_265 : vector<16xi32>
          %parallel_loop3A_267 = tpu.vector_load_idx %arg13[%parallel_loop3A_215, %parallel_loop3A_263] : memref<256x128xf32, #tpu.memory_space<vmem>>[vector<16xi32>, vector<16xi32>], vector<16xf32>,
          %parallel_loop3A_268 = tpu.vector_load_idx %arg15[%parallel_loop3A_263, %parallel_loop3A_215] : memref<26x256xf32, #tpu.memory_space<vmem>>[vector<16xi32>, vector<16xi32>], vector<16xf32>,
          %parallel_loop3A_269 = arith.mulf %parallel_loop3A_267, %parallel_loop3A_268 : vector<16xf32>
          %parallel_loop3A_270 = tpu.vector_load_idx %arg13[%parallel_loop3A_215, %parallel_loop3A_266] : memref<256x128xf32, #tpu.memory_space<vmem>>[vector<16xi32>, vector<16xi32>], vector<16xf32>,
          %parallel_loop3A_271 = tpu.vector_load_idx %arg17[%parallel_loop3A_263, %parallel_loop3A_215] : memref<26x256xf32, #tpu.memory_space<vmem>>[vector<16xi32>, vector<16xi32>], vector<16xf32>,
          %parallel_loop3A_272 = arith.mulf %parallel_loop3A_270, %parallel_loop3A_271 : vector<16xf32>
          %parallel_loop3A_273 = arith.addf %parallel_loop3A_239, %parallel_loop3A_269 : vector<16xf32>
          %parallel_loop3A_274 = arith.addf %parallel_loop3A_240, %parallel_loop3A_272 : vector<16xf32>
          %parallel_loop3A_275 = arith.constant 3 : i32
          %parallel_loop3A_276 = vector.broadcast %parallel_loop3A_275 : i32 to vector<16xi32>
          %parallel_loop3A_277 = arith.addi %iota3A, %parallel_loop3A_276 : vector<16xi32>
          %parallel_loop3A_278 = arith.constant 26 : i32
          %parallel_loop3A_279 = vector.broadcast %parallel_loop3A_278 : i32 to vector<16xi32>
          %parallel_loop3A_280 = arith.remsi %parallel_loop3A_277, %parallel_loop3A_279 : vector<16xi32>
          %parallel_loop3A_281 = arith.constant 64 : i32
          %parallel_loop3A_282 = vector.broadcast %parallel_loop3A_281 : i32 to vector<16xi32>
          %parallel_loop3A_283 = arith.addi %parallel_loop3A_280, %parallel_loop3A_282 : vector<16xi32>
          %parallel_loop3A_284 = tpu.vector_load_idx %arg13[%parallel_loop3A_215, %parallel_loop3A_280] : memref<256x128xf32, #tpu.memory_space<vmem>>[vector<16xi32>, vector<16xi32>], vector<16xf32>,
          %parallel_loop3A_285 = tpu.vector_load_idx %arg15[%parallel_loop3A_280, %parallel_loop3A_215] : memref<26x256xf32, #tpu.memory_space<vmem>>[vector<16xi32>, vector<16xi32>], vector<16xf32>,
          %parallel_loop3A_286 = arith.mulf %parallel_loop3A_284, %parallel_loop3A_285 : vector<16xf32>
          %parallel_loop3A_287 = tpu.vector_load_idx %arg13[%parallel_loop3A_215, %parallel_loop3A_283] : memref<256x128xf32, #tpu.memory_space<vmem>>[vector<16xi32>, vector<16xi32>], vector<16xf32>,
          %parallel_loop3A_288 = tpu.vector_load_idx %arg17[%parallel_loop3A_280, %parallel_loop3A_215] : memref<26x256xf32, #tpu.memory_space<vmem>>[vector<16xi32>, vector<16xi32>], vector<16xf32>,
          %parallel_loop3A_289 = arith.mulf %parallel_loop3A_287, %parallel_loop3A_288 : vector<16xf32>
          %parallel_loop3A_290 = arith.addf %parallel_loop3A_256, %parallel_loop3A_286 : vector<16xf32>
          %parallel_loop3A_291 = arith.addf %parallel_loop3A_257, %parallel_loop3A_289 : vector<16xf32>
          %parallel_loop3A_292 = arith.constant 4 : i32
          %parallel_loop3A_293 = vector.broadcast %parallel_loop3A_292 : i32 to vector<16xi32>
          %parallel_loop3A_294 = arith.addi %iota3A, %parallel_loop3A_293 : vector<16xi32>
          %parallel_loop3A_295 = arith.constant 26 : i32
          %parallel_loop3A_296 = vector.broadcast %parallel_loop3A_295 : i32 to vector<16xi32>
          %parallel_loop3A_297 = arith.remsi %parallel_loop3A_294, %parallel_loop3A_296 : vector<16xi32>
          %parallel_loop3A_298 = arith.constant 64 : i32
          %parallel_loop3A_299 = vector.broadcast %parallel_loop3A_298 : i32 to vector<16xi32>
          %parallel_loop3A_300 = arith.addi %parallel_loop3A_297, %parallel_loop3A_299 : vector<16xi32>
          %parallel_loop3A_301 = tpu.vector_load_idx %arg13[%parallel_loop3A_215, %parallel_loop3A_297] : memref<256x128xf32, #tpu.memory_space<vmem>>[vector<16xi32>, vector<16xi32>], vector<16xf32>,
          %parallel_loop3A_302 = tpu.vector_load_idx %arg15[%parallel_loop3A_297, %parallel_loop3A_215] : memref<26x256xf32, #tpu.memory_space<vmem>>[vector<16xi32>, vector<16xi32>], vector<16xf32>,
          %parallel_loop3A_303 = arith.mulf %parallel_loop3A_301, %parallel_loop3A_302 : vector<16xf32>
          %parallel_loop3A_304 = tpu.vector_load_idx %arg13[%parallel_loop3A_215, %parallel_loop3A_300] : memref<256x128xf32, #tpu.memory_space<vmem>>[vector<16xi32>, vector<16xi32>], vector<16xf32>,
          %parallel_loop3A_305 = tpu.vector_load_idx %arg17[%parallel_loop3A_297, %parallel_loop3A_215] : memref<26x256xf32, #tpu.memory_space<vmem>>[vector<16xi32>, vector<16xi32>], vector<16xf32>,
          %parallel_loop3A_306 = arith.mulf %parallel_loop3A_304, %parallel_loop3A_305 : vector<16xf32>
          %parallel_loop3A_307 = arith.addf %parallel_loop3A_273, %parallel_loop3A_303 : vector<16xf32>
          %parallel_loop3A_308 = arith.addf %parallel_loop3A_274, %parallel_loop3A_306 : vector<16xf32>
          %parallel_loop3A_309 = arith.constant 5 : i32
          %parallel_loop3A_310 = vector.broadcast %parallel_loop3A_309 : i32 to vector<16xi32>
          %parallel_loop3A_311 = arith.addi %iota3A, %parallel_loop3A_310 : vector<16xi32>
          %parallel_loop3A_312 = arith.constant 26 : i32
          %parallel_loop3A_313 = vector.broadcast %parallel_loop3A_312 : i32 to vector<16xi32>
          %parallel_loop3A_314 = arith.remsi %parallel_loop3A_311, %parallel_loop3A_313 : vector<16xi32>
          %parallel_loop3A_315 = arith.constant 64 : i32
          %parallel_loop3A_316 = vector.broadcast %parallel_loop3A_315 : i32 to vector<16xi32>
          %parallel_loop3A_317 = arith.addi %parallel_loop3A_314, %parallel_loop3A_316 : vector<16xi32>
          %parallel_loop3A_318 = tpu.vector_load_idx %arg13[%parallel_loop3A_215, %parallel_loop3A_314] : memref<256x128xf32, #tpu.memory_space<vmem>>[vector<16xi32>, vector<16xi32>], vector<16xf32>,
          %parallel_loop3A_319 = tpu.vector_load_idx %arg15[%parallel_loop3A_314, %parallel_loop3A_215] : memref<26x256xf32, #tpu.memory_space<vmem>>[vector<16xi32>, vector<16xi32>], vector<16xf32>,
          %parallel_loop3A_320 = arith.mulf %parallel_loop3A_318, %parallel_loop3A_319 : vector<16xf32>
          %parallel_loop3A_321 = tpu.vector_load_idx %arg13[%parallel_loop3A_215, %parallel_loop3A_317] : memref<256x128xf32, #tpu.memory_space<vmem>>[vector<16xi32>, vector<16xi32>], vector<16xf32>,
          %parallel_loop3A_322 = tpu.vector_load_idx %arg17[%parallel_loop3A_314, %parallel_loop3A_215] : memref<26x256xf32, #tpu.memory_space<vmem>>[vector<16xi32>, vector<16xi32>], vector<16xf32>,
          %parallel_loop3A_323 = arith.mulf %parallel_loop3A_321, %parallel_loop3A_322 : vector<16xf32>
          %parallel_loop3A_324 = arith.addf %parallel_loop3A_290, %parallel_loop3A_320 : vector<16xf32>
          %parallel_loop3A_325 = arith.addf %parallel_loop3A_291, %parallel_loop3A_323 : vector<16xf32>
          %parallel_loop3A_326 = arith.constant 6 : i32
          %parallel_loop3A_327 = vector.broadcast %parallel_loop3A_326 : i32 to vector<16xi32>
          %parallel_loop3A_328 = arith.addi %iota3A, %parallel_loop3A_327 : vector<16xi32>
          %parallel_loop3A_329 = arith.constant 26 : i32
          %parallel_loop3A_330 = vector.broadcast %parallel_loop3A_329 : i32 to vector<16xi32>
          %parallel_loop3A_331 = arith.remsi %parallel_loop3A_328, %parallel_loop3A_330 : vector<16xi32>
          %parallel_loop3A_332 = arith.constant 64 : i32
          %parallel_loop3A_333 = vector.broadcast %parallel_loop3A_332 : i32 to vector<16xi32>
          %parallel_loop3A_334 = arith.addi %parallel_loop3A_331, %parallel_loop3A_333 : vector<16xi32>
          %parallel_loop3A_335 = tpu.vector_load_idx %arg13[%parallel_loop3A_215, %parallel_loop3A_331] : memref<256x128xf32, #tpu.memory_space<vmem>>[vector<16xi32>, vector<16xi32>], vector<16xf32>,
          %parallel_loop3A_336 = tpu.vector_load_idx %arg15[%parallel_loop3A_331, %parallel_loop3A_215] : memref<26x256xf32, #tpu.memory_space<vmem>>[vector<16xi32>, vector<16xi32>], vector<16xf32>,
          %parallel_loop3A_337 = arith.mulf %parallel_loop3A_335, %parallel_loop3A_336 : vector<16xf32>
          %parallel_loop3A_338 = tpu.vector_load_idx %arg13[%parallel_loop3A_215, %parallel_loop3A_334] : memref<256x128xf32, #tpu.memory_space<vmem>>[vector<16xi32>, vector<16xi32>], vector<16xf32>,
          %parallel_loop3A_339 = tpu.vector_load_idx %arg17[%parallel_loop3A_331, %parallel_loop3A_215] : memref<26x256xf32, #tpu.memory_space<vmem>>[vector<16xi32>, vector<16xi32>], vector<16xf32>,
          %parallel_loop3A_340 = arith.mulf %parallel_loop3A_338, %parallel_loop3A_339 : vector<16xf32>
          %parallel_loop3A_341 = arith.addf %parallel_loop3A_307, %parallel_loop3A_337 : vector<16xf32>
          %parallel_loop3A_342 = arith.addf %parallel_loop3A_308, %parallel_loop3A_340 : vector<16xf32>
          %parallel_loop3A_343 = arith.constant 7 : i32
          %parallel_loop3A_344 = vector.broadcast %parallel_loop3A_343 : i32 to vector<16xi32>
          %parallel_loop3A_345 = arith.addi %iota3A, %parallel_loop3A_344 : vector<16xi32>
          %parallel_loop3A_346 = arith.constant 26 : i32
          %parallel_loop3A_347 = vector.broadcast %parallel_loop3A_346 : i32 to vector<16xi32>
          %parallel_loop3A_348 = arith.remsi %parallel_loop3A_345, %parallel_loop3A_347 : vector<16xi32>
          %parallel_loop3A_349 = arith.constant 64 : i32
          %parallel_loop3A_350 = vector.broadcast %parallel_loop3A_349 : i32 to vector<16xi32>
          %parallel_loop3A_351 = arith.addi %parallel_loop3A_348, %parallel_loop3A_350 : vector<16xi32>
          %parallel_loop3A_352 = tpu.vector_load_idx %arg13[%parallel_loop3A_215, %parallel_loop3A_348] : memref<256x128xf32, #tpu.memory_space<vmem>>[vector<16xi32>, vector<16xi32>], vector<16xf32>,
          %parallel_loop3A_353 = tpu.vector_load_idx %arg15[%parallel_loop3A_348, %parallel_loop3A_215] : memref<26x256xf32, #tpu.memory_space<vmem>>[vector<16xi32>, vector<16xi32>], vector<16xf32>,
          %parallel_loop3A_354 = arith.mulf %parallel_loop3A_352, %parallel_loop3A_353 : vector<16xf32>
          %parallel_loop3A_355 = tpu.vector_load_idx %arg13[%parallel_loop3A_215, %parallel_loop3A_351] : memref<256x128xf32, #tpu.memory_space<vmem>>[vector<16xi32>, vector<16xi32>], vector<16xf32>,
          %parallel_loop3A_356 = tpu.vector_load_idx %arg17[%parallel_loop3A_348, %parallel_loop3A_215] : memref<26x256xf32, #tpu.memory_space<vmem>>[vector<16xi32>, vector<16xi32>], vector<16xf32>,
          %parallel_loop3A_357 = arith.mulf %parallel_loop3A_355, %parallel_loop3A_356 : vector<16xf32>
          %parallel_loop3A_358 = arith.addf %parallel_loop3A_324, %parallel_loop3A_354 : vector<16xf32>
          %parallel_loop3A_359 = arith.addf %parallel_loop3A_325, %parallel_loop3A_357 : vector<16xf32>
          %parallel_loop3A_360 = arith.constant 8 : i32
          %parallel_loop3A_361 = vector.broadcast %parallel_loop3A_360 : i32 to vector<16xi32>
          %parallel_loop3A_362 = arith.addi %iota3A, %parallel_loop3A_361 : vector<16xi32>
          %parallel_loop3A_363 = arith.constant 26 : i32
          %parallel_loop3A_364 = vector.broadcast %parallel_loop3A_363 : i32 to vector<16xi32>
          %parallel_loop3A_365 = arith.remsi %parallel_loop3A_362, %parallel_loop3A_364 : vector<16xi32>
          %parallel_loop3A_366 = arith.constant 64 : i32
          %parallel_loop3A_367 = vector.broadcast %parallel_loop3A_366 : i32 to vector<16xi32>
          %parallel_loop3A_368 = arith.addi %parallel_loop3A_365, %parallel_loop3A_367 : vector<16xi32>
          %parallel_loop3A_369 = tpu.vector_load_idx %arg13[%parallel_loop3A_215, %parallel_loop3A_365] : memref<256x128xf32, #tpu.memory_space<vmem>>[vector<16xi32>, vector<16xi32>], vector<16xf32>,
          %parallel_loop3A_370 = tpu.vector_load_idx %arg15[%parallel_loop3A_365, %parallel_loop3A_215] : memref<26x256xf32, #tpu.memory_space<vmem>>[vector<16xi32>, vector<16xi32>], vector<16xf32>,
          %parallel_loop3A_371 = arith.mulf %parallel_loop3A_369, %parallel_loop3A_370 : vector<16xf32>
          %parallel_loop3A_372 = tpu.vector_load_idx %arg13[%parallel_loop3A_215, %parallel_loop3A_368] : memref<256x128xf32, #tpu.memory_space<vmem>>[vector<16xi32>, vector<16xi32>], vector<16xf32>,
          %parallel_loop3A_373 = tpu.vector_load_idx %arg17[%parallel_loop3A_365, %parallel_loop3A_215] : memref<26x256xf32, #tpu.memory_space<vmem>>[vector<16xi32>, vector<16xi32>], vector<16xf32>,
          %parallel_loop3A_374 = arith.mulf %parallel_loop3A_372, %parallel_loop3A_373 : vector<16xf32>
          %parallel_loop3A_375 = arith.addf %parallel_loop3A_341, %parallel_loop3A_371 : vector<16xf32>
          %parallel_loop3A_376 = arith.addf %parallel_loop3A_342, %parallel_loop3A_374 : vector<16xf32>
          %parallel_loop3A_377 = arith.constant 9 : i32
          %parallel_loop3A_378 = vector.broadcast %parallel_loop3A_377 : i32 to vector<16xi32>
          %parallel_loop3A_379 = arith.addi %iota3A, %parallel_loop3A_378 : vector<16xi32>
          %parallel_loop3A_380 = arith.constant 26 : i32
          %parallel_loop3A_381 = vector.broadcast %parallel_loop3A_380 : i32 to vector<16xi32>
          %parallel_loop3A_382 = arith.remsi %parallel_loop3A_379, %parallel_loop3A_381 : vector<16xi32>
          %parallel_loop3A_383 = arith.constant 64 : i32
          %parallel_loop3A_384 = vector.broadcast %parallel_loop3A_383 : i32 to vector<16xi32>
          %parallel_loop3A_385 = arith.addi %parallel_loop3A_382, %parallel_loop3A_384 : vector<16xi32>
          %parallel_loop3A_386 = tpu.vector_load_idx %arg13[%parallel_loop3A_215, %parallel_loop3A_382] : memref<256x128xf32, #tpu.memory_space<vmem>>[vector<16xi32>, vector<16xi32>], vector<16xf32>,
          %parallel_loop3A_387 = tpu.vector_load_idx %arg15[%parallel_loop3A_382, %parallel_loop3A_215] : memref<26x256xf32, #tpu.memory_space<vmem>>[vector<16xi32>, vector<16xi32>], vector<16xf32>,
          %parallel_loop3A_388 = arith.mulf %parallel_loop3A_386, %parallel_loop3A_387 : vector<16xf32>
          %parallel_loop3A_389 = tpu.vector_load_idx %arg13[%parallel_loop3A_215, %parallel_loop3A_385] : memref<256x128xf32, #tpu.memory_space<vmem>>[vector<16xi32>, vector<16xi32>], vector<16xf32>,
          %parallel_loop3A_390 = tpu.vector_load_idx %arg17[%parallel_loop3A_382, %parallel_loop3A_215] : memref<26x256xf32, #tpu.memory_space<vmem>>[vector<16xi32>, vector<16xi32>], vector<16xf32>,
          %parallel_loop3A_391 = arith.mulf %parallel_loop3A_389, %parallel_loop3A_390 : vector<16xf32>
          %parallel_loop3A_392 = arith.addf %parallel_loop3A_358, %parallel_loop3A_388 : vector<16xf32>
          %parallel_loop3A_393 = arith.addf %parallel_loop3A_359, %parallel_loop3A_391 : vector<16xf32>
          %parallel_loop3A_394 = arith.constant 10 : i32
          %parallel_loop3A_395 = vector.broadcast %parallel_loop3A_394 : i32 to vector<16xi32>
          %parallel_loop3A_396 = arith.addi %iota3A, %parallel_loop3A_395 : vector<16xi32>
          %parallel_loop3A_397 = arith.constant 26 : i32
          %parallel_loop3A_398 = vector.broadcast %parallel_loop3A_397 : i32 to vector<16xi32>
          %parallel_loop3A_399 = arith.remsi %parallel_loop3A_396, %parallel_loop3A_398 : vector<16xi32>
          %parallel_loop3A_400 = arith.constant 64 : i32
          %parallel_loop3A_401 = vector.broadcast %parallel_loop3A_400 : i32 to vector<16xi32>
          %parallel_loop3A_402 = arith.addi %parallel_loop3A_399, %parallel_loop3A_401 : vector<16xi32>
          %parallel_loop3A_403 = tpu.vector_load_idx %arg13[%parallel_loop3A_215, %parallel_loop3A_399] : memref<256x128xf32, #tpu.memory_space<vmem>>[vector<16xi32>, vector<16xi32>], vector<16xf32>,
          %parallel_loop3A_404 = tpu.vector_load_idx %arg15[%parallel_loop3A_399, %parallel_loop3A_215] : memref<26x256xf32, #tpu.memory_space<vmem>>[vector<16xi32>, vector<16xi32>], vector<16xf32>,
          %parallel_loop3A_405 = arith.mulf %parallel_loop3A_403, %parallel_loop3A_404 : vector<16xf32>
          %parallel_loop3A_406 = tpu.vector_load_idx %arg13[%parallel_loop3A_215, %parallel_loop3A_402] : memref<256x128xf32, #tpu.memory_space<vmem>>[vector<16xi32>, vector<16xi32>], vector<16xf32>,
          %parallel_loop3A_407 = tpu.vector_load_idx %arg17[%parallel_loop3A_399, %parallel_loop3A_215] : memref<26x256xf32, #tpu.memory_space<vmem>>[vector<16xi32>, vector<16xi32>], vector<16xf32>,
          %parallel_loop3A_408 = arith.mulf %parallel_loop3A_406, %parallel_loop3A_407 : vector<16xf32>
          %parallel_loop3A_409 = arith.addf %parallel_loop3A_375, %parallel_loop3A_405 : vector<16xf32>
          %parallel_loop3A_410 = arith.addf %parallel_loop3A_376, %parallel_loop3A_408 : vector<16xf32>
          %parallel_loop3A_411 = arith.constant 11 : i32
          %parallel_loop3A_412 = vector.broadcast %parallel_loop3A_411 : i32 to vector<16xi32>
          %parallel_loop3A_413 = arith.addi %iota3A, %parallel_loop3A_412 : vector<16xi32>
          %parallel_loop3A_414 = arith.constant 26 : i32
          %parallel_loop3A_415 = vector.broadcast %parallel_loop3A_414 : i32 to vector<16xi32>
          %parallel_loop3A_416 = arith.remsi %parallel_loop3A_413, %parallel_loop3A_415 : vector<16xi32>
          %parallel_loop3A_417 = arith.constant 64 : i32
          %parallel_loop3A_418 = vector.broadcast %parallel_loop3A_417 : i32 to vector<16xi32>
          %parallel_loop3A_419 = arith.addi %parallel_loop3A_416, %parallel_loop3A_418 : vector<16xi32>
          %parallel_loop3A_420 = tpu.vector_load_idx %arg13[%parallel_loop3A_215, %parallel_loop3A_416] : memref<256x128xf32, #tpu.memory_space<vmem>>[vector<16xi32>, vector<16xi32>], vector<16xf32>,
          %parallel_loop3A_421 = tpu.vector_load_idx %arg15[%parallel_loop3A_416, %parallel_loop3A_215] : memref<26x256xf32, #tpu.memory_space<vmem>>[vector<16xi32>, vector<16xi32>], vector<16xf32>,
          %parallel_loop3A_422 = arith.mulf %parallel_loop3A_420, %parallel_loop3A_421 : vector<16xf32>
          %parallel_loop3A_423 = tpu.vector_load_idx %arg13[%parallel_loop3A_215, %parallel_loop3A_419] : memref<256x128xf32, #tpu.memory_space<vmem>>[vector<16xi32>, vector<16xi32>], vector<16xf32>,
          %parallel_loop3A_424 = tpu.vector_load_idx %arg17[%parallel_loop3A_416, %parallel_loop3A_215] : memref<26x256xf32, #tpu.memory_space<vmem>>[vector<16xi32>, vector<16xi32>], vector<16xf32>,
          %parallel_loop3A_425 = arith.mulf %parallel_loop3A_423, %parallel_loop3A_424 : vector<16xf32>
          %parallel_loop3A_426 = arith.addf %parallel_loop3A_392, %parallel_loop3A_422 : vector<16xf32>
          %parallel_loop3A_427 = arith.addf %parallel_loop3A_393, %parallel_loop3A_425 : vector<16xf32>
          %parallel_loop3A_428 = arith.constant 12 : i32
          %parallel_loop3A_429 = vector.broadcast %parallel_loop3A_428 : i32 to vector<16xi32>
          %parallel_loop3A_430 = arith.addi %iota3A, %parallel_loop3A_429 : vector<16xi32>
          %parallel_loop3A_431 = arith.constant 26 : i32
          %parallel_loop3A_432 = vector.broadcast %parallel_loop3A_431 : i32 to vector<16xi32>
          %parallel_loop3A_433 = arith.remsi %parallel_loop3A_430, %parallel_loop3A_432 : vector<16xi32>
          %parallel_loop3A_434 = arith.constant 64 : i32
          %parallel_loop3A_435 = vector.broadcast %parallel_loop3A_434 : i32 to vector<16xi32>
          %parallel_loop3A_436 = arith.addi %parallel_loop3A_433, %parallel_loop3A_435 : vector<16xi32>
          %parallel_loop3A_437 = tpu.vector_load_idx %arg13[%parallel_loop3A_215, %parallel_loop3A_433] : memref<256x128xf32, #tpu.memory_space<vmem>>[vector<16xi32>, vector<16xi32>], vector<16xf32>,
          %parallel_loop3A_438 = tpu.vector_load_idx %arg15[%parallel_loop3A_433, %parallel_loop3A_215] : memref<26x256xf32, #tpu.memory_space<vmem>>[vector<16xi32>, vector<16xi32>], vector<16xf32>,
          %parallel_loop3A_439 = arith.mulf %parallel_loop3A_437, %parallel_loop3A_438 : vector<16xf32>
          %parallel_loop3A_440 = tpu.vector_load_idx %arg13[%parallel_loop3A_215, %parallel_loop3A_436] : memref<256x128xf32, #tpu.memory_space<vmem>>[vector<16xi32>, vector<16xi32>], vector<16xf32>,
          %parallel_loop3A_441 = tpu.vector_load_idx %arg17[%parallel_loop3A_433, %parallel_loop3A_215] : memref<26x256xf32, #tpu.memory_space<vmem>>[vector<16xi32>, vector<16xi32>], vector<16xf32>,
          %parallel_loop3A_442 = arith.mulf %parallel_loop3A_440, %parallel_loop3A_441 : vector<16xf32>
          %parallel_loop3A_443 = arith.addf %parallel_loop3A_409, %parallel_loop3A_439 : vector<16xf32>
          %parallel_loop3A_444 = arith.addf %parallel_loop3A_410, %parallel_loop3A_442 : vector<16xf32>
          %parallel_loop3A_445 = arith.constant 13 : i32
          %parallel_loop3A_446 = vector.broadcast %parallel_loop3A_445 : i32 to vector<16xi32>
          %parallel_loop3A_447 = arith.addi %iota3A, %parallel_loop3A_446 : vector<16xi32>
          %parallel_loop3A_448 = arith.constant 26 : i32
          %parallel_loop3A_449 = vector.broadcast %parallel_loop3A_448 : i32 to vector<16xi32>
          %parallel_loop3A_450 = arith.remsi %parallel_loop3A_447, %parallel_loop3A_449 : vector<16xi32>
          %parallel_loop3A_451 = arith.constant 64 : i32
          %parallel_loop3A_452 = vector.broadcast %parallel_loop3A_451 : i32 to vector<16xi32>
          %parallel_loop3A_453 = arith.addi %parallel_loop3A_450, %parallel_loop3A_452 : vector<16xi32>
          %parallel_loop3A_454 = tpu.vector_load_idx %arg13[%parallel_loop3A_215, %parallel_loop3A_450] : memref<256x128xf32, #tpu.memory_space<vmem>>[vector<16xi32>, vector<16xi32>], vector<16xf32>,
          %parallel_loop3A_455 = tpu.vector_load_idx %arg15[%parallel_loop3A_450, %parallel_loop3A_215] : memref<26x256xf32, #tpu.memory_space<vmem>>[vector<16xi32>, vector<16xi32>], vector<16xf32>,
          %parallel_loop3A_456 = arith.mulf %parallel_loop3A_454, %parallel_loop3A_455 : vector<16xf32>
          %parallel_loop3A_457 = tpu.vector_load_idx %arg13[%parallel_loop3A_215, %parallel_loop3A_453] : memref<256x128xf32, #tpu.memory_space<vmem>>[vector<16xi32>, vector<16xi32>], vector<16xf32>,
          %parallel_loop3A_458 = tpu.vector_load_idx %arg17[%parallel_loop3A_450, %parallel_loop3A_215] : memref<26x256xf32, #tpu.memory_space<vmem>>[vector<16xi32>, vector<16xi32>], vector<16xf32>,
          %parallel_loop3A_459 = arith.mulf %parallel_loop3A_457, %parallel_loop3A_458 : vector<16xf32>
          %parallel_loop3A_460 = arith.addf %parallel_loop3A_426, %parallel_loop3A_456 : vector<16xf32>
          %parallel_loop3A_461 = arith.addf %parallel_loop3A_427, %parallel_loop3A_459 : vector<16xf32>
          %parallel_loop3A_462 = arith.constant 14 : i32
          %parallel_loop3A_463 = vector.broadcast %parallel_loop3A_462 : i32 to vector<16xi32>
          %parallel_loop3A_464 = arith.addi %iota3A, %parallel_loop3A_463 : vector<16xi32>
          %parallel_loop3A_465 = arith.constant 26 : i32
          %parallel_loop3A_466 = vector.broadcast %parallel_loop3A_465 : i32 to vector<16xi32>
          %parallel_loop3A_467 = arith.remsi %parallel_loop3A_464, %parallel_loop3A_466 : vector<16xi32>
          %parallel_loop3A_468 = arith.constant 64 : i32
          %parallel_loop3A_469 = vector.broadcast %parallel_loop3A_468 : i32 to vector<16xi32>
          %parallel_loop3A_470 = arith.addi %parallel_loop3A_467, %parallel_loop3A_469 : vector<16xi32>
          %parallel_loop3A_471 = tpu.vector_load_idx %arg13[%parallel_loop3A_215, %parallel_loop3A_467] : memref<256x128xf32, #tpu.memory_space<vmem>>[vector<16xi32>, vector<16xi32>], vector<16xf32>,
          %parallel_loop3A_472 = tpu.vector_load_idx %arg15[%parallel_loop3A_467, %parallel_loop3A_215] : memref<26x256xf32, #tpu.memory_space<vmem>>[vector<16xi32>, vector<16xi32>], vector<16xf32>,
          %parallel_loop3A_473 = arith.mulf %parallel_loop3A_471, %parallel_loop3A_472 : vector<16xf32>
          %parallel_loop3A_474 = tpu.vector_load_idx %arg13[%parallel_loop3A_215, %parallel_loop3A_470] : memref<256x128xf32, #tpu.memory_space<vmem>>[vector<16xi32>, vector<16xi32>], vector<16xf32>,
          %parallel_loop3A_475 = tpu.vector_load_idx %arg17[%parallel_loop3A_467, %parallel_loop3A_215] : memref<26x256xf32, #tpu.memory_space<vmem>>[vector<16xi32>, vector<16xi32>], vector<16xf32>,
          %parallel_loop3A_476 = arith.mulf %parallel_loop3A_474, %parallel_loop3A_475 : vector<16xf32>
          %parallel_loop3A_477 = arith.addf %parallel_loop3A_443, %parallel_loop3A_473 : vector<16xf32>
          %parallel_loop3A_478 = arith.addf %parallel_loop3A_444, %parallel_loop3A_476 : vector<16xf32>
          %parallel_loop3A_479 = arith.constant 15 : i32
          %parallel_loop3A_480 = vector.broadcast %parallel_loop3A_479 : i32 to vector<16xi32>
          %parallel_loop3A_481 = arith.addi %iota3A, %parallel_loop3A_480 : vector<16xi32>
          %parallel_loop3A_482 = arith.constant 26 : i32
          %parallel_loop3A_483 = vector.broadcast %parallel_loop3A_482 : i32 to vector<16xi32>
          %parallel_loop3A_484 = arith.remsi %parallel_loop3A_481, %parallel_loop3A_483 : vector<16xi32>
          %parallel_loop3A_485 = arith.constant 64 : i32
          %parallel_loop3A_486 = vector.broadcast %parallel_loop3A_485 : i32 to vector<16xi32>
          %parallel_loop3A_487 = arith.addi %parallel_loop3A_484, %parallel_loop3A_486 : vector<16xi32>
          %parallel_loop3A_488 = tpu.vector_load_idx %arg13[%parallel_loop3A_215, %parallel_loop3A_484] : memref<256x128xf32, #tpu.memory_space<vmem>>[vector<16xi32>, vector<16xi32>], vector<16xf32>,
          %parallel_loop3A_489 = tpu.vector_load_idx %arg15[%parallel_loop3A_484, %parallel_loop3A_215] : memref<26x256xf32, #tpu.memory_space<vmem>>[vector<16xi32>, vector<16xi32>], vector<16xf32>,
          %parallel_loop3A_490 = arith.mulf %parallel_loop3A_488, %parallel_loop3A_489 : vector<16xf32>
          %parallel_loop3A_491 = tpu.vector_load_idx %arg13[%parallel_loop3A_215, %parallel_loop3A_487] : memref<256x128xf32, #tpu.memory_space<vmem>>[vector<16xi32>, vector<16xi32>], vector<16xf32>,
          %parallel_loop3A_492 = tpu.vector_load_idx %arg17[%parallel_loop3A_484, %parallel_loop3A_215] : memref<26x256xf32, #tpu.memory_space<vmem>>[vector<16xi32>, vector<16xi32>], vector<16xf32>,
          %parallel_loop3A_493 = arith.mulf %parallel_loop3A_491, %parallel_loop3A_492 : vector<16xf32>
          %parallel_loop3A_494 = arith.addf %parallel_loop3A_460, %parallel_loop3A_490 : vector<16xf32>
          %parallel_loop3A_495 = arith.addf %parallel_loop3A_461, %parallel_loop3A_493 : vector<16xf32>
          %parallel_loop3A_496 = arith.constant 16 : i32
          %parallel_loop3A_497 = vector.broadcast %parallel_loop3A_496 : i32 to vector<16xi32>
          %parallel_loop3A_498 = arith.addi %iota3A, %parallel_loop3A_497 : vector<16xi32>
          %parallel_loop3A_499 = arith.constant 26 : i32
          %parallel_loop3A_500 = vector.broadcast %parallel_loop3A_499 : i32 to vector<16xi32>
          %parallel_loop3A_501 = arith.remsi %parallel_loop3A_498, %parallel_loop3A_500 : vector<16xi32>
          %parallel_loop3A_502 = arith.constant 64 : i32
          %parallel_loop3A_503 = vector.broadcast %parallel_loop3A_502 : i32 to vector<16xi32>
          %parallel_loop3A_504 = arith.addi %parallel_loop3A_501, %parallel_loop3A_503 : vector<16xi32>
          %parallel_loop3A_505 = tpu.vector_load_idx %arg13[%parallel_loop3A_215, %parallel_loop3A_501] : memref<256x128xf32, #tpu.memory_space<vmem>>[vector<16xi32>, vector<16xi32>], vector<16xf32>,
          %parallel_loop3A_506 = tpu.vector_load_idx %arg15[%parallel_loop3A_501, %parallel_loop3A_215] : memref<26x256xf32, #tpu.memory_space<vmem>>[vector<16xi32>, vector<16xi32>], vector<16xf32>,
          %parallel_loop3A_507 = arith.mulf %parallel_loop3A_505, %parallel_loop3A_506 : vector<16xf32>
          %parallel_loop3A_508 = tpu.vector_load_idx %arg13[%parallel_loop3A_215, %parallel_loop3A_504] : memref<256x128xf32, #tpu.memory_space<vmem>>[vector<16xi32>, vector<16xi32>], vector<16xf32>,
          %parallel_loop3A_509 = tpu.vector_load_idx %arg17[%parallel_loop3A_501, %parallel_loop3A_215] : memref<26x256xf32, #tpu.memory_space<vmem>>[vector<16xi32>, vector<16xi32>], vector<16xf32>,
          %parallel_loop3A_510 = arith.mulf %parallel_loop3A_508, %parallel_loop3A_509 : vector<16xf32>
          %parallel_loop3A_511 = arith.addf %parallel_loop3A_477, %parallel_loop3A_507 : vector<16xf32>
          %parallel_loop3A_512 = arith.addf %parallel_loop3A_478, %parallel_loop3A_510 : vector<16xf32>
          %parallel_loop3A_513 = arith.constant 17 : i32
          %parallel_loop3A_514 = vector.broadcast %parallel_loop3A_513 : i32 to vector<16xi32>
          %parallel_loop3A_515 = arith.addi %iota3A, %parallel_loop3A_514 : vector<16xi32>
          %parallel_loop3A_516 = arith.constant 26 : i32
          %parallel_loop3A_517 = vector.broadcast %parallel_loop3A_516 : i32 to vector<16xi32>
          %parallel_loop3A_518 = arith.remsi %parallel_loop3A_515, %parallel_loop3A_517 : vector<16xi32>
          %parallel_loop3A_519 = arith.constant 64 : i32
          %parallel_loop3A_520 = vector.broadcast %parallel_loop3A_519 : i32 to vector<16xi32>
          %parallel_loop3A_521 = arith.addi %parallel_loop3A_518, %parallel_loop3A_520 : vector<16xi32>
          %parallel_loop3A_522 = tpu.vector_load_idx %arg13[%parallel_loop3A_215, %parallel_loop3A_518] : memref<256x128xf32, #tpu.memory_space<vmem>>[vector<16xi32>, vector<16xi32>], vector<16xf32>,
          %parallel_loop3A_523 = tpu.vector_load_idx %arg15[%parallel_loop3A_518, %parallel_loop3A_215] : memref<26x256xf32, #tpu.memory_space<vmem>>[vector<16xi32>, vector<16xi32>], vector<16xf32>,
          %parallel_loop3A_524 = arith.mulf %parallel_loop3A_522, %parallel_loop3A_523 : vector<16xf32>
          %parallel_loop3A_525 = tpu.vector_load_idx %arg13[%parallel_loop3A_215, %parallel_loop3A_521] : memref<256x128xf32, #tpu.memory_space<vmem>>[vector<16xi32>, vector<16xi32>], vector<16xf32>,
          %parallel_loop3A_526 = tpu.vector_load_idx %arg17[%parallel_loop3A_518, %parallel_loop3A_215] : memref<26x256xf32, #tpu.memory_space<vmem>>[vector<16xi32>, vector<16xi32>], vector<16xf32>,
          %parallel_loop3A_527 = arith.mulf %parallel_loop3A_525, %parallel_loop3A_526 : vector<16xf32>
          %parallel_loop3A_528 = arith.addf %parallel_loop3A_494, %parallel_loop3A_524 : vector<16xf32>
          %parallel_loop3A_529 = arith.addf %parallel_loop3A_495, %parallel_loop3A_527 : vector<16xf32>
          %parallel_loop3A_530 = arith.constant 18 : i32
          %parallel_loop3A_531 = vector.broadcast %parallel_loop3A_530 : i32 to vector<16xi32>
          %parallel_loop3A_532 = arith.addi %iota3A, %parallel_loop3A_531 : vector<16xi32>
          %parallel_loop3A_533 = arith.constant 26 : i32
          %parallel_loop3A_534 = vector.broadcast %parallel_loop3A_533 : i32 to vector<16xi32>
          %parallel_loop3A_535 = arith.remsi %parallel_loop3A_532, %parallel_loop3A_534 : vector<16xi32>
          %parallel_loop3A_536 = arith.constant 64 : i32
          %parallel_loop3A_537 = vector.broadcast %parallel_loop3A_536 : i32 to vector<16xi32>
          %parallel_loop3A_538 = arith.addi %parallel_loop3A_535, %parallel_loop3A_537 : vector<16xi32>
          %parallel_loop3A_539 = tpu.vector_load_idx %arg13[%parallel_loop3A_215, %parallel_loop3A_535] : memref<256x128xf32, #tpu.memory_space<vmem>>[vector<16xi32>, vector<16xi32>], vector<16xf32>,
          %parallel_loop3A_540 = tpu.vector_load_idx %arg15[%parallel_loop3A_535, %parallel_loop3A_215] : memref<26x256xf32, #tpu.memory_space<vmem>>[vector<16xi32>, vector<16xi32>], vector<16xf32>,
          %parallel_loop3A_541 = arith.mulf %parallel_loop3A_539, %parallel_loop3A_540 : vector<16xf32>
          %parallel_loop3A_542 = tpu.vector_load_idx %arg13[%parallel_loop3A_215, %parallel_loop3A_538] : memref<256x128xf32, #tpu.memory_space<vmem>>[vector<16xi32>, vector<16xi32>], vector<16xf32>,
          %parallel_loop3A_543 = tpu.vector_load_idx %arg17[%parallel_loop3A_535, %parallel_loop3A_215] : memref<26x256xf32, #tpu.memory_space<vmem>>[vector<16xi32>, vector<16xi32>], vector<16xf32>,
          %parallel_loop3A_544 = arith.mulf %parallel_loop3A_542, %parallel_loop3A_543 : vector<16xf32>
          %parallel_loop3A_545 = arith.addf %parallel_loop3A_511, %parallel_loop3A_541 : vector<16xf32>
          %parallel_loop3A_546 = arith.addf %parallel_loop3A_512, %parallel_loop3A_544 : vector<16xf32>
          %parallel_loop3A_547 = arith.constant 19 : i32
          %parallel_loop3A_548 = vector.broadcast %parallel_loop3A_547 : i32 to vector<16xi32>
          %parallel_loop3A_549 = arith.addi %iota3A, %parallel_loop3A_548 : vector<16xi32>
          %parallel_loop3A_550 = arith.constant 26 : i32
          %parallel_loop3A_551 = vector.broadcast %parallel_loop3A_550 : i32 to vector<16xi32>
          %parallel_loop3A_552 = arith.remsi %parallel_loop3A_549, %parallel_loop3A_551 : vector<16xi32>
          %parallel_loop3A_553 = arith.constant 64 : i32
          %parallel_loop3A_554 = vector.broadcast %parallel_loop3A_553 : i32 to vector<16xi32>
          %parallel_loop3A_555 = arith.addi %parallel_loop3A_552, %parallel_loop3A_554 : vector<16xi32>
          %parallel_loop3A_556 = tpu.vector_load_idx %arg13[%parallel_loop3A_215, %parallel_loop3A_552] : memref<256x128xf32, #tpu.memory_space<vmem>>[vector<16xi32>, vector<16xi32>], vector<16xf32>,
          %parallel_loop3A_557 = tpu.vector_load_idx %arg15[%parallel_loop3A_552, %parallel_loop3A_215] : memref<26x256xf32, #tpu.memory_space<vmem>>[vector<16xi32>, vector<16xi32>], vector<16xf32>,
          %parallel_loop3A_558 = arith.mulf %parallel_loop3A_556, %parallel_loop3A_557 : vector<16xf32>
          %parallel_loop3A_559 = tpu.vector_load_idx %arg13[%parallel_loop3A_215, %parallel_loop3A_555] : memref<256x128xf32, #tpu.memory_space<vmem>>[vector<16xi32>, vector<16xi32>], vector<16xf32>,
          %parallel_loop3A_560 = tpu.vector_load_idx %arg17[%parallel_loop3A_552, %parallel_loop3A_215] : memref<26x256xf32, #tpu.memory_space<vmem>>[vector<16xi32>, vector<16xi32>], vector<16xf32>,
          %parallel_loop3A_561 = arith.mulf %parallel_loop3A_559, %parallel_loop3A_560 : vector<16xf32>
          %parallel_loop3A_562 = arith.addf %parallel_loop3A_528, %parallel_loop3A_558 : vector<16xf32>
          %parallel_loop3A_563 = arith.addf %parallel_loop3A_529, %parallel_loop3A_561 : vector<16xf32>
          %parallel_loop3A_564 = arith.constant 20 : i32
          %parallel_loop3A_565 = vector.broadcast %parallel_loop3A_564 : i32 to vector<16xi32>
          %parallel_loop3A_566 = arith.addi %iota3A, %parallel_loop3A_565 : vector<16xi32>
          %parallel_loop3A_567 = arith.constant 26 : i32
          %parallel_loop3A_568 = vector.broadcast %parallel_loop3A_567 : i32 to vector<16xi32>
          %parallel_loop3A_569 = arith.remsi %parallel_loop3A_566, %parallel_loop3A_568 : vector<16xi32>
          %parallel_loop3A_570 = arith.constant 64 : i32
          %parallel_loop3A_571 = vector.broadcast %parallel_loop3A_570 : i32 to vector<16xi32>
          %parallel_loop3A_572 = arith.addi %parallel_loop3A_569, %parallel_loop3A_571 : vector<16xi32>
          %parallel_loop3A_573 = tpu.vector_load_idx %arg13[%parallel_loop3A_215, %parallel_loop3A_569] : memref<256x128xf32, #tpu.memory_space<vmem>>[vector<16xi32>, vector<16xi32>], vector<16xf32>,
          %parallel_loop3A_574 = tpu.vector_load_idx %arg15[%parallel_loop3A_569, %parallel_loop3A_215] : memref<26x256xf32, #tpu.memory_space<vmem>>[vector<16xi32>, vector<16xi32>], vector<16xf32>,
          %parallel_loop3A_575 = arith.mulf %parallel_loop3A_573, %parallel_loop3A_574 : vector<16xf32>
          %parallel_loop3A_576 = tpu.vector_load_idx %arg13[%parallel_loop3A_215, %parallel_loop3A_572] : memref<256x128xf32, #tpu.memory_space<vmem>>[vector<16xi32>, vector<16xi32>], vector<16xf32>,
          %parallel_loop3A_577 = tpu.vector_load_idx %arg17[%parallel_loop3A_569, %parallel_loop3A_215] : memref<26x256xf32, #tpu.memory_space<vmem>>[vector<16xi32>, vector<16xi32>], vector<16xf32>,
          %parallel_loop3A_578 = arith.mulf %parallel_loop3A_576, %parallel_loop3A_577 : vector<16xf32>
          %parallel_loop3A_579 = arith.addf %parallel_loop3A_545, %parallel_loop3A_575 : vector<16xf32>
          %parallel_loop3A_580 = arith.addf %parallel_loop3A_546, %parallel_loop3A_578 : vector<16xf32>
          %parallel_loop3A_581 = arith.constant 21 : i32
          %parallel_loop3A_582 = vector.broadcast %parallel_loop3A_581 : i32 to vector<16xi32>
          %parallel_loop3A_583 = arith.addi %iota3A, %parallel_loop3A_582 : vector<16xi32>
          %parallel_loop3A_584 = arith.constant 26 : i32
          %parallel_loop3A_585 = vector.broadcast %parallel_loop3A_584 : i32 to vector<16xi32>
          %parallel_loop3A_586 = arith.remsi %parallel_loop3A_583, %parallel_loop3A_585 : vector<16xi32>
          %parallel_loop3A_587 = arith.constant 64 : i32
          %parallel_loop3A_588 = vector.broadcast %parallel_loop3A_587 : i32 to vector<16xi32>
          %parallel_loop3A_589 = arith.addi %parallel_loop3A_586, %parallel_loop3A_588 : vector<16xi32>
          %parallel_loop3A_590 = tpu.vector_load_idx %arg13[%parallel_loop3A_215, %parallel_loop3A_586] : memref<256x128xf32, #tpu.memory_space<vmem>>[vector<16xi32>, vector<16xi32>], vector<16xf32>,
          %parallel_loop3A_591 = tpu.vector_load_idx %arg15[%parallel_loop3A_586, %parallel_loop3A_215] : memref<26x256xf32, #tpu.memory_space<vmem>>[vector<16xi32>, vector<16xi32>], vector<16xf32>,
          %parallel_loop3A_592 = arith.mulf %parallel_loop3A_590, %parallel_loop3A_591 : vector<16xf32>
          %parallel_loop3A_593 = tpu.vector_load_idx %arg13[%parallel_loop3A_215, %parallel_loop3A_589] : memref<256x128xf32, #tpu.memory_space<vmem>>[vector<16xi32>, vector<16xi32>], vector<16xf32>,
          %parallel_loop3A_594 = tpu.vector_load_idx %arg17[%parallel_loop3A_586, %parallel_loop3A_215] : memref<26x256xf32, #tpu.memory_space<vmem>>[vector<16xi32>, vector<16xi32>], vector<16xf32>,
          %parallel_loop3A_595 = arith.mulf %parallel_loop3A_593, %parallel_loop3A_594 : vector<16xf32>
          %parallel_loop3A_596 = arith.addf %parallel_loop3A_562, %parallel_loop3A_592 : vector<16xf32>
          %parallel_loop3A_597 = arith.addf %parallel_loop3A_563, %parallel_loop3A_595 : vector<16xf32>
          %parallel_loop3A_598 = arith.constant 22 : i32
          %parallel_loop3A_599 = vector.broadcast %parallel_loop3A_598 : i32 to vector<16xi32>
          %parallel_loop3A_600 = arith.addi %iota3A, %parallel_loop3A_599 : vector<16xi32>
          %parallel_loop3A_601 = arith.constant 26 : i32
          %parallel_loop3A_602 = vector.broadcast %parallel_loop3A_601 : i32 to vector<16xi32>
          %parallel_loop3A_603 = arith.remsi %parallel_loop3A_600, %parallel_loop3A_602 : vector<16xi32>
          %parallel_loop3A_604 = arith.constant 64 : i32
          %parallel_loop3A_605 = vector.broadcast %parallel_loop3A_604 : i32 to vector<16xi32>
          %parallel_loop3A_606 = arith.addi %parallel_loop3A_603, %parallel_loop3A_605 : vector<16xi32>
          %parallel_loop3A_607 = tpu.vector_load_idx %arg13[%parallel_loop3A_215, %parallel_loop3A_603] : memref<256x128xf32, #tpu.memory_space<vmem>>[vector<16xi32>, vector<16xi32>], vector<16xf32>,
          %parallel_loop3A_608 = tpu.vector_load_idx %arg15[%parallel_loop3A_603, %parallel_loop3A_215] : memref<26x256xf32, #tpu.memory_space<vmem>>[vector<16xi32>, vector<16xi32>], vector<16xf32>,
          %parallel_loop3A_609 = arith.mulf %parallel_loop3A_607, %parallel_loop3A_608 : vector<16xf32>
          %parallel_loop3A_610 = tpu.vector_load_idx %arg13[%parallel_loop3A_215, %parallel_loop3A_606] : memref<256x128xf32, #tpu.memory_space<vmem>>[vector<16xi32>, vector<16xi32>], vector<16xf32>,
          %parallel_loop3A_611 = tpu.vector_load_idx %arg17[%parallel_loop3A_603, %parallel_loop3A_215] : memref<26x256xf32, #tpu.memory_space<vmem>>[vector<16xi32>, vector<16xi32>], vector<16xf32>,
          %parallel_loop3A_612 = arith.mulf %parallel_loop3A_610, %parallel_loop3A_611 : vector<16xf32>
          %parallel_loop3A_613 = arith.addf %parallel_loop3A_579, %parallel_loop3A_609 : vector<16xf32>
          %parallel_loop3A_614 = arith.addf %parallel_loop3A_580, %parallel_loop3A_612 : vector<16xf32>
          %parallel_loop3A_615 = arith.constant 23 : i32
          %parallel_loop3A_616 = vector.broadcast %parallel_loop3A_615 : i32 to vector<16xi32>
          %parallel_loop3A_617 = arith.addi %iota3A, %parallel_loop3A_616 : vector<16xi32>
          %parallel_loop3A_618 = arith.constant 26 : i32
          %parallel_loop3A_619 = vector.broadcast %parallel_loop3A_618 : i32 to vector<16xi32>
          %parallel_loop3A_620 = arith.remsi %parallel_loop3A_617, %parallel_loop3A_619 : vector<16xi32>
          %parallel_loop3A_621 = arith.constant 64 : i32
          %parallel_loop3A_622 = vector.broadcast %parallel_loop3A_621 : i32 to vector<16xi32>
          %parallel_loop3A_623 = arith.addi %parallel_loop3A_620, %parallel_loop3A_622 : vector<16xi32>
          %parallel_loop3A_624 = tpu.vector_load_idx %arg13[%parallel_loop3A_215, %parallel_loop3A_620] : memref<256x128xf32, #tpu.memory_space<vmem>>[vector<16xi32>, vector<16xi32>], vector<16xf32>,
          %parallel_loop3A_625 = tpu.vector_load_idx %arg15[%parallel_loop3A_620, %parallel_loop3A_215] : memref<26x256xf32, #tpu.memory_space<vmem>>[vector<16xi32>, vector<16xi32>], vector<16xf32>,
          %parallel_loop3A_626 = arith.mulf %parallel_loop3A_624, %parallel_loop3A_625 : vector<16xf32>
          %parallel_loop3A_627 = tpu.vector_load_idx %arg13[%parallel_loop3A_215, %parallel_loop3A_623] : memref<256x128xf32, #tpu.memory_space<vmem>>[vector<16xi32>, vector<16xi32>], vector<16xf32>,
          %parallel_loop3A_628 = tpu.vector_load_idx %arg17[%parallel_loop3A_620, %parallel_loop3A_215] : memref<26x256xf32, #tpu.memory_space<vmem>>[vector<16xi32>, vector<16xi32>], vector<16xf32>,
          %parallel_loop3A_629 = arith.mulf %parallel_loop3A_627, %parallel_loop3A_628 : vector<16xf32>
          %parallel_loop3A_630 = arith.addf %parallel_loop3A_596, %parallel_loop3A_626 : vector<16xf32>
          %parallel_loop3A_631 = arith.addf %parallel_loop3A_597, %parallel_loop3A_629 : vector<16xf32>
          %parallel_loop3A_632 = arith.constant 24 : i32
          %parallel_loop3A_633 = vector.broadcast %parallel_loop3A_632 : i32 to vector<16xi32>
          %parallel_loop3A_634 = arith.addi %iota3A, %parallel_loop3A_633 : vector<16xi32>
          %parallel_loop3A_635 = arith.constant 26 : i32
          %parallel_loop3A_636 = vector.broadcast %parallel_loop3A_635 : i32 to vector<16xi32>
          %parallel_loop3A_637 = arith.remsi %parallel_loop3A_634, %parallel_loop3A_636 : vector<16xi32>
          %parallel_loop3A_638 = arith.constant 64 : i32
          %parallel_loop3A_639 = vector.broadcast %parallel_loop3A_638 : i32 to vector<16xi32>
          %parallel_loop3A_640 = arith.addi %parallel_loop3A_637, %parallel_loop3A_639 : vector<16xi32>
          %parallel_loop3A_641 = tpu.vector_load_idx %arg13[%parallel_loop3A_215, %parallel_loop3A_637] : memref<256x128xf32, #tpu.memory_space<vmem>>[vector<16xi32>, vector<16xi32>], vector<16xf32>,
          %parallel_loop3A_642 = tpu.vector_load_idx %arg15[%parallel_loop3A_637, %parallel_loop3A_215] : memref<26x256xf32, #tpu.memory_space<vmem>>[vector<16xi32>, vector<16xi32>], vector<16xf32>,
          %parallel_loop3A_643 = arith.mulf %parallel_loop3A_641, %parallel_loop3A_642 : vector<16xf32>
          %parallel_loop3A_644 = tpu.vector_load_idx %arg13[%parallel_loop3A_215, %parallel_loop3A_640] : memref<256x128xf32, #tpu.memory_space<vmem>>[vector<16xi32>, vector<16xi32>], vector<16xf32>,
          %parallel_loop3A_645 = tpu.vector_load_idx %arg17[%parallel_loop3A_637, %parallel_loop3A_215] : memref<26x256xf32, #tpu.memory_space<vmem>>[vector<16xi32>, vector<16xi32>], vector<16xf32>,
          %parallel_loop3A_646 = arith.mulf %parallel_loop3A_644, %parallel_loop3A_645 : vector<16xf32>
          %parallel_loop3A_647 = arith.addf %parallel_loop3A_613, %parallel_loop3A_643 : vector<16xf32>
          %parallel_loop3A_648 = arith.addf %parallel_loop3A_614, %parallel_loop3A_646 : vector<16xf32>
          %parallel_loop3A_649 = arith.constant 25 : i32
          %parallel_loop3A_650 = vector.broadcast %parallel_loop3A_649 : i32 to vector<16xi32>
          %parallel_loop3A_651 = arith.addi %iota3A, %parallel_loop3A_650 : vector<16xi32>
          %parallel_loop3A_652 = arith.constant 26 : i32
          %parallel_loop3A_653 = vector.broadcast %parallel_loop3A_652 : i32 to vector<16xi32>
          %parallel_loop3A_654 = arith.remsi %parallel_loop3A_651, %parallel_loop3A_653 : vector<16xi32>
          %parallel_loop3A_655 = arith.constant 64 : i32
          %parallel_loop3A_656 = vector.broadcast %parallel_loop3A_655 : i32 to vector<16xi32>
          %parallel_loop3A_657 = arith.addi %parallel_loop3A_654, %parallel_loop3A_656 : vector<16xi32>
          %parallel_loop3A_658 = tpu.vector_load_idx %arg13[%parallel_loop3A_215, %parallel_loop3A_654] : memref<256x128xf32, #tpu.memory_space<vmem>>[vector<16xi32>, vector<16xi32>], vector<16xf32>,
          %parallel_loop3A_659 = tpu.vector_load_idx %arg15[%parallel_loop3A_654, %parallel_loop3A_215] : memref<26x256xf32, #tpu.memory_space<vmem>>[vector<16xi32>, vector<16xi32>], vector<16xf32>,
          %parallel_loop3A_660 = arith.mulf %parallel_loop3A_658, %parallel_loop3A_659 : vector<16xf32>
          %parallel_loop3A_661 = tpu.vector_load_idx %arg13[%parallel_loop3A_215, %parallel_loop3A_657] : memref<256x128xf32, #tpu.memory_space<vmem>>[vector<16xi32>, vector<16xi32>], vector<16xf32>,
          %parallel_loop3A_662 = tpu.vector_load_idx %arg17[%parallel_loop3A_654, %parallel_loop3A_215] : memref<26x256xf32, #tpu.memory_space<vmem>>[vector<16xi32>, vector<16xi32>], vector<16xf32>,
          %parallel_loop3A_663 = arith.mulf %parallel_loop3A_661, %parallel_loop3A_662 : vector<16xf32>
          %parallel_loop3A_664 = arith.addf %parallel_loop3A_630, %parallel_loop3A_660 : vector<16xf32>
          %parallel_loop3A_665 = arith.addf %parallel_loop3A_631, %parallel_loop3A_663 : vector<16xf32>
          %parallel_loop3A_666 = arith.addf %parallel_loop3A_647, %parallel_loop3A_664 : vector<16xf32>
          %parallel_loop3A_667 = arith.addf %parallel_loop3A_648, %parallel_loop3A_665 : vector<16xf32>
          %parallel_loop3A_668 = math.exp %parallel_loop3A_666 : vector<16xf32>
          %parallel_loop3A_669 = arith.constant 1.000000e+06 : f32
          %parallel_loop3A_670 = vector.broadcast %parallel_loop3A_669 : f32 to vector<16xf32>
          %parallel_loop3A_671 = arith.minimumf %parallel_loop3A_668, %parallel_loop3A_670 : vector<16xf32>
          %parallel_loop3A_672 = arith.constant 4.000000e+00 : f32
          %parallel_loop3A_673 = vector.broadcast %parallel_loop3A_672 : f32 to vector<16xf32>
          %parallel_loop3A_674 = arith.subf %parallel_loop3A_673, %parallel_loop3A_667 : vector<16xf32>
          %parallel_loop3A_675 = math.exp %parallel_loop3A_674 : vector<16xf32>
          %parallel_loop3A_676 = arith.constant 1.000000e+00 : f32
          %parallel_loop3A_677 = vector.broadcast %parallel_loop3A_676 : f32 to vector<16xf32>
          %parallel_loop3A_678 = arith.addf %parallel_loop3A_677, %parallel_loop3A_675 : vector<16xf32>
          %parallel_loop3A_679 = arith.constant 1.000000e+00 : f32
          %parallel_loop3A_680 = vector.broadcast %parallel_loop3A_679 : f32 to vector<16xf32>
          %parallel_loop3A_681 = arith.divf %parallel_loop3A_680, %parallel_loop3A_678 : vector<16xf32>
          %parallel_loop3A_682 = arith.constant 9.99999997E-7 : f32
          %parallel_loop3A_683 = arith.constant 0.999998986 : f32
          %parallel_loop3A_684 = vector.broadcast %parallel_loop3A_682 : f32 to vector<16xf32>
          %parallel_loop3A_685 = arith.maximumf %parallel_loop3A_684, %parallel_loop3A_681 : vector<16xf32>
          %parallel_loop3A_686 = vector.broadcast %parallel_loop3A_683 : f32 to vector<16xf32>
          %parallel_loop3A_687 = arith.minimumf %parallel_loop3A_686, %parallel_loop3A_685 : vector<16xf32>
          %parallel_loop3A_688 = arith.constant 16 : i32
          %parallel_loop3A_689 = arith.muli %parallel_loop3A_211, %parallel_loop3A_688 : i32
          %parallel_loop3A_690 = arith.constant 16 : i32
          %parallel_loop3A_691 = arith.muli %parallel_loop3A_211, %parallel_loop3A_690 : i32
          %parallel_loop3A_692 = arith.addi %sub3A, %parallel_loop3A_691 : i32
          %parallel_loop3A_693 = arith.index_cast %parallel_loop3A_689 : i32 to index
          %parallel_loop3A_694 = tpu.vector_load %arg19[%parallel_loop3A_693] {strides = array<i32>} : memref<256xf32, #tpu.memory_space<vmem>>, vector<16xf32>,
          %parallel_loop3A_695 = arith.index_cast %parallel_loop3A_689 : i32 to index
          %parallel_loop3A_696 = tpu.vector_load %arg21[%parallel_loop3A_695] {strides = array<i32>} : memref<256xf32, #tpu.memory_space<vmem>>, vector<16xf32>,
          %parallel_loop3A_697 = arith.index_cast %parallel_loop3A_692 : i32 to index
          %parallel_loop3A_698 = tpu.vector_load %arg23[%parallel_loop3A_697] {strides = array<i32>} : memref<2048xf32, #tpu.memory_space<vmem>>, vector<16xf32>,
          tpu.vector_store %arg23[%parallel_loop3A_697], %parallel_loop3A_687 {strides = array<i32>} : memref<2048xf32, #tpu.memory_space<vmem>>, vector<16xf32>,
          %parallel_loop3A_699 = arith.index_cast %parallel_loop3A_692 : i32 to index
          %parallel_loop3A_700 = tpu.vector_load %arg24[%parallel_loop3A_699] {strides = array<i32>} : memref<2048xf32, #tpu.memory_space<vmem>>, vector<16xf32>,
          tpu.vector_store %arg24[%parallel_loop3A_699], %parallel_loop3A_671 {strides = array<i32>} : memref<2048xf32, #tpu.memory_space<vmem>>, vector<16xf32>,
          %parallel_loop3A_701 = arith.mulf %parallel_loop3A_694, %parallel_loop3A_671 : vector<16xf32>
          %parallel_loop3A_702 = arith.mulf %parallel_loop3A_696, %parallel_loop3A_687 : vector<16xf32>
          %parallel_loop3A_703 = arith.constant 1.000000e+00 : f32
          %parallel_loop3A_704 = vector.broadcast %parallel_loop3A_703 : f32 to vector<16xf32>
          %parallel_loop3A_705 = arith.subf %parallel_loop3A_704, %parallel_loop3A_702 : vector<16xf32>
          %parallel_loop3A_706 = arith.mulf %parallel_loop3A_701, %parallel_loop3A_705 : vector<16xf32>
          %parallel_loop3A_707 = arith.index_cast %parallel_loop3A_692 : i32 to index
          %parallel_loop3A_708 = tpu.vector_load %arg25[%parallel_loop3A_707] {strides = array<i32>} : memref<2048xf32, #tpu.memory_space<vmem>>, vector<16xf32>,
          tpu.vector_store %arg25[%parallel_loop3A_707], %parallel_loop3A_706 {strides = array<i32>} : memref<2048xf32, #tpu.memory_space<vmem>>, vector<16xf32>,
        } {sc.loop_unroll_factor = 1 : i64, sc.parallel_access}
        %add3A_134 = arith.constant 2 : i32
        %add3A_135 = arith.addi %mul3A_99, %add3A_134 : i32
        %min3A = arith.constant 63 : i32
        %min3A_136 = arith.minsi %add3A_135, %min3A : i32
        %mul3A_137 = arith.constant 256 : i32
        %mul3A_138 = arith.muli %min3A_136, %mul3A_137 : i32
        %add3A_139 = arith.addi %mul3A_2, %mul3A_138 : i32
        %dma_start3A_140 = tpu.memref_slice %arg2[%add3A_139] : memref<524288xi32, #tpu.memory_space<hbm>> -> memref<256xi32, #tpu.memory_space<hbm>>
        %dma_start3A_141 = tpu.memref_slice %arg2[%add3A_139] : memref<524288xi32, #tpu.memory_space<hbm>> -> memref<256xi32, #tpu.memory_space<hbm>>
        tpu.enqueue_dma source(%dma_start3A_141 : memref<256xi32, #tpu.memory_space<hbm>>) target(%arg11 : memref<256xi32, #tpu.memory_space<vmem>>) target_semaphore(%arg26 : memref<!tpu.dma_semaphore, #tpu.memory_space<semaphore_mem>>)
        %dma_start3A_142 = arith.constant 0 : i32
        %dma_start3A_143 = tpu.memref_slice %arg4[%dma_start3A_142, %add3A_139] : memref<26x524288xf32, #tpu.memory_space<hbm>> -> memref<26x256xf32, #tpu.memory_space<hbm>>
        %dma_start3A_144 = arith.constant 0 : i32
        %dma_start3A_145 = tpu.memref_slice %arg4[%dma_start3A_144, %add3A_139] : memref<26x524288xf32, #tpu.memory_space<hbm>> -> memref<26x256xf32, #tpu.memory_space<hbm>>
        tpu.enqueue_dma source(%dma_start3A_145 : memref<26x256xf32, #tpu.memory_space<hbm>>) target(%arg15 : memref<26x256xf32, #tpu.memory_space<vmem>>) target_semaphore(%arg28 : memref<!tpu.dma_semaphore, #tpu.memory_space<semaphore_mem>>)
        %dma_start3A_146 = arith.constant 0 : i32
        %dma_start3A_147 = tpu.memref_slice %arg5[%dma_start3A_146, %add3A_139] : memref<26x524288xf32, #tpu.memory_space<hbm>> -> memref<26x256xf32, #tpu.memory_space<hbm>>
        %dma_start3A_148 = arith.constant 0 : i32
        %dma_start3A_149 = tpu.memref_slice %arg5[%dma_start3A_148, %add3A_139] : memref<26x524288xf32, #tpu.memory_space<hbm>> -> memref<26x256xf32, #tpu.memory_space<hbm>>
        tpu.enqueue_dma source(%dma_start3A_149 : memref<26x256xf32, #tpu.memory_space<hbm>>) target(%arg17 : memref<26x256xf32, #tpu.memory_space<vmem>>) target_semaphore(%arg28 : memref<!tpu.dma_semaphore, #tpu.memory_space<semaphore_mem>>)
        %dma_start3A_150 = tpu.memref_slice %arg6[%add3A_139] : memref<524288xf32, #tpu.memory_space<hbm>> -> memref<256xf32, #tpu.memory_space<hbm>>
        %dma_start3A_151 = tpu.memref_slice %arg6[%add3A_139] : memref<524288xf32, #tpu.memory_space<hbm>> -> memref<256xf32, #tpu.memory_space<hbm>>
        tpu.enqueue_dma source(%dma_start3A_151 : memref<256xf32, #tpu.memory_space<hbm>>) target(%arg19 : memref<256xf32, #tpu.memory_space<vmem>>) target_semaphore(%arg28 : memref<!tpu.dma_semaphore, #tpu.memory_space<semaphore_mem>>)
        %dma_start3A_152 = tpu.memref_slice %arg7[%add3A_139] : memref<524288xf32, #tpu.memory_space<hbm>> -> memref<256xf32, #tpu.memory_space<hbm>>
        %dma_start3A_153 = tpu.memref_slice %arg7[%add3A_139] : memref<524288xf32, #tpu.memory_space<hbm>> -> memref<256xf32, #tpu.memory_space<hbm>>
        tpu.enqueue_dma source(%dma_start3A_153 : memref<256xf32, #tpu.memory_space<hbm>>) target(%arg21 : memref<256xf32, #tpu.memory_space<vmem>>) target_semaphore(%arg28 : memref<!tpu.dma_semaphore, #tpu.memory_space<semaphore_mem>>)
        %dma_wait3A_154 = arith.constant 0 : i32
        %dma_wait3A_155 = arith.constant 0 : i32
        %dma_wait3A_156 = tpu.memref_slice %arg3[%dma_wait3A_154, %dma_wait3A_155] : memref<100000x128xf32, #tpu.memory_space<hbm>> -> memref<100000x128xf32, #tpu.memory_space<hbm>>
        tpu.wait_indirect_dma semaphore(%arg31 : memref<!tpu.dma_semaphore, #tpu.memory_space<semaphore_mem>>) src(%dma_wait3A_156 : memref<100000x128xf32, #tpu.memory_space<hbm>>) dst(%arg14 : memref<256x128xf32, #tpu.memory_space<vmem>>)
        %mul3A_157 = arith.constant 256 : i32
        %mul3A_158 = arith.muli %add3A_103, %mul3A_157 : i32
        %add3A_159 = arith.addi %mul3A_2, %mul3A_158 : i32
        %dma_wait3A_160 = arith.constant 0 : i32
        %dma_wait3A_161 = tpu.memref_slice %arg4[%dma_wait3A_160, %add3A_159] : memref<26x524288xf32, #tpu.memory_space<hbm>> -> memref<26x256xf32, #tpu.memory_space<hbm>>
        %dma_wait3A_162 = arith.constant 0 : i32
        %dma_wait3A_163 = tpu.memref_slice %arg4[%dma_wait3A_162, %add3A_159] : memref<26x524288xf32, #tpu.memory_space<hbm>> -> memref<26x256xf32, #tpu.memory_space<hbm>>
        tpu.wait_dma2 semaphore(%arg29 : memref<!tpu.dma_semaphore, #tpu.memory_space<semaphore_mem>>) src(%dma_wait3A_163 : memref<26x256xf32, #tpu.memory_space<hbm>>) dst(%arg16 : memref<26x256xf32, #tpu.memory_space<vmem>>)
        %dma_wait3A_164 = arith.constant 0 : i32
        %dma_wait3A_165 = tpu.memref_slice %arg5[%dma_wait3A_164, %add3A_159] : memref<26x524288xf32, #tpu.memory_space<hbm>> -> memref<26x256xf32, #tpu.memory_space<hbm>>
        %dma_wait3A_166 = arith.constant 0 : i32
        %dma_wait3A_167 = tpu.memref_slice %arg5[%dma_wait3A_166, %add3A_159] : memref<26x524288xf32, #tpu.memory_space<hbm>> -> memref<26x256xf32, #tpu.memory_space<hbm>>
        tpu.wait_dma2 semaphore(%arg29 : memref<!tpu.dma_semaphore, #tpu.memory_space<semaphore_mem>>) src(%dma_wait3A_167 : memref<26x256xf32, #tpu.memory_space<hbm>>) dst(%arg18 : memref<26x256xf32, #tpu.memory_space<vmem>>)
        %dma_wait3A_168 = tpu.memref_slice %arg6[%add3A_159] : memref<524288xf32, #tpu.memory_space<hbm>> -> memref<256xf32, #tpu.memory_space<hbm>>
        %dma_wait3A_169 = tpu.memref_slice %arg6[%add3A_159] : memref<524288xf32, #tpu.memory_space<hbm>> -> memref<256xf32, #tpu.memory_space<hbm>>
        tpu.wait_dma2 semaphore(%arg29 : memref<!tpu.dma_semaphore, #tpu.memory_space<semaphore_mem>>) src(%dma_wait3A_169 : memref<256xf32, #tpu.memory_space<hbm>>) dst(%arg20 : memref<256xf32, #tpu.memory_space<vmem>>)
        %dma_wait3A_170 = tpu.memref_slice %arg7[%add3A_159] : memref<524288xf32, #tpu.memory_space<hbm>> -> memref<256xf32, #tpu.memory_space<hbm>>
        %dma_wait3A_171 = tpu.memref_slice %arg7[%add3A_159] : memref<524288xf32, #tpu.memory_space<hbm>> -> memref<256xf32, #tpu.memory_space<hbm>>
        tpu.wait_dma2 semaphore(%arg29 : memref<!tpu.dma_semaphore, #tpu.memory_space<semaphore_mem>>) src(%dma_wait3A_171 : memref<256xf32, #tpu.memory_space<hbm>>) dst(%arg22 : memref<256xf32, #tpu.memory_space<vmem>>)
        %mul3A_172 = arith.constant 256 : i32
        %mul3A_173 = arith.muli %add3A_103, %mul3A_172 : i32
        %sub3A_174 = arith.subi %mul3A_173, %mul3A_82 : i32
        %parallel_loop3A_175 = arith.constant 0 : i32
        %parallel_loop3A_176 = arith.constant 16 : i32
        %parallel_loop3A_177 = arith.constant 1 : i32
        scf.for %parallel_loop3A_211 = %parallel_loop3A_175 to %parallel_loop3A_176 step %parallel_loop3A_177  : i32 {
          %parallel_loop3A_212 = arith.constant 16 : i32
          %parallel_loop3A_213 = arith.muli %parallel_loop3A_211, %parallel_loop3A_212 : i32
          %parallel_loop3A_214 = vector.broadcast %parallel_loop3A_213 : i32 to vector<16xi32>
          %parallel_loop3A_215 = arith.addi %parallel_loop3A_214, %iota3A : vector<16xi32>
          %parallel_loop3A_216 = arith.constant 0.000000e+00 : f32
          %parallel_loop3A_217 = vector.broadcast %parallel_loop3A_216 : f32 to vector<16xf32>
          %parallel_loop3A_218 = arith.constant 0.000000e+00 : f32
          %parallel_loop3A_219 = vector.broadcast %parallel_loop3A_218 : f32 to vector<16xf32>
          %parallel_loop3A_220 = arith.constant 0.000000e+00 : f32
          %parallel_loop3A_221 = vector.broadcast %parallel_loop3A_220 : f32 to vector<16xf32>
          %parallel_loop3A_222 = arith.constant 0.000000e+00 : f32
          %parallel_loop3A_223 = vector.broadcast %parallel_loop3A_222 : f32 to vector<16xf32>
          %parallel_loop3A_224 = arith.constant 0 : i32
          %parallel_loop3A_225 = vector.broadcast %parallel_loop3A_224 : i32 to vector<16xi32>
          %parallel_loop3A_226 = arith.addi %iota3A, %parallel_loop3A_225 : vector<16xi32>
          %parallel_loop3A_227 = arith.constant 26 : i32
          %parallel_loop3A_228 = vector.broadcast %parallel_loop3A_227 : i32 to vector<16xi32>
          %parallel_loop3A_229 = arith.remsi %parallel_loop3A_226, %parallel_loop3A_228 : vector<16xi32>
          %parallel_loop3A_230 = arith.constant 64 : i32
          %parallel_loop3A_231 = vector.broadcast %parallel_loop3A_230 : i32 to vector<16xi32>
          %parallel_loop3A_232 = arith.addi %parallel_loop3A_229, %parallel_loop3A_231 : vector<16xi32>
          %parallel_loop3A_233 = tpu.vector_load_idx %arg14[%parallel_loop3A_215, %parallel_loop3A_229] : memref<256x128xf32, #tpu.memory_space<vmem>>[vector<16xi32>, vector<16xi32>], vector<16xf32>,
          %parallel_loop3A_234 = tpu.vector_load_idx %arg16[%parallel_loop3A_229, %parallel_loop3A_215] : memref<26x256xf32, #tpu.memory_space<vmem>>[vector<16xi32>, vector<16xi32>], vector<16xf32>,
          %parallel_loop3A_235 = arith.mulf %parallel_loop3A_233, %parallel_loop3A_234 : vector<16xf32>
          %parallel_loop3A_236 = tpu.vector_load_idx %arg14[%parallel_loop3A_215, %parallel_loop3A_232] : memref<256x128xf32, #tpu.memory_space<vmem>>[vector<16xi32>, vector<16xi32>], vector<16xf32>,
          %parallel_loop3A_237 = tpu.vector_load_idx %arg18[%parallel_loop3A_229, %parallel_loop3A_215] : memref<26x256xf32, #tpu.memory_space<vmem>>[vector<16xi32>, vector<16xi32>], vector<16xf32>,
          %parallel_loop3A_238 = arith.mulf %parallel_loop3A_236, %parallel_loop3A_237 : vector<16xf32>
          %parallel_loop3A_239 = arith.addf %parallel_loop3A_217, %parallel_loop3A_235 : vector<16xf32>
          %parallel_loop3A_240 = arith.addf %parallel_loop3A_221, %parallel_loop3A_238 : vector<16xf32>
          %parallel_loop3A_241 = arith.constant 1 : i32
          %parallel_loop3A_242 = vector.broadcast %parallel_loop3A_241 : i32 to vector<16xi32>
          %parallel_loop3A_243 = arith.addi %iota3A, %parallel_loop3A_242 : vector<16xi32>
          %parallel_loop3A_244 = arith.constant 26 : i32
          %parallel_loop3A_245 = vector.broadcast %parallel_loop3A_244 : i32 to vector<16xi32>
          %parallel_loop3A_246 = arith.remsi %parallel_loop3A_243, %parallel_loop3A_245 : vector<16xi32>
          %parallel_loop3A_247 = arith.constant 64 : i32
          %parallel_loop3A_248 = vector.broadcast %parallel_loop3A_247 : i32 to vector<16xi32>
          %parallel_loop3A_249 = arith.addi %parallel_loop3A_246, %parallel_loop3A_248 : vector<16xi32>
          %parallel_loop3A_250 = tpu.vector_load_idx %arg14[%parallel_loop3A_215, %parallel_loop3A_246] : memref<256x128xf32, #tpu.memory_space<vmem>>[vector<16xi32>, vector<16xi32>], vector<16xf32>,
          %parallel_loop3A_251 = tpu.vector_load_idx %arg16[%parallel_loop3A_246, %parallel_loop3A_215] : memref<26x256xf32, #tpu.memory_space<vmem>>[vector<16xi32>, vector<16xi32>], vector<16xf32>,
          %parallel_loop3A_252 = arith.mulf %parallel_loop3A_250, %parallel_loop3A_251 : vector<16xf32>
          %parallel_loop3A_253 = tpu.vector_load_idx %arg14[%parallel_loop3A_215, %parallel_loop3A_249] : memref<256x128xf32, #tpu.memory_space<vmem>>[vector<16xi32>, vector<16xi32>], vector<16xf32>,
          %parallel_loop3A_254 = tpu.vector_load_idx %arg18[%parallel_loop3A_246, %parallel_loop3A_215] : memref<26x256xf32, #tpu.memory_space<vmem>>[vector<16xi32>, vector<16xi32>], vector<16xf32>,
          %parallel_loop3A_255 = arith.mulf %parallel_loop3A_253, %parallel_loop3A_254 : vector<16xf32>
          %parallel_loop3A_256 = arith.addf %parallel_loop3A_219, %parallel_loop3A_252 : vector<16xf32>
          %parallel_loop3A_257 = arith.addf %parallel_loop3A_223, %parallel_loop3A_255 : vector<16xf32>
          %parallel_loop3A_258 = arith.constant 2 : i32
          %parallel_loop3A_259 = vector.broadcast %parallel_loop3A_258 : i32 to vector<16xi32>
          %parallel_loop3A_260 = arith.addi %iota3A, %parallel_loop3A_259 : vector<16xi32>
          %parallel_loop3A_261 = arith.constant 26 : i32
          %parallel_loop3A_262 = vector.broadcast %parallel_loop3A_261 : i32 to vector<16xi32>
          %parallel_loop3A_263 = arith.remsi %parallel_loop3A_260, %parallel_loop3A_262 : vector<16xi32>
          %parallel_loop3A_264 = arith.constant 64 : i32
          %parallel_loop3A_265 = vector.broadcast %parallel_loop3A_264 : i32 to vector<16xi32>
          %parallel_loop3A_266 = arith.addi %parallel_loop3A_263, %parallel_loop3A_265 : vector<16xi32>
          %parallel_loop3A_267 = tpu.vector_load_idx %arg14[%parallel_loop3A_215, %parallel_loop3A_263] : memref<256x128xf32, #tpu.memory_space<vmem>>[vector<16xi32>, vector<16xi32>], vector<16xf32>,
          %parallel_loop3A_268 = tpu.vector_load_idx %arg16[%parallel_loop3A_263, %parallel_loop3A_215] : memref<26x256xf32, #tpu.memory_space<vmem>>[vector<16xi32>, vector<16xi32>], vector<16xf32>,
          %parallel_loop3A_269 = arith.mulf %parallel_loop3A_267, %parallel_loop3A_268 : vector<16xf32>
          %parallel_loop3A_270 = tpu.vector_load_idx %arg14[%parallel_loop3A_215, %parallel_loop3A_266] : memref<256x128xf32, #tpu.memory_space<vmem>>[vector<16xi32>, vector<16xi32>], vector<16xf32>,
          %parallel_loop3A_271 = tpu.vector_load_idx %arg18[%parallel_loop3A_263, %parallel_loop3A_215] : memref<26x256xf32, #tpu.memory_space<vmem>>[vector<16xi32>, vector<16xi32>], vector<16xf32>,
          %parallel_loop3A_272 = arith.mulf %parallel_loop3A_270, %parallel_loop3A_271 : vector<16xf32>
          %parallel_loop3A_273 = arith.addf %parallel_loop3A_239, %parallel_loop3A_269 : vector<16xf32>
          %parallel_loop3A_274 = arith.addf %parallel_loop3A_240, %parallel_loop3A_272 : vector<16xf32>
          %parallel_loop3A_275 = arith.constant 3 : i32
          %parallel_loop3A_276 = vector.broadcast %parallel_loop3A_275 : i32 to vector<16xi32>
          %parallel_loop3A_277 = arith.addi %iota3A, %parallel_loop3A_276 : vector<16xi32>
          %parallel_loop3A_278 = arith.constant 26 : i32
          %parallel_loop3A_279 = vector.broadcast %parallel_loop3A_278 : i32 to vector<16xi32>
          %parallel_loop3A_280 = arith.remsi %parallel_loop3A_277, %parallel_loop3A_279 : vector<16xi32>
          %parallel_loop3A_281 = arith.constant 64 : i32
          %parallel_loop3A_282 = vector.broadcast %parallel_loop3A_281 : i32 to vector<16xi32>
          %parallel_loop3A_283 = arith.addi %parallel_loop3A_280, %parallel_loop3A_282 : vector<16xi32>
          %parallel_loop3A_284 = tpu.vector_load_idx %arg14[%parallel_loop3A_215, %parallel_loop3A_280] : memref<256x128xf32, #tpu.memory_space<vmem>>[vector<16xi32>, vector<16xi32>], vector<16xf32>,
          %parallel_loop3A_285 = tpu.vector_load_idx %arg16[%parallel_loop3A_280, %parallel_loop3A_215] : memref<26x256xf32, #tpu.memory_space<vmem>>[vector<16xi32>, vector<16xi32>], vector<16xf32>,
          %parallel_loop3A_286 = arith.mulf %parallel_loop3A_284, %parallel_loop3A_285 : vector<16xf32>
          %parallel_loop3A_287 = tpu.vector_load_idx %arg14[%parallel_loop3A_215, %parallel_loop3A_283] : memref<256x128xf32, #tpu.memory_space<vmem>>[vector<16xi32>, vector<16xi32>], vector<16xf32>,
          %parallel_loop3A_288 = tpu.vector_load_idx %arg18[%parallel_loop3A_280, %parallel_loop3A_215] : memref<26x256xf32, #tpu.memory_space<vmem>>[vector<16xi32>, vector<16xi32>], vector<16xf32>,
          %parallel_loop3A_289 = arith.mulf %parallel_loop3A_287, %parallel_loop3A_288 : vector<16xf32>
          %parallel_loop3A_290 = arith.addf %parallel_loop3A_256, %parallel_loop3A_286 : vector<16xf32>
          %parallel_loop3A_291 = arith.addf %parallel_loop3A_257, %parallel_loop3A_289 : vector<16xf32>
          %parallel_loop3A_292 = arith.constant 4 : i32
          %parallel_loop3A_293 = vector.broadcast %parallel_loop3A_292 : i32 to vector<16xi32>
          %parallel_loop3A_294 = arith.addi %iota3A, %parallel_loop3A_293 : vector<16xi32>
          %parallel_loop3A_295 = arith.constant 26 : i32
          %parallel_loop3A_296 = vector.broadcast %parallel_loop3A_295 : i32 to vector<16xi32>
          %parallel_loop3A_297 = arith.remsi %parallel_loop3A_294, %parallel_loop3A_296 : vector<16xi32>
          %parallel_loop3A_298 = arith.constant 64 : i32
          %parallel_loop3A_299 = vector.broadcast %parallel_loop3A_298 : i32 to vector<16xi32>
          %parallel_loop3A_300 = arith.addi %parallel_loop3A_297, %parallel_loop3A_299 : vector<16xi32>
          %parallel_loop3A_301 = tpu.vector_load_idx %arg14[%parallel_loop3A_215, %parallel_loop3A_297] : memref<256x128xf32, #tpu.memory_space<vmem>>[vector<16xi32>, vector<16xi32>], vector<16xf32>,
          %parallel_loop3A_302 = tpu.vector_load_idx %arg16[%parallel_loop3A_297, %parallel_loop3A_215] : memref<26x256xf32, #tpu.memory_space<vmem>>[vector<16xi32>, vector<16xi32>], vector<16xf32>,
          %parallel_loop3A_303 = arith.mulf %parallel_loop3A_301, %parallel_loop3A_302 : vector<16xf32>
          %parallel_loop3A_304 = tpu.vector_load_idx %arg14[%parallel_loop3A_215, %parallel_loop3A_300] : memref<256x128xf32, #tpu.memory_space<vmem>>[vector<16xi32>, vector<16xi32>], vector<16xf32>,
          %parallel_loop3A_305 = tpu.vector_load_idx %arg18[%parallel_loop3A_297, %parallel_loop3A_215] : memref<26x256xf32, #tpu.memory_space<vmem>>[vector<16xi32>, vector<16xi32>], vector<16xf32>,
          %parallel_loop3A_306 = arith.mulf %parallel_loop3A_304, %parallel_loop3A_305 : vector<16xf32>
          %parallel_loop3A_307 = arith.addf %parallel_loop3A_273, %parallel_loop3A_303 : vector<16xf32>
          %parallel_loop3A_308 = arith.addf %parallel_loop3A_274, %parallel_loop3A_306 : vector<16xf32>
          %parallel_loop3A_309 = arith.constant 5 : i32
          %parallel_loop3A_310 = vector.broadcast %parallel_loop3A_309 : i32 to vector<16xi32>
          %parallel_loop3A_311 = arith.addi %iota3A, %parallel_loop3A_310 : vector<16xi32>
          %parallel_loop3A_312 = arith.constant 26 : i32
          %parallel_loop3A_313 = vector.broadcast %parallel_loop3A_312 : i32 to vector<16xi32>
          %parallel_loop3A_314 = arith.remsi %parallel_loop3A_311, %parallel_loop3A_313 : vector<16xi32>
          %parallel_loop3A_315 = arith.constant 64 : i32
          %parallel_loop3A_316 = vector.broadcast %parallel_loop3A_315 : i32 to vector<16xi32>
          %parallel_loop3A_317 = arith.addi %parallel_loop3A_314, %parallel_loop3A_316 : vector<16xi32>
          %parallel_loop3A_318 = tpu.vector_load_idx %arg14[%parallel_loop3A_215, %parallel_loop3A_314] : memref<256x128xf32, #tpu.memory_space<vmem>>[vector<16xi32>, vector<16xi32>], vector<16xf32>,
          %parallel_loop3A_319 = tpu.vector_load_idx %arg16[%parallel_loop3A_314, %parallel_loop3A_215] : memref<26x256xf32, #tpu.memory_space<vmem>>[vector<16xi32>, vector<16xi32>], vector<16xf32>,
          %parallel_loop3A_320 = arith.mulf %parallel_loop3A_318, %parallel_loop3A_319 : vector<16xf32>
          %parallel_loop3A_321 = tpu.vector_load_idx %arg14[%parallel_loop3A_215, %parallel_loop3A_317] : memref<256x128xf32, #tpu.memory_space<vmem>>[vector<16xi32>, vector<16xi32>], vector<16xf32>,
          %parallel_loop3A_322 = tpu.vector_load_idx %arg18[%parallel_loop3A_314, %parallel_loop3A_215] : memref<26x256xf32, #tpu.memory_space<vmem>>[vector<16xi32>, vector<16xi32>], vector<16xf32>,
          %parallel_loop3A_323 = arith.mulf %parallel_loop3A_321, %parallel_loop3A_322 : vector<16xf32>
          %parallel_loop3A_324 = arith.addf %parallel_loop3A_290, %parallel_loop3A_320 : vector<16xf32>
          %parallel_loop3A_325 = arith.addf %parallel_loop3A_291, %parallel_loop3A_323 : vector<16xf32>
          %parallel_loop3A_326 = arith.constant 6 : i32
          %parallel_loop3A_327 = vector.broadcast %parallel_loop3A_326 : i32 to vector<16xi32>
          %parallel_loop3A_328 = arith.addi %iota3A, %parallel_loop3A_327 : vector<16xi32>
          %parallel_loop3A_329 = arith.constant 26 : i32
          %parallel_loop3A_330 = vector.broadcast %parallel_loop3A_329 : i32 to vector<16xi32>
          %parallel_loop3A_331 = arith.remsi %parallel_loop3A_328, %parallel_loop3A_330 : vector<16xi32>
          %parallel_loop3A_332 = arith.constant 64 : i32
          %parallel_loop3A_333 = vector.broadcast %parallel_loop3A_332 : i32 to vector<16xi32>
          %parallel_loop3A_334 = arith.addi %parallel_loop3A_331, %parallel_loop3A_333 : vector<16xi32>
          %parallel_loop3A_335 = tpu.vector_load_idx %arg14[%parallel_loop3A_215, %parallel_loop3A_331] : memref<256x128xf32, #tpu.memory_space<vmem>>[vector<16xi32>, vector<16xi32>], vector<16xf32>,
          %parallel_loop3A_336 = tpu.vector_load_idx %arg16[%parallel_loop3A_331, %parallel_loop3A_215] : memref<26x256xf32, #tpu.memory_space<vmem>>[vector<16xi32>, vector<16xi32>], vector<16xf32>,
          %parallel_loop3A_337 = arith.mulf %parallel_loop3A_335, %parallel_loop3A_336 : vector<16xf32>
          %parallel_loop3A_338 = tpu.vector_load_idx %arg14[%parallel_loop3A_215, %parallel_loop3A_334] : memref<256x128xf32, #tpu.memory_space<vmem>>[vector<16xi32>, vector<16xi32>], vector<16xf32>,
          %parallel_loop3A_339 = tpu.vector_load_idx %arg18[%parallel_loop3A_331, %parallel_loop3A_215] : memref<26x256xf32, #tpu.memory_space<vmem>>[vector<16xi32>, vector<16xi32>], vector<16xf32>,
          %parallel_loop3A_340 = arith.mulf %parallel_loop3A_338, %parallel_loop3A_339 : vector<16xf32>
          %parallel_loop3A_341 = arith.addf %parallel_loop3A_307, %parallel_loop3A_337 : vector<16xf32>
          %parallel_loop3A_342 = arith.addf %parallel_loop3A_308, %parallel_loop3A_340 : vector<16xf32>
          %parallel_loop3A_343 = arith.constant 7 : i32
          %parallel_loop3A_344 = vector.broadcast %parallel_loop3A_343 : i32 to vector<16xi32>
          %parallel_loop3A_345 = arith.addi %iota3A, %parallel_loop3A_344 : vector<16xi32>
          %parallel_loop3A_346 = arith.constant 26 : i32
          %parallel_loop3A_347 = vector.broadcast %parallel_loop3A_346 : i32 to vector<16xi32>
          %parallel_loop3A_348 = arith.remsi %parallel_loop3A_345, %parallel_loop3A_347 : vector<16xi32>
          %parallel_loop3A_349 = arith.constant 64 : i32
          %parallel_loop3A_350 = vector.broadcast %parallel_loop3A_349 : i32 to vector<16xi32>
          %parallel_loop3A_351 = arith.addi %parallel_loop3A_348, %parallel_loop3A_350 : vector<16xi32>
          %parallel_loop3A_352 = tpu.vector_load_idx %arg14[%parallel_loop3A_215, %parallel_loop3A_348] : memref<256x128xf32, #tpu.memory_space<vmem>>[vector<16xi32>, vector<16xi32>], vector<16xf32>,
          %parallel_loop3A_353 = tpu.vector_load_idx %arg16[%parallel_loop3A_348, %parallel_loop3A_215] : memref<26x256xf32, #tpu.memory_space<vmem>>[vector<16xi32>, vector<16xi32>], vector<16xf32>,
          %parallel_loop3A_354 = arith.mulf %parallel_loop3A_352, %parallel_loop3A_353 : vector<16xf32>
          %parallel_loop3A_355 = tpu.vector_load_idx %arg14[%parallel_loop3A_215, %parallel_loop3A_351] : memref<256x128xf32, #tpu.memory_space<vmem>>[vector<16xi32>, vector<16xi32>], vector<16xf32>,
          %parallel_loop3A_356 = tpu.vector_load_idx %arg18[%parallel_loop3A_348, %parallel_loop3A_215] : memref<26x256xf32, #tpu.memory_space<vmem>>[vector<16xi32>, vector<16xi32>], vector<16xf32>,
          %parallel_loop3A_357 = arith.mulf %parallel_loop3A_355, %parallel_loop3A_356 : vector<16xf32>
          %parallel_loop3A_358 = arith.addf %parallel_loop3A_324, %parallel_loop3A_354 : vector<16xf32>
          %parallel_loop3A_359 = arith.addf %parallel_loop3A_325, %parallel_loop3A_357 : vector<16xf32>
          %parallel_loop3A_360 = arith.constant 8 : i32
          %parallel_loop3A_361 = vector.broadcast %parallel_loop3A_360 : i32 to vector<16xi32>
          %parallel_loop3A_362 = arith.addi %iota3A, %parallel_loop3A_361 : vector<16xi32>
          %parallel_loop3A_363 = arith.constant 26 : i32
          %parallel_loop3A_364 = vector.broadcast %parallel_loop3A_363 : i32 to vector<16xi32>
          %parallel_loop3A_365 = arith.remsi %parallel_loop3A_362, %parallel_loop3A_364 : vector<16xi32>
          %parallel_loop3A_366 = arith.constant 64 : i32
          %parallel_loop3A_367 = vector.broadcast %parallel_loop3A_366 : i32 to vector<16xi32>
          %parallel_loop3A_368 = arith.addi %parallel_loop3A_365, %parallel_loop3A_367 : vector<16xi32>
          %parallel_loop3A_369 = tpu.vector_load_idx %arg14[%parallel_loop3A_215, %parallel_loop3A_365] : memref<256x128xf32, #tpu.memory_space<vmem>>[vector<16xi32>, vector<16xi32>], vector<16xf32>,
          %parallel_loop3A_370 = tpu.vector_load_idx %arg16[%parallel_loop3A_365, %parallel_loop3A_215] : memref<26x256xf32, #tpu.memory_space<vmem>>[vector<16xi32>, vector<16xi32>], vector<16xf32>,
          %parallel_loop3A_371 = arith.mulf %parallel_loop3A_369, %parallel_loop3A_370 : vector<16xf32>
          %parallel_loop3A_372 = tpu.vector_load_idx %arg14[%parallel_loop3A_215, %parallel_loop3A_368] : memref<256x128xf32, #tpu.memory_space<vmem>>[vector<16xi32>, vector<16xi32>], vector<16xf32>,
          %parallel_loop3A_373 = tpu.vector_load_idx %arg18[%parallel_loop3A_365, %parallel_loop3A_215] : memref<26x256xf32, #tpu.memory_space<vmem>>[vector<16xi32>, vector<16xi32>], vector<16xf32>,
          %parallel_loop3A_374 = arith.mulf %parallel_loop3A_372, %parallel_loop3A_373 : vector<16xf32>
          %parallel_loop3A_375 = arith.addf %parallel_loop3A_341, %parallel_loop3A_371 : vector<16xf32>
          %parallel_loop3A_376 = arith.addf %parallel_loop3A_342, %parallel_loop3A_374 : vector<16xf32>
          %parallel_loop3A_377 = arith.constant 9 : i32
          %parallel_loop3A_378 = vector.broadcast %parallel_loop3A_377 : i32 to vector<16xi32>
          %parallel_loop3A_379 = arith.addi %iota3A, %parallel_loop3A_378 : vector<16xi32>
          %parallel_loop3A_380 = arith.constant 26 : i32
          %parallel_loop3A_381 = vector.broadcast %parallel_loop3A_380 : i32 to vector<16xi32>
          %parallel_loop3A_382 = arith.remsi %parallel_loop3A_379, %parallel_loop3A_381 : vector<16xi32>
          %parallel_loop3A_383 = arith.constant 64 : i32
          %parallel_loop3A_384 = vector.broadcast %parallel_loop3A_383 : i32 to vector<16xi32>
          %parallel_loop3A_385 = arith.addi %parallel_loop3A_382, %parallel_loop3A_384 : vector<16xi32>
          %parallel_loop3A_386 = tpu.vector_load_idx %arg14[%parallel_loop3A_215, %parallel_loop3A_382] : memref<256x128xf32, #tpu.memory_space<vmem>>[vector<16xi32>, vector<16xi32>], vector<16xf32>,
          %parallel_loop3A_387 = tpu.vector_load_idx %arg16[%parallel_loop3A_382, %parallel_loop3A_215] : memref<26x256xf32, #tpu.memory_space<vmem>>[vector<16xi32>, vector<16xi32>], vector<16xf32>,
          %parallel_loop3A_388 = arith.mulf %parallel_loop3A_386, %parallel_loop3A_387 : vector<16xf32>
          %parallel_loop3A_389 = tpu.vector_load_idx %arg14[%parallel_loop3A_215, %parallel_loop3A_385] : memref<256x128xf32, #tpu.memory_space<vmem>>[vector<16xi32>, vector<16xi32>], vector<16xf32>,
          %parallel_loop3A_390 = tpu.vector_load_idx %arg18[%parallel_loop3A_382, %parallel_loop3A_215] : memref<26x256xf32, #tpu.memory_space<vmem>>[vector<16xi32>, vector<16xi32>], vector<16xf32>,
          %parallel_loop3A_391 = arith.mulf %parallel_loop3A_389, %parallel_loop3A_390 : vector<16xf32>
          %parallel_loop3A_392 = arith.addf %parallel_loop3A_358, %parallel_loop3A_388 : vector<16xf32>
          %parallel_loop3A_393 = arith.addf %parallel_loop3A_359, %parallel_loop3A_391 : vector<16xf32>
          %parallel_loop3A_394 = arith.constant 10 : i32
          %parallel_loop3A_395 = vector.broadcast %parallel_loop3A_394 : i32 to vector<16xi32>
          %parallel_loop3A_396 = arith.addi %iota3A, %parallel_loop3A_395 : vector<16xi32>
          %parallel_loop3A_397 = arith.constant 26 : i32
          %parallel_loop3A_398 = vector.broadcast %parallel_loop3A_397 : i32 to vector<16xi32>
          %parallel_loop3A_399 = arith.remsi %parallel_loop3A_396, %parallel_loop3A_398 : vector<16xi32>
          %parallel_loop3A_400 = arith.constant 64 : i32
          %parallel_loop3A_401 = vector.broadcast %parallel_loop3A_400 : i32 to vector<16xi32>
          %parallel_loop3A_402 = arith.addi %parallel_loop3A_399, %parallel_loop3A_401 : vector<16xi32>
          %parallel_loop3A_403 = tpu.vector_load_idx %arg14[%parallel_loop3A_215, %parallel_loop3A_399] : memref<256x128xf32, #tpu.memory_space<vmem>>[vector<16xi32>, vector<16xi32>], vector<16xf32>,
          %parallel_loop3A_404 = tpu.vector_load_idx %arg16[%parallel_loop3A_399, %parallel_loop3A_215] : memref<26x256xf32, #tpu.memory_space<vmem>>[vector<16xi32>, vector<16xi32>], vector<16xf32>,
          %parallel_loop3A_405 = arith.mulf %parallel_loop3A_403, %parallel_loop3A_404 : vector<16xf32>
          %parallel_loop3A_406 = tpu.vector_load_idx %arg14[%parallel_loop3A_215, %parallel_loop3A_402] : memref<256x128xf32, #tpu.memory_space<vmem>>[vector<16xi32>, vector<16xi32>], vector<16xf32>,
          %parallel_loop3A_407 = tpu.vector_load_idx %arg18[%parallel_loop3A_399, %parallel_loop3A_215] : memref<26x256xf32, #tpu.memory_space<vmem>>[vector<16xi32>, vector<16xi32>], vector<16xf32>,
          %parallel_loop3A_408 = arith.mulf %parallel_loop3A_406, %parallel_loop3A_407 : vector<16xf32>
          %parallel_loop3A_409 = arith.addf %parallel_loop3A_375, %parallel_loop3A_405 : vector<16xf32>
          %parallel_loop3A_410 = arith.addf %parallel_loop3A_376, %parallel_loop3A_408 : vector<16xf32>
          %parallel_loop3A_411 = arith.constant 11 : i32
          %parallel_loop3A_412 = vector.broadcast %parallel_loop3A_411 : i32 to vector<16xi32>
          %parallel_loop3A_413 = arith.addi %iota3A, %parallel_loop3A_412 : vector<16xi32>
          %parallel_loop3A_414 = arith.constant 26 : i32
          %parallel_loop3A_415 = vector.broadcast %parallel_loop3A_414 : i32 to vector<16xi32>
          %parallel_loop3A_416 = arith.remsi %parallel_loop3A_413, %parallel_loop3A_415 : vector<16xi32>
          %parallel_loop3A_417 = arith.constant 64 : i32
          %parallel_loop3A_418 = vector.broadcast %parallel_loop3A_417 : i32 to vector<16xi32>
          %parallel_loop3A_419 = arith.addi %parallel_loop3A_416, %parallel_loop3A_418 : vector<16xi32>
          %parallel_loop3A_420 = tpu.vector_load_idx %arg14[%parallel_loop3A_215, %parallel_loop3A_416] : memref<256x128xf32, #tpu.memory_space<vmem>>[vector<16xi32>, vector<16xi32>], vector<16xf32>,
          %parallel_loop3A_421 = tpu.vector_load_idx %arg16[%parallel_loop3A_416, %parallel_loop3A_215] : memref<26x256xf32, #tpu.memory_space<vmem>>[vector<16xi32>, vector<16xi32>], vector<16xf32>,
          %parallel_loop3A_422 = arith.mulf %parallel_loop3A_420, %parallel_loop3A_421 : vector<16xf32>
          %parallel_loop3A_423 = tpu.vector_load_idx %arg14[%parallel_loop3A_215, %parallel_loop3A_419] : memref<256x128xf32, #tpu.memory_space<vmem>>[vector<16xi32>, vector<16xi32>], vector<16xf32>,
          %parallel_loop3A_424 = tpu.vector_load_idx %arg18[%parallel_loop3A_416, %parallel_loop3A_215] : memref<26x256xf32, #tpu.memory_space<vmem>>[vector<16xi32>, vector<16xi32>], vector<16xf32>,
          %parallel_loop3A_425 = arith.mulf %parallel_loop3A_423, %parallel_loop3A_424 : vector<16xf32>
          %parallel_loop3A_426 = arith.addf %parallel_loop3A_392, %parallel_loop3A_422 : vector<16xf32>
          %parallel_loop3A_427 = arith.addf %parallel_loop3A_393, %parallel_loop3A_425 : vector<16xf32>
          %parallel_loop3A_428 = arith.constant 12 : i32
          %parallel_loop3A_429 = vector.broadcast %parallel_loop3A_428 : i32 to vector<16xi32>
          %parallel_loop3A_430 = arith.addi %iota3A, %parallel_loop3A_429 : vector<16xi32>
          %parallel_loop3A_431 = arith.constant 26 : i32
          %parallel_loop3A_432 = vector.broadcast %parallel_loop3A_431 : i32 to vector<16xi32>
          %parallel_loop3A_433 = arith.remsi %parallel_loop3A_430, %parallel_loop3A_432 : vector<16xi32>
          %parallel_loop3A_434 = arith.constant 64 : i32
          %parallel_loop3A_435 = vector.broadcast %parallel_loop3A_434 : i32 to vector<16xi32>
          %parallel_loop3A_436 = arith.addi %parallel_loop3A_433, %parallel_loop3A_435 : vector<16xi32>
          %parallel_loop3A_437 = tpu.vector_load_idx %arg14[%parallel_loop3A_215, %parallel_loop3A_433] : memref<256x128xf32, #tpu.memory_space<vmem>>[vector<16xi32>, vector<16xi32>], vector<16xf32>,
          %parallel_loop3A_438 = tpu.vector_load_idx %arg16[%parallel_loop3A_433, %parallel_loop3A_215] : memref<26x256xf32, #tpu.memory_space<vmem>>[vector<16xi32>, vector<16xi32>], vector<16xf32>,
          %parallel_loop3A_439 = arith.mulf %parallel_loop3A_437, %parallel_loop3A_438 : vector<16xf32>
          %parallel_loop3A_440 = tpu.vector_load_idx %arg14[%parallel_loop3A_215, %parallel_loop3A_436] : memref<256x128xf32, #tpu.memory_space<vmem>>[vector<16xi32>, vector<16xi32>], vector<16xf32>,
          %parallel_loop3A_441 = tpu.vector_load_idx %arg18[%parallel_loop3A_433, %parallel_loop3A_215] : memref<26x256xf32, #tpu.memory_space<vmem>>[vector<16xi32>, vector<16xi32>], vector<16xf32>,
          %parallel_loop3A_442 = arith.mulf %parallel_loop3A_440, %parallel_loop3A_441 : vector<16xf32>
          %parallel_loop3A_443 = arith.addf %parallel_loop3A_409, %parallel_loop3A_439 : vector<16xf32>
          %parallel_loop3A_444 = arith.addf %parallel_loop3A_410, %parallel_loop3A_442 : vector<16xf32>
          %parallel_loop3A_445 = arith.constant 13 : i32
          %parallel_loop3A_446 = vector.broadcast %parallel_loop3A_445 : i32 to vector<16xi32>
          %parallel_loop3A_447 = arith.addi %iota3A, %parallel_loop3A_446 : vector<16xi32>
          %parallel_loop3A_448 = arith.constant 26 : i32
          %parallel_loop3A_449 = vector.broadcast %parallel_loop3A_448 : i32 to vector<16xi32>
          %parallel_loop3A_450 = arith.remsi %parallel_loop3A_447, %parallel_loop3A_449 : vector<16xi32>
          %parallel_loop3A_451 = arith.constant 64 : i32
          %parallel_loop3A_452 = vector.broadcast %parallel_loop3A_451 : i32 to vector<16xi32>
          %parallel_loop3A_453 = arith.addi %parallel_loop3A_450, %parallel_loop3A_452 : vector<16xi32>
          %parallel_loop3A_454 = tpu.vector_load_idx %arg14[%parallel_loop3A_215, %parallel_loop3A_450] : memref<256x128xf32, #tpu.memory_space<vmem>>[vector<16xi32>, vector<16xi32>], vector<16xf32>,
          %parallel_loop3A_455 = tpu.vector_load_idx %arg16[%parallel_loop3A_450, %parallel_loop3A_215] : memref<26x256xf32, #tpu.memory_space<vmem>>[vector<16xi32>, vector<16xi32>], vector<16xf32>,
          %parallel_loop3A_456 = arith.mulf %parallel_loop3A_454, %parallel_loop3A_455 : vector<16xf32>
          %parallel_loop3A_457 = tpu.vector_load_idx %arg14[%parallel_loop3A_215, %parallel_loop3A_453] : memref<256x128xf32, #tpu.memory_space<vmem>>[vector<16xi32>, vector<16xi32>], vector<16xf32>,
          %parallel_loop3A_458 = tpu.vector_load_idx %arg18[%parallel_loop3A_450, %parallel_loop3A_215] : memref<26x256xf32, #tpu.memory_space<vmem>>[vector<16xi32>, vector<16xi32>], vector<16xf32>,
          %parallel_loop3A_459 = arith.mulf %parallel_loop3A_457, %parallel_loop3A_458 : vector<16xf32>
          %parallel_loop3A_460 = arith.addf %parallel_loop3A_426, %parallel_loop3A_456 : vector<16xf32>
          %parallel_loop3A_461 = arith.addf %parallel_loop3A_427, %parallel_loop3A_459 : vector<16xf32>
          %parallel_loop3A_462 = arith.constant 14 : i32
          %parallel_loop3A_463 = vector.broadcast %parallel_loop3A_462 : i32 to vector<16xi32>
          %parallel_loop3A_464 = arith.addi %iota3A, %parallel_loop3A_463 : vector<16xi32>
          %parallel_loop3A_465 = arith.constant 26 : i32
          %parallel_loop3A_466 = vector.broadcast %parallel_loop3A_465 : i32 to vector<16xi32>
          %parallel_loop3A_467 = arith.remsi %parallel_loop3A_464, %parallel_loop3A_466 : vector<16xi32>
          %parallel_loop3A_468 = arith.constant 64 : i32
          %parallel_loop3A_469 = vector.broadcast %parallel_loop3A_468 : i32 to vector<16xi32>
          %parallel_loop3A_470 = arith.addi %parallel_loop3A_467, %parallel_loop3A_469 : vector<16xi32>
          %parallel_loop3A_471 = tpu.vector_load_idx %arg14[%parallel_loop3A_215, %parallel_loop3A_467] : memref<256x128xf32, #tpu.memory_space<vmem>>[vector<16xi32>, vector<16xi32>], vector<16xf32>,
          %parallel_loop3A_472 = tpu.vector_load_idx %arg16[%parallel_loop3A_467, %parallel_loop3A_215] : memref<26x256xf32, #tpu.memory_space<vmem>>[vector<16xi32>, vector<16xi32>], vector<16xf32>,
          %parallel_loop3A_473 = arith.mulf %parallel_loop3A_471, %parallel_loop3A_472 : vector<16xf32>
          %parallel_loop3A_474 = tpu.vector_load_idx %arg14[%parallel_loop3A_215, %parallel_loop3A_470] : memref<256x128xf32, #tpu.memory_space<vmem>>[vector<16xi32>, vector<16xi32>], vector<16xf32>,
          %parallel_loop3A_475 = tpu.vector_load_idx %arg18[%parallel_loop3A_467, %parallel_loop3A_215] : memref<26x256xf32, #tpu.memory_space<vmem>>[vector<16xi32>, vector<16xi32>], vector<16xf32>,
          %parallel_loop3A_476 = arith.mulf %parallel_loop3A_474, %parallel_loop3A_475 : vector<16xf32>
          %parallel_loop3A_477 = arith.addf %parallel_loop3A_443, %parallel_loop3A_473 : vector<16xf32>
          %parallel_loop3A_478 = arith.addf %parallel_loop3A_444, %parallel_loop3A_476 : vector<16xf32>
          %parallel_loop3A_479 = arith.constant 15 : i32
          %parallel_loop3A_480 = vector.broadcast %parallel_loop3A_479 : i32 to vector<16xi32>
          %parallel_loop3A_481 = arith.addi %iota3A, %parallel_loop3A_480 : vector<16xi32>
          %parallel_loop3A_482 = arith.constant 26 : i32
          %parallel_loop3A_483 = vector.broadcast %parallel_loop3A_482 : i32 to vector<16xi32>
          %parallel_loop3A_484 = arith.remsi %parallel_loop3A_481, %parallel_loop3A_483 : vector<16xi32>
          %parallel_loop3A_485 = arith.constant 64 : i32
          %parallel_loop3A_486 = vector.broadcast %parallel_loop3A_485 : i32 to vector<16xi32>
          %parallel_loop3A_487 = arith.addi %parallel_loop3A_484, %parallel_loop3A_486 : vector<16xi32>
          %parallel_loop3A_488 = tpu.vector_load_idx %arg14[%parallel_loop3A_215, %parallel_loop3A_484] : memref<256x128xf32, #tpu.memory_space<vmem>>[vector<16xi32>, vector<16xi32>], vector<16xf32>,
          %parallel_loop3A_489 = tpu.vector_load_idx %arg16[%parallel_loop3A_484, %parallel_loop3A_215] : memref<26x256xf32, #tpu.memory_space<vmem>>[vector<16xi32>, vector<16xi32>], vector<16xf32>,
          %parallel_loop3A_490 = arith.mulf %parallel_loop3A_488, %parallel_loop3A_489 : vector<16xf32>
          %parallel_loop3A_491 = tpu.vector_load_idx %arg14[%parallel_loop3A_215, %parallel_loop3A_487] : memref<256x128xf32, #tpu.memory_space<vmem>>[vector<16xi32>, vector<16xi32>], vector<16xf32>,
          %parallel_loop3A_492 = tpu.vector_load_idx %arg18[%parallel_loop3A_484, %parallel_loop3A_215] : memref<26x256xf32, #tpu.memory_space<vmem>>[vector<16xi32>, vector<16xi32>], vector<16xf32>,
          %parallel_loop3A_493 = arith.mulf %parallel_loop3A_491, %parallel_loop3A_492 : vector<16xf32>
          %parallel_loop3A_494 = arith.addf %parallel_loop3A_460, %parallel_loop3A_490 : vector<16xf32>
          %parallel_loop3A_495 = arith.addf %parallel_loop3A_461, %parallel_loop3A_493 : vector<16xf32>
          %parallel_loop3A_496 = arith.constant 16 : i32
          %parallel_loop3A_497 = vector.broadcast %parallel_loop3A_496 : i32 to vector<16xi32>
          %parallel_loop3A_498 = arith.addi %iota3A, %parallel_loop3A_497 : vector<16xi32>
          %parallel_loop3A_499 = arith.constant 26 : i32
          %parallel_loop3A_500 = vector.broadcast %parallel_loop3A_499 : i32 to vector<16xi32>
          %parallel_loop3A_501 = arith.remsi %parallel_loop3A_498, %parallel_loop3A_500 : vector<16xi32>
          %parallel_loop3A_502 = arith.constant 64 : i32
          %parallel_loop3A_503 = vector.broadcast %parallel_loop3A_502 : i32 to vector<16xi32>
          %parallel_loop3A_504 = arith.addi %parallel_loop3A_501, %parallel_loop3A_503 : vector<16xi32>
          %parallel_loop3A_505 = tpu.vector_load_idx %arg14[%parallel_loop3A_215, %parallel_loop3A_501] : memref<256x128xf32, #tpu.memory_space<vmem>>[vector<16xi32>, vector<16xi32>], vector<16xf32>,
          %parallel_loop3A_506 = tpu.vector_load_idx %arg16[%parallel_loop3A_501, %parallel_loop3A_215] : memref<26x256xf32, #tpu.memory_space<vmem>>[vector<16xi32>, vector<16xi32>], vector<16xf32>,
          %parallel_loop3A_507 = arith.mulf %parallel_loop3A_505, %parallel_loop3A_506 : vector<16xf32>
          %parallel_loop3A_508 = tpu.vector_load_idx %arg14[%parallel_loop3A_215, %parallel_loop3A_504] : memref<256x128xf32, #tpu.memory_space<vmem>>[vector<16xi32>, vector<16xi32>], vector<16xf32>,
          %parallel_loop3A_509 = tpu.vector_load_idx %arg18[%parallel_loop3A_501, %parallel_loop3A_215] : memref<26x256xf32, #tpu.memory_space<vmem>>[vector<16xi32>, vector<16xi32>], vector<16xf32>,
          %parallel_loop3A_510 = arith.mulf %parallel_loop3A_508, %parallel_loop3A_509 : vector<16xf32>
          %parallel_loop3A_511 = arith.addf %parallel_loop3A_477, %parallel_loop3A_507 : vector<16xf32>
          %parallel_loop3A_512 = arith.addf %parallel_loop3A_478, %parallel_loop3A_510 : vector<16xf32>
          %parallel_loop3A_513 = arith.constant 17 : i32
          %parallel_loop3A_514 = vector.broadcast %parallel_loop3A_513 : i32 to vector<16xi32>
          %parallel_loop3A_515 = arith.addi %iota3A, %parallel_loop3A_514 : vector<16xi32>
          %parallel_loop3A_516 = arith.constant 26 : i32
          %parallel_loop3A_517 = vector.broadcast %parallel_loop3A_516 : i32 to vector<16xi32>
          %parallel_loop3A_518 = arith.remsi %parallel_loop3A_515, %parallel_loop3A_517 : vector<16xi32>
          %parallel_loop3A_519 = arith.constant 64 : i32
          %parallel_loop3A_520 = vector.broadcast %parallel_loop3A_519 : i32 to vector<16xi32>
          %parallel_loop3A_521 = arith.addi %parallel_loop3A_518, %parallel_loop3A_520 : vector<16xi32>
          %parallel_loop3A_522 = tpu.vector_load_idx %arg14[%parallel_loop3A_215, %parallel_loop3A_518] : memref<256x128xf32, #tpu.memory_space<vmem>>[vector<16xi32>, vector<16xi32>], vector<16xf32>,
          %parallel_loop3A_523 = tpu.vector_load_idx %arg16[%parallel_loop3A_518, %parallel_loop3A_215] : memref<26x256xf32, #tpu.memory_space<vmem>>[vector<16xi32>, vector<16xi32>], vector<16xf32>,
          %parallel_loop3A_524 = arith.mulf %parallel_loop3A_522, %parallel_loop3A_523 : vector<16xf32>
          %parallel_loop3A_525 = tpu.vector_load_idx %arg14[%parallel_loop3A_215, %parallel_loop3A_521] : memref<256x128xf32, #tpu.memory_space<vmem>>[vector<16xi32>, vector<16xi32>], vector<16xf32>,
          %parallel_loop3A_526 = tpu.vector_load_idx %arg18[%parallel_loop3A_518, %parallel_loop3A_215] : memref<26x256xf32, #tpu.memory_space<vmem>>[vector<16xi32>, vector<16xi32>], vector<16xf32>,
          %parallel_loop3A_527 = arith.mulf %parallel_loop3A_525, %parallel_loop3A_526 : vector<16xf32>
          %parallel_loop3A_528 = arith.addf %parallel_loop3A_494, %parallel_loop3A_524 : vector<16xf32>
          %parallel_loop3A_529 = arith.addf %parallel_loop3A_495, %parallel_loop3A_527 : vector<16xf32>
          %parallel_loop3A_530 = arith.constant 18 : i32
          %parallel_loop3A_531 = vector.broadcast %parallel_loop3A_530 : i32 to vector<16xi32>
          %parallel_loop3A_532 = arith.addi %iota3A, %parallel_loop3A_531 : vector<16xi32>
          %parallel_loop3A_533 = arith.constant 26 : i32
          %parallel_loop3A_534 = vector.broadcast %parallel_loop3A_533 : i32 to vector<16xi32>
          %parallel_loop3A_535 = arith.remsi %parallel_loop3A_532, %parallel_loop3A_534 : vector<16xi32>
          %parallel_loop3A_536 = arith.constant 64 : i32
          %parallel_loop3A_537 = vector.broadcast %parallel_loop3A_536 : i32 to vector<16xi32>
          %parallel_loop3A_538 = arith.addi %parallel_loop3A_535, %parallel_loop3A_537 : vector<16xi32>
          %parallel_loop3A_539 = tpu.vector_load_idx %arg14[%parallel_loop3A_215, %parallel_loop3A_535] : memref<256x128xf32, #tpu.memory_space<vmem>>[vector<16xi32>, vector<16xi32>], vector<16xf32>,
          %parallel_loop3A_540 = tpu.vector_load_idx %arg16[%parallel_loop3A_535, %parallel_loop3A_215] : memref<26x256xf32, #tpu.memory_space<vmem>>[vector<16xi32>, vector<16xi32>], vector<16xf32>,
          %parallel_loop3A_541 = arith.mulf %parallel_loop3A_539, %parallel_loop3A_540 : vector<16xf32>
          %parallel_loop3A_542 = tpu.vector_load_idx %arg14[%parallel_loop3A_215, %parallel_loop3A_538] : memref<256x128xf32, #tpu.memory_space<vmem>>[vector<16xi32>, vector<16xi32>], vector<16xf32>,
          %parallel_loop3A_543 = tpu.vector_load_idx %arg18[%parallel_loop3A_535, %parallel_loop3A_215] : memref<26x256xf32, #tpu.memory_space<vmem>>[vector<16xi32>, vector<16xi32>], vector<16xf32>,
          %parallel_loop3A_544 = arith.mulf %parallel_loop3A_542, %parallel_loop3A_543 : vector<16xf32>
          %parallel_loop3A_545 = arith.addf %parallel_loop3A_511, %parallel_loop3A_541 : vector<16xf32>
          %parallel_loop3A_546 = arith.addf %parallel_loop3A_512, %parallel_loop3A_544 : vector<16xf32>
          %parallel_loop3A_547 = arith.constant 19 : i32
          %parallel_loop3A_548 = vector.broadcast %parallel_loop3A_547 : i32 to vector<16xi32>
          %parallel_loop3A_549 = arith.addi %iota3A, %parallel_loop3A_548 : vector<16xi32>
          %parallel_loop3A_550 = arith.constant 26 : i32
          %parallel_loop3A_551 = vector.broadcast %parallel_loop3A_550 : i32 to vector<16xi32>
          %parallel_loop3A_552 = arith.remsi %parallel_loop3A_549, %parallel_loop3A_551 : vector<16xi32>
          %parallel_loop3A_553 = arith.constant 64 : i32
          %parallel_loop3A_554 = vector.broadcast %parallel_loop3A_553 : i32 to vector<16xi32>
          %parallel_loop3A_555 = arith.addi %parallel_loop3A_552, %parallel_loop3A_554 : vector<16xi32>
          %parallel_loop3A_556 = tpu.vector_load_idx %arg14[%parallel_loop3A_215, %parallel_loop3A_552] : memref<256x128xf32, #tpu.memory_space<vmem>>[vector<16xi32>, vector<16xi32>], vector<16xf32>,
          %parallel_loop3A_557 = tpu.vector_load_idx %arg16[%parallel_loop3A_552, %parallel_loop3A_215] : memref<26x256xf32, #tpu.memory_space<vmem>>[vector<16xi32>, vector<16xi32>], vector<16xf32>,
          %parallel_loop3A_558 = arith.mulf %parallel_loop3A_556, %parallel_loop3A_557 : vector<16xf32>
          %parallel_loop3A_559 = tpu.vector_load_idx %arg14[%parallel_loop3A_215, %parallel_loop3A_555] : memref<256x128xf32, #tpu.memory_space<vmem>>[vector<16xi32>, vector<16xi32>], vector<16xf32>,
          %parallel_loop3A_560 = tpu.vector_load_idx %arg18[%parallel_loop3A_552, %parallel_loop3A_215] : memref<26x256xf32, #tpu.memory_space<vmem>>[vector<16xi32>, vector<16xi32>], vector<16xf32>,
          %parallel_loop3A_561 = arith.mulf %parallel_loop3A_559, %parallel_loop3A_560 : vector<16xf32>
          %parallel_loop3A_562 = arith.addf %parallel_loop3A_528, %parallel_loop3A_558 : vector<16xf32>
          %parallel_loop3A_563 = arith.addf %parallel_loop3A_529, %parallel_loop3A_561 : vector<16xf32>
          %parallel_loop3A_564 = arith.constant 20 : i32
          %parallel_loop3A_565 = vector.broadcast %parallel_loop3A_564 : i32 to vector<16xi32>
          %parallel_loop3A_566 = arith.addi %iota3A, %parallel_loop3A_565 : vector<16xi32>
          %parallel_loop3A_567 = arith.constant 26 : i32
          %parallel_loop3A_568 = vector.broadcast %parallel_loop3A_567 : i32 to vector<16xi32>
          %parallel_loop3A_569 = arith.remsi %parallel_loop3A_566, %parallel_loop3A_568 : vector<16xi32>
          %parallel_loop3A_570 = arith.constant 64 : i32
          %parallel_loop3A_571 = vector.broadcast %parallel_loop3A_570 : i32 to vector<16xi32>
          %parallel_loop3A_572 = arith.addi %parallel_loop3A_569, %parallel_loop3A_571 : vector<16xi32>
          %parallel_loop3A_573 = tpu.vector_load_idx %arg14[%parallel_loop3A_215, %parallel_loop3A_569] : memref<256x128xf32, #tpu.memory_space<vmem>>[vector<16xi32>, vector<16xi32>], vector<16xf32>,
          %parallel_loop3A_574 = tpu.vector_load_idx %arg16[%parallel_loop3A_569, %parallel_loop3A_215] : memref<26x256xf32, #tpu.memory_space<vmem>>[vector<16xi32>, vector<16xi32>], vector<16xf32>,
          %parallel_loop3A_575 = arith.mulf %parallel_loop3A_573, %parallel_loop3A_574 : vector<16xf32>
          %parallel_loop3A_576 = tpu.vector_load_idx %arg14[%parallel_loop3A_215, %parallel_loop3A_572] : memref<256x128xf32, #tpu.memory_space<vmem>>[vector<16xi32>, vector<16xi32>], vector<16xf32>,
          %parallel_loop3A_577 = tpu.vector_load_idx %arg18[%parallel_loop3A_569, %parallel_loop3A_215] : memref<26x256xf32, #tpu.memory_space<vmem>>[vector<16xi32>, vector<16xi32>], vector<16xf32>,
          %parallel_loop3A_578 = arith.mulf %parallel_loop3A_576, %parallel_loop3A_577 : vector<16xf32>
          %parallel_loop3A_579 = arith.addf %parallel_loop3A_545, %parallel_loop3A_575 : vector<16xf32>
          %parallel_loop3A_580 = arith.addf %parallel_loop3A_546, %parallel_loop3A_578 : vector<16xf32>
          %parallel_loop3A_581 = arith.constant 21 : i32
          %parallel_loop3A_582 = vector.broadcast %parallel_loop3A_581 : i32 to vector<16xi32>
          %parallel_loop3A_583 = arith.addi %iota3A, %parallel_loop3A_582 : vector<16xi32>
          %parallel_loop3A_584 = arith.constant 26 : i32
          %parallel_loop3A_585 = vector.broadcast %parallel_loop3A_584 : i32 to vector<16xi32>
          %parallel_loop3A_586 = arith.remsi %parallel_loop3A_583, %parallel_loop3A_585 : vector<16xi32>
          %parallel_loop3A_587 = arith.constant 64 : i32
          %parallel_loop3A_588 = vector.broadcast %parallel_loop3A_587 : i32 to vector<16xi32>
          %parallel_loop3A_589 = arith.addi %parallel_loop3A_586, %parallel_loop3A_588 : vector<16xi32>
          %parallel_loop3A_590 = tpu.vector_load_idx %arg14[%parallel_loop3A_215, %parallel_loop3A_586] : memref<256x128xf32, #tpu.memory_space<vmem>>[vector<16xi32>, vector<16xi32>], vector<16xf32>,
          %parallel_loop3A_591 = tpu.vector_load_idx %arg16[%parallel_loop3A_586, %parallel_loop3A_215] : memref<26x256xf32, #tpu.memory_space<vmem>>[vector<16xi32>, vector<16xi32>], vector<16xf32>,
          %parallel_loop3A_592 = arith.mulf %parallel_loop3A_590, %parallel_loop3A_591 : vector<16xf32>
          %parallel_loop3A_593 = tpu.vector_load_idx %arg14[%parallel_loop3A_215, %parallel_loop3A_589] : memref<256x128xf32, #tpu.memory_space<vmem>>[vector<16xi32>, vector<16xi32>], vector<16xf32>,
          %parallel_loop3A_594 = tpu.vector_load_idx %arg18[%parallel_loop3A_586, %parallel_loop3A_215] : memref<26x256xf32, #tpu.memory_space<vmem>>[vector<16xi32>, vector<16xi32>], vector<16xf32>,
          %parallel_loop3A_595 = arith.mulf %parallel_loop3A_593, %parallel_loop3A_594 : vector<16xf32>
          %parallel_loop3A_596 = arith.addf %parallel_loop3A_562, %parallel_loop3A_592 : vector<16xf32>
          %parallel_loop3A_597 = arith.addf %parallel_loop3A_563, %parallel_loop3A_595 : vector<16xf32>
          %parallel_loop3A_598 = arith.constant 22 : i32
          %parallel_loop3A_599 = vector.broadcast %parallel_loop3A_598 : i32 to vector<16xi32>
          %parallel_loop3A_600 = arith.addi %iota3A, %parallel_loop3A_599 : vector<16xi32>
          %parallel_loop3A_601 = arith.constant 26 : i32
          %parallel_loop3A_602 = vector.broadcast %parallel_loop3A_601 : i32 to vector<16xi32>
          %parallel_loop3A_603 = arith.remsi %parallel_loop3A_600, %parallel_loop3A_602 : vector<16xi32>
          %parallel_loop3A_604 = arith.constant 64 : i32
          %parallel_loop3A_605 = vector.broadcast %parallel_loop3A_604 : i32 to vector<16xi32>
          %parallel_loop3A_606 = arith.addi %parallel_loop3A_603, %parallel_loop3A_605 : vector<16xi32>
          %parallel_loop3A_607 = tpu.vector_load_idx %arg14[%parallel_loop3A_215, %parallel_loop3A_603] : memref<256x128xf32, #tpu.memory_space<vmem>>[vector<16xi32>, vector<16xi32>], vector<16xf32>,
          %parallel_loop3A_608 = tpu.vector_load_idx %arg16[%parallel_loop3A_603, %parallel_loop3A_215] : memref<26x256xf32, #tpu.memory_space<vmem>>[vector<16xi32>, vector<16xi32>], vector<16xf32>,
          %parallel_loop3A_609 = arith.mulf %parallel_loop3A_607, %parallel_loop3A_608 : vector<16xf32>
          %parallel_loop3A_610 = tpu.vector_load_idx %arg14[%parallel_loop3A_215, %parallel_loop3A_606] : memref<256x128xf32, #tpu.memory_space<vmem>>[vector<16xi32>, vector<16xi32>], vector<16xf32>,
          %parallel_loop3A_611 = tpu.vector_load_idx %arg18[%parallel_loop3A_603, %parallel_loop3A_215] : memref<26x256xf32, #tpu.memory_space<vmem>>[vector<16xi32>, vector<16xi32>], vector<16xf32>,
          %parallel_loop3A_612 = arith.mulf %parallel_loop3A_610, %parallel_loop3A_611 : vector<16xf32>
          %parallel_loop3A_613 = arith.addf %parallel_loop3A_579, %parallel_loop3A_609 : vector<16xf32>
          %parallel_loop3A_614 = arith.addf %parallel_loop3A_580, %parallel_loop3A_612 : vector<16xf32>
          %parallel_loop3A_615 = arith.constant 23 : i32
          %parallel_loop3A_616 = vector.broadcast %parallel_loop3A_615 : i32 to vector<16xi32>
          %parallel_loop3A_617 = arith.addi %iota3A, %parallel_loop3A_616 : vector<16xi32>
          %parallel_loop3A_618 = arith.constant 26 : i32
          %parallel_loop3A_619 = vector.broadcast %parallel_loop3A_618 : i32 to vector<16xi32>
          %parallel_loop3A_620 = arith.remsi %parallel_loop3A_617, %parallel_loop3A_619 : vector<16xi32>
          %parallel_loop3A_621 = arith.constant 64 : i32
          %parallel_loop3A_622 = vector.broadcast %parallel_loop3A_621 : i32 to vector<16xi32>
          %parallel_loop3A_623 = arith.addi %parallel_loop3A_620, %parallel_loop3A_622 : vector<16xi32>
          %parallel_loop3A_624 = tpu.vector_load_idx %arg14[%parallel_loop3A_215, %parallel_loop3A_620] : memref<256x128xf32, #tpu.memory_space<vmem>>[vector<16xi32>, vector<16xi32>], vector<16xf32>,
          %parallel_loop3A_625 = tpu.vector_load_idx %arg16[%parallel_loop3A_620, %parallel_loop3A_215] : memref<26x256xf32, #tpu.memory_space<vmem>>[vector<16xi32>, vector<16xi32>], vector<16xf32>,
          %parallel_loop3A_626 = arith.mulf %parallel_loop3A_624, %parallel_loop3A_625 : vector<16xf32>
          %parallel_loop3A_627 = tpu.vector_load_idx %arg14[%parallel_loop3A_215, %parallel_loop3A_623] : memref<256x128xf32, #tpu.memory_space<vmem>>[vector<16xi32>, vector<16xi32>], vector<16xf32>,
          %parallel_loop3A_628 = tpu.vector_load_idx %arg18[%parallel_loop3A_620, %parallel_loop3A_215] : memref<26x256xf32, #tpu.memory_space<vmem>>[vector<16xi32>, vector<16xi32>], vector<16xf32>,
          %parallel_loop3A_629 = arith.mulf %parallel_loop3A_627, %parallel_loop3A_628 : vector<16xf32>
          %parallel_loop3A_630 = arith.addf %parallel_loop3A_596, %parallel_loop3A_626 : vector<16xf32>
          %parallel_loop3A_631 = arith.addf %parallel_loop3A_597, %parallel_loop3A_629 : vector<16xf32>
          %parallel_loop3A_632 = arith.constant 24 : i32
          %parallel_loop3A_633 = vector.broadcast %parallel_loop3A_632 : i32 to vector<16xi32>
          %parallel_loop3A_634 = arith.addi %iota3A, %parallel_loop3A_633 : vector<16xi32>
          %parallel_loop3A_635 = arith.constant 26 : i32
          %parallel_loop3A_636 = vector.broadcast %parallel_loop3A_635 : i32 to vector<16xi32>
          %parallel_loop3A_637 = arith.remsi %parallel_loop3A_634, %parallel_loop3A_636 : vector<16xi32>
          %parallel_loop3A_638 = arith.constant 64 : i32
          %parallel_loop3A_639 = vector.broadcast %parallel_loop3A_638 : i32 to vector<16xi32>
          %parallel_loop3A_640 = arith.addi %parallel_loop3A_637, %parallel_loop3A_639 : vector<16xi32>
          %parallel_loop3A_641 = tpu.vector_load_idx %arg14[%parallel_loop3A_215, %parallel_loop3A_637] : memref<256x128xf32, #tpu.memory_space<vmem>>[vector<16xi32>, vector<16xi32>], vector<16xf32>,
          %parallel_loop3A_642 = tpu.vector_load_idx %arg16[%parallel_loop3A_637, %parallel_loop3A_215] : memref<26x256xf32, #tpu.memory_space<vmem>>[vector<16xi32>, vector<16xi32>], vector<16xf32>,
          %parallel_loop3A_643 = arith.mulf %parallel_loop3A_641, %parallel_loop3A_642 : vector<16xf32>
          %parallel_loop3A_644 = tpu.vector_load_idx %arg14[%parallel_loop3A_215, %parallel_loop3A_640] : memref<256x128xf32, #tpu.memory_space<vmem>>[vector<16xi32>, vector<16xi32>], vector<16xf32>,
          %parallel_loop3A_645 = tpu.vector_load_idx %arg18[%parallel_loop3A_637, %parallel_loop3A_215] : memref<26x256xf32, #tpu.memory_space<vmem>>[vector<16xi32>, vector<16xi32>], vector<16xf32>,
          %parallel_loop3A_646 = arith.mulf %parallel_loop3A_644, %parallel_loop3A_645 : vector<16xf32>
          %parallel_loop3A_647 = arith.addf %parallel_loop3A_613, %parallel_loop3A_643 : vector<16xf32>
          %parallel_loop3A_648 = arith.addf %parallel_loop3A_614, %parallel_loop3A_646 : vector<16xf32>
          %parallel_loop3A_649 = arith.constant 25 : i32
          %parallel_loop3A_650 = vector.broadcast %parallel_loop3A_649 : i32 to vector<16xi32>
          %parallel_loop3A_651 = arith.addi %iota3A, %parallel_loop3A_650 : vector<16xi32>
          %parallel_loop3A_652 = arith.constant 26 : i32
          %parallel_loop3A_653 = vector.broadcast %parallel_loop3A_652 : i32 to vector<16xi32>
          %parallel_loop3A_654 = arith.remsi %parallel_loop3A_651, %parallel_loop3A_653 : vector<16xi32>
          %parallel_loop3A_655 = arith.constant 64 : i32
          %parallel_loop3A_656 = vector.broadcast %parallel_loop3A_655 : i32 to vector<16xi32>
          %parallel_loop3A_657 = arith.addi %parallel_loop3A_654, %parallel_loop3A_656 : vector<16xi32>
          %parallel_loop3A_658 = tpu.vector_load_idx %arg14[%parallel_loop3A_215, %parallel_loop3A_654] : memref<256x128xf32, #tpu.memory_space<vmem>>[vector<16xi32>, vector<16xi32>], vector<16xf32>,
          %parallel_loop3A_659 = tpu.vector_load_idx %arg16[%parallel_loop3A_654, %parallel_loop3A_215] : memref<26x256xf32, #tpu.memory_space<vmem>>[vector<16xi32>, vector<16xi32>], vector<16xf32>,
          %parallel_loop3A_660 = arith.mulf %parallel_loop3A_658, %parallel_loop3A_659 : vector<16xf32>
          %parallel_loop3A_661 = tpu.vector_load_idx %arg14[%parallel_loop3A_215, %parallel_loop3A_657] : memref<256x128xf32, #tpu.memory_space<vmem>>[vector<16xi32>, vector<16xi32>], vector<16xf32>,
          %parallel_loop3A_662 = tpu.vector_load_idx %arg18[%parallel_loop3A_654, %parallel_loop3A_215] : memref<26x256xf32, #tpu.memory_space<vmem>>[vector<16xi32>, vector<16xi32>], vector<16xf32>,
          %parallel_loop3A_663 = arith.mulf %parallel_loop3A_661, %parallel_loop3A_662 : vector<16xf32>
          %parallel_loop3A_664 = arith.addf %parallel_loop3A_630, %parallel_loop3A_660 : vector<16xf32>
          %parallel_loop3A_665 = arith.addf %parallel_loop3A_631, %parallel_loop3A_663 : vector<16xf32>
          %parallel_loop3A_666 = arith.addf %parallel_loop3A_647, %parallel_loop3A_664 : vector<16xf32>
          %parallel_loop3A_667 = arith.addf %parallel_loop3A_648, %parallel_loop3A_665 : vector<16xf32>
          %parallel_loop3A_668 = math.exp %parallel_loop3A_666 : vector<16xf32>
          %parallel_loop3A_669 = arith.constant 1.000000e+06 : f32
          %parallel_loop3A_670 = vector.broadcast %parallel_loop3A_669 : f32 to vector<16xf32>
          %parallel_loop3A_671 = arith.minimumf %parallel_loop3A_668, %parallel_loop3A_670 : vector<16xf32>
          %parallel_loop3A_672 = arith.constant 4.000000e+00 : f32
          %parallel_loop3A_673 = vector.broadcast %parallel_loop3A_672 : f32 to vector<16xf32>
          %parallel_loop3A_674 = arith.subf %parallel_loop3A_673, %parallel_loop3A_667 : vector<16xf32>
          %parallel_loop3A_675 = math.exp %parallel_loop3A_674 : vector<16xf32>
          %parallel_loop3A_676 = arith.constant 1.000000e+00 : f32
          %parallel_loop3A_677 = vector.broadcast %parallel_loop3A_676 : f32 to vector<16xf32>
          %parallel_loop3A_678 = arith.addf %parallel_loop3A_677, %parallel_loop3A_675 : vector<16xf32>
          %parallel_loop3A_679 = arith.constant 1.000000e+00 : f32
          %parallel_loop3A_680 = vector.broadcast %parallel_loop3A_679 : f32 to vector<16xf32>
          %parallel_loop3A_681 = arith.divf %parallel_loop3A_680, %parallel_loop3A_678 : vector<16xf32>
          %parallel_loop3A_682 = arith.constant 9.99999997E-7 : f32
          %parallel_loop3A_683 = arith.constant 0.999998986 : f32
          %parallel_loop3A_684 = vector.broadcast %parallel_loop3A_682 : f32 to vector<16xf32>
          %parallel_loop3A_685 = arith.maximumf %parallel_loop3A_684, %parallel_loop3A_681 : vector<16xf32>
          %parallel_loop3A_686 = vector.broadcast %parallel_loop3A_683 : f32 to vector<16xf32>
          %parallel_loop3A_687 = arith.minimumf %parallel_loop3A_686, %parallel_loop3A_685 : vector<16xf32>
          %parallel_loop3A_688 = arith.constant 16 : i32
          %parallel_loop3A_689 = arith.muli %parallel_loop3A_211, %parallel_loop3A_688 : i32
          %parallel_loop3A_690 = arith.constant 16 : i32
          %parallel_loop3A_691 = arith.muli %parallel_loop3A_211, %parallel_loop3A_690 : i32
          %parallel_loop3A_692 = arith.addi %sub3A_174, %parallel_loop3A_691 : i32
          %parallel_loop3A_693 = arith.index_cast %parallel_loop3A_689 : i32 to index
          %parallel_loop3A_694 = tpu.vector_load %arg20[%parallel_loop3A_693] {strides = array<i32>} : memref<256xf32, #tpu.memory_space<vmem>>, vector<16xf32>,
          %parallel_loop3A_695 = arith.index_cast %parallel_loop3A_689 : i32 to index
          %parallel_loop3A_696 = tpu.vector_load %arg22[%parallel_loop3A_695] {strides = array<i32>} : memref<256xf32, #tpu.memory_space<vmem>>, vector<16xf32>,
          %parallel_loop3A_697 = arith.index_cast %parallel_loop3A_692 : i32 to index
          %parallel_loop3A_698 = tpu.vector_load %arg23[%parallel_loop3A_697] {strides = array<i32>} : memref<2048xf32, #tpu.memory_space<vmem>>, vector<16xf32>,
          tpu.vector_store %arg23[%parallel_loop3A_697], %parallel_loop3A_687 {strides = array<i32>} : memref<2048xf32, #tpu.memory_space<vmem>>, vector<16xf32>,
          %parallel_loop3A_699 = arith.index_cast %parallel_loop3A_692 : i32 to index
          %parallel_loop3A_700 = tpu.vector_load %arg24[%parallel_loop3A_699] {strides = array<i32>} : memref<2048xf32, #tpu.memory_space<vmem>>, vector<16xf32>,
          tpu.vector_store %arg24[%parallel_loop3A_699], %parallel_loop3A_671 {strides = array<i32>} : memref<2048xf32, #tpu.memory_space<vmem>>, vector<16xf32>,
          %parallel_loop3A_701 = arith.mulf %parallel_loop3A_694, %parallel_loop3A_671 : vector<16xf32>
          %parallel_loop3A_702 = arith.mulf %parallel_loop3A_696, %parallel_loop3A_687 : vector<16xf32>
          %parallel_loop3A_703 = arith.constant 1.000000e+00 : f32
          %parallel_loop3A_704 = vector.broadcast %parallel_loop3A_703 : f32 to vector<16xf32>
          %parallel_loop3A_705 = arith.subf %parallel_loop3A_704, %parallel_loop3A_702 : vector<16xf32>
          %parallel_loop3A_706 = arith.mulf %parallel_loop3A_701, %parallel_loop3A_705 : vector<16xf32>
          %parallel_loop3A_707 = arith.index_cast %parallel_loop3A_692 : i32 to index
          %parallel_loop3A_708 = tpu.vector_load %arg25[%parallel_loop3A_707] {strides = array<i32>} : memref<2048xf32, #tpu.memory_space<vmem>>, vector<16xf32>,
          tpu.vector_store %arg25[%parallel_loop3A_707], %parallel_loop3A_706 {strides = array<i32>} : memref<2048xf32, #tpu.memory_space<vmem>>, vector<16xf32>,
        } {sc.loop_unroll_factor = 1 : i64, sc.parallel_access}
        %add3A_178 = arith.constant 2 : i32
        %add3A_179 = arith.addi %mul3A_99, %add3A_178 : i32
        %min3A_180 = arith.constant 63 : i32
        %min3A_181 = arith.minsi %add3A_179, %min3A_180 : i32
        %mul3A_182 = arith.constant 256 : i32
        %mul3A_183 = arith.muli %min3A_181, %mul3A_182 : i32
        %add3A_184 = arith.addi %mul3A_2, %mul3A_183 : i32
        %dma_wait3A_185 = tpu.memref_slice %arg2[%add3A_184] : memref<524288xi32, #tpu.memory_space<hbm>> -> memref<256xi32, #tpu.memory_space<hbm>>
        %dma_wait3A_186 = tpu.memref_slice %arg2[%add3A_184] : memref<524288xi32, #tpu.memory_space<hbm>> -> memref<256xi32, #tpu.memory_space<hbm>>
        tpu.wait_dma2 semaphore(%arg26 : memref<!tpu.dma_semaphore, #tpu.memory_space<semaphore_mem>>) src(%dma_wait3A_186 : memref<256xi32, #tpu.memory_space<hbm>>) dst(%arg11 : memref<256xi32, #tpu.memory_space<vmem>>)
        %dma_start3A_187 = arith.constant 0 : i32
        %dma_start3A_188 = arith.constant 0 : i32
        %dma_start3A_189 = tpu.memref_slice %arg3[%dma_start3A_187, %dma_start3A_188] : memref<100000x128xf32, #tpu.memory_space<hbm>> -> memref<100000x128xf32, #tpu.memory_space<hbm>>
        tpu.enqueue_indirect_dma source(%dma_start3A_189 : memref<100000x128xf32, #tpu.memory_space<hbm>>) target(%arg13 : memref<256x128xf32, #tpu.memory_space<vmem>>) offsets(%arg11 : memref<256xi32, #tpu.memory_space<vmem>>) semaphore(%arg30 : memref<!tpu.dma_semaphore, #tpu.memory_space<semaphore_mem>>)
        %add3A_190 = arith.constant 2 : i32
        %add3A_191 = arith.addi %add3A_103, %add3A_190 : i32
        %min3A_192 = arith.constant 63 : i32
        %min3A_193 = arith.minsi %add3A_191, %min3A_192 : i32
        %mul3A_194 = arith.constant 256 : i32
        %mul3A_195 = arith.muli %min3A_193, %mul3A_194 : i32
        %add3A_196 = arith.addi %mul3A_2, %mul3A_195 : i32
        %dma_start3A_197 = tpu.memref_slice %arg2[%add3A_196] : memref<524288xi32, #tpu.memory_space<hbm>> -> memref<256xi32, #tpu.memory_space<hbm>>
        %dma_start3A_198 = tpu.memref_slice %arg2[%add3A_196] : memref<524288xi32, #tpu.memory_space<hbm>> -> memref<256xi32, #tpu.memory_space<hbm>>
        tpu.enqueue_dma source(%dma_start3A_198 : memref<256xi32, #tpu.memory_space<hbm>>) target(%arg12 : memref<256xi32, #tpu.memory_space<vmem>>) target_semaphore(%arg27 : memref<!tpu.dma_semaphore, #tpu.memory_space<semaphore_mem>>)
        %dma_start3A_199 = arith.constant 0 : i32
        %dma_start3A_200 = tpu.memref_slice %arg4[%dma_start3A_199, %add3A_196] : memref<26x524288xf32, #tpu.memory_space<hbm>> -> memref<26x256xf32, #tpu.memory_space<hbm>>
        %dma_start3A_201 = arith.constant 0 : i32
        %dma_start3A_202 = tpu.memref_slice %arg4[%dma_start3A_201, %add3A_196] : memref<26x524288xf32, #tpu.memory_space<hbm>> -> memref<26x256xf32, #tpu.memory_space<hbm>>
        tpu.enqueue_dma source(%dma_start3A_202 : memref<26x256xf32, #tpu.memory_space<hbm>>) target(%arg16 : memref<26x256xf32, #tpu.memory_space<vmem>>) target_semaphore(%arg29 : memref<!tpu.dma_semaphore, #tpu.memory_space<semaphore_mem>>)
        %dma_start3A_203 = arith.constant 0 : i32
        %dma_start3A_204 = tpu.memref_slice %arg5[%dma_start3A_203, %add3A_196] : memref<26x524288xf32, #tpu.memory_space<hbm>> -> memref<26x256xf32, #tpu.memory_space<hbm>>
        %dma_start3A_205 = arith.constant 0 : i32
        %dma_start3A_206 = tpu.memref_slice %arg5[%dma_start3A_205, %add3A_196] : memref<26x524288xf32, #tpu.memory_space<hbm>> -> memref<26x256xf32, #tpu.memory_space<hbm>>
        tpu.enqueue_dma source(%dma_start3A_206 : memref<26x256xf32, #tpu.memory_space<hbm>>) target(%arg18 : memref<26x256xf32, #tpu.memory_space<vmem>>) target_semaphore(%arg29 : memref<!tpu.dma_semaphore, #tpu.memory_space<semaphore_mem>>)
        %dma_start3A_207 = tpu.memref_slice %arg6[%add3A_196] : memref<524288xf32, #tpu.memory_space<hbm>> -> memref<256xf32, #tpu.memory_space<hbm>>
        %dma_start3A_208 = tpu.memref_slice %arg6[%add3A_196] : memref<524288xf32, #tpu.memory_space<hbm>> -> memref<256xf32, #tpu.memory_space<hbm>>
        tpu.enqueue_dma source(%dma_start3A_208 : memref<256xf32, #tpu.memory_space<hbm>>) target(%arg20 : memref<256xf32, #tpu.memory_space<vmem>>) target_semaphore(%arg29 : memref<!tpu.dma_semaphore, #tpu.memory_space<semaphore_mem>>)
        %dma_start3A_209 = tpu.memref_slice %arg7[%add3A_196] : memref<524288xf32, #tpu.memory_space<hbm>> -> memref<256xf32, #tpu.memory_space<hbm>>
        %dma_start3A_210 = tpu.memref_slice %arg7[%add3A_196] : memref<524288xf32, #tpu.memory_space<hbm>> -> memref<256xf32, #tpu.memory_space<hbm>>
        tpu.enqueue_dma source(%dma_start3A_210 : memref<256xf32, #tpu.memory_space<hbm>>) target(%arg22 : memref<256xf32, #tpu.memory_space<vmem>>) target_semaphore(%arg29 : memref<!tpu.dma_semaphore, #tpu.memory_space<semaphore_mem>>)
      }
      %add3A_96 = arith.addi %mul3A_2, %mul3A_82 : i32
      "tpu.region"() ({
        %run_scoped3A = tpu.sem_alloc : memref<!tpu.dma_semaphore, #tpu.memory_space<semaphore_mem>>
        %dma_start3A_97 = tpu.memref_slice %arg8[%add3A_96] : memref<524288xf32, #tpu.memory_space<hbm>> -> memref<2048xf32, #tpu.memory_space<hbm>>
        %dma_start3A_98 = tpu.memref_slice %arg8[%add3A_96] : memref<524288xf32, #tpu.memory_space<hbm>> -> memref<2048xf32, #tpu.memory_space<hbm>>
        tpu.enqueue_dma source(%arg23 : memref<2048xf32, #tpu.memory_space<vmem>>) target(%dma_start3A_98 : memref<2048xf32, #tpu.memory_space<hbm>>) target_semaphore(%run_scoped3A : memref<!tpu.dma_semaphore, #tpu.memory_space<semaphore_mem>>)
        %dma_wait3A_99 = tpu.memref_slice %arg8[%add3A_96] : memref<524288xf32, #tpu.memory_space<hbm>> -> memref<2048xf32, #tpu.memory_space<hbm>>
        %dma_wait3A_100 = tpu.memref_slice %arg8[%add3A_96] : memref<524288xf32, #tpu.memory_space<hbm>> -> memref<2048xf32, #tpu.memory_space<hbm>>
        tpu.wait_dma2 semaphore(%run_scoped3A : memref<!tpu.dma_semaphore, #tpu.memory_space<semaphore_mem>>) src(%arg23 : memref<2048xf32, #tpu.memory_space<vmem>>) dst(%dma_wait3A_100 : memref<2048xf32, #tpu.memory_space<hbm>>)
        tpu.yield
      }) : () -> ()
      "tpu.region"() ({
        %run_scoped3A = tpu.sem_alloc : memref<!tpu.dma_semaphore, #tpu.memory_space<semaphore_mem>>
        %dma_start3A_97 = tpu.memref_slice %arg9[%add3A_96] : memref<524288xf32, #tpu.memory_space<hbm>> -> memref<2048xf32, #tpu.memory_space<hbm>>
        %dma_start3A_98 = tpu.memref_slice %arg9[%add3A_96] : memref<524288xf32, #tpu.memory_space<hbm>> -> memref<2048xf32, #tpu.memory_space<hbm>>
        tpu.enqueue_dma source(%arg24 : memref<2048xf32, #tpu.memory_space<vmem>>) target(%dma_start3A_98 : memref<2048xf32, #tpu.memory_space<hbm>>) target_semaphore(%run_scoped3A : memref<!tpu.dma_semaphore, #tpu.memory_space<semaphore_mem>>)
        %dma_wait3A_99 = tpu.memref_slice %arg9[%add3A_96] : memref<524288xf32, #tpu.memory_space<hbm>> -> memref<2048xf32, #tpu.memory_space<hbm>>
        %dma_wait3A_100 = tpu.memref_slice %arg9[%add3A_96] : memref<524288xf32, #tpu.memory_space<hbm>> -> memref<2048xf32, #tpu.memory_space<hbm>>
        tpu.wait_dma2 semaphore(%run_scoped3A : memref<!tpu.dma_semaphore, #tpu.memory_space<semaphore_mem>>) src(%arg24 : memref<2048xf32, #tpu.memory_space<vmem>>) dst(%dma_wait3A_100 : memref<2048xf32, #tpu.memory_space<hbm>>)
        tpu.yield
      }) : () -> ()
      "tpu.region"() ({
        %run_scoped3A = tpu.sem_alloc : memref<!tpu.dma_semaphore, #tpu.memory_space<semaphore_mem>>
        %dma_start3A_97 = tpu.memref_slice %arg10[%add3A_96] : memref<524288xf32, #tpu.memory_space<hbm>> -> memref<2048xf32, #tpu.memory_space<hbm>>
        %dma_start3A_98 = tpu.memref_slice %arg10[%add3A_96] : memref<524288xf32, #tpu.memory_space<hbm>> -> memref<2048xf32, #tpu.memory_space<hbm>>
        tpu.enqueue_dma source(%arg25 : memref<2048xf32, #tpu.memory_space<vmem>>) target(%dma_start3A_98 : memref<2048xf32, #tpu.memory_space<hbm>>) target_semaphore(%run_scoped3A : memref<!tpu.dma_semaphore, #tpu.memory_space<semaphore_mem>>)
        %dma_wait3A_99 = tpu.memref_slice %arg10[%add3A_96] : memref<524288xf32, #tpu.memory_space<hbm>> -> memref<2048xf32, #tpu.memory_space<hbm>>
        %dma_wait3A_100 = tpu.memref_slice %arg10[%add3A_96] : memref<524288xf32, #tpu.memory_space<hbm>> -> memref<2048xf32, #tpu.memory_space<hbm>>
        tpu.wait_dma2 semaphore(%run_scoped3A : memref<!tpu.dma_semaphore, #tpu.memory_space<semaphore_mem>>) src(%arg25 : memref<2048xf32, #tpu.memory_space<vmem>>) dst(%dma_wait3A_100 : memref<2048xf32, #tpu.memory_space<hbm>>)
        tpu.yield
      }) : () -> ()
    }
    %scan3A_44 = arith.constant 8 : i32
    %dma_wait3A_45 = arith.constant 0 : i32
    %dma_wait3A_46 = arith.constant 0 : i32
    %dma_wait3A_47 = tpu.memref_slice %arg3[%dma_wait3A_45, %dma_wait3A_46] : memref<100000x128xf32, #tpu.memory_space<hbm>> -> memref<100000x128xf32, #tpu.memory_space<hbm>>
    tpu.wait_indirect_dma semaphore(%arg30 : memref<!tpu.dma_semaphore, #tpu.memory_space<semaphore_mem>>) src(%dma_wait3A_47 : memref<100000x128xf32, #tpu.memory_space<hbm>>) dst(%arg13 : memref<256x128xf32, #tpu.memory_space<vmem>>)
    %add3A_48 = arith.constant 16128 : i32
    %add3A_49 = arith.addi %mul3A_2, %add3A_48 : i32
    %dma_wait3A_50 = arith.constant 0 : i32
    %dma_wait3A_51 = tpu.memref_slice %arg4[%dma_wait3A_50, %add3A_49] : memref<26x524288xf32, #tpu.memory_space<hbm>> -> memref<26x256xf32, #tpu.memory_space<hbm>>
    %dma_wait3A_52 = arith.constant 0 : i32
    %dma_wait3A_53 = tpu.memref_slice %arg4[%dma_wait3A_52, %add3A_49] : memref<26x524288xf32, #tpu.memory_space<hbm>> -> memref<26x256xf32, #tpu.memory_space<hbm>>
    tpu.wait_dma2 semaphore(%arg28 : memref<!tpu.dma_semaphore, #tpu.memory_space<semaphore_mem>>) src(%dma_wait3A_53 : memref<26x256xf32, #tpu.memory_space<hbm>>) dst(%arg15 : memref<26x256xf32, #tpu.memory_space<vmem>>)
    %dma_wait3A_54 = arith.constant 0 : i32
    %dma_wait3A_55 = tpu.memref_slice %arg5[%dma_wait3A_54, %add3A_49] : memref<26x524288xf32, #tpu.memory_space<hbm>> -> memref<26x256xf32, #tpu.memory_space<hbm>>
    %dma_wait3A_56 = arith.constant 0 : i32
    %dma_wait3A_57 = tpu.memref_slice %arg5[%dma_wait3A_56, %add3A_49] : memref<26x524288xf32, #tpu.memory_space<hbm>> -> memref<26x256xf32, #tpu.memory_space<hbm>>
    tpu.wait_dma2 semaphore(%arg28 : memref<!tpu.dma_semaphore, #tpu.memory_space<semaphore_mem>>) src(%dma_wait3A_57 : memref<26x256xf32, #tpu.memory_space<hbm>>) dst(%arg17 : memref<26x256xf32, #tpu.memory_space<vmem>>)
    %dma_wait3A_58 = tpu.memref_slice %arg6[%add3A_49] : memref<524288xf32, #tpu.memory_space<hbm>> -> memref<256xf32, #tpu.memory_space<hbm>>
    %dma_wait3A_59 = tpu.memref_slice %arg6[%add3A_49] : memref<524288xf32, #tpu.memory_space<hbm>> -> memref<256xf32, #tpu.memory_space<hbm>>
    tpu.wait_dma2 semaphore(%arg28 : memref<!tpu.dma_semaphore, #tpu.memory_space<semaphore_mem>>) src(%dma_wait3A_59 : memref<256xf32, #tpu.memory_space<hbm>>) dst(%arg19 : memref<256xf32, #tpu.memory_space<vmem>>)
    %dma_wait3A_60 = tpu.memref_slice %arg7[%add3A_49] : memref<524288xf32, #tpu.memory_space<hbm>> -> memref<256xf32, #tpu.memory_space<hbm>>
    %dma_wait3A_61 = tpu.memref_slice %arg7[%add3A_49] : memref<524288xf32, #tpu.memory_space<hbm>> -> memref<256xf32, #tpu.memory_space<hbm>>
    tpu.wait_dma2 semaphore(%arg28 : memref<!tpu.dma_semaphore, #tpu.memory_space<semaphore_mem>>) src(%dma_wait3A_61 : memref<256xf32, #tpu.memory_space<hbm>>) dst(%arg21 : memref<256xf32, #tpu.memory_space<vmem>>)
    %add3A_62 = arith.constant 16128 : i32
    %add3A_63 = arith.addi %mul3A_2, %add3A_62 : i32
    %dma_wait3A_64 = tpu.memref_slice %arg2[%add3A_63] : memref<524288xi32, #tpu.memory_space<hbm>> -> memref<256xi32, #tpu.memory_space<hbm>>
    %dma_wait3A_65 = tpu.memref_slice %arg2[%add3A_63] : memref<524288xi32, #tpu.memory_space<hbm>> -> memref<256xi32, #tpu.memory_space<hbm>>
    tpu.wait_dma2 semaphore(%arg27 : memref<!tpu.dma_semaphore, #tpu.memory_space<semaphore_mem>>) src(%dma_wait3A_65 : memref<256xi32, #tpu.memory_space<hbm>>) dst(%arg12 : memref<256xi32, #tpu.memory_space<vmem>>)
    %add3A_66 = arith.constant 16128 : i32
    %add3A_67 = arith.addi %mul3A_2, %add3A_66 : i32
    %dma_wait3A_68 = arith.constant 0 : i32
    %dma_wait3A_69 = tpu.memref_slice %arg4[%dma_wait3A_68, %add3A_67] : memref<26x524288xf32, #tpu.memory_space<hbm>> -> memref<26x256xf32, #tpu.memory_space<hbm>>
    %dma_wait3A_70 = arith.constant 0 : i32
    %dma_wait3A_71 = tpu.memref_slice %arg4[%dma_wait3A_70, %add3A_67] : memref<26x524288xf32, #tpu.memory_space<hbm>> -> memref<26x256xf32, #tpu.memory_space<hbm>>
    tpu.wait_dma2 semaphore(%arg29 : memref<!tpu.dma_semaphore, #tpu.memory_space<semaphore_mem>>) src(%dma_wait3A_71 : memref<26x256xf32, #tpu.memory_space<hbm>>) dst(%arg16 : memref<26x256xf32, #tpu.memory_space<vmem>>)
    %dma_wait3A_72 = arith.constant 0 : i32
    %dma_wait3A_73 = tpu.memref_slice %arg5[%dma_wait3A_72, %add3A_67] : memref<26x524288xf32, #tpu.memory_space<hbm>> -> memref<26x256xf32, #tpu.memory_space<hbm>>
    %dma_wait3A_74 = arith.constant 0 : i32
    %dma_wait3A_75 = tpu.memref_slice %arg5[%dma_wait3A_74, %add3A_67] : memref<26x524288xf32, #tpu.memory_space<hbm>> -> memref<26x256xf32, #tpu.memory_space<hbm>>
    tpu.wait_dma2 semaphore(%arg29 : memref<!tpu.dma_semaphore, #tpu.memory_space<semaphore_mem>>) src(%dma_wait3A_75 : memref<26x256xf32, #tpu.memory_space<hbm>>) dst(%arg18 : memref<26x256xf32, #tpu.memory_space<vmem>>)
    %dma_wait3A_76 = tpu.memref_slice %arg6[%add3A_67] : memref<524288xf32, #tpu.memory_space<hbm>> -> memref<256xf32, #tpu.memory_space<hbm>>
    %dma_wait3A_77 = tpu.memref_slice %arg6[%add3A_67] : memref<524288xf32, #tpu.memory_space<hbm>> -> memref<256xf32, #tpu.memory_space<hbm>>
    tpu.wait_dma2 semaphore(%arg29 : memref<!tpu.dma_semaphore, #tpu.memory_space<semaphore_mem>>) src(%dma_wait3A_77 : memref<256xf32, #tpu.memory_space<hbm>>) dst(%arg20 : memref<256xf32, #tpu.memory_space<vmem>>)
    %dma_wait3A_78 = tpu.memref_slice %arg7[%add3A_67] : memref<524288xf32, #tpu.memory_space<hbm>> -> memref<256xf32, #tpu.memory_space<hbm>>
    %dma_wait3A_79 = tpu.memref_slice %arg7[%add3A_67] : memref<524288xf32, #tpu.memory_space<hbm>> -> memref<256xf32, #tpu.memory_space<hbm>>
    tpu.wait_dma2 semaphore(%arg29 : memref<!tpu.dma_semaphore, #tpu.memory_space<semaphore_mem>>) src(%dma_wait3A_79 : memref<256xf32, #tpu.memory_space<hbm>>) dst(%arg22 : memref<256xf32, #tpu.memory_space<vmem>>)
    return
  }
}

module attributes {stable_mosaic.version = 14 : i64} {
  func.func @_mlp_body(%arg0: i32, %arg1: memref<32x2048xf32, #tpu.memory_space<vmem>>, %arg2: memref<32x32xf32, #tpu.memory_space<vmem>>, %arg3: memref<1x32xf32, #tpu.memory_space<vmem>>, %arg4: memref<32x64xf32, #tpu.memory_space<vmem>>, %arg5: memref<1x64xf32, #tpu.memory_space<vmem>>, %arg6: memref<32x32xf32, #tpu.memory_space<vmem>>, %arg7: memref<1x32xf32, #tpu.memory_space<vmem>>, %arg8: memref<32x64xf32, #tpu.memory_space<vmem>>, %arg9: memref<1x64xf32, #tpu.memory_space<vmem>>, %arg10: memref<2048x128xf32, #tpu.memory_space<vmem>>) attributes {dimension_semantics = [#tpu.dimension_semantics<arbitrary>], iteration_bounds = array<i64: 49>, scalar_prefetch = 0 : i64, scratch_operands = 0 : i64, tpu.core_type = #tpu.core_type<tc>, window_params = [{transform_indices = @transform_0, window_bounds = array<i64: 32, 2048>}, {pipeline_mode = #tpu.pipeline_mode<synchronous>, transform_indices = @transform_1, window_bounds = array<i64: 32, 32>}, {pipeline_mode = #tpu.pipeline_mode<synchronous>, transform_indices = @transform_2, window_bounds = array<i64: 1, 32>}, {pipeline_mode = #tpu.pipeline_mode<synchronous>, transform_indices = @transform_3, window_bounds = array<i64: 32, 64>}, {pipeline_mode = #tpu.pipeline_mode<synchronous>, transform_indices = @transform_4, window_bounds = array<i64: 1, 64>}, {pipeline_mode = #tpu.pipeline_mode<synchronous>, transform_indices = @transform_5, window_bounds = array<i64: 32, 32>}, {pipeline_mode = #tpu.pipeline_mode<synchronous>, transform_indices = @transform_6, window_bounds = array<i64: 1, 32>}, {pipeline_mode = #tpu.pipeline_mode<synchronous>, transform_indices = @transform_7, window_bounds = array<i64: 32, 64>}, {pipeline_mode = #tpu.pipeline_mode<synchronous>, transform_indices = @transform_8, window_bounds = array<i64: 1, 64>}, {transform_indices = @transform_9, window_bounds = array<i64: 2048, 128>}]} {
    %get3A = arith.constant 0 : index
    %get3A_0 = arith.constant 0 : index
    %get3A_1 = vector.load %arg1[%get3A, %get3A_0] : memref<32x2048xf32, #tpu.memory_space<vmem>>, vector<32x2048xf32>
    %get3A_2 = arith.constant 0 : index
    %get3A_3 = arith.constant 0 : index
    %get3A_4 = vector.load %arg2[%get3A_2, %get3A_3] : memref<32x32xf32, #tpu.memory_space<vmem>>, vector<32x32xf32>
    %dot_general3A = arith.constant dense<0.000000e+00> : vector<2048x32xf32>
    %dot_general3A_5 = tpu.matmul %get3A_1, %get3A_4, %dot_general3A {dimension_numbers = #tpu.dot_dimension_numbers<[0], [0], [1], [1], [0, 1, 1, 1], [], []>, transpose_lhs_hint = false} : vector<32x2048xf32>, vector<32x32xf32>, vector<2048x32xf32> -> vector<2048x32xf32>
    %get3A_6 = arith.constant 0 : index
    %get3A_7 = arith.constant 0 : index
    %get3A_8 = vector.load %arg3[%get3A_6, %get3A_7] : memref<1x32xf32, #tpu.memory_space<vmem>>, vector<1x32xf32>
    %add3A = vector.broadcast %get3A_8 : vector<1x32xf32> to vector<2048x32xf32>
    %add3A_9 = arith.addf %dot_general3A_5, %add3A : vector<2048x32xf32>
    %logistic3A = arith.negf %add3A_9 : vector<2048x32xf32>
    %logistic3A_10 = math.exp %logistic3A : vector<2048x32xf32>
    %logistic3A_11 = arith.constant 1.000000e+00 : f32
    %logistic3A_12 = vector.broadcast %logistic3A_11 : f32 to vector<2048x32xf32>
    %logistic3A_13 = arith.addf %logistic3A_12, %logistic3A_10 : vector<2048x32xf32>
    %logistic3A_14 = arith.divf %logistic3A_12, %logistic3A_13 : vector<2048x32xf32>
    %mul3A = arith.mulf %add3A_9, %logistic3A_14 : vector<2048x32xf32>
    %get3A_15 = arith.constant 0 : index
    %get3A_16 = arith.constant 0 : index
    %get3A_17 = vector.load %arg4[%get3A_15, %get3A_16] : memref<32x64xf32, #tpu.memory_space<vmem>>, vector<32x64xf32>
    %dot_general3A_18 = arith.constant dense<0.000000e+00> : vector<2048x64xf32>
    %dot_general3A_19 = tpu.matmul %mul3A, %get3A_17, %dot_general3A_18 {dimension_numbers = #tpu.dot_dimension_numbers<[1], [0], [0], [1], [0, 0, 1, 1], [], []>, transpose_lhs_hint = false} : vector<2048x32xf32>, vector<32x64xf32>, vector<2048x64xf32> -> vector<2048x64xf32>
    %get3A_20 = arith.constant 0 : index
    %get3A_21 = arith.constant 0 : index
    %get3A_22 = vector.load %arg5[%get3A_20, %get3A_21] : memref<1x64xf32, #tpu.memory_space<vmem>>, vector<1x64xf32>
    %add3A_23 = vector.broadcast %get3A_22 : vector<1x64xf32> to vector<2048x64xf32>
    %add3A_24 = arith.addf %dot_general3A_19, %add3A_23 : vector<2048x64xf32>
    %get3A_25 = arith.constant 0 : index
    %get3A_26 = arith.constant 0 : index
    %get3A_27 = vector.load %arg6[%get3A_25, %get3A_26] : memref<32x32xf32, #tpu.memory_space<vmem>>, vector<32x32xf32>
    %dot_general3A_28 = arith.constant dense<0.000000e+00> : vector<2048x32xf32>
    %dot_general3A_29 = tpu.matmul %get3A_1, %get3A_27, %dot_general3A_28 {dimension_numbers = #tpu.dot_dimension_numbers<[0], [0], [1], [1], [0, 1, 1, 1], [], []>, transpose_lhs_hint = false} : vector<32x2048xf32>, vector<32x32xf32>, vector<2048x32xf32> -> vector<2048x32xf32>
    %get3A_30 = arith.constant 0 : index
    %get3A_31 = arith.constant 0 : index
    %get3A_32 = vector.load %arg7[%get3A_30, %get3A_31] : memref<1x32xf32, #tpu.memory_space<vmem>>, vector<1x32xf32>
    %add3A_33 = vector.broadcast %get3A_32 : vector<1x32xf32> to vector<2048x32xf32>
    %add3A_34 = arith.addf %dot_general3A_29, %add3A_33 : vector<2048x32xf32>
    %logistic3A_35 = arith.negf %add3A_34 : vector<2048x32xf32>
    %logistic3A_36 = math.exp %logistic3A_35 : vector<2048x32xf32>
    %logistic3A_37 = arith.constant 1.000000e+00 : f32
    %logistic3A_38 = vector.broadcast %logistic3A_37 : f32 to vector<2048x32xf32>
    %logistic3A_39 = arith.addf %logistic3A_38, %logistic3A_36 : vector<2048x32xf32>
    %logistic3A_40 = arith.divf %logistic3A_38, %logistic3A_39 : vector<2048x32xf32>
    %mul3A_41 = arith.mulf %add3A_34, %logistic3A_40 : vector<2048x32xf32>
    %get3A_42 = arith.constant 0 : index
    %get3A_43 = arith.constant 0 : index
    %get3A_44 = vector.load %arg8[%get3A_42, %get3A_43] : memref<32x64xf32, #tpu.memory_space<vmem>>, vector<32x64xf32>
    %dot_general3A_45 = arith.constant dense<0.000000e+00> : vector<2048x64xf32>
    %dot_general3A_46 = tpu.matmul %mul3A_41, %get3A_44, %dot_general3A_45 {dimension_numbers = #tpu.dot_dimension_numbers<[1], [0], [0], [1], [0, 0, 1, 1], [], []>, transpose_lhs_hint = false} : vector<2048x32xf32>, vector<32x64xf32>, vector<2048x64xf32> -> vector<2048x64xf32>
    %get3A_47 = arith.constant 0 : index
    %get3A_48 = arith.constant 0 : index
    %get3A_49 = vector.load %arg9[%get3A_47, %get3A_48] : memref<1x64xf32, #tpu.memory_space<vmem>>, vector<1x64xf32>
    %add3A_50 = vector.broadcast %get3A_49 : vector<1x64xf32> to vector<2048x64xf32>
    %add3A_51 = arith.addf %dot_general3A_46, %add3A_50 : vector<2048x64xf32>
    %concatenate3A = tpu.concatenate %add3A_24, %add3A_51 in 1 : vector<2048x64xf32>, vector<2048x64xf32> -> vector<2048x128xf32>
    %swap3A = arith.constant 0 : index
    %swap3A_52 = arith.constant 0 : index
    %swap3A_53 = vector.load %arg10[%swap3A, %swap3A_52] : memref<2048x128xf32, #tpu.memory_space<vmem>>, vector<2048x128xf32>
    tpu.vector_store %arg10[%swap3A, %swap3A_52], %concatenate3A {strides = array<i32>} : memref<2048x128xf32, #tpu.memory_space<vmem>>, vector<2048x128xf32>,
    return
  }
  func.func @transform_0(%arg0: i32) -> (i32, i32) {
    %c0_i32 = arith.constant 0 : i32
    %c0_i32_0 = arith.constant 0 : i32
    return %c0_i32, %arg0 : i32, i32
  }
  func.func @transform_1(%arg0: i32) -> (i32, i32) {
    %c0_i32 = arith.constant 0 : i32
    %c0_i32_0 = arith.constant 0 : i32
    %c0_i32_1 = arith.constant 0 : i32
    return %c0_i32, %c0_i32_0 : i32, i32
  }
  func.func @transform_2(%arg0: i32) -> (i32, i32) {
    %c0_i32 = arith.constant 0 : i32
    %c0_i32_0 = arith.constant 0 : i32
    %c0_i32_1 = arith.constant 0 : i32
    return %c0_i32, %c0_i32_0 : i32, i32
  }
  func.func @transform_3(%arg0: i32) -> (i32, i32) {
    %c0_i32 = arith.constant 0 : i32
    %c0_i32_0 = arith.constant 0 : i32
    %c0_i32_1 = arith.constant 0 : i32
    return %c0_i32, %c0_i32_0 : i32, i32
  }
  func.func @transform_4(%arg0: i32) -> (i32, i32) {
    %c0_i32 = arith.constant 0 : i32
    %c0_i32_0 = arith.constant 0 : i32
    %c0_i32_1 = arith.constant 0 : i32
    return %c0_i32, %c0_i32_0 : i32, i32
  }
  func.func @transform_5(%arg0: i32) -> (i32, i32) {
    %c0_i32 = arith.constant 0 : i32
    %c0_i32_0 = arith.constant 0 : i32
    %c0_i32_1 = arith.constant 0 : i32
    return %c0_i32, %c0_i32_0 : i32, i32
  }
  func.func @transform_6(%arg0: i32) -> (i32, i32) {
    %c0_i32 = arith.constant 0 : i32
    %c0_i32_0 = arith.constant 0 : i32
    %c0_i32_1 = arith.constant 0 : i32
    return %c0_i32, %c0_i32_0 : i32, i32
  }
  func.func @transform_7(%arg0: i32) -> (i32, i32) {
    %c0_i32 = arith.constant 0 : i32
    %c0_i32_0 = arith.constant 0 : i32
    %c0_i32_1 = arith.constant 0 : i32
    return %c0_i32, %c0_i32_0 : i32, i32
  }
  func.func @transform_8(%arg0: i32) -> (i32, i32) {
    %c0_i32 = arith.constant 0 : i32
    %c0_i32_0 = arith.constant 0 : i32
    %c0_i32_1 = arith.constant 0 : i32
    return %c0_i32, %c0_i32_0 : i32, i32
  }
  func.func @transform_9(%arg0: i32) -> (i32, i32) {
    %c0_i32 = arith.constant 0 : i32
    %c0_i32_0 = arith.constant 0 : i32
    return %arg0, %c0_i32 : i32, i32
  }
}

</mosaic_0001>

<sc_bundles>
// kernel: kernel.4.cloned.1.call-start
scs
__scs_entry_jumppad:
0x0: {  	(pc) =	sbr.rel $0x88, $3  }
0x1: {  	(tag) =	ssettag $0x0;
	lr =	simm.s32 $0x1  }
0x2: {  	[smem:$0x3F93] =	sst lr;
	_ =	strace $0xD0000000  }
0x3: {  	_ = 	snop  }
0x4: {  	_ = 	snop  }
0x5: {  	_ = 	snop  }
0x6: {  	_ = 	snop  }
0x7: {  	_ = 	snop  }
__scs_overlays_trampoline_lowered:
0x8: {  	[smem:$0x3FA2] =	sst s0  }
0x9: {  	[smem:$0x3FA3] =	sst s1  }
0xa: {  	[smem:$0x3FA4] =	sst s2  }
0xb: {  	[smem:$0x3FA5] =	sst s3  }
0xc: {  	[smem:$0x3FA6] =	sst s4  }
0xd: {  	[smem:$0x3FA7] =	sst s5  }
0xe: {  	[smem:$0x3FA8] =	sst s6  }
0xf: {  	[smem:$0x3FA9] =	sst s7  }
0x10: {  	[smem:$0x3FAA] =	sst s8  }
0x11: {  	[smem:$0x3FAB] =	sst s9;
	s0 =	simm.s32 @!p0 $0x0  }
0x12: {  	s1 =	sld [smem:$0x3F91];
	s0 =	simm.s32 @p0 $0x1  }
0x13: {  	[smem:$0x3FAC] =	sst s0;
	s0 =	simm.s32 @!p1 $0x0  }
0x14: {  	s2 =	sld [smem:$0x3F90];
	s0 =	simm.s32 @p1 $0x1  }
0x15: {  	[smem:$0x3FAD] =	sst s0;
	s0 =	simm.s32 @!p2 $0x0  }
0x16: {  	s3 =	sld [smem:$0x3FDB];
	s0 =	simm.s32 @p2 $0x1  }
0x17: {  	s4 =	simm.s32 $0x1BF5;
	[smem:$0x3FAF] =	sst s0  }
0x18: {  	s0 =	sld [smem:$0x3F92];
	_ =	swait.ge [sflag:s4], $0x0  }
0x19: {  	s7 =	sld [smem:$0x3F93]  }
0x1a: {  	s8 =	sadd.s32 $0xFFFFE003, lr  }
0x1b: {  	s9 =	sadd.s32 $0xFFFFFEF7, lr;
	s5 =	simm.s32 $0xFFFFFFFF;
	p2 =	slt.u32 s8, $0xFFFFF086  }
0x1c: {  	p1 =	slt.u32 s9, $0xF7A;
	s5 =	simm.s32 @!p2 $0x0  }
0x1d: {  	s5 =	simm.s32 @p1 $0x1;
	p0 =	seq.s32 s7, s2  }
0x1e: {  	s7 =	smul.u32 @!p0 $0xF7A, s2;
	p2 =	seq.s32 @!p0 s5, $0x0  }
0x1f: {  	s9 =	smul.u32 $0xF7A, s1;
	s8 =	simm.s32 @!p0 $0x1BF5;
	p2 =	por !p2, p0  }
0x20: {  	[sflag:s8] =	ssyncset.s32 @!p0 $0xFFFFF086;
	s6 =	sadd.s32 @!p0 s3, s7;
	s7 =	simm.s32 @!p0 $0x108  }
0x21: {  	s3 =	sadd.s32 s3, s9;
	s6 =	sadd.s32 @!p0 $0x88, s6;
	s7 =	simm.s32 @p2 $0x1082  }
0x22: {  	[simem:s7], [sflag:s8] =	dma.local @!p0 [hbm:s6], $0xF7A  }
0x23: {  	s9 =	sor.u32 $0xD0000000, s2;
	s6 =	simm.s32 $0x108;
	_ =	swait.ge @!p0 [sflag:s8], $0x0  }
0x24: {  	s3 =	sadd.s32 $0x88, s3;
	s6 =	simm.s32 @!p1 $0x1082;
	[sflag:s4] =	ssyncset.s32 $0xFFFFF086  }
0x25: {  	[simem:s6], [sflag:s4] =	dma.local [hbm:s3], $0xF7A  }
0x26: {  	[smem:$0x3F93] =	sst s1;
	(tag) =	ssettag s2;
	_ =	strace s9  }
0x27: {  	s1 =	sld [smem:$0x3FA3]  }
0x28: {  	s2 =	sld [smem:$0x3FA4]  }
0x29: {  	s4 =	sld [smem:$0x3FA6]  }
0x2a: {  	p0 =	seq.s32 s5, $0x0;
	s5 =	sld [smem:$0x3FA7]  }
0x2b: {  	s6 =	sld [smem:$0x3FA8]  }
0x2c: {  	s7 =	sld [smem:$0x3FA9]  }
0x2d: {  	s3 =	simm.s32 $0x108;
	s8 =	sld [smem:$0x3FAA]  }
0x2e: {  	s3 =	simm.s32 @!p0 $0x1082;
	s9 =	sld [smem:$0x3FAB]  }
0x2f: {  	lr =	sadd.s32 s0, s3;
	s0 =	sld [smem:$0x3FA2]  }
0x30: {  	s3 =	sld [smem:$0x3FA5]  }
0x31: {  	[smem:$0x3FAE] =	sst s10  }
0x32: {  	s10 =	sld [smem:$0x3FAC];
	_ =	sdelay $0x3  }
0x33: {  	p0 =	seq.s32 s10, $0x1;
	s10 =	sld [smem:$0x3FAE];
	_ =	sdelay $0x3  }
0x34: {  	[smem:$0x3FAE] =	sst s10  }
0x35: {  	s10 =	sld [smem:$0x3FAD];
	_ =	sdelay $0x3  }
0x36: {  	p1 =	seq.s32 s10, $0x1;
	s10 =	sld [smem:$0x3FAE];
	_ =	sdelay $0x3  }
0x37: {  	[smem:$0x3FAE] =	sst s10  }
0x38: {  	s10 =	sld [smem:$0x3FAF]  }
0x39: {  	_ = 	snop;
	(pc) =	sbr.ind lr, $3  }
0x3a: {  	_ = 	snop  }
0x3b: {  	_ = 	snop  }
0x3c: {  	p2 =	seq.s32 s10, $0x1;
	s10 =	sld [smem:$0x3FAE]  }
0x3d: {  	_ =	shalt  }
0x3e: {  	_ =	shalt  }
0x3f: {  	_ =	shalt  }
0x40: {  	_ =	shalt  }
0x41: {  	_ =	shalt  }
0x42: {  	_ =	shalt  }
0x43: {  	_ =	shalt  }
0x44: {  	_ =	shalt  }
0x45: {  	_ =	shalt  }
0x46: {  	_ =	shalt  }
0x47: {  	_ =	shalt  }
0x48: {  	_ =	shalt  }
0x49: {  	_ =	shalt  }
0x4a: {  	_ =	shalt  }
0x4b: {  	_ =	shalt  }
0x4c: {  	_ =	shalt  }
0x4d: {  	_ =	shalt  }
0x4e: {  	_ =	shalt  }
0x4f: {  	_ =	shalt  }
0x50: {  	_ =	shalt  }
0x51: {  	_ =	shalt  }
0x52: {  	_ =	shalt  }
0x53: {  	_ =	shalt  }
0x54: {  	_ =	shalt  }
0x55: {  	_ =	shalt  }
0x56: {  	_ =	shalt  }
0x57: {  	_ =	shalt  }
0x58: {  	_ =	shalt  }
0x59: {  	_ =	shalt  }
0x5a: {  	_ =	shalt  }
0x5b: {  	_ =	shalt  }
0x5c: {  	_ =	shalt  }
0x5d: {  	_ =	shalt  }
0x5e: {  	_ =	shalt  }
0x5f: {  	_ =	shalt  }
0x60: {  	_ =	shalt  }
0x61: {  	_ =	shalt  }
0x62: {  	_ =	shalt  }
0x63: {  	_ =	shalt  }
0x64: {  	_ =	shalt  }
0x65: {  	_ =	shalt  }
0x66: {  	_ =	shalt  }
0x67: {  	_ =	shalt  }
0x68: {  	_ =	shalt  }
0x69: {  	_ =	shalt  }
0x6a: {  	_ =	shalt  }
0x6b: {  	_ =	shalt  }
0x6c: {  	_ =	shalt  }
0x6d: {  	_ =	shalt  }
0x6e: {  	_ =	shalt  }
0x6f: {  	_ =	shalt  }
0x70: {  	_ =	shalt  }
0x71: {  	_ =	shalt  }
0x72: {  	_ =	shalt  }
0x73: {  	_ =	shalt  }
0x74: {  	_ =	shalt  }
0x75: {  	_ =	shalt  }
0x76: {  	_ =	shalt  }
0x77: {  	_ =	shalt  }
0x78: {  	_ =	shalt  }
0x79: {  	_ =	shalt  }
0x7a: {  	_ =	shalt  }
0x7b: {  	_ =	shalt  }
0x7c: {  	_ =	shalt  }
0x7d: {  	_ =	shalt  }
0x7e: {  	_ =	shalt  }
0x7f: {  	_ =	shalt  }
0x80: {  	_ =	shalt  }
0x81: {  	_ =	shalt  }
0x82: {  	_ =	shalt  }
0x83: {  	_ =	shalt  }
0x84: {  	_ =	shalt  }
0x85: {  	_ =	shalt  }
0x86: {  	_ =	shalt  }
0x87: {  	_ =	shalt  }
.Lfunc_end0:
.L_simem_size_0:
called_computation_lowered:
.L_overlay_start_0:
0x88: {  	s2 =	sld [smem:$0x3FD9]  }
0x89: {  	s3 =	sld [smem:$0x3FFE];
	_ =	sdelay $0x1  }
0x8a: {  	s1 =	srdreg.scid  }
0x8b: {  	s0 =	sand.u32 $0x1, s1  }
0x8c: {  	s17 =	sshll.u32 s0, $0xA;
	s2 =	sadd.s32 s3, s2  }
0x8d: {  	s2 =	sadd.s32 s2, s17  }
0x8e: {  	[smem:$0x3FBA] =	sst s2  }
0x8f: {  	_ = 	snop  }
0x90: {  	s2 =	sld [smem:$0x3FC9]  }
0x91: {  	s18 =	sld [smem:$0x3FC8]  }
0x92: {  	s4 =	sld [smem:$0x3FC7]  }
0x93: {  	s5 =	sld [smem:$0x3FC6]  }
0x94: {  	s6 =	sld [smem:$0x3FC5];
	(tm) =	ssettm $0x1  }
0x95: {  	s7 =	sld [smem:$0x3FFB];
	_ =	sdelay $0x3  }
0x96: {  	_ =	strace s7  }
0x97: {  	s7 =	sld [smem:$0x3FFC];
	_ =	sdelay $0x3  }
0x98: {  	_ =	strace s7  }
0x99: {  	s7 =	sld [smem:$0x3FFD];
	_ =	sdelay $0x3  }
0x9a: {  	_ =	strace s7  }
0x9b: {  	_ =	strace $0x8FFFFFFF  }
0x9c: {  	s19 =	sld [smem:$0x3FDB];
	_ =	sdelay $0x1  }
0x9d: {  	s8 =	simm.s32 $_scs_section_size  }
0x9e: {  	s9 =	simm.s32 $_size__tile_overlayer_lowered;
	s10 =	simm.s32 $_tile_overlayer_lowered  }
0x9f: {  	s22 =	simm.s32 $0x1BFF;
	s21 =	sshll.u32 s10, $0x1;
	s7 =	sadd.s32 s8, s19  }
0xa0: {  	s11 =	simm.s32 $0x0;
	s20 =	sshll.u32 s9, $0x1;
	s9 =	sadd.s32 s21, s7  }
0xa1: {  	[timem:s11], [sflag:s22] =	dma.local [hbm:s9], s20  }
0xa2: {  	_ =	swait.ge [sflag:s22], s20  }
0xa3: {  	s8 =	ssub.s32 $0x0, s20;
	[sflag:s22] =	ssyncset.done $0x0  }
0xa4: {  	[sflag:s22] =	ssyncadd.s32 s8;
	_ =	sdelay $0x1  }
0xa5: {  	s23 =	simm.s32 $0x1B8B  }
0xa6: {  	_ =	swait.ge [sflag:s23], $0x1  }
0xa7: {  	[sflag:s23] =	ssyncset.done $0x0  }
0xa8: {  	s25 =	simm.s32 $0x1B8E;
	s24 =	sld [smem:$0x3FFE];
	[sflag:s23] =	ssyncadd.s32 $0xFFFFFFFF  }
0xa9: {  	s26 =	simm.s32 $execute0_lowered;
	[smem:$0x3FD2] =	sst s25  }
0xaa: {  	s9 =	sshll.u32 s26, $0x1;
	_ =	strace $0x80000046;
	[dreg:$0x1] =	wrdreg $0xFFFFFFFF  }
0xab: {  	s28 =	simm.s32 $_size_execute0_lowered;
	s7 =	sadd.s32 s7, s9;
	[dreg:$0x0] =	wrdreg $0x0  }
0xac: {  	s9 =	sshll.u32 s28, $0x1;
	[dreg:$0x2] =	wrdreg s7  }
0xad: {  	[dreg:$0x3] =	wrdreg s9  }
0xae: {  	[dreg:$0x4] =	wrdreg $0xC0  }
0xaf: {  	_ =	task [dreg:s11], $0x5FFFF  }
0xb0: {  	[dreg:$0x1] =	wrdreg $0xFFFFFFFF  }
0xb1: {  	[dreg:$0x0] =	wrdreg $0x60  }
0xb2: {  	[dreg:$0x2] =	wrdreg s2  }
0xb3: {  	[dreg:$0x3] =	wrdreg s24  }
0xb4: {  	[dreg:$0x4] =	wrdreg s5  }
0xb5: {  	[dreg:$0x5] =	wrdreg s6  }
0xb6: {  	[dreg:$0x6] =	wrdreg s18  }
0xb7: {  	[dreg:$0x7] =	wrdreg s4  }
0xb8: {  	[dreg:$0x8] =	wrdreg $0x9  }
0xb9: {  	_ =	task.clear_ibuf [dreg:s11], $0x9FFFF;
	_ =	strace $0x90000046  }
0xba: {  	s29 =	simm.s32 $0x9;
	_ =	strace $0x80000048  }
0xbb: {  	_ =	swait.ge [sflag:s29], $0x1  }
0xbc: {  	[sflag:s29] =	ssyncadd.s32 $0xFFFFFFFF  }
0xbd: {  	_ =	strace $0x90000048  }
0xbe: {  	_ =	sfence  }
0xbf: {  	s30 =	sld [smem:$0x0];
	_ =	sdelay $0x2  }
0xc0: {  	s31 =	sshll.u32 s1, $0xD;
	s1 =	sshrl.u32 s1, $0x2  }
0xc1: {  	s3 =	sand.u32 $0x4000, s31;
	s1 =	sadd.s32 s1, s30  }
0xc2: {  	s0 =	sor.u32 s3, s0;
	s1 =	sshll.u32 s1, $0x11  }
0xc3: {  	s0 =	sor.u32 s1, s0  }
0xc4: {  	s0 =	sadd.s32 $0x8F2B, s0  }
0xc5: {  	[sflag:s0] =	ssyncadd.remote.s32 $0x1  }
0xc6: {  	_ =	sfence.sel $0xFFFF  }
0xc7: {  	[dreg:$0x0] =	wrdreg $0xFFFFFFFF;
	(pc) =	sbr.abs _section_cstart, $3  }
0xc8: {  	[dreg:$0x1] =	wrdreg $0xFFFFFFFF  }
0xc9: {  	_ =	task.clear_ibuf [dreg:s11], $0x2FFFF;
	_ =	strace $0x9FFFFFFF  }
0xca: {  	(tm) =	ssettm $0x7FFFFFFF  }
0xcb: {  	_ =	shalt  }
tec
execute0_lowered:
.L_overlay_start_1:
0x0: {  	(tag) =	ssettag $0x1  }
0x1: {  	v0 =	vimm.s32 $0xFEDCB;
	vm4 =	vcmask $0x300;
	v1 =	vimm.s32 $0xB80  }
0x2: {  	vm3 =	vcmask $0x704;
	vm1 =	vcmask $0xB08;
	vm0 =	vcmask $0xF0C  }
0x3: {  	v2 =	vimm.s32 $0x12111013;
	v3 =	vimm.s32 $0x16151417;
	vm2 =	vcmask $0x2314  }
0x4: {  	v4 =	vimm.s32 $0x191800;
	v5 =	vimm.s32 $0x43218765;
	v6 =	vimm.s32 $0x191817  }
0x5: {  	v7 =	vimm.s32 $0x6543A987;
	v8 =	vimm.s32 $0xC0B0A09;
	v9 =	vimm.s32 $0xD0C0B0A  }
0x6: {  	v10 =	vimm.s32 $0xE0D0C0B;
	v11 =	vimm.s32 $0x1800;
	v12 =	vimm.s32 $0x1880  }
0x7: {  	v13 =	vimm.s32 $0x0;
	v14 =	vimm.s32 $0x80;
	v15 =	vimm.s32 $0x100  }
0x8: {  	v16 =	vimm.s32 $0x180;
	v17 =	vimm.s32 $0x200;
	v18 =	vimm.s32 $0x280  }
0x9: {  	v19 =	vimm.s32 $0x300;
	v20 =	vimm.s32 $0x380;
	v21 =	vimm.s32 $0x800  }
0xa: {  	v22 =	vimm.s32 $0x880;
	v23 =	vimm.s32 $0x900;
	v24 =	vimm.s32 $0x980  }
0xb: {  	v25 =	vimm.s32 $0xA00;
	v26 =	vimm.s32 $0xA80;
	v27 =	vimm.s32 $0xB00  }
0xc: {  	vm14 =	vcmask $0x1714;
	vm15 =	vcmask $0x2B28;
	vm5 =	vcmask $0x3330  }
0xd: {  	v0 =	vunpack.c.l.s4.s8 v0;
	v1 =	vsel vm4, $0x0, v1;
	v2 =	vunpack.c.0.s8.s32 v2  }
0xe: {  	v3 =	vunpack.c.0.s8.s32 v3;
	v5 =	vunpack.c.l.s4.s8 v5;
	v29 =	vunpack.c.0.s8.s32 v6  }
0xf: {  	v6 =	vimm.s32 $0xB0A0908;
	v7 =	vunpack.c.l.s4.s8 v7;
	v8 =	vunpack.c.0.s8.s32 v8  }
0x10: {  	v9 =	vunpack.c.0.s8.s32 v9;
	v10 =	vunpack.c.0.s8.s32 v10;
	v11 =	vsel vm4, $0x880, v11  }
0x11: {  	v12 =	vsel vm4, $0x900, v12;
	v13 =	vsel vm4, $0x980, v13;
	v14 =	vsel vm4, $0xA00, v14  }
0x12: {  	v15 =	vsel vm4, $0xA80, v15;
	v16 =	vsel vm4, $0xB00, v16;
	v17 =	vsel vm4, $0xB80, v17  }
0x13: {  	v18 =	vsel vm4, $0x1000, v18;
	v19 =	vsel vm4, $0x1080, v19;
	v20 =	vsel vm4, $0x1100, v20  }
0x14: {  	v21 =	vsel vm4, $0x1180, v21;
	v22 =	vsel vm4, $0x1200, v22;
	v23 =	vsel vm4, $0x1280, v23  }
0x15: {  	v24 =	vsel vm4, $0x1300, v24;
	v25 =	vsel vm4, $0x1380, v25;
	v26 =	vsel vm4, $0x1800, v26  }
0x16: {  	v27 =	vsel vm4, $0x1880, v27;
	v1 =	vsel vm3, $0x80, v1;
	v6 =	vunpack.c.0.s8.s32 v6  }
0x17: {  	v11 =	vsel vm3, $0x900, v11;
	v12 =	vsel vm3, $0x980, v12;
	v13 =	vsel vm3, $0xA00, v13  }
0x18: {  	v14 =	vsel vm3, $0xA80, v14;
	v15 =	vsel vm3, $0xB00, v15;
	v16 =	vsel vm3, $0xB80, v16  }
0x19: {  	v17 =	vsel vm3, $0x1000, v17;
	v18 =	vsel vm3, $0x1080, v18;
	v19 =	vsel vm3, $0x1100, v19  }
0x1a: {  	v20 =	vsel vm3, $0x1180, v20;
	v21 =	vsel vm3, $0x1200, v21;
	v22 =	vsel vm3, $0x1280, v22  }
0x1b: {  	v23 =	vsel vm3, $0x1300, v23;
	v24 =	vsel vm3, $0x1380, v24;
	v25 =	vsel vm3, $0x1800, v25  }
0x1c: {  	v26 =	vsel vm3, $0x1880, v26;
	v27 =	vsel vm3, $0x0, v27;
	v0 =	vunpack.c.0.s8.s32 v0  }
0x1d: {  	v1 =	vsel vm1, $0x100, v1;
	v5 =	vunpack.c.0.s8.s32 v5;
	v7 =	vunpack.c.0.s8.s32 v7  }
0x1e: {  	v11 =	vsel vm1, $0x980, v11;
	v12 =	vsel vm1, $0xA00, v12;
	v13 =	vsel vm1, $0xA80, v13  }
0x1f: {  	v14 =	vsel vm1, $0xB00, v14;
	v15 =	vsel vm1, $0xB80, v15;
	v16 =	vsel vm1, $0x1000, v16  }
0x20: {  	v17 =	vsel vm1, $0x1080, v17;
	v18 =	vsel vm1, $0x1100, v18;
	v19 =	vsel vm1, $0x1180, v19  }
0x21: {  	v20 =	vsel vm1, $0x1200, v20;
	v21 =	vsel vm1, $0x1280, v21;
	v22 =	vsel vm1, $0x1300, v22  }
0x22: {  	v23 =	vsel vm1, $0x1380, v23;
	v24 =	vsel vm1, $0x1800, v24;
	v25 =	vsel vm1, $0x1880, v25  }
0x23: {  	v26 =	vsel vm1, $0x0, v26;
	v27 =	vsel vm1, $0x80, v27;
	v11 =	vsel vm0, $0xA00, v11  }
0x24: {  	v12 =	vsel vm0, $0xA80, v12;
	v13 =	vsel vm0, $0xB00, v13;
	v14 =	vsel vm0, $0xB80, v14  }
0x25: {  	v15 =	vsel vm0, $0x1000, v15;
	v16 =	vsel vm0, $0x1080, v16;
	v17 =	vsel vm0, $0x1100, v17  }
0x26: {  	v18 =	vsel vm0, $0x1180, v18;
	v19 =	vsel vm0, $0x1200, v19;
	v20 =	vsel vm0, $0x1280, v20  }
0x27: {  	v21 =	vsel vm0, $0x1300, v21;
	v22 =	vsel vm0, $0x1380, v22;
	v23 =	vsel vm0, $0x1800, v23  }
0x28: {  	v24 =	vsel vm0, $0x1880, v24;
	v25 =	vsel vm0, $0x0, v25;
	v0 =	vand.u32 $0xF, v0  }
0x29: {  	v0 =	vsel vm2, v2, v0;
	vm2 =	vcmask $0x3324;
	v2 =	vunpack.c.0.s8.s32 v4  }
0x2a: {  	v5 =	vand.u32 $0xF, v5;
	v0 =	vsel vm2, v3, v0;
	vm2 =	vcmask $0x3F34  }
0x2b: {  	v4 =	vsel vm0, $0x180, v1;
	v3 =	vimm.s32 $0x19181716;
	v54 =	vsel vm2, v2, v0  }
0x2c: {  	v2 =	vimm.s32 $0x32107654;
	v28 =	vunpack.c.0.s8.s32 v3;
	v3 =	vimm.s32 $0x54329876  }
0x2d: {  	v0 =	vimm.s32 $0x1001918;
	v2 =	vunpack.c.l.s4.s8 v2;
	v3 =	vunpack.c.l.s4.s8 v3  }
0x2e: {  	vm2 =	vcmask $0x2F10;
	v1 =	vunpack.c.0.s8.s32 v0;
	v0 =	vimm.s32 $0x2010019  }
0x2f: {  	v0 =	vunpack.c.0.s8.s32 v0;
	v2 =	vunpack.c.0.s8.s32 v2;
	v3 =	vunpack.c.0.s8.s32 v3  }
0x30: {  	v26 =	vsel vm0, $0x80, v26;
	v7 =	vand.u32 $0xF, v7;
	v5 =	vsel vm2, v5, v29  }
0x31: {  	v7 =	vsel vm2, v7, v0;
	v2 =	vand.u32 $0xF, v2;
	v3 =	vand.u32 $0xF, v3  }
0x32: {  	v2 =	vsel vm2, v2, v28;
	v3 =	vsel vm2, v3, v1;
	vm2 =	vcmask $0x3F30  }
0x33: {  	v27 =	vsel vm0, $0x100, v27;
	v53 =	vsel vm2, v6, v2;
	v55 =	vsel vm2, v8, v5  }
0x34: {  	v56 =	vsel vm2, v9, v3;
	v57 =	vsel vm2, v10, v7;
	vm2 =	vcmask $0x1310  }
0x35: {  	v2 =	vimm.s32 $0x1000;
	v5 =	vimm.s32 $0x1100;
	v6 =	vimm.s32 $0x1180  }
0x36: {  	v7 =	vimm.s32 $0x1200;
	v8 =	vimm.s32 $0x1280;
	v9 =	vimm.s32 $0x1300  }
0x37: {  	v10 =	vimm.s32 $0x1380;
	v3 =	vsel vm2, $0x200, v4;
	v2 =	vsel vm4, $0x80, v2  }
0x38: {  	v4 =	vimm.s32 $0x1080;
	v5 =	vsel vm4, $0x180, v5;
	v6 =	vsel vm4, $0x200, v6  }
0x39: {  	v7 =	vsel vm4, $0x280, v7;
	v8 =	vsel vm4, $0x300, v8;
	v9 =	vsel vm4, $0x380, v9  }
0x3a: {  	v10 =	vsel vm4, $0x800, v10;
	v11 =	vsel vm2, $0xA80, v11;
	v12 =	vsel vm2, $0xB00, v12  }
0x3b: {  	v13 =	vsel vm2, $0xB80, v13;
	v14 =	vsel vm2, $0x1000, v14;
	v15 =	vsel vm2, $0x1080, v15  }
0x3c: {  	v16 =	vsel vm2, $0x1100, v16;
	v17 =	vsel vm2, $0x1180, v17;
	v18 =	vsel vm2, $0x1200, v18  }
0x3d: {  	v19 =	vsel vm2, $0x1280, v19;
	v20 =	vsel vm2, $0x1300, v20;
	v21 =	vsel vm2, $0x1380, v21  }
0x3e: {  	v22 =	vsel vm2, $0x1800, v22;
	v23 =	vsel vm2, $0x1880, v23;
	v24 =	vsel vm2, $0x0, v24  }
0x3f: {  	v25 =	vsel vm2, $0x80, v25;
	v26 =	vsel vm2, $0x100, v26;
	v27 =	vsel vm2, $0x180, v27  }
0x40: {  	v4 =	vsel vm4, $0x100, v4;
	v3 =	vsel vm14, $0x280, v3;
	v2 =	vsel vm3, $0x100, v2  }
0x41: {  	v5 =	vsel vm3, $0x200, v5;
	v6 =	vsel vm3, $0x280, v6;
	v7 =	vsel vm3, $0x300, v7  }
0x42: {  	v8 =	vsel vm3, $0x380, v8;
	v9 =	vsel vm3, $0x800, v9;
	v10 =	vsel vm3, $0x880, v10  }
0x43: {  	v11 =	vsel vm14, $0xB00, v11;
	v12 =	vsel vm14, $0xB80, v12;
	v13 =	vsel vm14, $0x1000, v13  }
0x44: {  	v14 =	vsel vm14, $0x1080, v14;
	v15 =	vsel vm14, $0x1100, v15;
	v16 =	vsel vm14, $0x1180, v16  }
0x45: {  	v17 =	vsel vm14, $0x1200, v17;
	v18 =	vsel vm14, $0x1280, v18;
	v19 =	vsel vm14, $0x1300, v19  }
0x46: {  	v20 =	vsel vm14, $0x1380, v20;
	v21 =	vsel vm14, $0x1800, v21;
	v22 =	vsel vm14, $0x1880, v22  }
0x47: {  	v23 =	vsel vm14, $0x0, v23;
	v24 =	vsel vm14, $0x80, v24;
	v25 =	vsel vm14, $0x100, v25  }
0x48: {  	v26 =	vsel vm14, $0x180, v26;
	v27 =	vsel vm14, $0x200, v27;
	v4 =	vsel vm3, $0x180, v4  }
0x49: {  	vm3 =	vcmask $0x1B18;
	v2 =	vsel vm1, $0x180, v2;
	v5 =	vsel vm1, $0x280, v5  }
0x4a: {  	v6 =	vsel vm1, $0x300, v6;
	v7 =	vsel vm1, $0x380, v7;
	v8 =	vsel vm1, $0x800, v8  }
0x4b: {  	v9 =	vsel vm1, $0x880, v9;
	v10 =	vsel vm1, $0x900, v10;
	v3 =	vsel vm3, $0x300, v3  }
0x4c: {  	v4 =	vsel vm1, $0x200, v4;
	vm1 =	vcmask $0x1F1C;
	v2 =	vsel vm0, $0x200, v2  }
0x4d: {  	v5 =	vsel vm0, $0x300, v5;
	v6 =	vsel vm0, $0x380, v6;
	v7 =	vsel vm0, $0x800, v7  }
0x4e: {  	v8 =	vsel vm0, $0x880, v8;
	v9 =	vsel vm0, $0x900, v9;
	v10 =	vsel vm0, $0x980, v10  }
0x4f: {  	v11 =	vsel vm3, $0xB80, v11;
	v12 =	vsel vm3, $0x1000, v12;
	v13 =	vsel vm3, $0x1080, v13  }
0x50: {  	v14 =	vsel vm3, $0x1100, v14;
	v15 =	vsel vm3, $0x1180, v15;
	v16 =	vsel vm3, $0x1200, v16  }
0x51: {  	v17 =	vsel vm3, $0x1280, v17;
	v18 =	vsel vm3, $0x1300, v18;
	v19 =	vsel vm3, $0x1380, v19  }
0x52: {  	v20 =	vsel vm3, $0x1800, v20;
	v21 =	vsel vm3, $0x1880, v21;
	v22 =	vsel vm3, $0x0, v22  }
0x53: {  	v23 =	vsel vm3, $0x80, v23;
	v24 =	vsel vm3, $0x100, v24;
	v25 =	vsel vm3, $0x180, v25  }
0x54: {  	v26 =	vsel vm3, $0x200, v26;
	v27 =	vsel vm3, $0x280, v27;
	v3 =	vsel vm1, $0x380, v3  }
0x55: {  	v4 =	vsel vm0, $0x280, v4;
	vm0 =	vcmask $0x2320;
	v2 =	vsel vm2, $0x280, v2  }
0x56: {  	v5 =	vsel vm2, $0x380, v5;
	v6 =	vsel vm2, $0x800, v6;
	v7 =	vsel vm2, $0x880, v7  }
0x57: {  	v8 =	vsel vm2, $0x900, v8;
	v9 =	vsel vm2, $0x980, v9;
	v10 =	vsel vm2, $0xA00, v10  }
0x58: {  	v11 =	vsel vm1, $0x1000, v11;
	v12 =	vsel vm1, $0x1080, v12;
	v13 =	vsel vm1, $0x1100, v13  }
0x59: {  	v14 =	vsel vm1, $0x1180, v14;
	v15 =	vsel vm1, $0x1200, v15;
	v16 =	vsel vm1, $0x1280, v16  }
0x5a: {  	v17 =	vsel vm1, $0x1300, v17;
	v18 =	vsel vm1, $0x1380, v18;
	v19 =	vsel vm1, $0x1800, v19  }
0x5b: {  	v20 =	vsel vm1, $0x1880, v20;
	v21 =	vsel vm1, $0x0, v21;
	v22 =	vsel vm1, $0x80, v22  }
0x5c: {  	v23 =	vsel vm1, $0x100, v23;
	v24 =	vsel vm1, $0x180, v24;
	v25 =	vsel vm1, $0x200, v25  }
0x5d: {  	v26 =	vsel vm1, $0x280, v26;
	v27 =	vsel vm1, $0x300, v27;
	v3 =	vsel vm0, $0x800, v3  }
0x5e: {  	v4 =	vsel vm2, $0x300, v4;
	vm2 =	vcmask $0x2724;
	v2 =	vsel vm14, $0x300, v2  }
0x5f: {  	v5 =	vsel vm14, $0x800, v5;
	v6 =	vsel vm14, $0x880, v6;
	v7 =	vsel vm14, $0x900, v7  }
0x60: {  	v8 =	vsel vm14, $0x980, v8;
	v9 =	vsel vm14, $0xA00, v9;
	v10 =	vsel vm14, $0xA80, v10  }
0x61: {  	v11 =	vsel vm0, $0x1080, v11;
	v12 =	vsel vm0, $0x1100, v12;
	v13 =	vsel vm0, $0x1180, v13  }
0x62: {  	v14 =	vsel vm0, $0x1200, v14;
	v15 =	vsel vm0, $0x1280, v15;
	v16 =	vsel vm0, $0x1300, v16  }
0x63: {  	v17 =	vsel vm0, $0x1380, v17;
	v18 =	vsel vm0, $0x1800, v18;
	v19 =	vsel vm0, $0x1880, v19  }
0x64: {  	v20 =	vsel vm0, $0x0, v20;
	v21 =	vsel vm0, $0x80, v21;
	v22 =	vsel vm0, $0x100, v22  }
0x65: {  	v23 =	vsel vm0, $0x180, v23;
	v24 =	vsel vm0, $0x200, v24;
	v25 =	vsel vm0, $0x280, v25  }
0x66: {  	v26 =	vsel vm0, $0x300, v26;
	v27 =	vsel vm0, $0x380, v27;
	v3 =	vsel vm2, $0x880, v3  }
0x67: {  	v4 =	vsel vm14, $0x380, v4;
	v2 =	vsel vm3, $0x380, v2;
	v5 =	vsel vm3, $0x880, v5  }
0x68: {  	v6 =	vsel vm3, $0x900, v6;
	v7 =	vsel vm3, $0x980, v7;
	v8 =	vsel vm3, $0xA00, v8  }
0x69: {  	v9 =	vsel vm3, $0xA80, v9;
	v10 =	vsel vm3, $0xB00, v10;
	v11 =	vsel vm2, $0x1100, v11  }
0x6a: {  	v12 =	vsel vm2, $0x1180, v12;
	v13 =	vsel vm2, $0x1200, v13;
	v14 =	vsel vm2, $0x1280, v14  }
0x6b: {  	v15 =	vsel vm2, $0x1300, v15;
	v16 =	vsel vm2, $0x1380, v16;
	v17 =	vsel vm2, $0x1800, v17  }
0x6c: {  	v18 =	vsel vm2, $0x1880, v18;
	v19 =	vsel vm2, $0x0, v19;
	v20 =	vsel vm2, $0x80, v20  }
0x6d: {  	v21 =	vsel vm2, $0x100, v21;
	v22 =	vsel vm2, $0x180, v22;
	v23 =	vsel vm2, $0x200, v23  }
0x6e: {  	v24 =	vsel vm2, $0x280, v24;
	v25 =	vsel vm2, $0x300, v25;
	v26 =	vsel vm2, $0x380, v26  }
0x6f: {  	v27 =	vsel vm2, $0x800, v27;
	v3 =	vsel vm15, $0x900, v3;
	v4 =	vsel vm3, $0x800, v4  }
0x70: {  	vm3 =	vcmask $0x2F2C;
	v2 =	vsel vm1, $0x800, v2;
	v5 =	vsel vm1, $0x900, v5  }
0x71: {  	v6 =	vsel vm1, $0x980, v6;
	v7 =	vsel vm1, $0xA00, v7;
	v8 =	vsel vm1, $0xA80, v8  }
0x72: {  	v9 =	vsel vm1, $0xB00, v9;
	v10 =	vsel vm1, $0xB80, v10;
	v11 =	vsel vm15, $0x1180, v11  }
0x73: {  	v12 =	vsel vm15, $0x1200, v12;
	v13 =	vsel vm15, $0x1280, v13;
	v14 =	vsel vm15, $0x1300, v14  }
0x74: {  	v15 =	vsel vm15, $0x1380, v15;
	v16 =	vsel vm15, $0x1800, v16;
	v17 =	vsel vm15, $0x1880, v17  }
0x75: {  	v18 =	vsel vm15, $0x0, v18;
	v19 =	vsel vm15, $0x80, v19;
	v20 =	vsel vm15, $0x100, v20  }
0x76: {  	v21 =	vsel vm15, $0x180, v21;
	v22 =	vsel vm15, $0x200, v22;
	v23 =	vsel vm15, $0x280, v23  }
0x77: {  	v24 =	vsel vm15, $0x300, v24;
	v25 =	vsel vm15, $0x380, v25;
	v26 =	vsel vm15, $0x800, v26  }
0x78: {  	v27 =	vsel vm15, $0x880, v27;
	v3 =	vsel vm3, $0x980, v3;
	v4 =	vsel vm1, $0x880, v4  }
0x79: {  	v2 =	vsel vm0, $0x880, v2;
	v5 =	vsel vm0, $0x980, v5;
	v6 =	vsel vm0, $0xA00, v6  }
0x7a: {  	v7 =	vsel vm0, $0xA80, v7;
	v8 =	vsel vm0, $0xB00, v8;
	v9 =	vsel vm0, $0xB80, v9  }
0x7b: {  	v10 =	vsel vm0, $0x1000, v10;
	v11 =	vsel vm3, $0x1200, v11;
	v12 =	vsel vm3, $0x1280, v12  }
0x7c: {  	v13 =	vsel vm3, $0x1300, v13;
	v14 =	vsel vm3, $0x1380, v14;
	v15 =	vsel vm3, $0x1800, v15  }
0x7d: {  	v16 =	vsel vm3, $0x1880, v16;
	v17 =	vsel vm3, $0x0, v17;
	v18 =	vsel vm3, $0x80, v18  }
0x7e: {  	v19 =	vsel vm3, $0x100, v19;
	v20 =	vsel vm3, $0x180, v20;
	v21 =	vsel vm3, $0x200, v21  }
0x7f: {  	v22 =	vsel vm3, $0x280, v22;
	v23 =	vsel vm3, $0x300, v23;
	v24 =	vsel vm3, $0x380, v24  }
0x80: {  	v25 =	vsel vm3, $0x800, v25;
	v26 =	vsel vm3, $0x880, v26;
	v27 =	vsel vm3, $0x900, v27  }
0x81: {  	vm1 =	vcmask $0x3B38;
	v4 =	vsel vm0, $0x900, v4;
	v3 =	vsel vm5, $0xA00, v3  }
0x82: {  	v2 =	vsel vm2, $0x900, v2;
	v5 =	vsel vm2, $0xA00, v5;
	v6 =	vsel vm2, $0xA80, v6  }
0x83: {  	v7 =	vsel vm2, $0xB00, v7;
	v8 =	vsel vm2, $0xB80, v8;
	v9 =	vsel vm2, $0x1000, v9  }
0x84: {  	v10 =	vsel vm2, $0x1080, v10;
	vm0 =	vcmask $0x3734;
	v11 =	vsel vm5, $0x1280, v11  }
0x85: {  	v12 =	vsel vm5, $0x1300, v12;
	v13 =	vsel vm5, $0x1380, v13;
	v14 =	vsel vm5, $0x1800, v14  }
0x86: {  	v15 =	vsel vm5, $0x1880, v15;
	v16 =	vsel vm5, $0x0, v16;
	v17 =	vsel vm5, $0x80, v17  }
0x87: {  	v18 =	vsel vm5, $0x100, v18;
	v19 =	vsel vm5, $0x180, v19;
	v20 =	vsel vm5, $0x200, v20  }
0x88: {  	v21 =	vsel vm5, $0x280, v21;
	v22 =	vsel vm5, $0x300, v22;
	v23 =	vsel vm5, $0x380, v23  }
0x89: {  	v24 =	vsel vm5, $0x800, v24;
	v25 =	vsel vm5, $0x880, v25;
	v26 =	vsel vm5, $0x900, v26  }
0x8a: {  	v27 =	vsel vm5, $0x980, v27;
	v4 =	vsel vm2, $0x980, v4;
	v2 =	vsel vm15, $0x980, v2  }
0x8b: {  	v5 =	vsel vm15, $0xA80, v5;
	v6 =	vsel vm15, $0xB00, v6;
	v7 =	vsel vm15, $0xB80, v7  }
0x8c: {  	v8 =	vsel vm15, $0x1000, v8;
	v9 =	vsel vm15, $0x1080, v9;
	v10 =	vsel vm15, $0x1100, v10  }
0x8d: {  	v3 =	vsel vm0, $0xA80, v3;
	v4 =	vsel vm15, $0xA00, v4;
	v2 =	vsel vm3, $0xA00, v2  }
0x8e: {  	v5 =	vsel vm3, $0xB00, v5;
	v6 =	vsel vm3, $0xB80, v6;
	v7 =	vsel vm3, $0x1000, v7  }
0x8f: {  	v8 =	vsel vm3, $0x1080, v8;
	v9 =	vsel vm3, $0x1100, v9;
	v10 =	vsel vm3, $0x1180, v10  }
0x90: {  	v51 =	vsel vm1, $0xB00, v3;
	v4 =	vsel vm3, $0xA80, v4;
	v2 =	vsel vm5, $0xA80, v2  }
0x91: {  	v5 =	vsel vm5, $0xB80, v5;
	v6 =	vsel vm5, $0x1000, v6;
	v7 =	vsel vm5, $0x1080, v7  }
0x92: {  	v8 =	vsel vm5, $0x1100, v8;
	v9 =	vsel vm5, $0x1180, v9;
	v10 =	vsel vm5, $0x1200, v10  }
0x93: {  	v2 =	vsel vm0, $0xB00, v2;
	v4 =	vsel vm5, $0xB00, v4;
	v3 =	vsel vm0, $0x1000, v5  }
0x94: {  	v5 =	vsel vm0, $0x0, v15;
	v15 =	vsel vm0, $0x900, v25;
	v36 =	vsel vm1, $0xB80, v2  }
0x95: {  	v2 =	vsel vm0, $0xB80, v4;
	v4 =	vsel vm0, $0x1080, v6;
	v30 =	vsel vm1, $0x1080, v3  }
0x96: {  	v3 =	vsel vm0, $0x1180, v8;
	v6 =	vsel vm0, $0x80, v16;
	v8 =	vsel vm0, $0x180, v18  }
0x97: {  	v16 =	vsel vm0, $0x980, v26;
	v18 =	vimm.s32 $0x56555453;
	v58 =	vsel vm1, $0x1000, v2  }
0x98: {  	v63 =	vsel vm1, $0x1100, v4;
	v2 =	vsel vm0, $0x1100, v7;
	v4 =	vsel vm0, $0x1200, v9  }
0x99: {  	v7 =	vsel vm0, $0x100, v17;
	v9 =	vsel vm0, $0x200, v19;
	v17 =	vsel vm0, $0xA00, v27  }
0x9a: {  	v19 =	vimm.s32 $0x40595857;
	v32 =	vsel vm1, $0x1180, v2;
	v2 =	vsel vm1, $0x1200, v3  }
0x9b: {  	v31 =	vsel vm1, $0x1280, v4;
	v3 =	vsel vm0, $0x1300, v11;
	v4 =	vsel vm0, $0x1380, v12  }
0x9c: {  	v11 =	vsel vm0, $0x300, v21;
	v12 =	vsel vm0, $0x380, v22;
	v22 =	vunpack.c.0.s8.s32 v18  }
0x9d: {  	v18 =	vimm.s32 $0x13121110;
	[tilespmem:$0x1F9C0] =	vst v2;
	v2 =	vsel vm0, $0x1280, v10;
	v50 =	vsel vm1, $0x1380, v3  }
0x9e: {  	v33 =	vsel vm1, $0x1800, v4;
	v3 =	vimm.s32 $0x5251504F;
	v4 =	vsel vm0, $0x1880, v14  }
0x9f: {  	v10 =	vsel vm0, $0x280, v20;
	v14 =	vsel vm0, $0x880, v24;
	v18 =	vunpack.c.0.s8.s32 v18  }
0xa0: {  	v2 =	vsel vm1, $0x1300, v2;
	v20 =	vunpack.c.0.s8.s32 v3;
	v3 =	vimm.s32 $0x4E4D4C4B;
	[tilespmem:$0x1FA00] =	vst v22  }
0xa1: {  	v27 =	vsel vm1, $0x0, v4;
	[tilespmem:$0x1F9D0] =	vst v2;
	v2 =	vsel vm0, $0x1800, v13;
	v13 =	vsel vm0, $0x800, v23  }
0xa2: {  	vm0 =	vcmask $0x1F10;
	v21 =	vunpack.c.0.s8.s32 v3;
	v3 =	vimm.s32 $0xF0E0D0C;
	[tilespmem:$0x1FA20] =	vst v18  }
0xa3: {  	v23 =	vunpack.c.0.s8.s32 v19;
	v19 =	vimm.s32 $0x17161514;
	v3 =	vunpack.c.0.s8.s32 v3;
	[tilespmem:$0x1F9E0] =	vst v20  }
0xa4: {  	v19 =	vunpack.c.0.s8.s32 v19;
	v24 =	vsel vm1, $0x1880, v2;
	[tilespmem:$0x1F9F0] =	vst v21;
	v2 =	vsel vm0, v20, v21  }
0xa5: {  	[tilespmem:$0x1FA10] =	vst v23;
	v20 =	vsel vm0, v23, v22;
	v21 =	vimm.s32 $0x100F0E0D;
	v22 =	vimm.s32 $0x14131211  }
0xa6: {  	v23 =	vimm.s32 $0x18171615;
	v3 =	vsel vm0, v18, v3;
	[tilespmem:$0x1FA30] =	vst v19;
	v18 =	vsel vm0, v1, v19  }
0xa7: {  	v19 =	vimm.s32 $0x4F4E4D4C;
	[tilespmem:$0x1FA40] =	vst v20;
	v38 =	vcombine.low v2, v20;
	v20 =	vimm.s32 $0x41405958  }
0xa8: {  	v21 =	vunpack.c.0.s8.s32 v21;
	v22 =	vunpack.c.0.s8.s32 v22;
	v23 =	vunpack.c.0.s8.s32 v23  }
0xa9: {  	v39 =	vcombine.low v3, v18;
	v2 =	vunpack.c.0.s8.s32 v19;
	v3 =	vimm.s32 $0x53525150  }
0xaa: {  	v19 =	vimm.s32 $0x57565554;
	v20 =	vunpack.c.0.s8.s32 v20;
	v25 =	vunpack.c.0.s8.s32 v3  }
0xab: {  	v19 =	vunpack.c.0.s8.s32 v19;
	[tilespmem:$0x1FA50] =	vst v22;
	v3 =	vsel vm0, v22, v21;
	v22 =	vimm.s32 $0x16151413  }
0xac: {  	[tilespmem:$0x1FA60] =	vst v23;
	v4 =	vsel vm0, v0, v23;
	v21 =	vimm.s32 $0x1211100F;
	v35 =	vunpack.c.0.s8.s32 v22  }
0xad: {  	v22 =	vimm.s32 $0x5040302;
	[tilespmem:$0x1FA70] =	vst v25;
	v2 =	vsel vm0, v25, v2;
	v23 =	vsel vm0, v20, v19  }
0xae: {  	[tilespmem:$0x1FA80] =	vst v19;
	v25 =	vsel vm1, $0x80, v5;
	v5 =	vimm.s32 $0x54535251;
	v19 =	vimm.s32 $0x11100F0E  }
0xaf: {  	[tilespmem:$0x1FA90] =	vst v20;
	v20 =	vimm.s32 $0x15141312;
	v22 =	vunpack.c.0.s8.s32 v22;
	v26 =	vunpack.c.0.s8.s32 v5  }
0xb0: {  	v5 =	vimm.s32 $0x3020100;
	v19 =	vunpack.c.0.s8.s32 v19;
	v34 =	vunpack.c.0.s8.s32 v20  }
0xb1: {  	v20 =	vimm.s32 $0x4030201;
	v5 =	vunpack.c.0.s8.s32 v5;
	v1 =	vsel vm0, v22, v1  }
0xb2: {  	v21 =	vunpack.c.0.s8.s32 v21;
	v20 =	vunpack.c.0.s8.s32 v20;
	[tilespmem:$0x1FAE0] =	vst v1;
	v1 =	vimm.s32 $0x98765432  }
0xb3: {  	v19 =	vsel vm0, v34, v19;
	v5 =	vsel vm0, v5, v28;
	v1 =	vunpack.c.l.s4.s8 v1  }
0xb4: {  	v44 =	vcombine.low v19, v5;
	v5 =	vsel vm0, v20, v29;
	v19 =	vsel vm0, v35, v21  }
0xb5: {  	[tilespmem:$0x1FAC0] =	vst v29;
	v45 =	vcombine.low v19, v5;
	v5 =	vimm.s32 $0x6050403;
	v19 =	vimm.s32 $0xA9876543  }
0xb6: {  	[tilespmem:$0x1FAA0] =	vst v28;
	v20 =	vimm.s32 $0x58575655;
	v5 =	vunpack.c.0.s8.s32 v5;
	v19 =	vunpack.c.l.s4.s8 v19  }
0xb7: {  	[tilespmem:$0x1FAD0] =	vst v35;
	v20 =	vunpack.c.0.s8.s32 v20  }
0xb8: {  	s12 =	rddreg [dreg:$0x0];
	[tilespmem:$0x1FAB0] =	vst v34;
	v1 =	vunpack.c.0.s8.s32 v1;
	v0 =	vsel vm0, v5, v0;
	v5 =	vunpack.c.0.s8.s32 v19  }
0xb9: {  	s0 =	rddreg [dreg:$0x1];
	v59 =	vsel vm1, $0x100, v6;
	v43 =	vcombine.low v3, v4;
	[tilespmem:$0x1FB00] =	vst v0;
	v0 =	vimm.s32 $0x42414059  }
0xba: {  	s8 =	rddreg [dreg:$0x2];
	[tilespmem:$0x1FAF0] =	vst v26;
	v19 =	vunpack.c.0.s8.s32 v0;
	v0 =	vand.u32 $0xF, v1;
	v1 =	vand.u32 $0xF, v5  }
0xbb: {  	s17 =	rddreg [dreg:$0x3];
	[tilespmem:$0x1FB10] =	vst v20;
	v5 =	vsel vm1, $0x900, v14;
	v60 =	vcombine.low v4, v1;
	v4 =	vsel vm1, $0x800, v12  }
0xbc: {  	s19 =	rddreg [dreg:$0x4];
	s6 =	simm.s32 $0x0;
	v6 =	vsel vm1, $0xA00, v16;
	v16 =	vmovc v4;
	[tilespmem:$0x1FB20] =	vst v19;
	v4 =	vsel vm0, v19, v20;
	v20 =	vmovc v5;
	v5 =	vsel vm1, $0xA80, v17  }
0xbd: {  	[smem:$0x7FF] =	sst s6;
	v35 =	vsel vm1, $0x280, v9;
	v1 =	vimm.s32 $0x55545352;
	[tilespmem:$0x1FB30] =	vst v5  }
0xbe: {  	s23 =	rddreg [dreg:$0x5];
	v9 =	vcombine.low v2, v23;
	v2 =	vimm.s32 $0x46454443;
	v1 =	vunpack.c.0.s8.s32 v1;
	_ =	strace $0x80000047;
	[tilespmem:$0x1FB40] =	vst v23  }
0xbf: {  	v2 =	vunpack.c.0.s8.s32 v2;
	[tilespmem:$0x1FB50] =	vst v4  }
0xc0: {  	[tilespmem:$0x1FB60] =	vst v1  }
0xc1: {  	[tilespmem:$0x1FBC0] =	vst v2  }
0xc2: {  	[tilespmem:$0x1FC80] =	vst v54  }
0xc3: {  	[tilespmem:$0x1FC90] =	vst v53  }
0xc4: {  	[tilespmem:$0x1FCA0] =	vst v55  }
0xc5: {  	[tilespmem:$0x1FD00] =	vst v9  }
0xc6: {  	[tilespmem:$0x1FDA0] =	vst v31  }
0xc7: {  	v3 =	vimm.s32 $0x504F4E4D;
	[tilespmem:$0x1FDB0] =	vst v33  }
0xc8: {  	v3 =	vunpack.c.0.s8.s32 v3;
	[tilespmem:$0x1FDC0] =	vst v32  }
0xc9: {  	[tilespmem:$0x1FDD0] =	vst v50  }
0xca: {  	v3 =	vsel vm0, v26, v3;
	v26 =	vsel vm1, $0x980, v15;
	[tilespmem:$0x1FDE0] =	vst v24  }
0xcb: {  	[tilespmem:$0x1FDF0] =	vst v26  }
0xcc: {  	[tilespmem:$0x1FE40] =	vst v27  }
0xcd: {  	v29 =	vsel vm1, $0x880, v13;
	[tilespmem:$0x1FE60] =	vst v25  }
0xce: {  	[tilespmem:$0x1FE70] =	vst v29  }
0xcf: {  	v21 =	vsel vm1, $0x200, v8;
	[tilespmem:$0x1FE80] =	vst v59  }
0xd0: {  	[tilespmem:$0x1FEA0] =	vst v21  }
0xd1: {  	v61 =	vsel vm1, $0x300, v10;
	[tilespmem:$0x1FEB0] =	vst v35  }
0xd2: {  	v62 =	vsel vm1, $0x380, v11;
	[tilespmem:$0x1FEC0] =	vst v61  }
0xd3: {  	[tilespmem:$0x1FED0] =	vst v62  }
0xd4: {  	[tilespmem:$0x1FEE0] =	vst v30  }
0xd5: {  	v49 =	vcombine.low v18, v0;
	v18 =	vsel vm1, $0x180, v7;
	[tilespmem:$0x1FEF0] =	vst v51  }
0xd6: {  	v17 =	vmov v6;
	[tilespmem:$0x1FF00] =	vst v18  }
0xd7: {  	[tilespmem:$0x1FF10] =	vst v17  }
0xd8: {  	v0 =	vimm.s32 $0x51504F4E;
	[tilespmem:$0x1FF20] =	vst v36  }
0xd9: {  	v0 =	vunpack.c.0.s8.s32 v0;
	[tilespmem:$0x1FF30] =	vst v20  }
0xda: {  	[tilespmem:$0x1FF40] =	vst v16  }
0xdb: {  	v0 =	vsel vm0, v1, v0;
	[tilespmem:$0x1FF50] =	vst v56  }
0xdc: {  	[tilespmem:$0x1FB70] =	vst v0;
	v0 =	vimm.s32 $0x59585756  }
0xdd: {  	[tilespmem:$0x1FF60] =	vst v39;
	v0 =	vunpack.c.0.s8.s32 v0  }
0xde: {  	v1 =	vimm.s32 $0x43424140;
	[tilespmem:$0x1FF70] =	vst v38  }
0xdf: {  	[tilespmem:$0x1FB80] =	vst v0;
	v0 =	vunpack.c.0.s8.s32 v1  }
0xe0: {  	[tilespmem:$0x1FF80] =	vst v43  }
0xe1: {  	[tilespmem:$0x1FB90] =	vst v0;
	v0 =	vimm.s32 $0x44434241  }
0xe2: {  	[tilespmem:$0x1FF90] =	vst v44;
	v0 =	vunpack.c.0.s8.s32 v0  }
0xe3: {  	[tilespmem:$0x1FFA0] =	vst v45  }
0xe4: {  	[tilespmem:$0x1FBA0] =	vst v0;
	v0 =	vimm.s32 $0x45444342  }
0xe5: {  	[tilespmem:$0x1FFB0] =	vst v49;
	v0 =	vunpack.c.0.s8.s32 v0  }
0xe6: {  	[tilespmem:$0x1FFC0] =	vst v57;
	v1 =	vimm.s32 $0x76543210  }
0xe7: {  	[tilespmem:$0x1FBB0] =	vst v0;
	v0 =	vunpack.c.l.s4.s8 v1  }
0xe8: {  	[tilespmem:$0x1FFD0] =	vst v63;
	v1 =	vimm.s32 $0x87654321  }
0xe9: {  	[tilespmem:$0x1FFE0] =	vst v60;
	v1 =	vunpack.c.l.s4.s8 v1;
	v0 =	vunpack.c.0.s8.s32 v0  }
0xea: {  	v10 =	vcombine.low v3, v4;
	v3 =	vimm.s32 $0x47464544;
	[tilespmem:$0x1FFF0] =	vst v58  }
0xeb: {  	v5 =	vunpack.c.0.s8.s32 v3;
	v2 =	vimm.s32 $0x49484746;
	[tilespmem:$0x1FBD0] =	vst v0;
	v0 =	vunpack.c.0.s8.s32 v1  }
0xec: {  	v4 =	vimm.s32 $0x4A494847;
	v7 =	vunpack.c.0.s8.s32 v2;
	[tilespmem:$0x1FD10] =	vst v10;
	v1 =	vimm.s32 $0x48474645  }
0xed: {  	[tilespmem:$0x1FC00] =	vst v5;
	v6 =	vunpack.c.0.s8.s32 v1;
	v1 =	vimm.s32 $0x4B4A4948;
	v0 =	vand.u32 $0xF, v0  }
0xee: {  	v2 =	vimm.s32 $0x4C4B4A49;
	v1 =	vunpack.c.0.s8.s32 v1;
	[tilespmem:$0x1FBE0] =	vst v0;
	v0 =	vunpack.c.0.s8.s32 v4  }
0xef: {  	v3 =	vimm.s32 $0x4D4C4B4A;
	v2 =	vunpack.c.0.s8.s32 v2;
	[tilespmem:$0x1FC40] =	vst v7  }
0xf0: {  	v3 =	vunpack.c.0.s8.s32 v3;
	[tilespmem:$0x1FBF0] =	vst v0;
	v0 =	vsel vm0, v1, v5  }
0xf1: {  	[tilespmem:$0x1FC10] =	vst v0;
	v0 =	vsel vm0, v2, v6  }
0xf2: {  	[tilespmem:$0x1FC30] =	vst v0;
	v0 =	vsel vm0, v3, v7  }
0xf3: {  	[tilespmem:$0x1FC50] =	vst v0;
	v0 =	vlaneseq.u32  }
0xf4: {  	[tilespmem:$0x1FC20] =	vst v6;
	v1 =	vadd.s32 $0x49, v0  }
0xf5: {  	s1 =	srdreg.scid;
	v6 =	vadd.s32 $0x8, v0;
	[tilespmem:$0x1FC60] =	vst v1  }
0xf6: {  	s7 =	sadd.s32 $0x1400, s0;
	s2 =	sadd.s32 $0x187E00, s0;
	s1 =	sand.u32 $0x1, s1;
	v52 =	vadd.s32 $0xA, v0;
	[tilespmem:$0x1FCB0] =	vst v6  }
0xf7: {  	s4 =	sadd.s32 $0x197E00, s0;
	s3 =	sshll.u32 s1, $0xE;
	s1 =	ssub.s32 $0x2, s1;
	v47 =	vadd.s32 $0x9, v0;
	[tilespmem:$0x1FCC0] =	vst v52  }
0xf8: {  	s0 =	sadd.s32 $0x1A7E00, s0;
	s13 =	sshrl.u32 s1, $0x1;
	[dreg:$0x7] =	wrdreg s2;
	v7 =	vadd.s32 $0x4, v0;
	[tilespmem:$0x1FCD0] =	vst v47  }
0xf9: {  	s10 =	stileid.u32;
	[dreg:$0xa] =	wrdreg s0;
	s0 =	ssub.s32 s1, s13;
	v8 =	vadd.s32 $0x2, v0;
	[tilespmem:$0x1FCE0] =	vst v7  }
0xfa: {  	s2 =	sshll.u32 s10, $0xF;
	[dreg:$0x8] =	wrdreg s4;
	s0 =	smax.u32 s0, $0x1;
	v11 =	vadd.s32 $0x1, v0;
	[tilespmem:$0x1FCF0] =	vst v8  }
0xfb: {  	s28 =	simm.s32 $0x400000;
	s11 =	sor.u32 s3, s2;
	[dreg:$0x15] =	wrdreg s0;
	v12 =	vadd.s32 $0x3, v0;
	[tilespmem:$0x1FD20] =	vst v11  }
0xfc: {  	s29 =	simm.s32 $0x10200;
	s3 =	sadd.s32 s8, s11;
	[dreg:$0x9] =	wrdreg s11;
	v37 =	vadd.s32 $0x45, v0;
	[tilespmem:$0x1FD30] =	vst v12  }
0xfd: {  	s30 =	simm.s32 $0x14200;
	s16 =	sadd.s32 s17, s11;
	[dreg:$0xc] =	wrdreg s3;
	v13 =	vadd.s32 $0x42, v0;
	[tilespmem:$0x1FD40] =	vst v37  }
0xfe: {  	s9 =	simm.s32 $0x4;
	s26 =	sor.u32 $0x200, s11;
	[dreg:$0xd] =	wrdreg s16;
	v14 =	vadd.s32 $0x43, v0;
	[tilespmem:$0x1FD50] =	vst v13  }
0xff: {  	s2 =	sshrl.u32 s11, $0x3;
	s31 =	sor.u32 $0x300, s11;
	[dreg:$0x16] =	wrdreg s26;
	v34 =	vadd.s32 $0x5, v0;
	[tilespmem:$0x1FD60] =	vst v14  }
0x100: {  	s15 =	sshrl.u32 s11, $0x7;
	s14 =	sadd.s32 s12, s2;
	[dreg:$0x17] =	wrdreg s31;
	v15 =	vor.u32 $0x40, v0;
	[tilespmem:$0x1FD70] =	vst v34  }
0x101: {  	s1 =	sor.u32 $0x2, s15;
	s18 =	sadd.s32 s19, s2;
	[dreg:$0xb] =	wrdreg s14;
	v41 =	vadd.s32 $0x47, v0;
	[tilespmem:$0x1FD80] =	vst v15  }
0x102: {  	s2 =	sadd.s32 s23, s2;
	[dreg:$0xe] =	wrdreg s18;
	s20 =	sshll.u32 s1, $0x4;
	v40 =	vadd.s32 $0x46, v0;
	[tilespmem:$0x1FD90] =	vst v41  }
0x103: {  	s1 =	sshll.u32 s1, $0x7;
	[dreg:$0xf] =	wrdreg s2;
	s21 =	sadd.s32 s12, s20;
	v42 =	vadd.s32 $0x6, v0;
	[tilespmem:$0x1FE00] =	vst v40  }
0x104: {  	s13 =	simm.s32 $0x12200;
	s22 =	sadd.s32 s8, s1;
	[dreg:$0x10] =	wrdreg s21;
	v19 =	vadd.s32 $0x41, v0;
	[tilespmem:$0x1FE10] =	vst v42  }
0x105: {  	s11 =	simm.s32 $0x100;
	s1 =	sadd.s32 s17, s1;
	[dreg:$0x11] =	wrdreg s22;
	v46 =	vadd.s32 $0x48, v0;
	[tilespmem:$0x1FE20] =	vst v19  }
0x106: {  	s26 =	simm.s32 $0x800;
	s24 =	sadd.s32 s19, s20;
	[dreg:$0x12] =	wrdreg s1;
	v48 =	vadd.s32 $0x7, v0;
	[tilespmem:$0x1FE30] =	vst v46  }
0x107: {  	s14 =	simm.s32 $0x16200;
	s25 =	sadd.s32 s23, s20;
	[dreg:$0x13] =	wrdreg s24;
	v23 =	vadd.s32 $0x44, v0;
	[tilespmem:$0x1FE50] =	vst v48  }
0x108: {  	s18 =	simm.s32 $0x200;
	s20 =	simm.s32 $0x8200;
	[dreg:$0x14] =	wrdreg s25;
	v1 =	vadd.s32 $0x4A, v0;
	[tilespmem:$0x1FE90] =	vst v23  }
0x109: {  	s21 =	simm.s32 $0x5;
	s22 =	simm.s32 $0x3;
	s1 =	simm.s32 $0x0;
	[tilespmem:$0x1FC70] =	vst v1  }
.LBB2_1:
0x10a: {  	[dreg:$0x18] =	wrdreg s1  }
0x10b: {  	s0 =	rddreg [dreg:$0xb]  }
0x10c: {  	[tilespmem:s6], [sflag:$0x1] =	stream.linear.gather [hbm4b:s0+s6], $0x100, $0x38;
	[tilespmem:$0x19E00] =	vst v63  }
0x10d: {  	s16 =	rddreg [dreg:$0xc]  }
0x10e: {  	[tilespmem:s29], [sflag:$0x3] =	stream.strided.gather [hbm4b:s16+s26], $0x2000, s28, s26, $0x38;
	[tilespmem:$0x19E00] =	vst v63  }
0x10f: {  	s24 =	rddreg [dreg:$0xd]  }
0x110: {  	[tilespmem:s30], [sflag:$0x3] =	stream.strided.gather [hbm4b:s24+s26], $0x2000, s28, s26, $0x38;
	[tilespmem:$0x19E00] =	vst v63  }
0x111: {  	s25 =	rddreg [dreg:$0xe];
	s31 =	simm.s32 $0x18200  }
0x112: {  	[tilespmem:s31], [sflag:$0x3] =	stream.linear.gather [hbm4b:s25+s6], $0x100, $0x38;
	[tilespmem:$0x19E00] =	vst v63  }
0x113: {  	s1 =	rddreg [dreg:$0xf];
	s2 =	simm.s32 $0x18400  }
0x114: {  	[tilespmem:s2], [sflag:$0x3] =	stream.linear.gather [hbm4b:s1+s6], $0x100, $0x38;
	[tilespmem:$0x19E00] =	vst v63  }
0x115: {  	s3 =	rddreg [dreg:$0x10]  }
0x116: {  	[tilespmem:s11], [sflag:$0x2] =	stream.linear.gather [hbm4b:s3+s6], $0x100, $0x38;
	[tilespmem:$0x19E00] =	vst v63  }
0x117: {  	s4 =	rddreg [dreg:$0x11]  }
0x118: {  	[tilespmem:s13], [sflag:$0x4] =	stream.strided.gather [hbm4b:s4+s26], $0x2000, s28, s26, $0x38;
	[tilespmem:$0x19E00] =	vst v63  }
0x119: {  	s5 =	rddreg [dreg:$0x12]  }
0x11a: {  	[tilespmem:s14], [sflag:$0x4] =	stream.strided.gather [hbm4b:s5+s26], $0x2000, s28, s26, $0x38;
	[tilespmem:$0x19E00] =	vst v63  }
0x11b: {  	s10 =	rddreg [dreg:$0x13];
	s15 =	simm.s32 $0x18300  }
0x11c: {  	[tilespmem:s15], [sflag:$0x4] =	stream.linear.gather [hbm4b:s10+s6], $0x100, $0x38;
	[tilespmem:$0x19E00] =	vst v63  }
0x11d: {  	s16 =	rddreg [dreg:$0x14];
	s24 =	simm.s32 $0x18500;
	s25 =	simm.s32 $0x1  }
0x11e: {  	[tilespmem:s24], [sflag:$0x4] =	stream.linear.gather [hbm4b:s16+s6], $0x100, $0x38;
	[tilespmem:$0x19E00] =	vst v63  }
0x11f: {  	_ =	swait.ge [sflag:s25], $0x100  }
0x120: {  	s31 =	simm.s32 $0x4;
	[sflag:s25] =	ssyncset.done $0x0  }
0x121: {  	s1 =	simm.s32 $0x0;
	[dreg:$0x19] =	wrdreg s31;
	[sflag:s25] =	ssyncadd.s32 $0xFFFFFF00  }
0x122: {  	[tilespmem:s18], [sflag:$0x5] =	stream.indirect.gather [hbm4b:s7+s11], $0x80, s6, s11, $0xb8;
	[tilespmem:$0x19E00] =	vst v63  }
.LBB2_2:
0x123: {  	s0 =	sshll.u32 s1, $0xB  }
0x124: {  	[dreg:$0x1a] =	wrdreg s1;
	s10 =	sshll.u32 s1, $0x2;
	s24 =	simm.s32 $0x18600  }
0x125: {  	s5 =	simm.s32 $0x18E00;
	s3 =	simm.s32 $0x19600;
	s15 =	simm.s32 $0x18700  }
0x126: {  	s16 =	simm.s32 $0x18F00;
	v22 =	vmov v30;
	[dreg:$0x1b] =	wrdreg s0;
	s0 =	simm.s32 $0x19700  }
.LBB2_3:
0x127: {  	s1 =	simm.s32 $0x2  }
0x128: {  	_ =	swait.ge [sflag:s1], $0x100  }
0x129: {  	[sflag:s1] =	ssyncset.done $0x0  }
0x12a: {  	[sflag:s1] =	ssyncadd.s32 $0xFFFFFF00  }
0x12b: {  	[tilespmem:s20], [sflag:$0x6] =	stream.indirect.gather [hbm4b:s7+s11], $0x80, s11, s11, $0xb8;
	[tilespmem:$0x19E00] =	vst v63  }
0x12c: {  	_ =	swait.ge [sflag:s21], $0x8000  }
0x12d: {  	[sflag:s21] =	ssyncset.done $0x0  }
0x12e: {  	[sflag:s21] =	ssyncadd.s32 $0xFFFF8000  }
0x12f: {  	_ =	swait.ge [sflag:s22], $0x2000  }
0x130: {  	[sflag:s22] =	ssyncset.done $0x0  }
0x131: {  	[sflag:s22] =	ssyncadd.s32 $0xFFFFE000  }
0x132: {  	_ =	swait.ge [sflag:s22], $0x2000  }
0x133: {  	s25 =	simm.s32 $0x0;
	[sflag:s22] =	ssyncset.done $0x0  }
0x134: {  	v18 =	vmovc v62;
	v62 =	vmov v61;
	v61 =	vmov v35;
	v35 =	vor.u32 s25, v0;
	[sflag:s22] =	ssyncadd.s32 $0xFFFFE000  }
0x135: {  	v28 =	vmov v21;
	v21 =	vmov v36;
	v36 =	vshll.u32 v35, $0x7;
	_ =	swait.ge [sflag:s22], $0x100  }
0x136: {  	v0 =	vor.u32 v56, v36;
	[sflag:s22] =	ssyncset.done $0x0  }
0x137: {  	[sflag:s22] =	ssyncadd.s32 $0xFFFFFF00  }
0x138: {  	_ =	swait.ge [sflag:s22], $0x100  }
0x139: {  	[sflag:s22] =	ssyncset.done $0x0  }
0x13a: {  	[sflag:s22] =	ssyncadd.s32 $0xFFFFFF00  }
0x13b: {  	v0 =	vld.idx.msk [tilespmem:v0+s18+$0x0], $0xffff  }
0x13c: {  	v1 =	vor.u32 v57, v36;
	_ =	sdelay $0x3  }
0x13d: {  	[tilespmem:$0x1F870] =	vst v0  }
0x13e: {  	v1 =	vld.idx.msk [tilespmem:v1+s18+$0x0], $0xffff  }
0x13f: {  	v2 =	vor.u32 v53, v36;
	_ =	sdelay $0x3  }
0x140: {  	[tilespmem:$0x1F880] =	vst v1  }
0x141: {  	v2 =	vld.idx.msk [tilespmem:v2+s18+$0x0], $0xffff  }
0x142: {  	v3 =	vor.u32 v55, v36;
	_ =	sdelay $0x3  }
0x143: {  	[tilespmem:$0x1F850] =	vst v2  }
0x144: {  	v3 =	vld.idx.msk [tilespmem:v3+s18+$0x0], $0xffff  }
0x145: {  	v4 =	vor.u32 v49, v36;
	_ =	sdelay $0x3  }
0x146: {  	[tilespmem:$0x1F860] =	vst v3  }
0x147: {  	v4 =	vld.idx.msk [tilespmem:v4+s18+$0x0], $0xffff  }
0x148: {  	v5 =	vor.u32 v60, v36;
	_ =	sdelay $0x3  }
0x149: {  	[tilespmem:$0x1F830] =	vst v4  }
0x14a: {  	v5 =	vld.idx.msk [tilespmem:v5+s18+$0x0], $0xffff  }
0x14b: {  	v0 =	vor.u32 v44, v36;
	_ =	sdelay $0x3  }
0x14c: {  	[tilespmem:$0x1F840] =	vst v5  }
0x14d: {  	v0 =	vld.idx.msk [tilespmem:v0+s18+$0x0], $0xffff  }
0x14e: {  	v1 =	vor.u32 v45, v36;
	_ =	sdelay $0x3  }
0x14f: {  	[tilespmem:$0x1F7A0] =	vst v0  }
0x150: {  	v1 =	vld.idx.msk [tilespmem:v1+s18+$0x0], $0xffff  }
0x151: {  	v2 =	vor.u32 v39, v36;
	_ =	sdelay $0x3  }
0x152: {  	[tilespmem:$0x1F7D0] =	vst v1  }
0x153: {  	v1 =	vld.idx.msk [tilespmem:v2+s18+$0x0], $0xffff  }
0x154: {  	v3 =	vor.u32 v43, v36;
	_ =	sdelay $0x3  }
0x155: {  	[tilespmem:$0x1F760] =	vst v1  }
0x156: {  	v1 =	vld.idx.msk [tilespmem:v3+s18+$0x0], $0xffff  }
0x157: {  	v4 =	vor.u32 v52, v36;
	_ =	sdelay $0x3  }
0x158: {  	[tilespmem:$0x1F780] =	vst v1  }
0x159: {  	v1 =	vld.idx.msk [tilespmem:v4+s18+$0x0], $0xffff  }
0x15a: {  	v5 =	vor.u32 v54, v36;
	_ =	sdelay $0x3  }
0x15b: {  	[tilespmem:$0x1F720] =	vst v1  }
0x15c: {  	v1 =	vld.idx.msk [tilespmem:v5+s18+$0x0], $0xffff  }
0x15d: {  	v0 =	vor.u32 v6, v36;
	_ =	sdelay $0x3  }
0x15e: {  	[tilespmem:$0x1F740] =	vst v1  }
0x15f: {  	v0 =	vld.idx.msk [tilespmem:v0+s18+$0x0], $0xffff  }
0x160: {  	v6 =	vor.u32 v47, v36;
	_ =	sdelay $0x3  }
0x161: {  	[tilespmem:$0x1F4F0] =	vst v0  }
0x162: {  	v1 =	vld.idx.msk [tilespmem:v6+s18+$0x0], $0xffff  }
0x163: {  	v2 =	vor.u32 v42, v36;
	_ =	sdelay $0x3  }
0x164: {  	[tilespmem:$0x1F710] =	vst v1  }
0x165: {  	v1 =	vld.idx.msk [tilespmem:v2+s18+$0x0], $0xffff  }
0x166: {  	v3 =	vor.u32 v48, v36;
	_ =	sdelay $0x3  }
0x167: {  	[tilespmem:$0x1F530] =	vst v1  }
0x168: {  	v1 =	vld.idx.msk [tilespmem:v3+s18+$0x0], $0xffff  }
0x169: {  	v4 =	vor.u32 v7, v36;
	_ =	sdelay $0x3  }
0x16a: {  	[tilespmem:$0x1F6C0] =	vst v1  }
0x16b: {  	v1 =	vld.idx.msk [tilespmem:v4+s18+$0x0], $0xffff  }
0x16c: {  	v7 =	vor.u32 v34, v36;
	_ =	sdelay $0x3  }
0x16d: {  	[tilespmem:$0x1F560] =	vst v1  }
0x16e: {  	v1 =	vld.idx.msk [tilespmem:v7+s18+$0x0], $0xffff  }
0x16f: {  	v0 =	vor.u32 v8, v36;
	_ =	sdelay $0x3  }
0x170: {  	[tilespmem:$0x1F670] =	vst v1  }
0x171: {  	v0 =	vld.idx.msk [tilespmem:v0+s18+$0x0], $0xffff  }
0x172: {  	v8 =	vor.u32 v12, v36;
	_ =	sdelay $0x3  }
0x173: {  	[tilespmem:$0x1F5B0] =	vst v0  }
0x174: {  	v0 =	vld.idx.msk [tilespmem:v8+s18+$0x0], $0xffff;
	_ =	sdelay $0x3  }
0x175: {  	v30 =	vlaneseq.u32  }
0x176: {  	v2 =	vor.u32 v30, v36;
	[tilespmem:$0x1F610] =	vst v0;
	v0 =	vld [tilespmem:$0x1FC70];
	_ =	sdelay $0x4  }
0x177: {  	v8 =	vor.u32 v0, v36;
	v0 =	vld.idx.msk [tilespmem:v2+s18+$0x0], $0xffff  }
0x178: {  	v3 =	vor.u32 v11, v36;
	_ =	sdelay $0x3  }
0x179: {  	[tilespmem:$0x1F5C0] =	vst v0  }
0x17a: {  	v0 =	vld.idx.msk [tilespmem:v3+s18+$0x0], $0xffff;
	_ =	sdelay $0x4  }
0x17b: {  	v4 =	vor.u32 v9, v36;
	[tilespmem:$0x1F5D0] =	vst v0;
	v0 =	vld [tilespmem:$0x1FC60];
	_ =	sdelay $0x4  }
0x17c: {  	v9 =	vor.u32 v10, v36;
	v10 =	vor.u32 v0, v36;
	v0 =	vld.idx.msk [tilespmem:v4+s18+$0x0], $0xffff;
	_ =	sdelay $0x4  }
0x17d: {  	[tilespmem:$0x1F590] =	vst v0  }
0x17e: {  	v0 =	vld.idx.msk [tilespmem:v9+s18+$0x0], $0xffff;
	_ =	sdelay $0x4  }
0x17f: {  	[tilespmem:$0x1F5A0] =	vst v0  }
0x180: {  	v0 =	vld.idx.msk [tilespmem:v8+s18+$0x0], $0xffff  }
0x181: {  	v2 =	vor.u32 v38, v36;
	_ =	sdelay $0x3  }
0x182: {  	[tilespmem:$0x1F570] =	vst v0  }
0x183: {  	v0 =	vld.idx.msk [tilespmem:v2+s18+$0x0], $0xffff  }
0x184: {  	v3 =	vor.u32 v46, v36;
	_ =	sdelay $0x3  }
0x185: {  	[tilespmem:$0x1F580] =	vst v0  }
0x186: {  	v0 =	vld.idx.msk [tilespmem:v3+s18+$0x0], $0xffff;
	_ =	sdelay $0x4  }
0x187: {  	[tilespmem:$0x1F540] =	vst v0  }
0x188: {  	v0 =	vld.idx.msk [tilespmem:v10+s18+$0x0], $0xffff;
	_ =	sdelay $0x3  }
0x189: {  	v1 =	vld [tilespmem:$0x1FAB0]  }
0x18a: {  	v11 =	vor.u32 v40, v36;
	[tilespmem:$0x1F550] =	vst v0;
	v0 =	vld [tilespmem:$0x1FAA0];
	_ =	sdelay $0x4  }
0x18b: {  	v10 =	vsel vm0, v0, v1;
	v0 =	vld.idx.msk [tilespmem:v11+s18+$0x0], $0xffff;
	_ =	sdelay $0x3  }
0x18c: {  	v1 =	vld [tilespmem:$0x1FA30]  }
0x18d: {  	[tilespmem:$0x1F510] =	vst v0;
	v0 =	vld [tilespmem:$0x1FA20];
	_ =	sdelay $0x4  }
0x18e: {  	v11 =	vsel vm0, v1, v0;
	v0 =	vld [tilespmem:$0x1FAC0]  }
0x18f: {  	v9 =	vor.u32 v41, v36;
	v1 =	vld [tilespmem:$0x1FAD0];
	_ =	sdelay $0x4  }
0x190: {  	v3 =	vor.u32 v13, v36;
	v13 =	vor.u32 v14, v36;
	v14 =	vsel vm0, v0, v1;
	v0 =	vld.idx.msk [tilespmem:v9+s18+$0x0], $0xffff;
	_ =	sdelay $0x3  }
0x191: {  	v1 =	vld [tilespmem:$0x1FA60]  }
0x192: {  	[tilespmem:$0x1F520] =	vst v0;
	v0 =	vld [tilespmem:$0x1FA50];
	_ =	sdelay $0x4  }
0x193: {  	v9 =	vsel vm0, v1, v0;
	v0 =	vld [tilespmem:$0x1FBD0];
	_ =	sdelay $0x2  }
0x194: {  	v12 =	vor.u32 v23, v36;
	_ =	sdelay $0x1  }
0x195: {  	v1 =	vcombine.low v10, v0;
	_ =	sdelay $0x1  }
0x196: {  	[tilespmem:$0x1F890] =	vst v1  }
0x197: {  	v0 =	vld.idx.msk [tilespmem:v12+s18+$0x0], $0xffff;
	_ =	sdelay $0x4  }
0x198: {  	[tilespmem:$0x1F4E0] =	vst v0;
	v0 =	vld [tilespmem:$0x1FBE0];
	_ =	sdelay $0x3  }
0x199: {  	v7 =	vld [tilespmem:$0x1FBF0]  }
0x19a: {  	v2 =	vor.u32 v37, v36;
	v5 =	vcombine.low v14, v0;
	v0 =	vld [tilespmem:$0x1F9F0];
	_ =	sdelay $0x3  }
0x19b: {  	[tilespmem:$0x1F8A0] =	vst v5  }
0x19c: {  	v12 =	vsel vm0, v0, v7;
	v0 =	vld.idx.msk [tilespmem:v2+s18+$0x0], $0xffff;
	_ =	sdelay $0x4  }
0x19d: {  	[tilespmem:$0x1F500] =	vst v0;
	v0 =	vld [tilespmem:$0x1FAE0];
	_ =	sdelay $0x3  }
0x19e: {  	v2 =	vor.u32 v1, v36;
	v1 =	vld [tilespmem:$0x1FBB0]  }
0x19f: {  	v4 =	vcombine.low v11, v0;
	v0 =	vld [tilespmem:$0x1FC40];
	_ =	sdelay $0x4  }
0x1a0: {  	v11 =	vsel vm0, v0, v1;
	v0 =	vld [tilespmem:$0x1FA90];
	_ =	sdelay $0x2  }
0x1a1: {  	[tilespmem:$0x1F8B0] =	vst v4  }
0x1a2: {  	v41 =	vld.idx.msk [tilespmem:v3+s18+$0x0], $0xffff  }
0x1a3: {  	v3 =	vsel vm0, v1, v0;
	v0 =	vld [tilespmem:$0x1FB00];
	_ =	sdelay $0x3  }
0x1a4: {  	v6 =	vld [tilespmem:$0x1FBC0]  }
0x1a5: {  	v14 =	vcombine.low v9, v0;
	v0 =	vld [tilespmem:$0x1FB20];
	_ =	sdelay $0x4  }
0x1a6: {  	v30 =	vsel vm0, v6, v0;
	v0 =	vld [tilespmem:$0x1FC50];
	_ =	sdelay $0x3  }
0x1a7: {  	v9 =	vor.u32 v5, v36;
	v5 =	vld [tilespmem:$0x1FBA0]  }
0x1a8: {  	v39 =	vcombine.low v3, v0;
	v0 =	vld [tilespmem:$0x1FA10];
	_ =	sdelay $0x2  }
0x1a9: {  	v10 =	vor.u32 v19, v36;
	v19 =	vor.u32 v4, v36;
	v4 =	vld [tilespmem:$0x1FB90]  }
0x1aa: {  	v15 =	vor.u32 v15, v36;
	v8 =	vmov v51;
	v51 =	vmov v44;
	v1 =	vld [tilespmem:$0x1FB80]  }
0x1ab: {  	[tilespmem:$0x1F8C0] =	vst v14;
	v44 =	vor.u32 v14, v36;
	v14 =	vcombine.low v30, v12;
	v12 =	vsel vm0, v5, v0;
	v0 =	vld [tilespmem:$0x1FC10];
	_ =	sdelay $0x2  }
0x1ac: {  	v53 =	vld.idx.msk [tilespmem:v13+s18+$0x0], $0xffff;
	[tilespmem:$0x1F8D0] =	vst v39  }
0x1ad: {  	v54 =	vmov v43;
	v37 =	vmov v26;
	v43 =	vsel vm0, v4, v1;
	v26 =	vld.idx.msk [tilespmem:v15+s18+$0x0], $0xffff;
	[tilespmem:$0x1F8F0] =	vst v14  }
0x1ae: {  	v56 =	vmov v31;
	v31 =	vld.idx.msk [tilespmem:v10+s18+$0x0], $0xffff;
	v10 =	vcombine.low v43, v0;
	_ =	sdelay $0x1  }
0x1af: {  	[tilespmem:$0x1F910] =	vst v10  }
0x1b0: {  	v0 =	vld.idx.msk [tilespmem:v2+s18+$0x0], $0xffff;
	_ =	sdelay $0x4  }
0x1b1: {  	[tilespmem:$0x1F810] =	vst v0;
	v0 =	vld [tilespmem:$0x1FC30];
	_ =	sdelay $0x4  }
0x1b2: {  	v2 =	vcombine.low v12, v0;
	v0 =	vld [tilespmem:$0x1FC00];
	_ =	sdelay $0x3  }
0x1b3: {  	[tilespmem:$0x1F920] =	vst v2  }
0x1b4: {  	v55 =	vsel vm0, v0, v4;
	v0 =	vld.idx.msk [tilespmem:v9+s18+$0x0], $0xffff;
	_ =	sdelay $0x4  }
0x1b5: {  	[tilespmem:$0x1F820] =	vst v0;
	v0 =	vld [tilespmem:$0x1FB40];
	_ =	sdelay $0x4  }
0x1b6: {  	v4 =	vcombine.low v0, v11;
	_ =	sdelay $0x1  }
0x1b7: {  	[tilespmem:$0x1F940] =	vst v4  }
0x1b8: {  	v0 =	vld.idx.msk [tilespmem:v19+s18+$0x0], $0xffff;
	_ =	sdelay $0x4  }
0x1b9: {  	[tilespmem:$0x1F7F0] =	vst v0;
	v0 =	vld [tilespmem:$0x1FB60];
	_ =	sdelay $0x4  }
0x1ba: {  	v11 =	vsel vm0, v1, v0;
	v0 =	vld [tilespmem:$0x1FB50];
	_ =	sdelay $0x3  }
0x1bb: {  	v38 =	vor.u32 v39, v36;
	v39 =	vsel vm0, v7, v6  }
0x1bc: {  	v6 =	vcombine.low v0, v39;
	_ =	sdelay $0x1  }
0x1bd: {  	[tilespmem:$0x1F950] =	vst v6  }
0x1be: {  	v0 =	vld.idx.msk [tilespmem:v44+s18+$0x0], $0xffff;
	_ =	sdelay $0x4  }
0x1bf: {  	[tilespmem:$0x1F800] =	vst v0;
	v0 =	vld [tilespmem:$0x1FC20];
	_ =	sdelay $0x3  }
0x1c0: {  	v1 =	vld [tilespmem:$0x1FA80]  }
0x1c1: {  	v34 =	vor.u32 v2, v36;
	v2 =	vcombine.low v11, v55;
	v11 =	vsel vm0, v0, v5;
	v0 =	vld [tilespmem:$0x1FA70];
	_ =	sdelay $0x4  }
0x1c2: {  	v39 =	vsel vm0, v1, v0;
	v0 =	vld [tilespmem:$0x1FA40];
	_ =	sdelay $0x3  }
0x1c3: {  	v40 =	vor.u32 v14, v36  }
0x1c4: {  	v5 =	vcombine.low v0, v11  }
0x1c5: {  	[tilespmem:$0x1F960] =	vst v2;
	v44 =	vor.u32 v4, v36;
	v4 =	vcombine.low v39, v3  }
0x1c6: {  	[tilespmem:$0x1F970] =	vst v5  }
0x1c7: {  	v13 =	vmov v27;
	v27 =	vld.idx.msk [tilespmem:v38+s18+$0x0], $0xffff;
	[tilespmem:$0x1F980] =	vst v4  }
0x1c8: {  	v0 =	vld.idx.msk [tilespmem:v40+s18+$0x0], $0xffff;
	_ =	sdelay $0x3  }
0x1c9: {  	v1 =	vld [tilespmem:$0x1FB10]  }
0x1ca: {  	[tilespmem:$0x1F6F0] =	vst v0;
	v0 =	vld [tilespmem:$0x1FAF0];
	_ =	sdelay $0x4  }
0x1cb: {  	v40 =	vsel vm0, v1, v0;
	v0 =	vld [tilespmem:$0x1FB70];
	_ =	sdelay $0x1  }
0x1cc: {  	v9 =	vor.u32 v10, v36;
	_ =	sdelay $0x1  }
0x1cd: {  	v3 =	vcombine.low v40, v30  }
0x1ce: {  	v48 =	vor.u32 v2, v36;
	v2 =	vcombine.low v0, v43  }
0x1cf: {  	[tilespmem:$0x1F990] =	vst v3  }
0x1d0: {  	v38 =	vld.idx.msk [tilespmem:v9+s18+$0x0], $0xffff;
	[tilespmem:$0x1F9A0] =	vst v2  }
0x1d1: {  	v0 =	vld.idx.msk [tilespmem:v34+s18+$0x0], $0xffff;
	_ =	sdelay $0x3  }
0x1d2: {  	v1 =	vld [tilespmem:$0x1FA00]  }
0x1d3: {  	[tilespmem:$0x1F6A0] =	vst v0;
	v0 =	vld [tilespmem:$0x1F9E0];
	_ =	sdelay $0x3  }
0x1d4: {  	v52 =	vmov v45;
	v45 =	vor.u32 v6, v36  }
0x1d5: {  	v42 =	vsel vm0, v1, v0  }
0x1d6: {  	v1 =	vcombine.low v42, v12;
	_ =	sdelay $0x1  }
0x1d7: {  	[tilespmem:$0x1F9B0] =	vst v1  }
0x1d8: {  	v0 =	vmov v59;
	v59 =	vor.u32 v3, v36;
	v3 =	vld.idx.msk [tilespmem:v45+s18+$0x0], $0xffff  }
0x1d9: {  	v43 =	vor.u32 v5, v36;
	_ =	sdelay $0x3  }
0x1da: {  	v47 =	vld.idx.msk [tilespmem:v44+s18+$0x0], $0xffff;
	[tilespmem:$0x1F650] =	vst v3  }
0x1db: {  	v46 =	vor.u32 v1, v36;
	v1 =	vld.idx.msk [tilespmem:v43+s18+$0x0], $0xffff  }
0x1dc: {  	v55 =	vmov s25;
	v34 =	vmov v49;
	v49 =	vor.u32 v4, v36  }
0x1dd: {  	v12 =	vshll.u32 v55, $0x3  }
0x1de: {  	v35 =	vand.u32 $0x7F, v35;
	v39 =	vor.u32 v2, v36;
	v12 =	vand.u32 $0x400, v12  }
0x1df: {  	v23 =	vld [tilespmem:$0x1F9C0];
	v12 =	vor.u32 v12, v35  }
0x1e0: {  	v35 =	vor.u32 v58, v12;
	v55 =	vld.idx.msk [tilespmem:v48+s18+$0x0], $0xffff;
	[tilespmem:$0x1F600] =	vst v1  }
0x1e1: {  	v48 =	vld.idx.msk [tilespmem:v49+s18+$0x0], $0xffff  }
0x1e2: {  	v59 =	vld.idx.msk [tilespmem:v59+s18+$0x0], $0xffff  }
0x1e3: {  	v43 =	vor.u32 v8, v12;
	v39 =	vld.idx.msk [tilespmem:v39+s18+$0x0], $0xffff  }
0x1e4: {  	v40 =	vld.idx.msk [tilespmem:v46+s18+$0x0], $0xffff  }
0x1e5: {  	v45 =	vor.u32 v24, v12;
	v36 =	vld.idx.msk [tilespmem:v35+s29+$0x0], $0xffff  }
0x1e6: {  	v30 =	vmov v60;
	v60 =	vld.idx.msk [tilespmem:v35+s30+$0x0], $0xffff  }
0x1e7: {  	v49 =	vor.u32 v63, v12;
	v35 =	vld [tilespmem:$0x1F9D0]  }
0x1e8: {  	v63 =	vld.idx.msk [tilespmem:v43+s29+$0x0], $0xffff  }
0x1e9: {  	v58 =	vld.idx.msk [tilespmem:v43+s30+$0x0], $0xffff;
	v43 =	vor.u32 v23, v12  }
0x1ea: {  	v10 =	vld.idx.msk [tilespmem:v45+s30+$0x0], $0xffff  }
0x1eb: {  	v45 =	vld.idx.msk [tilespmem:v45+s29+$0x0], $0xffff  }
0x1ec: {  	v2 =	vmov v28;
	v44 =	vor.u32 v35, v12;
	v28 =	vld.idx.msk [tilespmem:v49+s29+$0x0], $0xffff  }
0x1ed: {  	v9 =	vld.idx.msk [tilespmem:v49+s30+$0x0], $0xffff  }
0x1ee: {  	v49 =	vor.u32 v21, v12;
	v21 =	vld.idx.msk [tilespmem:v43+s29+$0x0], $0xffff  }
0x1ef: {  	v1 =	vmov v22;
	v15 =	vld.idx.msk [tilespmem:v43+s30+$0x0], $0xffff  }
0x1f0: {  	v43 =	vor.u32 v1, v12;
	v1 =	vld [tilespmem:$0x1FF00]  }
0x1f1: {  	v8 =	vld.idx.msk [tilespmem:v44+s29+$0x0], $0xffff  }
0x1f2: {  	v19 =	vld.idx.msk [tilespmem:v44+s30+$0x0], $0xffff;
	v44 =	vor.u32 v32, v12  }
0x1f3: {  	v3 =	vld.idx.msk [tilespmem:v49+s30+$0x0], $0xffff  }
0x1f4: {  	v32 =	vld.idx.msk [tilespmem:v49+s29+$0x0], $0xffff;
	v49 =	vor.u32 v56, v12  }
0x1f5: {  	v4 =	vld.idx.msk [tilespmem:v43+s30+$0x0], $0xffff  }
0x1f6: {  	v42 =	vld.idx.msk [tilespmem:v43+s29+$0x0], $0xffff;
	v43 =	vor.u32 v50, v12  }
0x1f7: {  	v6 =	vld.idx.msk [tilespmem:v44+s30+$0x0], $0xffff  }
0x1f8: {  	v56 =	vor.u32 v33, v12;
	v33 =	vor.u32 v25, v12;
	v46 =	vld.idx.msk [tilespmem:v44+s29+$0x0], $0xffff  }
0x1f9: {  	v7 =	vld.idx.msk [tilespmem:v49+s30+$0x0], $0xffff  }
0x1fa: {  	v50 =	vld.idx.msk [tilespmem:v49+s29+$0x0], $0xffff  }
0x1fb: {  	v11 =	vld.idx.msk [tilespmem:v43+s30+$0x0], $0xffff  }
0x1fc: {  	v43 =	vld.idx.msk [tilespmem:v43+s29+$0x0], $0xffff;
	v49 =	vor.u32 v13, v12  }
0x1fd: {  	v5 =	vld.idx.msk [tilespmem:v33+s29+$0x0], $0xffff  }
0x1fe: {  	v0 =	vor.u32 v0, v12;
	v14 =	vld.idx.msk [tilespmem:v56+s30+$0x0], $0xffff  }
0x1ff: {  	v56 =	vld.idx.msk [tilespmem:v56+s29+$0x0], $0xffff  }
0x200: {  	v22 =	vmov v61;
	v61 =	vmov v62;
	v62 =	vmov v18;
	v18 =	vld.idx.msk [tilespmem:v33+s30+$0x0], $0xffff  }
0x201: {  	v13 =	vld.idx.msk [tilespmem:v49+s30+$0x0], $0xffff  }
0x202: {  	v49 =	vld.idx.msk [tilespmem:v49+s29+$0x0], $0xffff;
	[tilespmem:$0x1F790] =	vst v5  }
0x203: {  	v5 =	vor.u32 v17, v12;
	v17 =	vld.idx.msk [tilespmem:v0+s30+$0x0], $0xffff  }
0x204: {  	v3 =	vmul.f32 v3, v31;
	v0 =	vld.idx.msk [tilespmem:v0+s29+$0x0], $0xffff  }
0x205: {  	v1 =	vor.u32 v1, v12  }
0x206: {  	v4 =	vmul.f32 v4, v53;
	v3 =	vadd.f32 $0.0e+00, v3;
	_ =	sdelay $0x1  }
0x207: {  	v3 =	vadd.f32 v4, v3;
	v4 =	vld [tilespmem:$0x1F500]  }
0x208: {  	[tilespmem:$0x1F7B0] =	vst v0  }
0x209: {  	v0 =	vor.u32 v20, v12;
	v20 =	vld.idx.msk [tilespmem:v1+s30+$0x0], $0xffff  }
0x20a: {  	v1 =	vld.idx.msk [tilespmem:v1+s29+$0x0], $0xffff;
	_ =	sdelay $0x1  }
0x20b: {  	v4 =	vmul.f32 v6, v4;
	_ =	sdelay $0x1  }
0x20c: {  	v3 =	vadd.f32 v4, v3;
	v4 =	vld [tilespmem:$0x1F520]  }
0x20d: {  	[tilespmem:$0x1F7E0] =	vst v1;
	v1 =	vor.u32 v22, v12  }
0x20e: {  	v22 =	vld [tilespmem:$0x1F4E0];
	_ =	sdelay $0x2  }
0x20f: {  	v4 =	vmul.f32 v7, v4;
	v7 =	vld [tilespmem:$0x1F530]  }
0x210: {  	v53 =	vld.idx.msk [tilespmem:v1+s30+$0x0], $0xffff  }
0x211: {  	v2 =	vor.u32 v2, v12;
	v9 =	vmul.f32 v9, v22;
	v22 =	vld [tilespmem:$0x1F4F0]  }
0x212: {  	v26 =	vmul.f32 v58, v26;
	v6 =	vld.idx.msk [tilespmem:v1+s29+$0x0], $0xffff  }
0x213: {  	v1 =	vld [tilespmem:$0x1F510]  }
0x214: {  	v60 =	vmul.f32 v60, v41;
	v26 =	vadd.f32 $0.0e+00, v26  }
0x215: {  	v21 =	vmul.f32 v21, v7;
	v7 =	vld [tilespmem:$0x1F540]  }
0x216: {  	v26 =	vadd.f32 v60, v26;
	v25 =	vor.u32 v16, v12;
	v16 =	vld.idx.msk [tilespmem:v2+s30+$0x0], $0xffff  }
0x217: {  	v44 =	vld.idx.msk [tilespmem:v2+s29+$0x0], $0xffff;
	v2 =	vor.u32 v61, v12  }
0x218: {  	v61 =	vmul.f32 v8, v22;
	v1 =	vmul.f32 v15, v1;
	v8 =	vadd.f32 v9, v26;
	_ =	sdelay $0x1  }
0x219: {  	v24 =	vld [tilespmem:$0x1F570];
	v7 =	vmul.f32 v19, v7;
	v8 =	vadd.f32 v1, v8  }
0x21a: {  	v1 =	vld [tilespmem:$0x1F550]  }
0x21b: {  	v8 =	vadd.f32 v7, v8;
	v7 =	vld [tilespmem:$0x1F580]  }
0x21c: {  	v9 =	vld.idx.msk [tilespmem:v25+s30+$0x0], $0xffff;
	_ =	sdelay $0x2  }
0x21d: {  	v14 =	vmul.f32 v14, v24;
	v31 =	vld.idx.msk [tilespmem:v0+s30+$0x0], $0xffff;
	v3 =	vadd.f32 v4, v3;
	v4 =	vmul.f32 v11, v1  }
0x21e: {  	v10 =	vmul.f32 v10, v7;
	v7 =	vld.idx.msk [tilespmem:v25+s29+$0x0], $0xffff  }
0x21f: {  	v4 =	vadd.f32 v4, v3;
	v25 =	vmul.f32 v9, v47;
	v9 =	vadd.f32 v14, v8;
	v8 =	vld.idx.msk [tilespmem:v0+s29+$0x0], $0xffff  }
0x220: {  	v0 =	vld [tilespmem:$0x1F5B0]  }
0x221: {  	v10 =	vadd.f32 v10, v4;
	v4 =	vld [tilespmem:$0x1F5A0];
	_ =	sdelay $0x3  }
0x222: {  	v22 =	vor.u32 v37, v12  }
0x223: {  	v14 =	vmul.f32 v18, v4;
	v18 =	vmul.f32 v36, v0;
	v0 =	vld [tilespmem:$0x1FF50];
	_ =	sdelay $0x1  }
0x224: {  	s4 =	simm.s32 $0x10;
	v47 =	vlaneseq.u32  }
0x225: {  	v41 =	vor.u32 s4, v47  }
0x226: {  	v37 =	vld.idx.msk [tilespmem:v22+s30+$0x0], $0xffff;
	v4 =	vshll.u32 v41, $0x7  }
0x227: {  	v24 =	vor.u32 v0, v4;
	v0 =	vld.idx.msk [tilespmem:v22+s29+$0x0], $0xffff  }
0x228: {  	v22 =	vmul.f32 v16, v48;
	v16 =	vld [tilespmem:$0x1FCA0];
	_ =	sdelay $0x1  }
0x229: {  	v33 =	vor.u32 v62, v12;
	v58 =	vld.idx.msk [tilespmem:v5+s30+$0x0], $0xffff;
	_ =	sdelay $0x1  }
0x22a: {  	v3 =	vld [tilespmem:$0x1F590]  }
0x22b: {  	v62 =	vor.u32 v16, v4;
	v16 =	vld [tilespmem:$0x1F5C0];
	_ =	sdelay $0x1  }
0x22c: {  	v58 =	vmul.f32 v58, v27;
	v27 =	vld.idx.msk [tilespmem:v33+s30+$0x0], $0xffff  }
0x22d: {  	v20 =	vmul.f32 v20, v40;
	v26 =	vor.u32 v29, v12;
	v1 =	vld [tilespmem:$0x1F560];
	v10 =	vadd.f32 v14, v10  }
0x22e: {  	v13 =	vmul.f32 v13, v3;
	v3 =	vld [tilespmem:$0x1FB30]  }
0x22f: {  	v10 =	vadd.f32 v20, v10;
	v20 =	vor.u32 v34, v4;
	v34 =	vmul.f32 v63, v16;
	v16 =	vld [tilespmem:$0x1F5D0]  }
0x230: {  	v15 =	vld.idx.msk [tilespmem:v2+s30+$0x0], $0xffff  }
0x231: {  	v2 =	vld.idx.msk [tilespmem:v2+s29+$0x0], $0xffff  }
0x232: {  	v19 =	vmul.f32 v31, v38;
	v31 =	vld.idx.msk [tilespmem:v26+s30+$0x0], $0xffff  }
0x233: {  	v11 =	vmul.f32 v28, v1;
	v1 =	vld.idx.msk [tilespmem:v33+s29+$0x0], $0xffff;
	v12 =	vor.u32 v3, v12  }
0x234: {  	v28 =	vmul.f32 v32, v16;
	v16 =	vld.idx.msk [tilespmem:v24+s18+$0x0], $0xffff  }
0x235: {  	v13 =	vadd.f32 v13, v9;
	v9 =	vld.idx.msk [tilespmem:v5+s29+$0x0], $0xffff;
	v14 =	vor.u32 v57, v4  }
0x236: {  	v5 =	vld [tilespmem:$0x1FC90]  }
0x237: {  	v3 =	vld.idx.msk [tilespmem:v26+s29+$0x0], $0xffff  }
0x238: {  	v57 =	vld.idx.msk [tilespmem:v12+s30+$0x0], $0xffff  }
0x239: {  	v12 =	vld.idx.msk [tilespmem:v12+s29+$0x0], $0xffff;
	[tilespmem:$0x1F5E0] =	vst v16  }
0x23a: {  	v14 =	vld.idx.msk [tilespmem:v14+s18+$0x0], $0xffff  }
0x23b: {  	v5 =	vor.u32 v5, v4  }
0x23c: {  	v16 =	vld [tilespmem:$0x1F600]  }
0x23d: {  	v17 =	vmul.f32 v17, v39;
	_ =	sdelay $0x1  }
0x23e: {  	v13 =	vadd.f32 v17, v13;
	[tilespmem:$0x1F5F0] =	vst v14  }
0x23f: {  	v5 =	vld.idx.msk [tilespmem:v5+s18+$0x0], $0xffff  }
0x240: {  	v13 =	vadd.f32 v22, v13;
	v22 =	vmul.f32 v27, v16;
	v16 =	vld [tilespmem:$0x1F610];
	_ =	sdelay $0x3  }
0x241: {  	[tilespmem:$0x1F620] =	vst v5  }
0x242: {  	v29 =	vmul.f32 v42, v16;
	v16 =	vld.idx.msk [tilespmem:v62+s18+$0x0], $0xffff;
	_ =	sdelay $0x4  }
0x243: {  	[tilespmem:$0x1F630] =	vst v16;
	v16 =	vld [tilespmem:$0x1FF60];
	_ =	sdelay $0x4  }
0x244: {  	v17 =	vmul.f32 v53, v59;
	v53 =	vor.u32 v16, v4;
	v16 =	vld.idx.msk [tilespmem:v20+s18+$0x0], $0xffff;
	_ =	sdelay $0x4  }
0x245: {  	v48 =	vor.u32 v30, v4;
	[tilespmem:$0x1F640] =	vst v16;
	v16 =	vld [tilespmem:$0x1F650];
	_ =	sdelay $0x2  }
0x246: {  	v10 =	vadd.f32 v17, v10;
	_ =	sdelay $0x1  }
0x247: {  	v10 =	vadd.f32 v22, v10;
	v22 =	vadd.f32 $0.0e+00, v28;
	v28 =	vmul.f32 v31, v16;
	v16 =	vld.idx.msk [tilespmem:v48+s18+$0x0], $0xffff  }
0x248: {  	v14 =	vor.u32 v51, v4;
	_ =	sdelay $0x3  }
0x249: {  	[tilespmem:$0x1F660] =	vst v16  }
0x24a: {  	v14 =	vld.idx.msk [tilespmem:v14+s18+$0x0], $0xffff  }
0x24b: {  	v5 =	vor.u32 v52, v4;
	_ =	sdelay $0x3  }
0x24c: {  	[tilespmem:$0x1F680] =	vst v14  }
0x24d: {  	v15 =	vmul.f32 v15, v55;
	v5 =	vld.idx.msk [tilespmem:v5+s18+$0x0], $0xffff;
	_ =	sdelay $0x1  }
0x24e: {  	v13 =	vadd.f32 v15, v13;
	v15 =	vadd.f32 $0.0e+00, v34;
	_ =	sdelay $0x1  }
0x24f: {  	v15 =	vadd.f32 v18, v15  }
0x250: {  	[tilespmem:$0x1F690] =	vst v5  }
0x251: {  	v11 =	vadd.f32 v11, v15;
	v15 =	vld.idx.msk [tilespmem:v53+s18+$0x0], $0xffff  }
0x252: {  	v17 =	vld [tilespmem:$0x1F6C0];
	v20 =	vor.u32 v54, v4;
	_ =	sdelay $0x3  }
0x253: {  	v16 =	vld [tilespmem:$0x1FCC0];
	[tilespmem:$0x1F6B0] =	vst v15  }
0x254: {  	v10 =	vadd.f32 v28, v10;
	v28 =	vmul.f32 v50, v17;
	v17 =	vld.idx.msk [tilespmem:v20+s18+$0x0], $0xffff;
	_ =	sdelay $0x4  }
0x255: {  	v18 =	vor.u32 v16, v4;
	[tilespmem:$0x1F6D0] =	vst v17;
	v17 =	vld [tilespmem:$0x1FE10];
	_ =	sdelay $0x4  }
0x256: {  	v20 =	vor.u32 v17, v4;
	v17 =	vld.idx.msk [tilespmem:v18+s18+$0x0], $0xffff;
	_ =	sdelay $0x4  }
0x257: {  	[tilespmem:$0x1F6E0] =	vst v17;
	v17 =	vld [tilespmem:$0x1FE50];
	_ =	sdelay $0x4  }
0x258: {  	v18 =	vor.u32 v17, v4;
	v17 =	vld [tilespmem:$0x1F6F0]  }
0x259: {  	v16 =	vld [tilespmem:$0x1F670]  }
0x25a: {  	v14 =	vld [tilespmem:$0x1FC80]  }
0x25b: {  	v13 =	vadd.f32 v25, v13;
	_ =	sdelay $0x1  }
0x25c: {  	v13 =	vadd.f32 v19, v13;
	v19 =	vmul.f32 v57, v17;
	v17 =	vld [tilespmem:$0x1F710]  }
0x25d: {  	v22 =	vadd.f32 v29, v22;
	v29 =	vmul.f32 v46, v16  }
0x25e: {  	v16 =	vld [tilespmem:$0x1F6A0];
	v14 =	vor.u32 v14, v4  }
0x25f: {  	v22 =	vadd.f32 v29, v22;
	v15 =	vld [tilespmem:$0x1FCD0];
	_ =	sdelay $0x1  }
0x260: {  	v11 =	vadd.f32 v21, v11;
	v21 =	vadd.f32 v28, v22;
	v22 =	vmul.f32 v43, v17;
	v17 =	vld [tilespmem:$0x1F720];
	_ =	sdelay $0x1  }
0x261: {  	v14 =	vld.idx.msk [tilespmem:v14+s18+$0x0], $0xffff  }
0x262: {  	v5 =	vld [tilespmem:$0x1FCB0];
	v25 =	vmul.f32 v37, v16;
	v15 =	vor.u32 v15, v4;
	_ =	sdelay $0x1  }
0x263: {  	v10 =	vadd.f32 v25, v10;
	v25 =	vmul.f32 v56, v17;
	v17 =	vld [tilespmem:$0x1FD30];
	_ =	sdelay $0x1  }
0x264: {  	[tilespmem:$0x1F700] =	vst v14  }
0x265: {  	v5 =	vor.u32 v5, v4;
	v15 =	vld.idx.msk [tilespmem:v15+s18+$0x0], $0xffff;
	_ =	sdelay $0x1  }
0x266: {  	v10 =	vadd.f32 v19, v10;
	v19 =	vor.u32 v17, v4;
	v17 =	vld [tilespmem:$0x1F740];
	_ =	sdelay $0x1  }
0x267: {  	v14 =	vld [tilespmem:$0x1FCE0]  }
0x268: {  	v43 =	vld.idx.msk [tilespmem:v5+s18+$0x0], $0xffff;
	[tilespmem:$0x1F730] =	vst v15  }
0x269: {  	v63 =	vld.idx.msk [tilespmem:v20+s18+$0x0], $0xffff  }
0x26a: {  	v20 =	vadd.f32 v22, v21;
	v21 =	vmul.f32 v45, v17;
	v17 =	vld.idx.msk [tilespmem:v18+s18+$0x0], $0xffff;
	_ =	sdelay $0x2  }
0x26b: {  	v14 =	vor.u32 v14, v4;
	v5 =	vld [tilespmem:$0x1FD70];
	_ =	sdelay $0x1  }
0x26c: {  	[tilespmem:$0x1F750] =	vst v17;
	v17 =	vld [tilespmem:$0x1F760];
	_ =	sdelay $0x2  }
0x26d: {  	v11 =	vadd.f32 v61, v11;
	v5 =	vor.u32 v5, v4;
	v61 =	vld.idx.msk [tilespmem:v14+s18+$0x0], $0xffff  }
0x26e: {  	v14 =	vadd.f32 v21, v20;
	v20 =	vld [tilespmem:$0x1F790]  }
0x26f: {  	v22 =	vmul.f32 v49, v17;
	v17 =	vld [tilespmem:$0x1F780];
	_ =	sdelay $0x1  }
0x270: {  	v15 =	vld [tilespmem:$0x1FCF0]  }
0x271: {  	v5 =	vld.idx.msk [tilespmem:v5+s18+$0x0], $0xffff  }
0x272: {  	v21 =	vld [tilespmem:$0x1F7B0]  }
0x273: {  	v20 =	vmul.f32 v20, v17;
	v17 =	vld [tilespmem:$0x1F7A0];
	_ =	sdelay $0x3  }
0x274: {  	v15 =	vor.u32 v15, v4;
	[tilespmem:$0x1F770] =	vst v5  }
0x275: {  	v21 =	vmul.f32 v21, v17;
	v17 =	vld.idx.msk [tilespmem:v19+s18+$0x0], $0xffff;
	_ =	sdelay $0x3  }
0x276: {  	v59 =	vld.idx.msk [tilespmem:v15+s18+$0x0], $0xffff  }
0x277: {  	[tilespmem:$0x1F7C0] =	vst v17;
	v17 =	vld [tilespmem:$0x1FC70];
	_ =	sdelay $0x3  }
0x278: {  	v14 =	vadd.f32 v20, v14;
	v20 =	vld [tilespmem:$0x1F7E0]  }
0x279: {  	v19 =	vor.u32 v17, v4;
	v17 =	vld [tilespmem:$0x1F7D0];
	_ =	sdelay $0x3  }
0x27a: {  	v18 =	vor.u32 v47, v4  }
0x27b: {  	v20 =	vmul.f32 v20, v17;
	v17 =	vld [tilespmem:$0x1FF70];
	_ =	sdelay $0x3  }
0x27c: {  	v57 =	vld.idx.msk [tilespmem:v18+s18+$0x0], $0xffff  }
0x27d: {  	v18 =	vor.u32 v17, v4;
	v17 =	vld [tilespmem:$0x1F7F0];
	_ =	sdelay $0x1  }
0x27e: {  	v13 =	vadd.f32 v58, v13  }
0x27f: {  	v11 =	vadd.f32 v25, v11  }
0x280: {  	v10 =	vadd.f32 v10, v13;
	v13 =	vld [tilespmem:$0x1FD20]  }
0x281: {  	v11 =	vadd.f32 v22, v11;
	v22 =	vmul.f32 v44, v17;
	v17 =	vld [tilespmem:$0x1F800];
	_ =	sdelay $0x1  }
0x282: {  	v5 =	vld [tilespmem:$0x1FD00];
	_ =	sdelay $0x2  }
0x283: {  	v13 =	vor.u32 v13, v4;
	v14 =	vadd.f32 v20, v14;
	v6 =	vmul.f32 v6, v17;
	_ =	sdelay $0x1  }
0x284: {  	v5 =	vor.u32 v5, v4;
	v6 =	vadd.f32 v6, v14;
	v14 =	vld [tilespmem:$0x1F820];
	_ =	sdelay $0x1  }
0x285: {  	v15 =	vld [tilespmem:$0x1FD10]  }
0x286: {  	v58 =	vld.idx.msk [tilespmem:v13+s18+$0x0], $0xffff  }
0x287: {  	v13 =	vld [tilespmem:$0x1FE30]  }
0x288: {  	v38 =	vld.idx.msk [tilespmem:v5+s18+$0x0], $0xffff;
	v1 =	vmul.f32 v1, v14  }
0x289: {  	v5 =	vld [tilespmem:$0x1FC60]  }
0x28a: {  	v6 =	vadd.f32 v1, v6;
	v1 =	vld [tilespmem:$0x1F840]  }
0x28b: {  	v15 =	vor.u32 v15, v4;
	_ =	sdelay $0x1  }
0x28c: {  	v13 =	vor.u32 v13, v4;
	_ =	sdelay $0x1  }
0x28d: {  	v5 =	vor.u32 v5, v4;
	v3 =	vmul.f32 v3, v1;
	v1 =	vld [tilespmem:$0x1FD50]  }
0x28e: {  	v11 =	vadd.f32 v21, v11;
	v37 =	vld.idx.msk [tilespmem:v15+s18+$0x0], $0xffff  }
0x28f: {  	v15 =	vld [tilespmem:$0x1F810]  }
0x290: {  	v10 =	vsub.f32 $4.000000000e+00, v10;
	v11 =	vadd.f32 v22, v11;
	v22 =	vld.idx.msk [tilespmem:v13+s18+$0x0], $0xffff  }
0x291: {  	v17 =	vld [tilespmem:$0x1F830]  }
0x292: {  	v10 =	vmul.f32 $1.442695020e+00, v10;
	v13 =	vor.u32 v1, v4;
	v1 =	vld.idx.msk [tilespmem:v5+s18+$0x0], $0xffff  }
0x293: {  	v5 =	vld [tilespmem:$0x1F850]  }
0x294: {  	(erf) = vpow2.f32 v10;
	v10 =	vld [tilespmem:$0x1FE00];
	v2 =	vmul.f32 v2, v15;
	_ =	sdelay $0x1  }
0x295: {  	v15 =	vld [tilespmem:$0x1FD90];
	v2 =	vadd.f32 v2, v11;
	v7 =	vmul.f32 v7, v17  }
0x296: {  	v11 =	vld [tilespmem:$0x1FD40]  }
0x297: {  	v2 =	vadd.f32 v7, v2;
	v3 =	vadd.f32 v3, v6;
	v6 =	vld [tilespmem:$0x1F860];
	v5 =	vmul.f32 v8, v5  }
0x298: {  	v10 =	vor.u32 v10, v4;
	v8 =	vld [tilespmem:$0x1F870]  }
0x299: {  	v5 =	vadd.f32 v5, v2;
	v2 =	vld [tilespmem:$0x1FE20];
	_ =	sdelay $0x2  }
0x29a: {  	v15 =	vor.u32 v15, v4;
	v7 =	vld [tilespmem:$0x1FD60]  }
0x29b: {  	v28 =	vld.idx.msk [tilespmem:v10+s18+$0x0], $0xffff;
	v0 =	vmul.f32 v0, v6  }
0x29c: {  	v11 =	vor.u32 v11, v4;
	v8 =	vmul.f32 v9, v8;
	v9 =	vor.u32 v2, v4;
	v2 =	vld [tilespmem:$0x1F880]  }
0x29d: {  	v0 =	vadd.f32 v0, v3;
	v3 =	vld [tilespmem:$0x1F890]  }
0x29e: {  	v6 =	vld [tilespmem:$0x1FD80]  }
0x29f: {  	v25 =	vld.idx.msk [tilespmem:v15+s18+$0x0], $0xffff;
	v7 =	vor.u32 v7, v4  }
0x2a0: {  	v14 =	vld [tilespmem:$0x1FE90]  }
0x2a1: {  	v10 =	vmul.f32 v12, v2;
	v2 =	vld.idx.msk [tilespmem:v11+s18+$0x0], $0xffff  }
0x2a2: {  	v8 =	vadd.f32 v8, v5;
	v5 =	vpop (erf);
	v11 =	vor.u32 v3, v4;
	v12 =	vld [tilespmem:$0x1F8A0]  }
0x2a3: {  	v6 =	vor.u32 v6, v4;
	v0 =	vadd.f32 v10, v0;
	v10 =	vadd.f32 $1.000000000e+00, v5;
	v5 =	vld [tilespmem:$0x1F8B0]  }
0x2a4: {  	v30 =	vld.idx.msk [tilespmem:v7+s18+$0x0], $0xffff  }
0x2a5: {  	v3 =	vld.idx.msk [tilespmem:v13+s18+$0x0], $0xffff  }
0x2a6: {  	v7 =	vld.idx.msk [tilespmem:v9+s18+$0x0], $0xffff  }
0x2a7: {  	v14 =	vor.u32 v14, v4;
	v9 =	vld.idx.msk [tilespmem:v11+s18+$0x0], $0xffff  }
0x2a8: {  	v12 =	vor.u32 v12, v4;
	v13 =	vor.u32 v5, v4;
	v5 =	vld.idx.msk [tilespmem:v6+s18+$0x0], $0xffff  }
0x2a9: {  	v6 =	vld [tilespmem:$0x1F8C0]  }
0x2aa: {  	v44 =	vld.idx.msk [tilespmem:v19+s18+$0x0], $0xffff  }
0x2ab: {  	v45 =	vld.idx.msk [tilespmem:v18+s18+$0x0], $0xffff  }
0x2ac: {  	v32 =	vld.idx.msk [tilespmem:v14+s18+$0x0], $0xffff;
	[tilespmem:$0x1F8E0] =	vst v9  }
0x2ad: {  	(erf) = vrcp.f32 v10;
	v10 =	vld.idx.msk [tilespmem:v12+s18+$0x0], $0xffff  }
0x2ae: {  	v6 =	vor.u32 v6, v4  }
0x2af: {  	v0 =	vadd.f32 v0, v8;
	v8 =	vld [tilespmem:$0x1F8D0];
	_ =	sdelay $0x1  }
0x2b0: {  	v9 =	vld [tilespmem:$0x1F8F0]  }
0x2b1: {  	[tilespmem:$0x1F900] =	vst v10;
	v10 =	vld [tilespmem:$0x1F910]  }
0x2b2: {  	v6 =	vld.idx.msk [tilespmem:v6+s18+$0x0], $0xffff  }
0x2b3: {  	v0 =	vmul.f32 $1.442695020e+00, v0;
	v8 =	vor.u32 v8, v4;
	_ =	sdelay $0x1  }
0x2b4: {  	(erf) = vpow2.f32 v0;
	v0 =	vld [tilespmem:$0x1F920];
	v9 =	vor.u32 v9, v4;
	_ =	sdelay $0x1  }
0x2b5: {  	v56 =	vld.idx.msk [tilespmem:v13+s18+$0x0], $0xffff;
	v10 =	vor.u32 v10, v4;
	[tilespmem:$0x1F930] =	vst v6  }
0x2b6: {  	v6 =	vld.idx.msk [tilespmem:v8+s18+$0x0], $0xffff  }
0x2b7: {  	v8 =	vld [tilespmem:$0x1F940]  }
0x2b8: {  	v0 =	vor.u32 v0, v4;
	v39 =	vld.idx.msk [tilespmem:v9+s18+$0x0], $0xffff  }
0x2b9: {  	v9 =	vld [tilespmem:$0x1F950]  }
0x2ba: {  	s1 =	simm.s32 $0x18400;
	v21 =	vld.idx.msk [tilespmem:v10+s18+$0x0], $0xffff  }
0x2bb: {  	v10 =	vld [tilespmem:s1+$0x0]  }
0x2bc: {  	v15 =	vld [tilespmem:$0x1F980];
	v8 =	vor.u32 v8, v4  }
0x2bd: {  	v14 =	vmov s4;
	v49 =	vld.idx.msk [tilespmem:v0+s18+$0x0], $0xffff;
	v0 =	vpop (erf)  }
0x2be: {  	v14 =	vshll.u32 v14, $0x3;
	v11 =	vld [tilespmem:$0x1F960];
	v0 =	vmax.f32 v0, $9.999999970e-07;
	v9 =	vor.u32 v9, v4  }
0x2bf: {  	v18 =	vand.u32 $0x7F, v41;
	v14 =	vand.u32 $0x400, v14;
	v12 =	vld [tilespmem:$0x1F970];
	v0 =	vmin.f32 v0, $9.999989860e-01  }
0x2c0: {  	v19 =	vor.u32 v14, v18;
	v14 =	vmul.f32 v0, v10;
	v10 =	vld [tilespmem:$0x1F9B0]  }
0x2c1: {  	v20 =	vld.idx.msk [tilespmem:v8+s18+$0x0], $0xffff  }
0x2c2: {  	v8 =	vld [tilespmem:$0x1F990]  }
0x2c3: {  	v26 =	vmov v23;
	v23 =	vld.idx.msk [tilespmem:v9+s18+$0x0], $0xffff  }
0x2c4: {  	v9 =	vld [tilespmem:$0x1F9A0]  }
0x2c5: {  	s2 =	simm.s32 $0x18200;
	v11 =	vor.u32 v11, v4  }
0x2c6: {  	v12 =	vor.u32 v12, v4;
	v13 =	vld [tilespmem:s2+$0x0];
	_ =	sdelay $0x1  }
0x2c7: {  	v8 =	vor.u32 v8, v4  }
0x2c8: {  	v15 =	vor.u32 v15, v4;
	v55 =	vor.u32 v10, v4;
	v9 =	vor.u32 v9, v4;
	v4 =	vpop (erf)  }
0x2c9: {  	v18 =	vld.idx.msk [tilespmem:v11+s18+$0x0], $0xffff;
	v11 =	vmin.f32 v4, $1.000000000e+06  }
0x2ca: {  	v31 =	vld.idx.msk [tilespmem:v12+s18+$0x0], $0xffff;
	v12 =	vsub.f32 $1.000000000e+00, v14;
	v4 =	vmul.f32 v11, v13  }
0x2cb: {  	v13 =	vld [tilespmem:$0x1FF10]  }
0x2cc: {  	[tilespmem:s24+$0x0] =	vst v0;
	v29 =	vld.idx.msk [tilespmem:v8+s18+$0x0], $0xffff;
	v8 =	vmul.f32 v12, v4  }
0x2cd: {  	[tilespmem:s5+$0x0] =	vst v11  }
0x2ce: {  	[tilespmem:s3+$0x0] =	vst v8  }
0x2cf: {  	v8 =	vld [tilespmem:$0x1FF30];
	_ =	sdelay $0x4  }
0x2d0: {  	v42 =	vor.u32 v8, v19;
	v8 =	vld [tilespmem:$0x1FFD0];
	_ =	sdelay $0x4  }
0x2d1: {  	v62 =	vor.u32 v13, v19;
	v13 =	vor.u32 v8, v19;
	v8 =	vld [tilespmem:$0x1FF40];
	_ =	sdelay $0x3  }
0x2d2: {  	v10 =	vor.u32 v35, v19  }
0x2d3: {  	v60 =	vor.u32 v8, v19;
	v8 =	vld [tilespmem:$0x1FFF0]  }
0x2d4: {  	v34 =	vld.idx.msk [tilespmem:v15+s18+$0x0], $0xffff  }
0x2d5: {  	v0 =	vld.idx.msk [tilespmem:v55+s18+$0x0], $0xffff  }
0x2d6: {  	v4 =	vld.idx.msk [tilespmem:v9+s18+$0x0], $0xffff  }
0x2d7: {  	s31 =	smov.u32 s5;
	v12 =	vld.idx.msk [tilespmem:v10+s29+$0x0], $0xffff  }
0x2d8: {  	s11 =	smov.u32 s24;
	s25 =	simm.s32 $0x20;
	s4 =	smov.u32 s3;
	v9 =	vor.u32 v26, v19;
	v11 =	vld.idx.msk [tilespmem:v62+s30+$0x0], $0xffff;
	v14 =	vor.u32 v8, v19  }
.LBB2_4:
0x2d9: {  	_ =	sdelay $0x3  }
0x2da: {  	v15 =	vld.idx.msk [tilespmem:v9+s29+$0x0], $0xffff  }
0x2db: {  	v8 =	vld [tilespmem:$0x1FEC0]  }
0x2dc: {  	v16 =	vld [tilespmem:$0x1FEF0]  }
0x2dd: {  	v17 =	vld.idx.msk [tilespmem:v42+s30+$0x0], $0xffff  }
0x2de: {  	v24 =	vld.idx.msk [tilespmem:v13+s29+$0x0], $0xffff  }
0x2df: {  	v26 =	vld [tilespmem:$0x1FF20]  }
0x2e0: {  	v27 =	vld.idx.msk [tilespmem:v60+s30+$0x0], $0xffff  }
0x2e1: {  	v33 =	vld.idx.msk [tilespmem:v14+s29+$0x0], $0xffff  }
0x2e2: {  	v35 =	vld [tilespmem:$0x1FEE0]  }
0x2e3: {  	v41 =	vld [tilespmem:$0x1FDC0]  }
0x2e4: {  	v14 =	vld.idx.msk [tilespmem:v14+s30+$0x0], $0xffff  }
0x2e5: {  	v47 =	vld [tilespmem:$0x1FDA0]  }
0x2e6: {  	v53 =	vld.idx.msk [tilespmem:v9+s30+$0x0], $0xffff  }
0x2e7: {  	v9 =	vld [tilespmem:$0x1FDE0]  }
0x2e8: {  	v13 =	vld.idx.msk [tilespmem:v13+s30+$0x0], $0xffff  }
0x2e9: {  	v10 =	vld.idx.msk [tilespmem:v10+s30+$0x0], $0xffff  }
0x2ea: {  	v50 =	vld [tilespmem:$0x1FDD0];
	v26 =	vor.u32 v26, v19  }
0x2eb: {  	v52 =	vld [tilespmem:$0x1FDB0]  }
0x2ec: {  	v16 =	vor.u32 v16, v19;
	v54 =	vor.u32 v9, v19;
	v9 =	vld [tilespmem:$0x1FE80]  }
0x2ed: {  	v3 =	vmul.f32 v14, v3;
	v14 =	vld [tilespmem:$0x1FE60]  }
0x2ee: {  	v35 =	vor.u32 v35, v19;
	v10 =	vmul.f32 v10, v22;
	v22 =	vld [tilespmem:$0x1FED0]  }
0x2ef: {  	v46 =	vld.idx.msk [tilespmem:v26+s30+$0x0], $0xffff  }
0x2f0: {  	v41 =	vor.u32 v41, v19;
	v20 =	vmul.f32 v27, v20;
	v27 =	vld [tilespmem:$0x1FDF0]  }
0x2f1: {  	v40 =	vld.idx.msk [tilespmem:v16+s29+$0x0], $0xffff  }
0x2f2: {  	v50 =	vor.u32 v50, v19;
	v16 =	vld.idx.msk [tilespmem:v16+s30+$0x0], $0xffff  }
0x2f3: {  	v47 =	vor.u32 v47, v19;
	v48 =	vld.idx.msk [tilespmem:v35+s30+$0x0], $0xffff  }
0x2f4: {  	v52 =	vor.u32 v52, v19;
	v7 =	vmul.f32 v46, v7;
	v46 =	vld [tilespmem:$0x1FE40]  }
0x2f5: {  	v51 =	vld.idx.msk [tilespmem:v41+s30+$0x0], $0xffff  }
0x2f6: {  	v55 =	vor.u32 v9, v19;
	v9 =	vld [tilespmem:$0x1FEA0]  }
0x2f7: {  	v12 =	vmul.f32 v12, v43;
	v43 =	vld.idx.msk [tilespmem:v50+s30+$0x0], $0xffff;
	v5 =	vmul.f32 v16, v5  }
0x2f8: {  	v13 =	vmul.f32 v13, v32;
	v16 =	vld.idx.msk [tilespmem:v47+s30+$0x0], $0xffff;
	v30 =	vmul.f32 v48, v30  }
0x2f9: {  	v32 =	vld.idx.msk [tilespmem:v52+s30+$0x0], $0xffff;
	v5 =	vadd.f32 $0.0e+00, v5;
	v7 =	vadd.f32 $0.0e+00, v7;
	v46 =	vor.u32 v46, v19  }
0x2fa: {  	v6 =	vmul.f32 v11, v6;
	v14 =	vor.u32 v14, v19;
	v48 =	vld [tilespmem:$0x1FF00]  }
0x2fb: {  	v2 =	vmul.f32 v51, v2;
	v3 =	vadd.f32 v3, v5;
	v5 =	vadd.f32 v30, v7;
	v7 =	vld.idx.msk [tilespmem:v54+s30+$0x0], $0xffff  }
0x2fc: {  	v11 =	vmul.f32 v15, v63;
	v15 =	vmul.f32 v53, v28;
	v9 =	vor.u32 v9, v19;
	v30 =	vld [tilespmem:$0x1FEB0]  }
0x2fd: {  	v3 =	vadd.f32 v13, v3;
	v2 =	vadd.f32 v2, v5;
	v5 =	vmul.f32 v16, v25;
	v16 =	vld.idx.msk [tilespmem:v55+s30+$0x0], $0xffff  }
0x2fe: {  	v28 =	vld.idx.msk [tilespmem:v46+s30+$0x0], $0xffff  }
0x2ff: {  	v48 =	vor.u32 v48, v19;
	v13 =	vld.idx.msk [tilespmem:v14+s30+$0x0], $0xffff;
	v3 =	vadd.f32 v15, v3  }
0x300: {  	v17 =	vmul.f32 v17, v21;
	v22 =	vor.u32 v22, v19;
	v21 =	vmul.f32 v32, v44;
	v25 =	vld [tilespmem:$0x1FE70]  }
0x301: {  	v15 =	vmul.f32 v24, v61;
	v24 =	vld.idx.msk [tilespmem:v9+s30+$0x0], $0xffff;
	v30 =	vor.u32 v30, v19;
	v3 =	vadd.f32 v10, v3  }
0x302: {  	v1 =	vmul.f32 v43, v1;
	v2 =	vadd.f32 v5, v2;
	v4 =	vmul.f32 v16, v4;
	v16 =	vld [tilespmem:$0x1FB30]  }
0x303: {  	v10 =	vld.idx.msk [tilespmem:v26+s29+$0x0], $0xffff;
	v3 =	vadd.f32 v21, v3;
	v26 =	vmul.f32 v28, v38  }
0x304: {  	v5 =	vld.idx.msk [tilespmem:v48+s30+$0x0], $0xffff;
	v1 =	vadd.f32 v1, v2;
	v2 =	vmul.f32 v7, v45  }
0x305: {  	v8 =	vor.u32 v8, v19;
	v27 =	vor.u32 v27, v19;
	v3 =	vadd.f32 v26, v3  }
0x306: {  	v25 =	vor.u32 v25, v19;
	v1 =	vadd.f32 v2, v1;
	v2 =	vmul.f32 v13, v37;
	v7 =	vld.idx.msk [tilespmem:v30+s30+$0x0], $0xffff  }
0x307: {  	v13 =	vld.idx.msk [tilespmem:v22+s30+$0x0], $0xffff;
	v16 =	vor.u32 v16, v19;
	v19 =	vmul.f32 v24, v34;
	v3 =	vadd.f32 v4, v3  }
0x308: {  	v28 =	vld.idx.msk [tilespmem:v35+s29+$0x0], $0xffff  }
0x309: {  	v1 =	vadd.f32 v2, v1;
	v0 =	vmul.f32 v5, v0;
	v3 =	vadd.f32 v19, v3;
	v19 =	vld [tilespmem:$0x1F7C0];
	_ =	sdelay $0x1  }
0x30a: {  	v2 =	vld.idx.msk [tilespmem:v25+s30+$0x0], $0xffff;
	v0 =	vadd.f32 v0, v1;
	v1 =	vmul.f32 v7, v29  }
0x30b: {  	v10 =	vmul.f32 v10, v58;
	v7 =	vmul.f32 v40, v57  }
0x30c: {  	v21 =	vmul.f32 v33, v59;
	v0 =	vadd.f32 v1, v0;
	v1 =	vmul.f32 v13, v31  }
0x30d: {  	v10 =	vadd.f32 $0.0e+00, v10;
	v7 =	vadd.f32 $0.0e+00, v7;
	v19 =	vmul.f32 v28, v19  }
0x30e: {  	v5 =	vld.idx.msk [tilespmem:v41+s29+$0x0], $0xffff;
	v0 =	vadd.f32 v1, v0  }
0x30f: {  	v1 =	vmul.f32 v2, v23;
	v2 =	vadd.f32 v21, v7;
	v7 =	vadd.f32 v19, v10;
	v10 =	vld [tilespmem:$0x1F770];
	_ =	sdelay $0x1  }
0x310: {  	v4 =	vld.idx.msk [tilespmem:v27+s30+$0x0], $0xffff;
	_ =	sdelay $0x2  }
0x311: {  	v36 =	vld.idx.msk [tilespmem:v8+s30+$0x0], $0xffff;
	v5 =	vmul.f32 v5, v10  }
0x312: {  	v24 =	vld.idx.msk [tilespmem:v47+s29+$0x0], $0xffff  }
0x313: {  	v0 =	vadd.f32 v1, v0;
	v1 =	vmul.f32 v4, v49;
	v4 =	vadd.f32 v5, v7;
	v5 =	vld [tilespmem:$0x1F750];
	_ =	sdelay $0x4  }
0x314: {  	v18 =	vmul.f32 v36, v18;
	v26 =	vld.idx.msk [tilespmem:v50+s29+$0x0], $0xffff;
	v5 =	vmul.f32 v24, v5  }
0x315: {  	v13 =	vld.idx.msk [tilespmem:v16+s30+$0x0], $0xffff  }
0x316: {  	v3 =	vadd.f32 v18, v3;
	v4 =	vadd.f32 v5, v4;
	v5 =	vld [tilespmem:$0x1F730];
	_ =	sdelay $0x1  }
0x317: {  	v3 =	vadd.f32 v20, v3  }
0x318: {  	v2 =	vadd.f32 v15, v2  }
0x319: {  	v3 =	vadd.f32 v17, v3;
	v0 =	vadd.f32 v1, v0;
	v1 =	vmul.f32 v13, v39  }
0x31a: {  	v2 =	vadd.f32 v11, v2;
	v5 =	vmul.f32 v26, v5  }
0x31b: {  	v3 =	vadd.f32 v6, v3;
	v0 =	vadd.f32 v1, v0;
	v10 =	vld.idx.msk [tilespmem:v54+s29+$0x0], $0xffff  }
0x31c: {  	v1 =	vadd.f32 v12, v2;
	v2 =	vadd.f32 v5, v4;
	v4 =	vld [tilespmem:$0x1F700]  }
0x31d: {  	v0 =	vadd.f32 v0, v3;
	v3 =	vld [tilespmem:$0x1F6D0]  }
0x31e: {  	v7 =	vld.idx.msk [tilespmem:v14+s29+$0x0], $0xffff;
	_ =	sdelay $0x2  }
0x31f: {  	v4 =	vmul.f32 v10, v4  }
0x320: {  	v9 =	vld.idx.msk [tilespmem:v9+s29+$0x0], $0xffff  }
0x321: {  	v28 =	vld.idx.msk [tilespmem:v52+s29+$0x0], $0xffff;
	v3 =	vmul.f32 v7, v3;
	v2 =	vadd.f32 v4, v2  }
0x322: {  	v11 =	vld.idx.msk [tilespmem:v48+s29+$0x0], $0xffff  }
0x323: {  	v2 =	vadd.f32 v3, v2;
	v3 =	vld [tilespmem:$0x1F690]  }
0x324: {  	v13 =	vld [tilespmem:$0x1F6E0]  }
0x325: {  	v19 =	vld.idx.msk [tilespmem:v46+s29+$0x0], $0xffff  }
0x326: {  	v6 =	vld [tilespmem:$0x1F6B0]  }
0x327: {  	v14 =	vld.idx.msk [tilespmem:v55+s29+$0x0], $0xffff  }
0x328: {  	v10 =	vld [tilespmem:$0x1F680];
	v3 =	vmul.f32 v11, v3  }
0x329: {  	v13 =	vmul.f32 v28, v13;
	v5 =	vld.idx.msk [tilespmem:v30+s29+$0x0], $0xffff  }
0x32a: {  	v2 =	vadd.f32 v3, v2;
	v3 =	vld [tilespmem:$0x1F930]  }
0x32b: {  	v6 =	vmul.f32 v19, v6;
	v1 =	vadd.f32 v13, v1;
	_ =	sdelay $0x1  }
0x32c: {  	v0 =	vsub.f32 $4.000000000e+00, v0;
	v1 =	vadd.f32 v6, v1;
	v10 =	vmul.f32 v14, v10  }
0x32d: {  	v9 =	vmul.f32 v9, v56  }
0x32e: {  	v0 =	vmul.f32 $1.442695020e+00, v0;
	v1 =	vadd.f32 v10, v1;
	v3 =	vmul.f32 v5, v3  }
0x32f: {  	v4 =	vld.idx.msk [tilespmem:v22+s29+$0x0], $0xffff  }
0x330: {  	(erf) = vpow2.f32 v0;
	v0 =	vadd.f32 v9, v1;
	v1 =	vadd.f32 v3, v2;
	v2 =	vld [tilespmem:$0x1F900];
	_ =	sdelay $0x4  }
0x331: {  	v2 =	vmul.f32 v4, v2  }
0x332: {  	v6 =	vld.idx.msk [tilespmem:v25+s29+$0x0], $0xffff  }
0x333: {  	v1 =	vadd.f32 v2, v1;
	v2 =	vld [tilespmem:$0x1F660];
	_ =	sdelay $0x1  }
0x334: {  	v52 =	vld [tilespmem:$0x1FC90]  }
0x335: {  	v8 =	vld.idx.msk [tilespmem:v8+s29+$0x0], $0xffff  }
0x336: {  	v59 =	vlaneseq.u32;
	v15 =	vld [tilespmem:$0x1F640]  }
0x337: {  	v29 =	vor.u32 s25, v59;
	v17 =	vld [tilespmem:$0x1F620];
	v2 =	vmul.f32 v6, v2  }
0x338: {  	v18 =	vshll.u32 v29, $0x7;
	v5 =	vld.idx.msk [tilespmem:v27+s29+$0x0], $0xffff  }
0x339: {  	v10 =	vor.u32 v52, v18;
	v1 =	vadd.f32 v2, v1;
	v2 =	vld [tilespmem:$0x1F630]  }
0x33a: {  	v14 =	vld [tilespmem:$0x1F8E0]  }
0x33b: {  	v12 =	vld.idx.msk [tilespmem:v60+s29+$0x0], $0xffff  }
0x33c: {  	v13 =	vld.idx.msk [tilespmem:v42+s29+$0x0], $0xffff  }
0x33d: {  	v11 =	vld [tilespmem:$0x1FFC0]  }
0x33e: {  	v10 =	vld.idx.msk [tilespmem:v10+s18+$0x0], $0xffff;
	v2 =	vmul.f32 v5, v2  }
0x33f: {  	v8 =	vmul.f32 v8, v14;
	v3 =	vld.idx.msk [tilespmem:v16+s29+$0x0], $0xffff  }
0x340: {  	v1 =	vadd.f32 v2, v1;
	v2 =	vld [tilespmem:$0x1F5F0]  }
0x341: {  	v53 =	vld [tilespmem:$0x1FCA0];
	v12 =	vmul.f32 v12, v15;
	v0 =	vadd.f32 v8, v0;
	_ =	sdelay $0x1  }
0x342: {  	v13 =	vmul.f32 v13, v17;
	v14 =	vld.idx.msk [tilespmem:v62+s29+$0x0], $0xffff;
	v11 =	vor.u32 v11, v18;
	v0 =	vadd.f32 v12, v0  }
0x343: {  	[tilespmem:$0x1F620] =	vst v10;
	v10 =	vld [tilespmem:$0x1F5E0]  }
0x344: {  	v0 =	vadd.f32 v13, v0;
	v13 =	vmul.f32 v3, v2;
	v3 =	vld [tilespmem:$0x1FF80]  }
0x345: {  	v9 =	vor.u32 v53, v18;
	v4 =	vld [tilespmem:$0x1FFB0]  }
0x346: {  	v16 =	vld [tilespmem:$0x1FFE0]  }
0x347: {  	v11 =	vld.idx.msk [tilespmem:v11+s18+$0x0], $0xffff  }
0x348: {  	v7 =	vld [tilespmem:$0x1FF50]  }
0x349: {  	v3 =	vor.u32 v3, v18  }
0x34a: {  	v9 =	vld.idx.msk [tilespmem:v9+s18+$0x0], $0xffff;
	v10 =	vmul.f32 v14, v10;
	v4 =	vor.u32 v4, v18  }
0x34b: {  	v16 =	vor.u32 v16, v18;
	v5 =	vld [tilespmem:$0x1FF60]  }
0x34c: {  	v51 =	vld [tilespmem:$0x1FC80];
	v0 =	vadd.f32 v10, v0;
	v10 =	vadd.f32 v13, v1;
	v1 =	vmov v11  }
0x34d: {  	v7 =	vor.u32 v7, v18;
	[tilespmem:$0x1F5F0] =	vst v1;
	v1 =	vld [tilespmem:$0x1FCD0]  }
0x34e: {  	v3 =	vld.idx.msk [tilespmem:v3+s18+$0x0], $0xffff  }
0x34f: {  	v4 =	vld.idx.msk [tilespmem:v4+s18+$0x0], $0xffff  }
0x350: {  	[tilespmem:$0x1F630] =	vst v9;
	v9 =	vld.idx.msk [tilespmem:v16+s18+$0x0], $0xffff;
	v5 =	vor.u32 v5, v18  }
0x351: {  	v8 =	vld [tilespmem:$0x1FF90]  }
0x352: {  	v7 =	vld.idx.msk [tilespmem:v7+s18+$0x0], $0xffff;
	v1 =	vor.u32 v1, v18  }
0x353: {  	v2 =	vpop (erf);
	[tilespmem:$0x1F6D0] =	vst v3;
	v3 =	vld [tilespmem:$0x1FE50]  }
0x354: {  	[tilespmem:$0x1F640] =	vst v4;
	v4 =	vld [tilespmem:$0x1FCC0];
	v2 =	vadd.f32 $1.000000000e+00, v2  }
0x355: {  	[tilespmem:$0x1F660] =	vst v9;
	v9 =	vor.u32 v51, v18;
	v5 =	vld.idx.msk [tilespmem:v5+s18+$0x0], $0xffff;
	v0 =	vadd.f32 v10, v0  }
0x356: {  	v8 =	vor.u32 v8, v18;
	(erf) = vrcp.f32 v2;
	v2 =	vld [tilespmem:$0x1FE10]  }
0x357: {  	v0 =	vmul.f32 $1.442695020e+00, v0;
	v1 =	vld.idx.msk [tilespmem:v1+s18+$0x0], $0xffff  }
0x358: {  	v12 =	vld [tilespmem:$0x1FFA0];
	v3 =	vor.u32 v3, v18  }
0x359: {  	v4 =	vor.u32 v4, v18;
	(erf) = vpow2.f32 v0;
	v0 =	vld [tilespmem:$0x1FD70]  }
0x35a: {  	[tilespmem:$0x1F6B0] =	vst v5;
	v5 =	vld.idx.msk [tilespmem:v9+s18+$0x0], $0xffff  }
0x35b: {  	v8 =	vld.idx.msk [tilespmem:v8+s18+$0x0], $0xffff;
	v2 =	vor.u32 v2, v18  }
0x35c: {  	[tilespmem:$0x1F730] =	vst v1;
	v1 =	vld [tilespmem:$0x1FD30]  }
0x35d: {  	v3 =	vld.idx.msk [tilespmem:v3+s18+$0x0], $0xffff  }
0x35e: {  	v4 =	vld.idx.msk [tilespmem:v4+s18+$0x0], $0xffff;
	v0 =	vor.u32 v0, v18  }
0x35f: {  	[tilespmem:$0x1F700] =	vst v5;
	v5 =	vld [tilespmem:$0x1FCF0]  }
0x360: {  	v63 =	vld.idx.msk [tilespmem:v2+s18+$0x0], $0xffff;
	v2 =	vor.u32 v59, v18  }
0x361: {  	[tilespmem:$0x1F680] =	vst v8;
	v8 =	vmov v7;
	v7 =	vld [tilespmem:$0x1FCB0];
	v1 =	vor.u32 v1, v18  }
0x362: {  	[tilespmem:$0x1F750] =	vst v3;
	v3 =	vld [tilespmem:$0x1FD20]  }
0x363: {  	v0 =	vld.idx.msk [tilespmem:v0+s18+$0x0], $0xffff  }
0x364: {  	[tilespmem:$0x1F6E0] =	vst v4;
	v4 =	vld [tilespmem:$0x1FCE0];
	v5 =	vor.u32 v5, v18  }
0x365: {  	v57 =	vld.idx.msk [tilespmem:v2+s18+$0x0], $0xffff  }
0x366: {  	v1 =	vld.idx.msk [tilespmem:v1+s18+$0x0], $0xffff  }
0x367: {  	v2 =	vld [tilespmem:$0x1FF70];
	v3 =	vor.u32 v3, v18  }
0x368: {  	[tilespmem:$0x1F770] =	vst v0;
	v0 =	vld [tilespmem:$0x1FD00]  }
0x369: {  	v59 =	vld.idx.msk [tilespmem:v5+s18+$0x0], $0xffff  }
0x36a: {  	v12 =	vor.u32 v12, v18;
	v5 =	vld [tilespmem:$0x1FD10]  }
0x36b: {  	[tilespmem:$0x1F7C0] =	vst v1;
	v1 =	vld [tilespmem:$0x1FC70]  }
0x36c: {  	v7 =	vor.u32 v7, v18;
	v58 =	vld.idx.msk [tilespmem:v3+s18+$0x0], $0xffff  }
0x36d: {  	s2 =	sadd.s32 $0x10, s2;
	v4 =	vor.u32 v4, v18;
	v3 =	vld [tilespmem:$0x1FE30]  }
0x36e: {  	v15 =	vld [tilespmem:s2+$0x0];
	v0 =	vor.u32 v0, v18  }
0x36f: {  	s1 =	sadd.s32 $0x10, s1;
	[tilespmem:$0x1F5E0] =	vst v8;
	v8 =	vld.idx.msk [tilespmem:v12+s18+$0x0], $0xffff;
	v5 =	vor.u32 v5, v18  }
0x370: {  	v6 =	vld [tilespmem:s1+$0x0];
	v1 =	vor.u32 v1, v18  }
0x371: {  	v43 =	vld.idx.msk [tilespmem:v7+s18+$0x0], $0xffff;
	v2 =	vor.u32 v2, v18  }
0x372: {  	v61 =	vld.idx.msk [tilespmem:v4+s18+$0x0], $0xffff;
	v4 =	vpop (erf);
	v3 =	vor.u32 v3, v18  }
0x373: {  	v4 =	vmax.f32 v4, $9.999999970e-07;
	v38 =	vld.idx.msk [tilespmem:v0+s18+$0x0], $0xffff  }
0x374: {  	s11 =	sadd.s32 $0x10, s11;
	v7 =	vpop (erf);
	v4 =	vmin.f32 v4, $9.999989860e-01;
	v37 =	vld.idx.msk [tilespmem:v5+s18+$0x0], $0xffff  }
0x375: {  	s31 =	sadd.s32 $0x10, s31;
	v7 =	vmin.f32 v7, $1.000000000e+06;
	v44 =	vld.idx.msk [tilespmem:v1+s18+$0x0], $0xffff;
	[tilespmem:s11+$0x0] =	vst v4  }
0x376: {  	v45 =	vld.idx.msk [tilespmem:v2+s18+$0x0], $0xffff;
	[tilespmem:s31+$0x0] =	vst v7  }
0x377: {  	v22 =	vld.idx.msk [tilespmem:v3+s18+$0x0], $0xffff  }
0x378: {  	v3 =	vld [tilespmem:$0x1FD60]  }
0x379: {  	v6 =	vmul.f32 v4, v6;
	v5 =	vld [tilespmem:$0x1FD90]  }
0x37a: {  	v9 =	vld [tilespmem:$0x1FE00]  }
0x37b: {  	v6 =	vsub.f32 $1.000000000e+00, v6;
	v0 =	vmul.f32 v7, v15;
	v1 =	vld [tilespmem:$0x1FE90]  }
0x37c: {  	[tilespmem:$0x1F690] =	vst v8;
	v8 =	vld [tilespmem:$0x1FC60]  }
0x37d: {  	v0 =	vmul.f32 v6, v0;
	v6 =	vor.u32 v3, v18;
	v3 =	vld [tilespmem:$0x1FD80]  }
0x37e: {  	v5 =	vor.u32 v5, v18;
	_ =	sdelay $0x1  }
0x37f: {  	s4 =	sadd.s32 $0x10, s4;
	v9 =	vor.u32 v9, v18;
	v4 =	vor.u32 v1, v18;
	v1 =	vld [tilespmem:$0x1FD40]  }
0x380: {  	v8 =	vor.u32 v8, v18;
	[tilespmem:s4+$0x0] =	vst v0;
	v0 =	vld [tilespmem:$0x1FD50]  }
0x381: {  	v7 =	vor.u32 v3, v18;
	v3 =	vld [tilespmem:$0x1FE20]  }
0x382: {  	v25 =	vld.idx.msk [tilespmem:v5+s18+$0x0], $0xffff  }
0x383: {  	v5 =	vld [tilespmem:$0x1F8B0]  }
0x384: {  	v28 =	vld.idx.msk [tilespmem:v9+s18+$0x0], $0xffff  }
0x385: {  	v2 =	vor.u32 v1, v18;
	v1 =	vld.idx.msk [tilespmem:v8+s18+$0x0], $0xffff  }
0x386: {  	v0 =	vor.u32 v0, v18;
	v8 =	vor.u32 v3, v18;
	v3 =	vld [tilespmem:$0x1F890]  }
0x387: {  	v30 =	vld.idx.msk [tilespmem:v6+s18+$0x0], $0xffff  }
0x388: {  	v6 =	vor.u32 v5, v18;
	v5 =	vld.idx.msk [tilespmem:v7+s18+$0x0], $0xffff  }
0x389: {  	v7 =	vld [tilespmem:$0x1F8C0]  }
0x38a: {  	v32 =	vld.idx.msk [tilespmem:v4+s18+$0x0], $0xffff  }
0x38b: {  	v4 =	vor.u32 v3, v18;
	v3 =	vld.idx.msk [tilespmem:v0+s18+$0x0], $0xffff  }
0x38c: {  	v0 =	vld [tilespmem:$0x1F8A0]  }
0x38d: {  	v56 =	vld.idx.msk [tilespmem:v6+s18+$0x0], $0xffff  }
0x38e: {  	v6 =	vld [tilespmem:$0x1F920];
	v9 =	vor.u32 v7, v18;
	_ =	sdelay $0x2  }
0x38f: {  	v0 =	vor.u32 v0, v18;
	_ =	sdelay $0x1  }
0x390: {  	v10 =	vor.u32 v6, v18;
	v6 =	vld.idx.msk [tilespmem:v9+s18+$0x0], $0xffff  }
0x391: {  	v7 =	vld.idx.msk [tilespmem:v8+s18+$0x0], $0xffff  }
0x392: {  	v4 =	vld.idx.msk [tilespmem:v4+s18+$0x0], $0xffff  }
0x393: {  	v0 =	vld.idx.msk [tilespmem:v0+s18+$0x0], $0xffff  }
0x394: {  	v8 =	vld [tilespmem:$0x1F8D0]  }
0x395: {  	[tilespmem:$0x1F930] =	vst v6;
	v6 =	vld [tilespmem:$0x1F940]  }
0x396: {  	v49 =	vld.idx.msk [tilespmem:v10+s18+$0x0], $0xffff  }
0x397: {  	[tilespmem:$0x1F8E0] =	vst v4;
	v4 =	vld [tilespmem:$0x1F8F0]  }
0x398: {  	[tilespmem:$0x1F900] =	vst v0;
	v0 =	vld [tilespmem:$0x1F910]  }
0x399: {  	v10 =	vld [tilespmem:$0x1F990]  }
0x39a: {  	v8 =	vor.u32 v8, v18;
	v9 =	vor.u32 v6, v18;
	v6 =	vld [tilespmem:$0x1F950];
	_ =	sdelay $0x1  }
0x39b: {  	v4 =	vor.u32 v4, v18  }
0x39c: {  	v12 =	vld [tilespmem:$0x1F980];
	v0 =	vor.u32 v0, v18  }
0x39d: {  	v13 =	vor.u32 v10, v18;
	v10 =	vld [tilespmem:$0x1F9A0]  }
0x39e: {  	v11 =	vor.u32 v6, v18;
	v6 =	vld.idx.msk [tilespmem:v8+s18+$0x0], $0xffff  }
0x39f: {  	v8 =	vld [tilespmem:$0x1F960]  }
0x3a0: {  	v39 =	vld.idx.msk [tilespmem:v4+s18+$0x0], $0xffff  }
0x3a1: {  	v21 =	vld.idx.msk [tilespmem:v0+s18+$0x0], $0xffff;
	v0 =	vmov s25  }
0x3a2: {  	v4 =	vld [tilespmem:$0x1F970];
	v0 =	vshll.u32 v0, $0x3  }
0x3a3: {  	v20 =	vld.idx.msk [tilespmem:v9+s18+$0x0], $0xffff;
	v9 =	vand.u32 $0x7F, v29;
	v0 =	vand.u32 $0x400, v0  }
0x3a4: {  	v8 =	vor.u32 v8, v18;
	v19 =	vor.u32 v0, v9;
	v0 =	vld [tilespmem:$0x1F9B0];
	_ =	sdelay $0x3  }
0x3a5: {  	v12 =	vor.u32 v12, v18  }
0x3a6: {  	v14 =	vor.u32 v10, v18;
	v4 =	vor.u32 v4, v18;
	v0 =	vor.u32 v0, v18;
	v18 =	vld.idx.msk [tilespmem:v8+s18+$0x0], $0xffff  }
0x3a7: {  	v8 =	vld [tilespmem:$0x1FF30];
	_ =	sdelay $0x4  }
0x3a8: {  	v42 =	vor.u32 v8, v19;
	v8 =	vld [tilespmem:$0x1FFD0]  }
0x3a9: {  	v55 =	vld [tilespmem:$0x1F9D0]  }
0x3aa: {  	v29 =	vld.idx.msk [tilespmem:v13+s18+$0x0], $0xffff  }
0x3ab: {  	v31 =	vld.idx.msk [tilespmem:v4+s18+$0x0], $0xffff  }
0x3ac: {  	v4 =	vld [tilespmem:$0x1FF10]  }
0x3ad: {  	v13 =	vor.u32 v8, v19;
	v8 =	vld [tilespmem:$0x1FF40];
	_ =	sdelay $0x1  }
0x3ae: {  	v54 =	vld [tilespmem:$0x1F9C0];
	v10 =	vor.u32 v55, v19  }
0x3af: {  	v34 =	vld.idx.msk [tilespmem:v12+s18+$0x0], $0xffff  }
0x3b0: {  	v2 =	vld.idx.msk [tilespmem:v2+s18+$0x0], $0xffff  }
0x3b1: {  	p0 =	sne.s32 s25, $0xF0;
	v62 =	vor.u32 v4, v19;
	v60 =	vor.u32 v8, v19;
	v8 =	vld [tilespmem:$0x1FFF0]  }
.Ltmp0:
0x3b2: {  	v23 =	vld.idx.msk [tilespmem:v11+s18+$0x0], $0xffff;
	(pc) =	sbr.rel @p0 .LBB2_4-.Ltmp0, $4  }
0x3b3: {  	v12 =	vld.idx.msk [tilespmem:v10+s29+$0x0], $0xffff  }
0x3b4: {  	v4 =	vld.idx.msk [tilespmem:v14+s18+$0x0], $0xffff  }
0x3b5: {  	v0 =	vld.idx.msk [tilespmem:v0+s18+$0x0], $0xffff  }
0x3b6: {  	s25 =	sadd.s32 $0x10, s25;
	v9 =	vor.u32 v54, v19;
	v11 =	vld.idx.msk [tilespmem:v62+s30+$0x0], $0xffff;
	v14 =	vor.u32 v8, v19  }
0x3b7: {  	_ =	sdelay $0x1  }
0x3b8: {  	v8 =	vld [tilespmem:$0x1FEF0]  }
0x3b9: {  	v16 =	vld [tilespmem:$0x1FF20]  }
0x3ba: {  	v17 =	vld.idx.msk [tilespmem:v14+s29+$0x0], $0xffff  }
0x3bb: {  	v14 =	vld.idx.msk [tilespmem:v14+s30+$0x0], $0xffff  }
0x3bc: {  	v24 =	vld [tilespmem:$0x1FEE0]  }
0x3bd: {  	v26 =	vld.idx.msk [tilespmem:v13+s29+$0x0], $0xffff  }
0x3be: {  	v13 =	vld.idx.msk [tilespmem:v13+s30+$0x0], $0xffff  }
0x3bf: {  	v27 =	vld.idx.msk [tilespmem:v9+s29+$0x0], $0xffff  }
0x3c0: {  	v33 =	vld [tilespmem:$0x1FDC0]  }
0x3c1: {  	v9 =	vld.idx.msk [tilespmem:v9+s30+$0x0], $0xffff  }
0x3c2: {  	v40 =	vld [tilespmem:$0x1FDA0]  }
0x3c3: {  	v10 =	vld.idx.msk [tilespmem:v10+s30+$0x0], $0xffff  }
0x3c4: {  	v41 =	vld [tilespmem:$0x1FEC0];
	v8 =	vor.u32 v8, v19  }
0x3c5: {  	v46 =	vld [tilespmem:$0x1FDD0]  }
0x3c6: {  	v48 =	vld [tilespmem:$0x1FDE0];
	v16 =	vor.u32 v16, v19  }
0x3c7: {  	v47 =	vld [tilespmem:$0x1FDB0]  }
0x3c8: {  	v50 =	vld [tilespmem:$0x1FE60];
	v24 =	vor.u32 v24, v19  }
0x3c9: {  	v33 =	vor.u32 v33, v19;
	v15 =	vld.idx.msk [tilespmem:v8+s29+$0x0], $0xffff  }
0x3ca: {  	v8 =	vld.idx.msk [tilespmem:v8+s30+$0x0], $0xffff  }
0x3cb: {  	v12 =	vmul.f32 v12, v43;
	v43 =	vor.u32 v48, v19;
	v35 =	vld.idx.msk [tilespmem:v16+s30+$0x0], $0xffff  }
0x3cc: {  	v48 =	vld [tilespmem:$0x1FE40]  }
0x3cd: {  	v40 =	vor.u32 v40, v19;
	v36 =	vld.idx.msk [tilespmem:v24+s30+$0x0], $0xffff  }
0x3ce: {  	v46 =	vor.u32 v46, v19;
	v3 =	vmul.f32 v14, v3;
	v14 =	vld.idx.msk [tilespmem:v33+s30+$0x0], $0xffff  }
0x3cf: {  	v13 =	vmul.f32 v13, v32;
	v32 =	vor.u32 v50, v19;
	v50 =	vld [tilespmem:$0x1FF00];
	v9 =	vmul.f32 v9, v28  }
0x3d0: {  	v28 =	vld.idx.msk [tilespmem:v43+s30+$0x0], $0xffff;
	v5 =	vmul.f32 v8, v5;
	v7 =	vmul.f32 v35, v7  }
0x3d1: {  	v8 =	vld.idx.msk [tilespmem:v42+s30+$0x0], $0xffff;
	v35 =	vor.u32 v47, v19  }
0x3d2: {  	v30 =	vmul.f32 v36, v30;
	v47 =	vld.idx.msk [tilespmem:v40+s30+$0x0], $0xffff;
	v5 =	vadd.f32 $0.0e+00, v5;
	v7 =	vadd.f32 $0.0e+00, v7  }
0x3d3: {  	v2 =	vmul.f32 v14, v2;
	v14 =	vmul.f32 v27, v63;
	v63 =	vld [tilespmem:$0x1FEB0]  }
0x3d4: {  	v3 =	vadd.f32 v3, v5;
	v5 =	vadd.f32 v30, v7;
	v30 =	vld.idx.msk [tilespmem:v46+s30+$0x0], $0xffff  }
0x3d5: {  	v48 =	vor.u32 v48, v19;
	v7 =	vld [tilespmem:$0x1FE80]  }
0x3d6: {  	v50 =	vor.u32 v50, v19;
	v27 =	vld.idx.msk [tilespmem:v35+s30+$0x0], $0xffff;
	v3 =	vadd.f32 v13, v3  }
0x3d7: {  	v13 =	vld [tilespmem:$0x1FEA0];
	v2 =	vadd.f32 v2, v5;
	v5 =	vmul.f32 v47, v25  }
0x3d8: {  	v10 =	vmul.f32 v10, v22;
	v3 =	vadd.f32 v9, v3;
	v9 =	vld.idx.msk [tilespmem:v32+s30+$0x0], $0xffff  }
0x3d9: {  	v8 =	vmul.f32 v8, v21;
	v21 =	vld [tilespmem:$0x1FED0];
	v2 =	vadd.f32 v5, v2;
	v1 =	vmul.f32 v30, v1  }
0x3da: {  	v25 =	vld.idx.msk [tilespmem:v48+s30+$0x0], $0xffff;
	v7 =	vor.u32 v7, v19  }
0x3db: {  	v3 =	vadd.f32 v10, v3;
	v10 =	vld.idx.msk [tilespmem:v50+s30+$0x0], $0xffff;
	v1 =	vadd.f32 v1, v2;
	v2 =	vmul.f32 v28, v45  }
0x3dc: {  	v13 =	vor.u32 v13, v19;
	v28 =	vld [tilespmem:$0x1FE70]  }
0x3dd: {  	v1 =	vadd.f32 v2, v1;
	v2 =	vmul.f32 v9, v37;
	v9 =	vld.idx.msk [tilespmem:v16+s29+$0x0], $0xffff  }
0x3de: {  	v16 =	vld [tilespmem:$0x1FDF0]  }
0x3df: {  	v22 =	vmul.f32 v26, v61;
	v5 =	vld.idx.msk [tilespmem:v7+s30+$0x0], $0xffff  }
0x3e0: {  	v26 =	vmul.f32 v27, v44;
	v0 =	vmul.f32 v10, v0;
	v10 =	vld [tilespmem:$0x1FB30]  }
0x3e1: {  	v27 =	vld.idx.msk [tilespmem:v13+s30+$0x0], $0xffff  }
0x3e2: {  	v25 =	vmul.f32 v25, v38;
	v3 =	vadd.f32 v26, v3  }
0x3e3: {  	v41 =	vor.u32 v41, v19  }
0x3e4: {  	v47 =	vor.u32 v63, v19;
	v3 =	vadd.f32 v25, v3;
	v4 =	vmul.f32 v5, v4  }
0x3e5: {  	v21 =	vor.u32 v21, v19;
	v28 =	vor.u32 v28, v19;
	v16 =	vor.u32 v16, v19  }
0x3e6: {  	v10 =	vor.u32 v10, v19;
	v19 =	vmul.f32 v27, v34;
	v3 =	vadd.f32 v4, v3  }
0x3e7: {  	v1 =	vadd.f32 v2, v1;
	v2 =	vld.idx.msk [tilespmem:v24+s29+$0x0], $0xffff  }
0x3e8: {  	v3 =	vadd.f32 v19, v3;
	v19 =	vld [tilespmem:$0x1F7C0];
	_ =	sdelay $0x2  }
0x3e9: {  	v9 =	vmul.f32 v9, v58;
	_ =	sdelay $0x1  }
0x3ea: {  	v9 =	vadd.f32 $0.0e+00, v9;
	v2 =	vmul.f32 v2, v19  }
0x3eb: {  	v4 =	vld.idx.msk [tilespmem:v33+s29+$0x0], $0xffff  }
0x3ec: {  	v2 =	vadd.f32 v2, v9;
	v9 =	vld [tilespmem:$0x1F770];
	_ =	sdelay $0x4  }
0x3ed: {  	v4 =	vmul.f32 v4, v9  }
0x3ee: {  	v25 =	vld.idx.msk [tilespmem:v40+s29+$0x0], $0xffff  }
0x3ef: {  	v2 =	vadd.f32 v4, v2;
	v4 =	vld [tilespmem:$0x1F750];
	_ =	sdelay $0x4  }
0x3f0: {  	v4 =	vmul.f32 v25, v4  }
0x3f1: {  	v19 =	vld.idx.msk [tilespmem:v46+s29+$0x0], $0xffff  }
0x3f2: {  	v2 =	vadd.f32 v4, v2;
	v4 =	vld [tilespmem:$0x1F730];
	_ =	sdelay $0x2  }
0x3f3: {  	v6 =	vmul.f32 v11, v6;
	v11 =	vld.idx.msk [tilespmem:v41+s30+$0x0], $0xffff  }
0x3f4: {  	v26 =	vld.idx.msk [tilespmem:v47+s30+$0x0], $0xffff  }
0x3f5: {  	v5 =	vld.idx.msk [tilespmem:v21+s30+$0x0], $0xffff;
	v4 =	vmul.f32 v19, v4  }
0x3f6: {  	v9 =	vld.idx.msk [tilespmem:v43+s29+$0x0], $0xffff  }
0x3f7: {  	v2 =	vadd.f32 v4, v2;
	v4 =	vld [tilespmem:$0x1F700]  }
0x3f8: {  	v11 =	vmul.f32 v11, v18;
	v18 =	vld.idx.msk [tilespmem:v28+s30+$0x0], $0xffff  }
0x3f9: {  	v0 =	vadd.f32 v0, v1;
	v1 =	vmul.f32 v26, v29;
	_ =	sdelay $0x1  }
0x3fa: {  	v36 =	vld.idx.msk [tilespmem:v60+s30+$0x0], $0xffff;
	v0 =	vadd.f32 v1, v0;
	v1 =	vmul.f32 v5, v31  }
0x3fb: {  	v4 =	vmul.f32 v9, v4  }
0x3fc: {  	v0 =	vadd.f32 v1, v0;
	v1 =	vmul.f32 v18, v23;
	v18 =	vld.idx.msk [tilespmem:v32+s29+$0x0], $0xffff  }
0x3fd: {  	v2 =	vadd.f32 v4, v2;
	v4 =	vld [tilespmem:$0x1F6D0];
	_ =	sdelay $0x1  }
0x3fe: {  	v15 =	vmul.f32 v15, v57;
	v20 =	vmul.f32 v36, v20;
	v3 =	vadd.f32 v11, v3  }
0x3ff: {  	v24 =	vld.idx.msk [tilespmem:v16+s30+$0x0], $0xffff  }
0x400: {  	v17 =	vmul.f32 v17, v59;
	v15 =	vadd.f32 $0.0e+00, v15;
	v3 =	vadd.f32 v20, v3  }
0x401: {  	v5 =	vld.idx.msk [tilespmem:v10+s30+$0x0], $0xffff;
	v4 =	vmul.f32 v18, v4  }
0x402: {  	v15 =	vadd.f32 v17, v15;
	v3 =	vadd.f32 v8, v3;
	v8 =	vld.idx.msk [tilespmem:v50+s29+$0x0], $0xffff  }
0x403: {  	v2 =	vadd.f32 v4, v2;
	v4 =	vld [tilespmem:$0x1F690]  }
0x404: {  	v17 =	vld.idx.msk [tilespmem:v48+s29+$0x0], $0xffff;
	v15 =	vadd.f32 v22, v15;
	v0 =	vadd.f32 v1, v0;
	v1 =	vmul.f32 v24, v49  }
0x405: {  	v11 =	vld.idx.msk [tilespmem:v35+s29+$0x0], $0xffff  }
0x406: {  	v0 =	vadd.f32 v1, v0;
	v1 =	vmul.f32 v5, v39;
	v5 =	vld.idx.msk [tilespmem:v7+s29+$0x0], $0xffff;
	v7 =	vadd.f32 v14, v15  }
0x407: {  	v14 =	vld [tilespmem:$0x1F6E0]  }
0x408: {  	v3 =	vadd.f32 v6, v3;
	v6 =	vadd.f32 v12, v7;
	v7 =	vld.idx.msk [tilespmem:v47+s29+$0x0], $0xffff;
	v4 =	vmul.f32 v8, v4  }
0x409: {  	v9 =	vld [tilespmem:$0x1F6B0]  }
0x40a: {  	v2 =	vadd.f32 v4, v2;
	v4 =	vld [tilespmem:$0x1F930]  }
0x40b: {  	v12 =	vld [tilespmem:$0x1F680]  }
0x40c: {  	v0 =	vadd.f32 v1, v0;
	v11 =	vmul.f32 v11, v14  }
0x40d: {  	v1 =	vld.idx.msk [tilespmem:v13+s29+$0x0], $0xffff  }
0x40e: {  	v0 =	vadd.f32 v0, v3;
	v3 =	vld.idx.msk [tilespmem:v41+s29+$0x0], $0xffff;
	v6 =	vadd.f32 v11, v6;
	v9 =	vmul.f32 v17, v9  }
0x40f: {  	v4 =	vmul.f32 v7, v4;
	v7 =	vld [tilespmem:$0x1F8E0]  }
0x410: {  	v5 =	vmul.f32 v5, v12;
	v6 =	vadd.f32 v9, v6;
	_ =	sdelay $0x1  }
0x411: {  	v1 =	vmul.f32 v1, v56;
	v5 =	vadd.f32 v5, v6  }
0x412: {  	v11 =	vld.idx.msk [tilespmem:v21+s29+$0x0], $0xffff  }
0x413: {  	v1 =	vadd.f32 v1, v5;
	v2 =	vadd.f32 v4, v2;
	v4 =	vld [tilespmem:$0x1F900];
	v3 =	vmul.f32 v3, v7  }
0x414: {  	v8 =	vld.idx.msk [tilespmem:v28+s29+$0x0], $0xffff  }
0x415: {  	v1 =	vadd.f32 v3, v1;
	v3 =	vld [tilespmem:$0x1F660];
	_ =	sdelay $0x2  }
0x416: {  	v4 =	vmul.f32 v11, v4  }
0x417: {  	v0 =	vsub.f32 $4.000000000e+00, v0  }
0x418: {  	v12 =	vld.idx.msk [tilespmem:v60+s29+$0x0], $0xffff;
	v2 =	vadd.f32 v4, v2;
	v3 =	vmul.f32 v8, v3  }
0x419: {  	v0 =	vmul.f32 $1.442695020e+00, v0;
	v6 =	vld.idx.msk [tilespmem:v16+s29+$0x0], $0xffff  }
0x41a: {  	v2 =	vadd.f32 v3, v2;
	v3 =	vld [tilespmem:$0x1F630]  }
0x41b: {  	(erf) = vpow2.f32 v0;
	v0 =	vld.idx.msk [tilespmem:v62+s29+$0x0], $0xffff  }
0x41c: {  	v9 =	vld.idx.msk [tilespmem:v42+s29+$0x0], $0xffff  }
0x41d: {  	v7 =	vld [tilespmem:$0x1F640]  }
0x41e: {  	v5 =	vld.idx.msk [tilespmem:v10+s29+$0x0], $0xffff  }
0x41f: {  	v4 =	vld [tilespmem:$0x1F620];
	v3 =	vmul.f32 v6, v3  }
0x420: {  	v6 =	vld [tilespmem:$0x1F5E0]  }
0x421: {  	v2 =	vadd.f32 v3, v2;
	v3 =	vld [tilespmem:$0x1F5F0]  }
0x422: {  	v7 =	vmul.f32 v12, v7;
	_ =	sdelay $0x1  }
0x423: {  	v1 =	vadd.f32 v7, v1;
	v4 =	vmul.f32 v9, v4;
	_ =	sdelay $0x1  }
0x424: {  	v1 =	vadd.f32 v4, v1;
	v0 =	vmul.f32 v0, v6;
	v3 =	vmul.f32 v5, v3;
	_ =	sdelay $0x1  }
0x425: {  	v0 =	vadd.f32 v0, v1;
	v1 =	vadd.f32 v3, v2;
	v2 =	vpop (erf)  }
0x426: {  	v2 =	vadd.f32 $1.000000000e+00, v2  }
0x427: {  	v0 =	vadd.f32 v1, v0  }
0x428: {  	(erf) = vrcp.f32 v2  }
0x429: {  	v0 =	vmul.f32 $1.442695020e+00, v0;
	_ =	sdelay $0x1  }
0x42a: {  	(erf) = vpow2.f32 v0;
	_ =	sdelay $0x2  }
0x42b: {  	s1 =	sadd.s32 $0x10, s1  }
0x42c: {  	v0 =	vld [tilespmem:s1+$0x0]  }
0x42d: {  	s25 =	sadd.s32 $0x10, s2  }
0x42e: {  	v1 =	vld [tilespmem:s25+$0x0];
	v2 =	vpop (erf)  }
0x42f: {  	v2 =	vmax.f32 v2, $9.999999970e-07  }
0x430: {  	v2 =	vmin.f32 v2, $9.999989860e-01  }
0x431: {  	s1 =	sshll.u32 s10, $0x1;
	v0 =	vmul.f32 v2, v0;
	v3 =	vpop (erf)  }
0x432: {  	s11 =	sadd.s32 $0x10, s11;
	p0 =	slt.s32 s1, $0x3D;
	s2 =	smov.u32 s1;
	v3 =	vmin.f32 v3, $1.000000000e+06  }
0x433: {  	s2 =	simm.s32 @!p0 $0x3D;
	[tilespmem:s11+$0x0] =	vst v2;
	v1 =	vmul.f32 v3, v1;
	v0 =	vsub.f32 $1.000000000e+00, v0  }
0x434: {  	s2 =	sshll.u32 s2, $0x8;
	s25 =	rddreg [dreg:$0x16]  }
0x435: {  	s31 =	sadd.s32 $0x10, s31;
	s2 =	sadd.s32 s25, s2;
	v0 =	vmul.f32 v0, v1  }
0x436: {  	s4 =	sadd.s32 $0x10, s4;
	[tilespmem:s31+$0x0] =	vst v3;
	s11 =	sshrl.u32 s2, $0x3  }
0x437: {  	s31 =	sadd.s32 s12, s11;
	[tilespmem:s4+$0x0] =	vst v0;
	s4 =	simm.s32 $0x0  }
0x438: {  	[tilespmem:s4], [sflag:$0x1] =	stream.linear.gather [hbm4b:s31+s4], $0x100, $0x38;
	[tilespmem:$0x19E00] =	vst v63  }
0x439: {  	s31 =	sadd.s32 s8, s2  }
0x43a: {  	[tilespmem:s29], [sflag:$0x3] =	stream.strided.gather [hbm4b:s31+s26], $0x2000, s28, s26, $0x38;
	[tilespmem:$0x19E00] =	vst v63  }
0x43b: {  	s2 =	sadd.s32 s17, s2  }
0x43c: {  	[tilespmem:s30], [sflag:$0x3] =	stream.strided.gather [hbm4b:s2+s26], $0x2000, s28, s26, $0x38;
	[tilespmem:$0x19E00] =	vst v63  }
0x43d: {  	s25 =	sadd.s32 s19, s11;
	s31 =	simm.s32 $0x18200  }
0x43e: {  	[tilespmem:s31], [sflag:$0x3] =	stream.linear.gather [hbm4b:s25+s4], $0x100, $0x38;
	[tilespmem:$0x19E00] =	vst v63  }
0x43f: {  	s11 =	sadd.s32 s23, s11;
	s25 =	simm.s32 $0x18400;
	s31 =	simm.s32 $0x6  }
0x440: {  	[tilespmem:s25], [sflag:$0x3] =	stream.linear.gather [hbm4b:s11+s4], $0x100, $0x38;
	[tilespmem:$0x19E00] =	vst v63  }
0x441: {  	_ =	swait.ge [sflag:s31], $0x8000  }
0x442: {  	[sflag:s31] =	ssyncset.done $0x0  }
0x443: {  	[sflag:s31] =	ssyncadd.s32 $0xFFFF8000  }
0x444: {  	_ =	swait.ge [sflag:s9], $0x2000  }
0x445: {  	[sflag:s9] =	ssyncset.done $0x0  }
0x446: {  	[sflag:s9] =	ssyncadd.s32 $0xFFFFE000  }
0x447: {  	_ =	swait.ge [sflag:s9], $0x2000  }
0x448: {  	[sflag:s9] =	ssyncset.done $0x0  }
0x449: {  	[sflag:s9] =	ssyncadd.s32 $0xFFFFE000  }
0x44a: {  	_ =	swait.ge [sflag:s9], $0x100  }
0x44b: {  	v56 =	vld [tilespmem:$0x1FF50];
	_ =	sdelay $0x1  }
0x44c: {  	v8 =	vlaneseq.u32  }
0x44d: {  	v2 =	vor.u32 s4, v8  }
0x44e: {  	v4 =	vshll.u32 v2, $0x7  }
0x44f: {  	[sflag:s9] =	ssyncset.done $0x0;
	v0 =	vor.u32 v56, v4  }
0x450: {  	v57 =	vld [tilespmem:$0x1FFC0];
	[sflag:s9] =	ssyncadd.s32 $0xFFFFFF00  }
0x451: {  	_ =	swait.ge [sflag:s9], $0x100  }
0x452: {  	[sflag:s9] =	ssyncset.done $0x0  }
0x453: {  	[sflag:s9] =	ssyncadd.s32 $0xFFFFFF00  }
0x454: {  	v0 =	vld.idx.msk [tilespmem:v0+s20+$0x0], $0xffff  }
0x455: {  	v1 =	vor.u32 v57, v4;
	_ =	sdelay $0x3  }
0x456: {  	[tilespmem:$0x1F2D0] =	vst v0  }
0x457: {  	v1 =	vld.idx.msk [tilespmem:v1+s20+$0x0], $0xffff  }
0x458: {  	v3 =	vor.u32 v52, v4;
	_ =	sdelay $0x3  }
0x459: {  	[tilespmem:$0x1F2E0] =	vst v1  }
0x45a: {  	v3 =	vld.idx.msk [tilespmem:v3+s20+$0x0], $0xffff  }
0x45b: {  	v5 =	vor.u32 v53, v4  }
0x45c: {  	v49 =	vld [tilespmem:$0x1FFB0];
	_ =	sdelay $0x2  }
0x45d: {  	[tilespmem:$0x1F2F0] =	vst v3  }
0x45e: {  	v5 =	vld.idx.msk [tilespmem:v5+s20+$0x0], $0xffff  }
0x45f: {  	v6 =	vor.u32 v49, v4  }
0x460: {  	v60 =	vld [tilespmem:$0x1FFE0];
	_ =	sdelay $0x2  }
0x461: {  	[tilespmem:$0x1F300] =	vst v5  }
0x462: {  	v6 =	vld.idx.msk [tilespmem:v6+s20+$0x0], $0xffff  }
0x463: {  	v7 =	vor.u32 v60, v4  }
0x464: {  	v0 =	vld [tilespmem:$0x1F890];
	_ =	sdelay $0x2  }
0x465: {  	[tilespmem:$0x1F310] =	vst v6  }
0x466: {  	v7 =	vld.idx.msk [tilespmem:v7+s20+$0x0], $0xffff  }
0x467: {  	v0 =	vor.u32 v0, v4  }
0x468: {  	v1 =	vld [tilespmem:$0x1F8A0];
	_ =	sdelay $0x2  }
0x469: {  	[tilespmem:$0x1F320] =	vst v7  }
0x46a: {  	v0 =	vld.idx.msk [tilespmem:v0+s20+$0x0], $0xffff  }
0x46b: {  	v1 =	vor.u32 v1, v4  }
0x46c: {  	v3 =	vld [tilespmem:$0x1F8B0];
	_ =	sdelay $0x2  }
0x46d: {  	[tilespmem:$0x1F330] =	vst v0  }
0x46e: {  	v1 =	vld.idx.msk [tilespmem:v1+s20+$0x0], $0xffff  }
0x46f: {  	v3 =	vor.u32 v3, v4  }
0x470: {  	v5 =	vld [tilespmem:$0x1F8C0];
	_ =	sdelay $0x2  }
0x471: {  	[tilespmem:$0x1F340] =	vst v1  }
0x472: {  	v3 =	vld.idx.msk [tilespmem:v3+s20+$0x0], $0xffff  }
0x473: {  	v5 =	vor.u32 v5, v4  }
0x474: {  	v44 =	vld [tilespmem:$0x1FF90];
	_ =	sdelay $0x2  }
0x475: {  	[tilespmem:$0x1F350] =	vst v3  }
0x476: {  	v5 =	vld.idx.msk [tilespmem:v5+s20+$0x0], $0xffff  }
0x477: {  	v6 =	vor.u32 v44, v4  }
0x478: {  	v45 =	vld [tilespmem:$0x1FFA0];
	_ =	sdelay $0x2  }
0x479: {  	[tilespmem:$0x1F360] =	vst v5  }
0x47a: {  	v6 =	vld.idx.msk [tilespmem:v6+s20+$0x0], $0xffff  }
0x47b: {  	v7 =	vor.u32 v45, v4  }
0x47c: {  	v39 =	vld [tilespmem:$0x1FF60];
	_ =	sdelay $0x2  }
0x47d: {  	[tilespmem:$0x1F370] =	vst v6  }
0x47e: {  	v7 =	vld.idx.msk [tilespmem:v7+s20+$0x0], $0xffff  }
0x47f: {  	v0 =	vor.u32 v39, v4  }
0x480: {  	v43 =	vld [tilespmem:$0x1FF80];
	_ =	sdelay $0x2  }
0x481: {  	[tilespmem:$0x1F380] =	vst v7  }
0x482: {  	v0 =	vld.idx.msk [tilespmem:v0+s20+$0x0], $0xffff  }
0x483: {  	v1 =	vor.u32 v43, v4  }
0x484: {  	v3 =	vld [tilespmem:$0x1FCC0];
	_ =	sdelay $0x2  }
0x485: {  	[tilespmem:$0x1F390] =	vst v0  }
0x486: {  	v0 =	vld.idx.msk [tilespmem:v1+s20+$0x0], $0xffff  }
0x487: {  	v3 =	vor.u32 v3, v4;
	_ =	sdelay $0x3  }
0x488: {  	[tilespmem:$0x1F3A0] =	vst v0  }
0x489: {  	v1 =	vld.idx.msk [tilespmem:v3+s20+$0x0], $0xffff  }
0x48a: {  	v5 =	vor.u32 v51, v4  }
0x48b: {  	v6 =	vld [tilespmem:$0x1FCB0]  }
0x48c: {  	v7 =	vld [tilespmem:$0x1FCD0];
	_ =	sdelay $0x1  }
0x48d: {  	[tilespmem:$0x1F3B0] =	vst v1  }
0x48e: {  	v5 =	vld.idx.msk [tilespmem:v5+s20+$0x0], $0xffff  }
0x48f: {  	v6 =	vor.u32 v6, v4  }
0x490: {  	v7 =	vor.u32 v7, v4  }
0x491: {  	v1 =	vld [tilespmem:$0x1F8F0];
	_ =	sdelay $0x1  }
0x492: {  	[tilespmem:$0x1F3C0] =	vst v5  }
0x493: {  	v34 =	vld.idx.msk [tilespmem:v6+s20+$0x0], $0xffff  }
0x494: {  	v6 =	vld.idx.msk [tilespmem:v7+s20+$0x0], $0xffff  }
0x495: {  	v0 =	vld [tilespmem:$0x1F8D0];
	v1 =	vor.u32 v1, v4  }
0x496: {  	v3 =	vld [tilespmem:$0x1FE10]  }
0x497: {  	v5 =	vld [tilespmem:$0x1FE50];
	_ =	sdelay $0x1  }
0x498: {  	[tilespmem:$0x1F3D0] =	vst v6  }
0x499: {  	v0 =	vor.u32 v0, v4;
	v1 =	vld.idx.msk [tilespmem:v1+s20+$0x0], $0xffff  }
0x49a: {  	v3 =	vor.u32 v3, v4  }
0x49b: {  	v5 =	vor.u32 v5, v4  }
0x49c: {  	v7 =	vld [tilespmem:$0x1F920];
	_ =	sdelay $0x1  }
0x49d: {  	v29 =	vld.idx.msk [tilespmem:v0+s20+$0x0], $0xffff;
	[tilespmem:$0x1F3E0] =	vst v1  }
0x49e: {  	v28 =	vld.idx.msk [tilespmem:v3+s20+$0x0], $0xffff  }
0x49f: {  	v3 =	vld.idx.msk [tilespmem:v5+s20+$0x0], $0xffff  }
0x4a0: {  	v6 =	vld [tilespmem:$0x1F910];
	v7 =	vor.u32 v7, v4  }
0x4a1: {  	v0 =	vld [tilespmem:$0x1FCE0]  }
0x4a2: {  	v1 =	vld [tilespmem:$0x1FD70];
	_ =	sdelay $0x1  }
0x4a3: {  	[tilespmem:$0x1F3F0] =	vst v3  }
0x4a4: {  	v6 =	vor.u32 v6, v4;
	v7 =	vld.idx.msk [tilespmem:v7+s20+$0x0], $0xffff  }
0x4a5: {  	v0 =	vor.u32 v0, v4  }
0x4a6: {  	v1 =	vor.u32 v1, v4  }
0x4a7: {  	v3 =	vld [tilespmem:$0x1F940];
	_ =	sdelay $0x1  }
0x4a8: {  	v25 =	vld.idx.msk [tilespmem:v6+s20+$0x0], $0xffff;
	[tilespmem:$0x1F400] =	vst v7  }
0x4a9: {  	v23 =	vld.idx.msk [tilespmem:v0+s20+$0x0], $0xffff  }
0x4aa: {  	v0 =	vld.idx.msk [tilespmem:v1+s20+$0x0], $0xffff  }
0x4ab: {  	v3 =	vor.u32 v3, v4  }
0x4ac: {  	v5 =	vld [tilespmem:$0x1F950];
	_ =	sdelay $0x2  }
0x4ad: {  	[tilespmem:$0x1F410] =	vst v0  }
0x4ae: {  	v3 =	vld.idx.msk [tilespmem:v3+s20+$0x0], $0xffff  }
0x4af: {  	v5 =	vor.u32 v5, v4  }
0x4b0: {  	v6 =	vld [tilespmem:$0x1FCF0];
	_ =	sdelay $0x2  }
0x4b1: {  	[tilespmem:$0x1F420] =	vst v3  }
0x4b2: {  	v5 =	vld.idx.msk [tilespmem:v5+s20+$0x0], $0xffff  }
0x4b3: {  	v6 =	vor.u32 v6, v4  }
0x4b4: {  	v7 =	vld [tilespmem:$0x1FD30];
	_ =	sdelay $0x2  }
0x4b5: {  	[tilespmem:$0x1F430] =	vst v5  }
0x4b6: {  	v6 =	vld.idx.msk [tilespmem:v6+s20+$0x0], $0xffff  }
0x4b7: {  	v7 =	vor.u32 v7, v4  }
0x4b8: {  	v0 =	vld [tilespmem:$0x1F960];
	_ =	sdelay $0x2  }
0x4b9: {  	[tilespmem:$0x1F440] =	vst v6  }
0x4ba: {  	v6 =	vld.idx.msk [tilespmem:v7+s20+$0x0], $0xffff  }
0x4bb: {  	v0 =	vor.u32 v0, v4  }
0x4bc: {  	v1 =	vld [tilespmem:$0x1F970];
	_ =	sdelay $0x2  }
0x4bd: {  	[tilespmem:$0x1F450] =	vst v6  }
0x4be: {  	v0 =	vld.idx.msk [tilespmem:v0+s20+$0x0], $0xffff  }
0x4bf: {  	v1 =	vor.u32 v1, v4;
	_ =	sdelay $0x3  }
0x4c0: {  	[tilespmem:$0x1F460] =	vst v0  }
0x4c1: {  	v1 =	vld.idx.msk [tilespmem:v1+s20+$0x0], $0xffff  }
0x4c2: {  	v3 =	vor.u32 v8, v4;
	_ =	sdelay $0x3  }
0x4c3: {  	v5 =	vld [tilespmem:$0x1FD20];
	[tilespmem:$0x1F470] =	vst v1  }
0x4c4: {  	v1 =	vld.idx.msk [tilespmem:v3+s20+$0x0], $0xffff;
	_ =	sdelay $0x4  }
0x4c5: {  	v5 =	vor.u32 v5, v4;
	[tilespmem:$0x1F480] =	vst v1;
	v1 =	vld [tilespmem:$0x1F9B0];
	_ =	sdelay $0x4  }
0x4c6: {  	v3 =	vor.u32 v1, v4;
	v1 =	vld.idx.msk [tilespmem:v5+s20+$0x0], $0xffff;
	_ =	sdelay $0x4  }
0x4c7: {  	[tilespmem:$0x1F490] =	vst v1;
	v1 =	vld [tilespmem:$0x1FD00]  }
0x4c8: {  	v31 =	vld.idx.msk [tilespmem:v3+s20+$0x0], $0xffff  }
0x4c9: {  	v3 =	vld [tilespmem:$0x1FC60]  }
0x4ca: {  	v0 =	vld [tilespmem:$0x1F9A0];
	_ =	sdelay $0x2  }
0x4cb: {  	v5 =	vor.u32 v1, v4;
	v1 =	vld [tilespmem:$0x1FD10]  }
0x4cc: {  	v9 =	vor.u32 v3, v4;
	v3 =	vld [tilespmem:$0x1FE00]  }
0x4cd: {  	v38 =	vld [tilespmem:$0x1FF70];
	v0 =	vor.u32 v0, v4  }
0x4ce: {  	v7 =	vld [tilespmem:$0x1F990]  }
0x4cf: {  	v6 =	vld [tilespmem:$0x1F980]  }
0x4d0: {  	v8 =	vor.u32 v1, v4;
	v19 =	vld.idx.msk [tilespmem:v5+s20+$0x0], $0xffff  }
0x4d1: {  	v5 =	vor.u32 v3, v4;
	v3 =	vld [tilespmem:$0x1FD90]  }
0x4d2: {  	v32 =	vld.idx.msk [tilespmem:v0+s20+$0x0], $0xffff  }
0x4d3: {  	v0 =	vld [tilespmem:$0x1FE30]  }
0x4d4: {  	v6 =	vor.u32 v6, v4;
	v1 =	vld [tilespmem:$0x1FC70]  }
0x4d5: {  	v7 =	vor.u32 v7, v4;
	v18 =	vld.idx.msk [tilespmem:v8+s20+$0x0], $0xffff  }
0x4d6: {  	v8 =	vor.u32 v3, v4;
	v3 =	vld [tilespmem:$0x1FE90];
	_ =	sdelay $0x2  }
0x4d7: {  	v22 =	vld.idx.msk [tilespmem:v6+s20+$0x0], $0xffff  }
0x4d8: {  	v6 =	vor.u32 v1, v4;
	v1 =	vld.idx.msk [tilespmem:v7+s20+$0x0], $0xffff;
	v7 =	vor.u32 v38, v4  }
0x4d9: {  	v0 =	vor.u32 v0, v4;
	v10 =	vor.u32 v3, v4;
	v3 =	vld [tilespmem:$0x1FD40];
	_ =	sdelay $0x3  }
0x4da: {  	v20 =	vld.idx.msk [tilespmem:v7+s20+$0x0], $0xffff  }
0x4db: {  	v7 =	vor.u32 v3, v4;
	v3 =	vld.idx.msk [tilespmem:v0+s20+$0x0], $0xffff  }
0x4dc: {  	v0 =	vld [tilespmem:$0x1FD50];
	_ =	sdelay $0x3  }
0x4dd: {  	v21 =	vld.idx.msk [tilespmem:v6+s20+$0x0], $0xffff  }
0x4de: {  	v6 =	vmov s4;
	v12 =	vor.u32 v0, v4;
	v0 =	vld.idx.msk [tilespmem:v9+s20+$0x0], $0xffff  }
0x4df: {  	v9 =	vshll.u32 v6, $0x3;
	v6 =	vld [tilespmem:$0x1FD60];
	_ =	sdelay $0x4  }
0x4e0: {  	v13 =	vor.u32 v6, v4;
	v6 =	vld.idx.msk [tilespmem:v5+s20+$0x0], $0xffff  }
0x4e1: {  	v5 =	vld [tilespmem:$0x1FD80];
	_ =	sdelay $0x4  }
0x4e2: {  	v14 =	vor.u32 v5, v4;
	v5 =	vld.idx.msk [tilespmem:v8+s20+$0x0], $0xffff  }
0x4e3: {  	v8 =	vld [tilespmem:$0x1FE20];
	_ =	sdelay $0x4  }
0x4e4: {  	v4 =	vor.u32 v8, v4;
	v8 =	vld.idx.msk [tilespmem:v10+s20+$0x0], $0xffff  }
0x4e5: {  	v10 =	vld [tilespmem:$0x1FF10];
	_ =	sdelay $0x2  }
0x4e6: {  	v2 =	vand.u32 $0x7F, v2;
	v7 =	vld.idx.msk [tilespmem:v7+s20+$0x0], $0xffff;
	v9 =	vand.u32 $0x400, v9  }
0x4e7: {  	v2 =	vor.u32 v9, v2;
	v9 =	vld.idx.msk [tilespmem:v12+s20+$0x0], $0xffff  }
0x4e8: {  	v12 =	vmov s15;
	v16 =	vor.u32 v10, v2;
	v10 =	vld.idx.msk [tilespmem:v13+s20+$0x0], $0xffff  }
0x4e9: {  	v13 =	vld.idx.msk [tilespmem:v14+s20+$0x0], $0xffff;
	[tilespmem:$0x1F4A0] =	vst v12;
	v12 =	vmov s16  }
0x4ea: {  	[tilespmem:$0x1F4B0] =	vst v12  }
0x4eb: {  	v15 =	vld.idx.msk [tilespmem:v4+s20+$0x0], $0xffff;
	v4 =	vmov s0  }
0x4ec: {  	[tilespmem:$0x1F4C0] =	vst v4;
	v4 =	vld [tilespmem:$0x1FF30];
	_ =	sdelay $0x2  }
0x4ed: {  	v63 =	vld [tilespmem:$0x1FFD0]  }
0x4ee: {  	v58 =	vld [tilespmem:$0x1FFF0];
	v11 =	vor.u32 v55, v2  }
0x4ef: {  	v37 =	vor.u32 v4, v2;
	v4 =	vld [tilespmem:$0x1FF40];
	_ =	sdelay $0x1  }
0x4f0: {  	v30 =	vor.u32 v54, v2;
	_ =	sdelay $0x1  }
0x4f1: {  	v14 =	vld.idx.msk [tilespmem:v11+s13+$0x0], $0xffff;
	[tilespmem:$0x1F4D0] =	vst v16  }
0x4f2: {  	s2 =	simm.s32 $0x0;
	s11 =	simm.s32 $0x40;
	v40 =	vor.u32 v63, v2;
	v41 =	vor.u32 v58, v2;
	v12 =	vld.idx.msk [tilespmem:v16+s14+$0x0], $0xffff;
	v42 =	vor.u32 v4, v2  }
.LBB2_6:
0x4f3: {  	_ = 	snop  }
0x4f4: {  	v46 =	vld.idx.msk [tilespmem:v30+s13+$0x0], $0xffff  }
0x4f5: {  	v4 =	vld [tilespmem:$0x1FEC0]  }
0x4f6: {  	v16 =	vld [tilespmem:$0x1FEF0]  }
0x4f7: {  	v17 =	vld.idx.msk [tilespmem:v37+s14+$0x0], $0xffff  }
0x4f8: {  	v24 =	vld.idx.msk [tilespmem:v40+s13+$0x0], $0xffff  }
0x4f9: {  	v26 =	vld [tilespmem:$0x1FF20]  }
0x4fa: {  	v33 =	vld.idx.msk [tilespmem:v41+s13+$0x0], $0xffff  }
0x4fb: {  	v35 =	vld [tilespmem:$0x1FEE0]  }
0x4fc: {  	v48 =	vld [tilespmem:$0x1FDC0]  }
0x4fd: {  	v41 =	vld.idx.msk [tilespmem:v41+s14+$0x0], $0xffff  }
0x4fe: {  	v51 =	vld [tilespmem:$0x1FDA0]  }
0x4ff: {  	v59 =	vmov v56;
	v56 =	vld.idx.msk [tilespmem:v30+s14+$0x0], $0xffff  }
0x500: {  	v30 =	vld [tilespmem:$0x1FDE0]  }
0x501: {  	v40 =	vld.idx.msk [tilespmem:v40+s14+$0x0], $0xffff  }
0x502: {  	v53 =	vld [tilespmem:$0x1FDD0]  }
0x503: {  	v55 =	vld [tilespmem:$0x1FDB0];
	v16 =	vor.u32 v16, v2  }
0x504: {  	v11 =	vld.idx.msk [tilespmem:v11+s14+$0x0], $0xffff;
	v26 =	vor.u32 v26, v2  }
0x505: {  	v61 =	vmov v57;
	v57 =	vor.u32 v30, v2;
	v30 =	vld [tilespmem:$0x1FE80]  }
0x506: {  	v35 =	vor.u32 v35, v2;
	v41 =	vmul.f32 v41, v9;
	v9 =	vmul.f32 v14, v34;
	v14 =	vld [tilespmem:$0x1FE60]  }
0x507: {  	v6 =	vmul.f32 v56, v6;
	v56 =	vmov v59;
	v59 =	vld [tilespmem:$0x1FB30]  }
0x508: {  	v48 =	vor.u32 v48, v2;
	v47 =	vld.idx.msk [tilespmem:v16+s13+$0x0], $0xffff  }
0x509: {  	v50 =	vld.idx.msk [tilespmem:v26+s14+$0x0], $0xffff  }
0x50a: {  	v16 =	vld.idx.msk [tilespmem:v16+s14+$0x0], $0xffff  }
0x50b: {  	v52 =	vld.idx.msk [tilespmem:v35+s14+$0x0], $0xffff  }
0x50c: {  	v53 =	vor.u32 v53, v2;
	v28 =	vmul.f32 v46, v28;
	v46 =	vld [tilespmem:$0x1FEB0]  }
0x50d: {  	v62 =	vmovc v60;
	v60 =	vmov v49;
	v49 =	vmov v45;
	v51 =	vor.u32 v51, v2;
	v54 =	vld.idx.msk [tilespmem:v48+s14+$0x0], $0xffff  }
0x50e: {  	v45 =	vmovc v44;
	v44 =	vmovc v43;
	v43 =	vmov v39;
	v55 =	vor.u32 v55, v2;
	v15 =	vmul.f32 v50, v15;
	v50 =	vld [tilespmem:$0x1FE40]  }
0x50f: {  	v39 =	vmovc v38;
	v38 =	vmovc v63;
	v63 =	vmov v58;
	v58 =	vor.u32 v30, v2;
	v30 =	vld [tilespmem:$0x1FEA0];
	v13 =	vmul.f32 v16, v13  }
0x510: {  	v14 =	vor.u32 v14, v2;
	v10 =	vmul.f32 v52, v10;
	v52 =	vld [tilespmem:$0x1FF00]  }
0x511: {  	v34 =	vld.idx.msk [tilespmem:v53+s14+$0x0], $0xffff;
	v13 =	vadd.f32 $0.0e+00, v13;
	v15 =	vadd.f32 $0.0e+00, v15  }
0x512: {  	v8 =	vmul.f32 v40, v8;
	v16 =	vld.idx.msk [tilespmem:v51+s14+$0x0], $0xffff;
	v7 =	vmul.f32 v54, v7  }
0x513: {  	v40 =	vld.idx.msk [tilespmem:v55+s14+$0x0], $0xffff;
	v13 =	vadd.f32 v41, v13;
	v10 =	vadd.f32 v10, v15;
	v50 =	vor.u32 v50, v2  }
0x514: {  	v15 =	vld.idx.msk [tilespmem:v57+s14+$0x0], $0xffff  }
0x515: {  	v52 =	vor.u32 v52, v2;
	v8 =	vadd.f32 v8, v13;
	v7 =	vadd.f32 v7, v10;
	v10 =	vld.idx.msk [tilespmem:v14+s14+$0x0], $0xffff  }
0x516: {  	v41 =	vor.u32 v46, v2;
	v13 =	vld [tilespmem:$0x1FED0]  }
0x517: {  	v5 =	vmul.f32 v16, v5;
	v6 =	vadd.f32 v6, v8;
	v8 =	vmul.f32 v24, v23;
	v23 =	vld [tilespmem:$0x1FE70]  }
0x518: {  	v12 =	vmul.f32 v12, v29;
	v3 =	vmul.f32 v11, v3;
	v29 =	vld.idx.msk [tilespmem:v50+s14+$0x0], $0xffff  }
0x519: {  	v0 =	vmul.f32 v34, v0;
	v5 =	vadd.f32 v5, v7;
	v24 =	vld [tilespmem:$0x1FDF0]  }
0x51a: {  	v16 =	vmul.f32 v17, v25;
	v17 =	vmul.f32 v40, v21;
	v7 =	vld.idx.msk [tilespmem:v52+s14+$0x0], $0xffff;
	v3 =	vadd.f32 v3, v6  }
0x51b: {  	v30 =	vor.u32 v30, v2;
	v0 =	vadd.f32 v0, v5;
	v5 =	vmul.f32 v15, v20  }
0x51c: {  	v4 =	vor.u32 v4, v2;
	v6 =	vld.idx.msk [tilespmem:v41+s14+$0x0], $0xffff;
	v13 =	vor.u32 v13, v2;
	v3 =	vadd.f32 v17, v3  }
0x51d: {  	v0 =	vadd.f32 v5, v0;
	v5 =	vmul.f32 v10, v18;
	v19 =	vmul.f32 v29, v19  }
0x51e: {  	v25 =	vor.u32 v59, v2;
	v23 =	vor.u32 v23, v2;
	v24 =	vor.u32 v24, v2  }
0x51f: {  	v11 =	vld.idx.msk [tilespmem:v58+s14+$0x0], $0xffff;
	v0 =	vadd.f32 v5, v0;
	v2 =	vadd.f32 v19, v3;
	v3 =	vmul.f32 v7, v31  }
0x520: {  	v21 =	vld.idx.msk [tilespmem:v30+s14+$0x0], $0xffff  }
0x521: {  	v15 =	vld.idx.msk [tilespmem:v26+s13+$0x0], $0xffff;
	v1 =	vmul.f32 v6, v1;
	v0 =	vadd.f32 v3, v0  }
0x522: {  	v10 =	vld.idx.msk [tilespmem:v13+s14+$0x0], $0xffff  }
0x523: {  	v0 =	vadd.f32 v1, v0;
	v1 =	vld [tilespmem:$0x1F470]  }
0x524: {  	v11 =	vmul.f32 v11, v32;
	v17 =	vld [tilespmem:$0x1F440]  }
0x525: {  	v6 =	vld [tilespmem:$0x1F480]  }
0x526: {  	v19 =	vmul.f32 v21, v22;
	v22 =	vld [tilespmem:$0x1F490];
	v11 =	vadd.f32 v11, v2  }
0x527: {  	v18 =	vld.idx.msk [tilespmem:v35+s13+$0x0], $0xffff  }
0x528: {  	v11 =	vadd.f32 v19, v11;
	v19 =	vld [tilespmem:$0x1F450];
	v1 =	vmul.f32 v10, v1  }
0x529: {  	v5 =	vld.idx.msk [tilespmem:v23+s14+$0x0], $0xffff  }
0x52a: {  	v0 =	vadd.f32 v1, v0;
	v1 =	vld [tilespmem:$0x1F430]  }
0x52b: {  	v6 =	vmul.f32 v47, v6;
	v15 =	vmul.f32 v15, v22  }
0x52c: {  	v17 =	vmul.f32 v33, v17  }
0x52d: {  	v6 =	vadd.f32 $0.0e+00, v6;
	v15 =	vadd.f32 $0.0e+00, v15;
	v18 =	vmul.f32 v18, v19  }
0x52e: {  	v7 =	vld.idx.msk [tilespmem:v48+s13+$0x0], $0xffff  }
0x52f: {  	v1 =	vmul.f32 v5, v1;
	v5 =	vadd.f32 v17, v6;
	v6 =	vadd.f32 v18, v15;
	v15 =	vld [tilespmem:$0x1F410]  }
0x530: {  	v3 =	vld.idx.msk [tilespmem:v24+s14+$0x0], $0xffff  }
0x531: {  	v0 =	vadd.f32 v1, v0;
	v1 =	vld [tilespmem:$0x1F400];
	_ =	sdelay $0x2  }
0x532: {  	v7 =	vmul.f32 v7, v15  }
0x533: {  	v22 =	vld.idx.msk [tilespmem:v51+s13+$0x0], $0xffff  }
0x534: {  	v1 =	vmul.f32 v3, v1;
	v3 =	vadd.f32 v8, v5;
	v5 =	vadd.f32 v7, v6;
	v6 =	vld [tilespmem:$0x1F3F0];
	_ =	sdelay $0x3  }
0x535: {  	v10 =	vld.idx.msk [tilespmem:v25+s14+$0x0], $0xffff  }
0x536: {  	v19 =	vld.idx.msk [tilespmem:v53+s13+$0x0], $0xffff;
	v6 =	vmul.f32 v22, v6  }
0x537: {  	v0 =	vadd.f32 v1, v0;
	v1 =	vld [tilespmem:$0x1F3E0]  }
0x538: {  	v5 =	vadd.f32 v6, v5;
	v6 =	vld [tilespmem:$0x1F3D0];
	_ =	sdelay $0x1  }
0x539: {  	v27 =	vld.idx.msk [tilespmem:v42+s14+$0x0], $0xffff  }
0x53a: {  	v36 =	vld.idx.msk [tilespmem:v4+s14+$0x0], $0xffff  }
0x53b: {  	v20 =	vld [tilespmem:$0x1F420];
	v1 =	vmul.f32 v10, v1  }
0x53c: {  	v21 =	vld [tilespmem:$0x1F460];
	v3 =	vadd.f32 v28, v3;
	v6 =	vmul.f32 v19, v6  }
0x53d: {  	v15 =	vld.idx.msk [tilespmem:v57+s13+$0x0], $0xffff;
	v0 =	vadd.f32 v1, v0  }
0x53e: {  	v1 =	vadd.f32 v9, v3;
	v3 =	vadd.f32 v6, v5;
	v5 =	vld [tilespmem:$0x1F3C0];
	_ =	sdelay $0x2  }
0x53f: {  	v21 =	vmul.f32 v36, v21;
	_ =	sdelay $0x1  }
0x540: {  	v20 =	vmul.f32 v27, v20;
	v11 =	vadd.f32 v21, v11;
	v5 =	vmul.f32 v15, v5  }
0x541: {  	v7 =	vld.idx.msk [tilespmem:v14+s13+$0x0], $0xffff  }
0x542: {  	v11 =	vadd.f32 v20, v11;
	v3 =	vadd.f32 v5, v3;
	v5 =	vld [tilespmem:$0x1F3A0];
	_ =	sdelay $0x1  }
0x543: {  	v26 =	vld.idx.msk [tilespmem:v55+s13+$0x0], $0xffff;
	v11 =	vadd.f32 v16, v11  }
0x544: {  	v16 =	vld.idx.msk [tilespmem:v30+s13+$0x0], $0xffff  }
0x545: {  	v11 =	vadd.f32 v12, v11;
	v12 =	vld [tilespmem:$0x1F370]  }
0x546: {  	v17 =	vld.idx.msk [tilespmem:v50+s13+$0x0], $0xffff;
	v5 =	vmul.f32 v7, v5  }
0x547: {  	v10 =	vld.idx.msk [tilespmem:v52+s13+$0x0], $0xffff  }
0x548: {  	v3 =	vadd.f32 v5, v3;
	v5 =	vld [tilespmem:$0x1F380]  }
0x549: {  	v14 =	vld [tilespmem:$0x1F3B0]  }
0x54a: {  	v8 =	vld.idx.msk [tilespmem:v58+s13+$0x0], $0xffff  }
0x54b: {  	v9 =	vld [tilespmem:$0x1F390]  }
0x54c: {  	v6 =	vld.idx.msk [tilespmem:v41+s13+$0x0], $0xffff  }
0x54d: {  	v7 =	vld.idx.msk [tilespmem:v13+s13+$0x0], $0xffff;
	v5 =	vmul.f32 v10, v5  }
0x54e: {  	v14 =	vmul.f32 v26, v14;
	v13 =	vld [tilespmem:$0x1F350]  }
0x54f: {  	v0 =	vadd.f32 v0, v11;
	v3 =	vadd.f32 v5, v3;
	v5 =	vld [tilespmem:$0x1F360]  }
0x550: {  	v1 =	vadd.f32 v14, v1;
	v9 =	vmul.f32 v17, v9  }
0x551: {  	v0 =	vsub.f32 $4.000000000e+00, v0  }
0x552: {  	v8 =	vmul.f32 v8, v12;
	v1 =	vadd.f32 v9, v1  }
0x553: {  	v0 =	vmul.f32 $1.442695020e+00, v0  }
0x554: {  	v1 =	vadd.f32 v8, v1;
	v13 =	vmul.f32 v16, v13;
	v5 =	vmul.f32 v6, v5;
	_ =	sdelay $0x1  }
0x555: {  	(erf) = vpow2.f32 v0;
	v0 =	vadd.f32 v13, v1;
	v1 =	vadd.f32 v5, v3;
	v3 =	vld [tilespmem:$0x1F340];
	_ =	sdelay $0x3  }
0x556: {  	v4 =	vld.idx.msk [tilespmem:v4+s13+$0x0], $0xffff  }
0x557: {  	v53 =	vld [tilespmem:$0x1FC90];
	v3 =	vmul.f32 v7, v3  }
0x558: {  	v9 =	vld.idx.msk [tilespmem:v23+s13+$0x0], $0xffff  }
0x559: {  	s4 =	sadd.s32 $0x10, s4;
	v27 =	vlaneseq.u32;
	v1 =	vadd.f32 v3, v1;
	v3 =	vld [tilespmem:$0x1F320]  }
0x55a: {  	v55 =	vld [tilespmem:$0x1FCA0];
	v2 =	vor.u32 s4, v27  }
0x55b: {  	v30 =	vshll.u32 v2, $0x7;
	v18 =	vld [tilespmem:$0x1F2F0]  }
0x55c: {  	v12 =	vld.idx.msk [tilespmem:v42+s13+$0x0], $0xffff;
	v8 =	vor.u32 v53, v30  }
0x55d: {  	v15 =	vld [tilespmem:$0x1F330]  }
0x55e: {  	v14 =	vld.idx.msk [tilespmem:v37+s13+$0x0], $0xffff;
	v3 =	vmul.f32 v9, v3  }
0x55f: {  	v13 =	vor.u32 v55, v30;
	v6 =	vld.idx.msk [tilespmem:v24+s13+$0x0], $0xffff  }
0x560: {  	v1 =	vadd.f32 v3, v1;
	v3 =	vld [tilespmem:$0x1F300]  }
0x561: {  	v8 =	vld.idx.msk [tilespmem:v8+s20+$0x0], $0xffff;
	v10 =	vor.u32 v61, v30  }
0x562: {  	v58 =	vmovc v63;
	v63 =	vmov v38;
	v38 =	vmov v39;
	v4 =	vmul.f32 v4, v15;
	v15 =	vld [tilespmem:$0x1F4D0]  }
0x563: {  	v39 =	vmovc v43;
	v43 =	vmovc v44;
	v44 =	vmov v45;
	v45 =	vmov v49;
	v49 =	vmov v60;
	v16 =	vld [tilespmem:$0x1F310]  }
0x564: {  	v13 =	vld.idx.msk [tilespmem:v13+s20+$0x0], $0xffff;
	v7 =	vor.u32 v49, v30  }
0x565: {  	v17 =	vor.u32 v62, v30;
	v3 =	vmul.f32 v6, v3;
	v6 =	vld [tilespmem:$0x1F8B0]  }
0x566: {  	v10 =	vld.idx.msk [tilespmem:v10+s20+$0x0], $0xffff  }
0x567: {  	v5 =	vld.idx.msk [tilespmem:v25+s13+$0x0], $0xffff  }
0x568: {  	v1 =	vadd.f32 v3, v1;
	v3 =	vld [tilespmem:$0x1F2E0]  }
0x569: {  	v0 =	vadd.f32 v4, v0;
	v12 =	vmul.f32 v12, v16;
	v7 =	vld.idx.msk [tilespmem:v7+s20+$0x0], $0xffff  }
0x56a: {  	[tilespmem:$0x1F300] =	vst v13;
	v13 =	vld.idx.msk [tilespmem:v17+s20+$0x0], $0xffff;
	v6 =	vor.u32 v6, v30  }
0x56b: {  	v14 =	vmul.f32 v14, v18;
	v0 =	vadd.f32 v12, v0;
	_ =	sdelay $0x1  }
0x56c: {  	[tilespmem:$0x1F2F0] =	vst v8;
	v8 =	vld [tilespmem:$0x1F2D0];
	v0 =	vadd.f32 v14, v0;
	v14 =	vmul.f32 v5, v3  }
0x56d: {  	[tilespmem:$0x1F310] =	vst v7;
	v7 =	vor.u32 v44, v30;
	v5 =	vld [tilespmem:$0x1F8C0];
	v3 =	vpop (erf)  }
0x56e: {  	[tilespmem:$0x1F320] =	vst v13;
	v3 =	vadd.f32 $1.000000000e+00, v3;
	v13 =	vadd.f32 v14, v1;
	v1 =	vmov v10;
	v6 =	vld.idx.msk [tilespmem:v6+s20+$0x0], $0xffff  }
0x56f: {  	v15 =	vld.idx.msk [tilespmem:v15+s13+$0x0], $0xffff;
	[tilespmem:$0x1F2E0] =	vst v1;
	v1 =	vor.u32 v43, v30  }
0x570: {  	(erf) = vrcp.f32 v3;
	v3 =	vld [tilespmem:$0x1FCC0]  }
0x571: {  	v11 =	vor.u32 v56, v30;
	v9 =	vld [tilespmem:$0x1F890]  }
0x572: {  	v5 =	vor.u32 v5, v30  }
0x573: {  	[tilespmem:$0x1F350] =	vst v6;
	v6 =	vld.idx.msk [tilespmem:v7+s20+$0x0], $0xffff  }
0x574: {  	v1 =	vld.idx.msk [tilespmem:v1+s20+$0x0], $0xffff  }
0x575: {  	v54 =	vld [tilespmem:$0x1FC80];
	v8 =	vmul.f32 v15, v8;
	v3 =	vor.u32 v3, v30  }
0x576: {  	v11 =	vld.idx.msk [tilespmem:v11+s20+$0x0], $0xffff;
	v9 =	vor.u32 v9, v30  }
0x577: {  	v0 =	vadd.f32 v8, v0;
	v5 =	vld.idx.msk [tilespmem:v5+s20+$0x0], $0xffff  }
0x578: {  	[tilespmem:$0x1F370] =	vst v6;
	v6 =	vld [tilespmem:$0x1FCB0]  }
0x579: {  	v0 =	vadd.f32 v13, v0;
	[tilespmem:$0x1F3A0] =	vst v1;
	v1 =	vld [tilespmem:$0x1F8D0]  }
0x57a: {  	v3 =	vld.idx.msk [tilespmem:v3+s20+$0x0], $0xffff  }
0x57b: {  	v9 =	vld.idx.msk [tilespmem:v9+s20+$0x0], $0xffff;
	v0 =	vmul.f32 $1.442695020e+00, v0  }
0x57c: {  	v8 =	vor.u32 v45, v30  }
0x57d: {  	(erf) = vpow2.f32 v0;
	v0 =	vld [tilespmem:$0x1FCD0];
	[tilespmem:$0x1F360] =	vst v5;
	v5 =	vor.u32 v54, v30  }
0x57e: {  	v6 =	vor.u32 v6, v30  }
0x57f: {  	v1 =	vor.u32 v1, v30;
	[tilespmem:$0x1F3B0] =	vst v3;
	v3 =	vld [tilespmem:$0x1F8F0]  }
0x580: {  	[tilespmem:$0x1F330] =	vst v9;
	v9 =	vmov v11  }
0x581: {  	[tilespmem:$0x1F2D0] =	vst v9;
	v9 =	vor.u32 v39, v30;
	v7 =	vld.idx.msk [tilespmem:v8+s20+$0x0], $0xffff  }
0x582: {  	v0 =	vor.u32 v0, v30;
	v5 =	vld.idx.msk [tilespmem:v5+s20+$0x0], $0xffff  }
0x583: {  	v34 =	vld.idx.msk [tilespmem:v6+s20+$0x0], $0xffff  }
0x584: {  	v3 =	vor.u32 v3, v30;
	v6 =	vpop (erf);
	v29 =	vld.idx.msk [tilespmem:v1+s20+$0x0], $0xffff  }
0x585: {  	v1 =	vmax.f32 v6, $9.999999970e-07;
	v6 =	vld [tilespmem:$0x1FCE0]  }
0x586: {  	[tilespmem:$0x1F380] =	vst v7;
	v7 =	vld.idx.msk [tilespmem:v9+s20+$0x0], $0xffff  }
0x587: {  	v0 =	vld.idx.msk [tilespmem:v0+s20+$0x0], $0xffff  }
0x588: {  	[tilespmem:$0x1F3C0] =	vst v5;
	v5 =	vld [tilespmem:$0x1FE50]  }
0x589: {  	v3 =	vld.idx.msk [tilespmem:v3+s20+$0x0], $0xffff  }
0x58a: {  	v12 =	vld [tilespmem:$0x1F8A0];
	v6 =	vor.u32 v6, v30  }
0x58b: {  	v8 =	vld [tilespmem:$0x1F920]  }
0x58c: {  	[tilespmem:$0x1F390] =	vst v7;
	v7 =	vld [tilespmem:$0x1FE10]  }
0x58d: {  	[tilespmem:$0x1F3D0] =	vst v0;
	v0 =	vld [tilespmem:$0x1F910];
	v5 =	vor.u32 v5, v30  }
0x58e: {  	[tilespmem:$0x1F3E0] =	vst v3;
	v3 =	vld [tilespmem:$0x1FD70]  }
0x58f: {  	v12 =	vor.u32 v12, v30;
	v23 =	vld.idx.msk [tilespmem:v6+s20+$0x0], $0xffff  }
0x590: {  	s25 =	sshra.s32 s2, $0x2;
	v8 =	vor.u32 v8, v30;
	v6 =	vld [tilespmem:$0x1F4A0]  }
0x591: {  	v4 =	vld [tilespmem:s25+$0x18500];
	v7 =	vor.u32 v7, v30  }
0x592: {  	v0 =	vor.u32 v0, v30;
	v5 =	vld.idx.msk [tilespmem:v5+s20+$0x0], $0xffff  }
0x593: {  	v16 =	vld [tilespmem:s25+$0x18300]  }
0x594: {  	v11 =	vld.idx.msk [tilespmem:v12+s20+$0x0], $0xffff;
	v3 =	vor.u32 v3, v30  }
0x595: {  	v8 =	vld.idx.msk [tilespmem:v8+s20+$0x0], $0xffff  }
0x596: {  	v28 =	vld.idx.msk [tilespmem:v7+s20+$0x0], $0xffff  }
0x597: {  	v1 =	vmin.f32 v1, $9.999989860e-01;
	v25 =	vld.idx.msk [tilespmem:v0+s20+$0x0], $0xffff;
	[tilespmem:$0x1F3F0] =	vst v5  }
0x598: {  	v5 =	vld [tilespmem:$0x1F940];
	[tilespmem:v6+s25+$0x0 ss:$0x1] =	vst.idx.msk $0xffff, v1  }
0x599: {  	v4 =	vmul.f32 v1, v4;
	v1 =	vld.idx.msk [tilespmem:v3+s20+$0x0], $0xffff  }
0x59a: {  	v3 =	vld [tilespmem:$0x1F4B0];
	_ =	sdelay $0x3  }
0x59b: {  	v5 =	vor.u32 v5, v30  }
0x59c: {  	v7 =	vpop (erf)  }
0x59d: {  	v7 =	vmin.f32 v7, $1.000000000e+06  }
0x59e: {  	v4 =	vsub.f32 $1.000000000e+00, v4;
	v0 =	vmul.f32 v7, v16  }
0x59f: {  	[tilespmem:v3+s25+$0x0 ss:$0x1] =	vst.idx.msk $0xffff, v7  }
0x5a0: {  	v0 =	vmul.f32 v4, v0;
	v4 =	vld.idx.msk [tilespmem:v5+s20+$0x0], $0xffff;
	_ =	sdelay $0x2  }
0x5a1: {  	v9 =	vld [tilespmem:$0x1F950]  }
0x5a2: {  	[tilespmem:$0x1F410] =	vst v1;
	v1 =	vld [tilespmem:$0x1F960]  }
0x5a3: {  	[tilespmem:$0x1F420] =	vst v4;
	v4 =	vld [tilespmem:$0x1F4C0];
	_ =	sdelay $0x3  }
0x5a4: {  	v9 =	vor.u32 v9, v30  }
0x5a5: {  	v1 =	vor.u32 v1, v30;
	_ =	sdelay $0x2  }
0x5a6: {  	v3 =	vld [tilespmem:$0x1F970];
	[tilespmem:v4+s25+$0x0 ss:$0x1] =	vst.idx.msk $0xffff, v0  }
0x5a7: {  	v4 =	vld.idx.msk [tilespmem:v9+s20+$0x0], $0xffff  }
0x5a8: {  	v1 =	vld.idx.msk [tilespmem:v1+s20+$0x0], $0xffff;
	_ =	sdelay $0x3  }
0x5a9: {  	[tilespmem:$0x1F430] =	vst v4;
	v4 =	vld [tilespmem:$0x1FD20]  }
0x5aa: {  	v3 =	vor.u32 v3, v30;
	[tilespmem:$0x1F460] =	vst v1;
	v1 =	vld [tilespmem:$0x1F9A0];
	_ =	sdelay $0x1  }
0x5ab: {  	v10 =	vld [tilespmem:$0x1FCF0];
	_ =	sdelay $0x2  }
0x5ac: {  	v4 =	vor.u32 v4, v30;
	v7 =	vor.u32 v1, v30;
	v1 =	vld.idx.msk [tilespmem:v3+s20+$0x0], $0xffff;
	_ =	sdelay $0x1  }
0x5ad: {  	v10 =	vor.u32 v10, v30;
	[tilespmem:$0x1F400] =	vst v8;
	v8 =	vld [tilespmem:$0x1FD30];
	_ =	sdelay $0x2  }
0x5ae: {  	[tilespmem:$0x1F470] =	vst v1;
	v1 =	vld.idx.msk [tilespmem:v4+s20+$0x0], $0xffff;
	_ =	sdelay $0x1  }
0x5af: {  	v8 =	vor.u32 v8, v30;
	v5 =	vld.idx.msk [tilespmem:v10+s20+$0x0], $0xffff;
	_ =	sdelay $0x2  }
0x5b0: {  	[tilespmem:$0x1F490] =	vst v1;
	v1 =	vld [tilespmem:$0x1FD00];
	_ =	sdelay $0x1  }
0x5b1: {  	[tilespmem:$0x1F440] =	vst v5;
	v5 =	vld.idx.msk [tilespmem:v8+s20+$0x0], $0xffff;
	_ =	sdelay $0x2  }
0x5b2: {  	v3 =	vor.u32 v1, v30  }
0x5b3: {  	v6 =	vld [tilespmem:$0x1F990]  }
0x5b4: {  	[tilespmem:$0x1F450] =	vst v5;
	v5 =	vld [tilespmem:$0x1F980]  }
0x5b5: {  	v1 =	vld [tilespmem:$0x1FD10];
	_ =	sdelay $0x1  }
0x5b6: {  	v19 =	vld.idx.msk [tilespmem:v3+s20+$0x0], $0xffff  }
0x5b7: {  	v3 =	vld [tilespmem:$0x1FE00]  }
0x5b8: {  	v5 =	vor.u32 v5, v30  }
0x5b9: {  	v6 =	vor.u32 v6, v30;
	v4 =	vor.u32 v1, v30;
	v1 =	vld [tilespmem:$0x1FC70];
	_ =	sdelay $0x1  }
0x5ba: {  	v32 =	vld.idx.msk [tilespmem:v7+s20+$0x0], $0xffff  }
0x5bb: {  	v8 =	vor.u32 v3, v30;
	v3 =	vld [tilespmem:$0x1FD90]  }
0x5bc: {  	v0 =	vor.u32 v27, v30;
	v22 =	vld.idx.msk [tilespmem:v5+s20+$0x0], $0xffff  }
0x5bd: {  	v5 =	vor.u32 v1, v30;
	v1 =	vld.idx.msk [tilespmem:v6+s20+$0x0], $0xffff;
	v6 =	vor.u32 v38, v30  }
0x5be: {  	v7 =	vld [tilespmem:$0x1FE30]  }
0x5bf: {  	v18 =	vld.idx.msk [tilespmem:v4+s20+$0x0], $0xffff  }
0x5c0: {  	v4 =	vor.u32 v3, v30;
	v3 =	vld [tilespmem:$0x1FE90]  }
0x5c1: {  	v0 =	vld.idx.msk [tilespmem:v0+s20+$0x0], $0xffff  }
0x5c2: {  	v20 =	vld.idx.msk [tilespmem:v6+s20+$0x0], $0xffff  }
0x5c3: {  	v6 =	vld [tilespmem:$0x1FD50];
	_ =	sdelay $0x1  }
0x5c4: {  	v7 =	vor.u32 v7, v30;
	v9 =	vor.u32 v3, v30;
	v3 =	vld [tilespmem:$0x1FD40];
	_ =	sdelay $0x1  }
0x5c5: {  	[tilespmem:$0x1F480] =	vst v0;
	v0 =	vld [tilespmem:$0x1F9B0]  }
0x5c6: {  	v12 =	vor.u32 v6, v30;
	v6 =	vld [tilespmem:$0x1FD60]  }
0x5c7: {  	v21 =	vld.idx.msk [tilespmem:v5+s20+$0x0], $0xffff;
	v5 =	vmov s4  }
0x5c8: {  	v5 =	vshll.u32 v5, $0x3;
	v10 =	vor.u32 v3, v30;
	v3 =	vld.idx.msk [tilespmem:v7+s20+$0x0], $0xffff  }
0x5c9: {  	v7 =	vand.u32 $0x400, v5;
	v5 =	vld [tilespmem:$0x1FD80];
	_ =	sdelay $0x1  }
0x5ca: {  	v0 =	vor.u32 v0, v30;
	v13 =	vor.u32 v6, v30;
	v6 =	vld.idx.msk [tilespmem:v8+s20+$0x0], $0xffff  }
0x5cb: {  	v8 =	vld.idx.msk [tilespmem:v9+s20+$0x0], $0xffff  }
0x5cc: {  	v9 =	vld [tilespmem:$0x1F9D0]  }
0x5cd: {  	v14 =	vor.u32 v5, v30;
	v5 =	vld.idx.msk [tilespmem:v4+s20+$0x0], $0xffff  }
0x5ce: {  	v4 =	vld [tilespmem:$0x1FE20]  }
0x5cf: {  	v2 =	vand.u32 $0x7F, v2;
	v31 =	vld.idx.msk [tilespmem:v0+s20+$0x0], $0xffff  }
0x5d0: {  	v0 =	vld [tilespmem:$0x1FC60];
	v2 =	vor.u32 v7, v2  }
0x5d1: {  	[tilespmem:$0x1F340] =	vst v11;
	v11 =	vor.u32 v9, v2;
	v9 =	vld.idx.msk [tilespmem:v12+s20+$0x0], $0xffff  }
0x5d2: {  	v12 =	vld [tilespmem:$0x1F9C0]  }
0x5d3: {  	v7 =	vld.idx.msk [tilespmem:v10+s20+$0x0], $0xffff;
	v4 =	vor.u32 v4, v30  }
0x5d4: {  	v10 =	vld [tilespmem:$0x1FF10]  }
0x5d5: {  	v0 =	vor.u32 v0, v30;
	_ =	sdelay $0x1  }
0x5d6: {  	v30 =	vor.u32 v12, v2;
	v12 =	vld [tilespmem:$0x1FF30]  }
0x5d7: {  	v15 =	vld.idx.msk [tilespmem:v4+s20+$0x0], $0xffff  }
0x5d8: {  	p0 =	sne.s32 s11, $0x3C0;
	v16 =	vor.u32 v10, v2;
	v4 =	vld [tilespmem:$0x1FF40]  }
.Ltmp1:
0x5d9: {  	v0 =	vld.idx.msk [tilespmem:v0+s20+$0x0], $0xffff;
	(pc) =	sbr.rel @p0 .LBB2_6-.Ltmp1, $4  }
0x5da: {  	v10 =	vld.idx.msk [tilespmem:v13+s20+$0x0], $0xffff  }
0x5db: {  	v13 =	vld.idx.msk [tilespmem:v14+s20+$0x0], $0xffff  }
0x5dc: {  	v57 =	vmov v61;
	v40 =	vor.u32 v63, v2;
	v41 =	vor.u32 v58, v2;
	v14 =	vld.idx.msk [tilespmem:v11+s13+$0x0], $0xffff  }
0x5dd: {  	s2 =	smov.u32 s11;
	s11 =	sadd.s32 $0x40, s11;
	v60 =	vmov v62;
	[tilespmem:$0x1F4D0] =	vst v16;
	v37 =	vor.u32 v12, v2;
	v12 =	vld.idx.msk [tilespmem:v16+s14+$0x0], $0xffff;
	v42 =	vor.u32 v4, v2  }
0x5de: {  	v4 =	vld [tilespmem:$0x1FEF0];
	_ =	sdelay $0x1  }
0x5df: {  	v17 =	vld [tilespmem:$0x1FF20]  }
0x5e0: {  	v27 =	vld [tilespmem:$0x1FEE0];
	_ =	sdelay $0x1  }
0x5e1: {  	v24 =	vld.idx.msk [tilespmem:v41+s13+$0x0], $0xffff;
	v4 =	vor.u32 v4, v2  }
0x5e2: {  	v26 =	vld.idx.msk [tilespmem:v41+s14+$0x0], $0xffff  }
0x5e3: {  	v33 =	vld.idx.msk [tilespmem:v40+s13+$0x0], $0xffff;
	v17 =	vor.u32 v17, v2  }
0x5e4: {  	v61 =	vld [tilespmem:$0x1FDC0];
	v27 =	vor.u32 v27, v2  }
0x5e5: {  	v47 =	vld [tilespmem:$0x1FDA0]  }
0x5e6: {  	v16 =	vld.idx.msk [tilespmem:v4+s13+$0x0], $0xffff  }
0x5e7: {  	v4 =	vld.idx.msk [tilespmem:v4+s14+$0x0], $0xffff  }
0x5e8: {  	v62 =	vld.idx.msk [tilespmem:v17+s14+$0x0], $0xffff  }
0x5e9: {  	v46 =	vld.idx.msk [tilespmem:v27+s14+$0x0], $0xffff  }
0x5ea: {  	v52 =	vld [tilespmem:$0x1FDE0]  }
0x5eb: {  	v35 =	vld.idx.msk [tilespmem:v40+s14+$0x0], $0xffff;
	v40 =	vor.u32 v61, v2  }
0x5ec: {  	v51 =	vld [tilespmem:$0x1FDB0]  }
0x5ed: {  	v36 =	vld.idx.msk [tilespmem:v30+s13+$0x0], $0xffff;
	v4 =	vmul.f32 v4, v13;
	v15 =	vmul.f32 v62, v15  }
0x5ee: {  	v50 =	vld [tilespmem:$0x1FDD0];
	v47 =	vor.u32 v47, v2;
	v9 =	vmul.f32 v26, v9;
	v10 =	vmul.f32 v46, v10  }
0x5ef: {  	v46 =	vor.u32 v52, v2;
	v52 =	vld [tilespmem:$0x1FE40];
	v4 =	vadd.f32 $0.0e+00, v4;
	v15 =	vadd.f32 $0.0e+00, v15  }
0x5f0: {  	v26 =	vld.idx.msk [tilespmem:v40+s14+$0x0], $0xffff  }
0x5f1: {  	v41 =	vor.u32 v51, v2;
	v4 =	vadd.f32 v9, v4;
	v9 =	vadd.f32 v10, v15;
	v10 =	vld [tilespmem:$0x1FE80]  }
0x5f2: {  	v30 =	vld.idx.msk [tilespmem:v30+s14+$0x0], $0xffff  }
0x5f3: {  	v11 =	vld.idx.msk [tilespmem:v11+s14+$0x0], $0xffff  }
0x5f4: {  	v51 =	vld.idx.msk [tilespmem:v47+s14+$0x0], $0xffff;
	v52 =	vor.u32 v52, v2  }
0x5f5: {  	v50 =	vor.u32 v50, v2;
	v8 =	vmul.f32 v35, v8;
	v61 =	vld [tilespmem:$0x1FE60]  }
0x5f6: {  	v7 =	vmul.f32 v26, v7;
	v26 =	vmul.f32 v36, v28;
	v28 =	vld.idx.msk [tilespmem:v41+s14+$0x0], $0xffff;
	v10 =	vor.u32 v10, v2  }
0x5f7: {  	v4 =	vadd.f32 v8, v4;
	v8 =	vld [tilespmem:$0x1FEA0]  }
0x5f8: {  	v6 =	vmul.f32 v30, v6;
	v62 =	vld [tilespmem:$0x1FF00]  }
0x5f9: {  	v5 =	vmul.f32 v51, v5;
	v7 =	vadd.f32 v7, v9;
	v9 =	vld.idx.msk [tilespmem:v52+s14+$0x0], $0xffff  }
0x5fa: {  	v3 =	vmul.f32 v11, v3;
	v15 =	vld.idx.msk [tilespmem:v50+s14+$0x0], $0xffff;
	v4 =	vadd.f32 v6, v4  }
0x5fb: {  	v35 =	vor.u32 v61, v2;
	v5 =	vadd.f32 v5, v7;
	v7 =	vld.idx.msk [tilespmem:v10+s14+$0x0], $0xffff  }
0x5fc: {  	v30 =	vld.idx.msk [tilespmem:v46+s14+$0x0], $0xffff;
	v21 =	vmul.f32 v28, v21;
	v3 =	vadd.f32 v3, v4;
	v8 =	vor.u32 v8, v2;
	_ =	sdelay $0x1  }
0x5fd: {  	v3 =	vadd.f32 v21, v3;
	v9 =	vmul.f32 v9, v19  }
0x5fe: {  	v61 =	vld [tilespmem:$0x1FEB0];
	v0 =	vmul.f32 v15, v0  }
0x5ff: {  	v36 =	vor.u32 v62, v2;
	v6 =	vld.idx.msk [tilespmem:v35+s14+$0x0], $0xffff;
	v3 =	vadd.f32 v9, v3;
	v7 =	vmul.f32 v7, v32  }
0x600: {  	v0 =	vadd.f32 v0, v5;
	v5 =	vmul.f32 v30, v20;
	v20 =	vld.idx.msk [tilespmem:v8+s14+$0x0], $0xffff  }
0x601: {  	v3 =	vadd.f32 v7, v3;
	v7 =	vld [tilespmem:$0x1F480]  }
0x602: {  	v13 =	vld.idx.msk [tilespmem:v37+s14+$0x0], $0xffff  }
0x603: {  	v62 =	vld [tilespmem:$0x1FED0]  }
0x604: {  	v51 =	vor.u32 v61, v2;
	v4 =	vld.idx.msk [tilespmem:v36+s14+$0x0], $0xffff  }
0x605: {  	v0 =	vadd.f32 v5, v0;
	v5 =	vmul.f32 v6, v18;
	v6 =	vld.idx.msk [tilespmem:v17+s13+$0x0], $0xffff  }
0x606: {  	v20 =	vmul.f32 v20, v22;
	v7 =	vmul.f32 v16, v7;
	v16 =	vld [tilespmem:$0x1F490]  }
0x607: {  	v0 =	vadd.f32 v5, v0;
	v5 =	vld.idx.msk [tilespmem:v27+s13+$0x0], $0xffff  }
0x608: {  	v11 =	vmul.f32 v13, v25;
	v13 =	vor.u32 v62, v2;
	v3 =	vadd.f32 v20, v3;
	v20 =	vld [tilespmem:$0x1F450]  }
0x609: {  	v21 =	vld.idx.msk [tilespmem:v51+s14+$0x0], $0xffff  }
0x60a: {  	v30 =	vld [tilespmem:$0x1FE70]  }
0x60b: {  	v48 =	vld [tilespmem:$0x1FEC0];
	v6 =	vmul.f32 v6, v16  }
0x60c: {  	v18 =	vld [tilespmem:$0x1F440];
	v4 =	vmul.f32 v4, v31  }
0x60d: {  	v9 =	vld.idx.msk [tilespmem:v13+s14+$0x0], $0xffff;
	v5 =	vmul.f32 v5, v20;
	v6 =	vadd.f32 $0.0e+00, v6  }
0x60e: {  	v0 =	vadd.f32 v4, v0;
	v1 =	vmul.f32 v21, v1;
	v4 =	vld.idx.msk [tilespmem:v40+s13+$0x0], $0xffff  }
0x60f: {  	v15 =	vmul.f32 v33, v23;
	v23 =	vor.u32 v30, v2;
	v5 =	vadd.f32 v5, v6;
	v6 =	vld [tilespmem:$0x1F410]  }
0x610: {  	v0 =	vadd.f32 v1, v0;
	v1 =	vld [tilespmem:$0x1F470];
	_ =	sdelay $0x1  }
0x611: {  	v28 =	vld [tilespmem:$0x1FDF0];
	_ =	sdelay $0x1  }
0x612: {  	v48 =	vor.u32 v48, v2;
	v18 =	vmul.f32 v24, v18;
	v24 =	vld.idx.msk [tilespmem:v23+s14+$0x0], $0xffff;
	v4 =	vmul.f32 v4, v6  }
0x613: {  	v1 =	vmul.f32 v9, v1;
	v9 =	vld.idx.msk [tilespmem:v47+s13+$0x0], $0xffff  }
0x614: {  	v4 =	vadd.f32 v4, v5;
	v5 =	vld [tilespmem:$0x1F3F0]  }
0x615: {  	v17 =	vor.u32 v28, v2;
	v0 =	vadd.f32 v1, v0;
	v1 =	vld [tilespmem:$0x1F430];
	_ =	sdelay $0x1  }
0x616: {  	v12 =	vmul.f32 v12, v29;
	v29 =	vld.idx.msk [tilespmem:v48+s14+$0x0], $0xffff  }
0x617: {  	v21 =	vld.idx.msk [tilespmem:v50+s13+$0x0], $0xffff  }
0x618: {  	v22 =	vld [tilespmem:$0x1F460];
	v5 =	vmul.f32 v9, v5  }
0x619: {  	v16 =	vld.idx.msk [tilespmem:v17+s14+$0x0], $0xffff;
	v1 =	vmul.f32 v24, v1  }
0x61a: {  	v4 =	vadd.f32 v5, v4;
	v5 =	vld [tilespmem:$0x1F3D0]  }
0x61b: {  	v0 =	vadd.f32 v1, v0;
	v1 =	vld [tilespmem:$0x1F400]  }
0x61c: {  	v14 =	vmul.f32 v14, v34;
	v34 =	vld.idx.msk [tilespmem:v42+s14+$0x0], $0xffff  }
0x61d: {  	v19 =	vld [tilespmem:$0x1F420];
	_ =	sdelay $0x1  }
0x61e: {  	v5 =	vmul.f32 v21, v5  }
0x61f: {  	v2 =	vor.u32 v59, v2;
	v22 =	vmul.f32 v29, v22;
	v1 =	vmul.f32 v16, v1;
	v16 =	vld.idx.msk [tilespmem:v46+s13+$0x0], $0xffff  }
0x620: {  	v4 =	vadd.f32 v5, v4;
	v5 =	vld [tilespmem:$0x1F3C0]  }
0x621: {  	v19 =	vmul.f32 v34, v19;
	v3 =	vadd.f32 v22, v3;
	_ =	sdelay $0x1  }
0x622: {  	v3 =	vadd.f32 v19, v3  }
0x623: {  	v20 =	vld.idx.msk [tilespmem:v2+s14+$0x0], $0xffff  }
0x624: {  	v3 =	vadd.f32 v11, v3;
	v11 =	vld.idx.msk [tilespmem:v35+s13+$0x0], $0xffff;
	v5 =	vmul.f32 v16, v5  }
0x625: {  	v0 =	vadd.f32 v1, v0;
	v1 =	vld [tilespmem:$0x1F3E0]  }
0x626: {  	v4 =	vadd.f32 v5, v4;
	v5 =	vld [tilespmem:$0x1F3A0];
	_ =	sdelay $0x3  }
0x627: {  	v1 =	vmul.f32 v20, v1  }
0x628: {  	v7 =	vadd.f32 $0.0e+00, v7;
	v5 =	vmul.f32 v11, v5  }
0x629: {  	v0 =	vadd.f32 v1, v0;
	v1 =	vld.idx.msk [tilespmem:v36+s13+$0x0], $0xffff  }
0x62a: {  	v7 =	vadd.f32 v18, v7;
	v4 =	vadd.f32 v5, v4;
	v5 =	vld [tilespmem:$0x1F380]  }
0x62b: {  	v10 =	vld.idx.msk [tilespmem:v10+s13+$0x0], $0xffff  }
0x62c: {  	v7 =	vadd.f32 v15, v7;
	v15 =	vld [tilespmem:$0x1F3B0]  }
0x62d: {  	v3 =	vadd.f32 v12, v3;
	v12 =	vld [tilespmem:$0x1F390]  }
0x62e: {  	v6 =	vld.idx.msk [tilespmem:v41+s13+$0x0], $0xffff  }
0x62f: {  	v9 =	vld.idx.msk [tilespmem:v52+s13+$0x0], $0xffff;
	v1 =	vmul.f32 v1, v5  }
0x630: {  	v0 =	vadd.f32 v0, v3;
	v3 =	vld.idx.msk [tilespmem:v51+s13+$0x0], $0xffff  }
0x631: {  	v1 =	vadd.f32 v1, v4;
	v4 =	vld [tilespmem:$0x1F360]  }
0x632: {  	v11 =	vld [tilespmem:$0x1F370]  }
0x633: {  	v7 =	vadd.f32 v26, v7;
	_ =	sdelay $0x1  }
0x634: {  	v7 =	vadd.f32 v14, v7;
	v6 =	vmul.f32 v6, v15  }
0x635: {  	v8 =	vld.idx.msk [tilespmem:v8+s13+$0x0], $0xffff;
	v3 =	vmul.f32 v3, v4  }
0x636: {  	v6 =	vadd.f32 v6, v7;
	v9 =	vmul.f32 v9, v12;
	v10 =	vmul.f32 v10, v11;
	v11 =	vld.idx.msk [tilespmem:v13+s13+$0x0], $0xffff  }
0x637: {  	v1 =	vadd.f32 v3, v1;
	v3 =	vld [tilespmem:$0x1F340]  }
0x638: {  	v6 =	vadd.f32 v9, v6;
	v9 =	vld [tilespmem:$0x1F350];
	_ =	sdelay $0x3  }
0x639: {  	v3 =	vmul.f32 v11, v3  }
0x63a: {  	v8 =	vmul.f32 v8, v9;
	v9 =	vld.idx.msk [tilespmem:v23+s13+$0x0], $0xffff  }
0x63b: {  	v0 =	vsub.f32 $4.000000000e+00, v0;
	v1 =	vadd.f32 v3, v1;
	v3 =	vld [tilespmem:$0x1F320];
	_ =	sdelay $0x1  }
0x63c: {  	v0 =	vmul.f32 $1.442695020e+00, v0  }
0x63d: {  	v7 =	vld.idx.msk [tilespmem:v48+s13+$0x0], $0xffff  }
0x63e: {  	(erf) = vpow2.f32 v0;
	v0 =	vld.idx.msk [tilespmem:v17+s13+$0x0], $0xffff;
	v6 =	vadd.f32 v10, v6  }
0x63f: {  	v10 =	vld [tilespmem:$0x1F330];
	v3 =	vmul.f32 v9, v3  }
0x640: {  	v6 =	vadd.f32 v8, v6;
	v8 =	vld [tilespmem:$0x1F4D0]  }
0x641: {  	v1 =	vadd.f32 v3, v1;
	v3 =	vld [tilespmem:$0x1F300];
	_ =	sdelay $0x1  }
0x642: {  	v2 =	vld.idx.msk [tilespmem:v2+s13+$0x0], $0xffff  }
0x643: {  	v5 =	vld.idx.msk [tilespmem:v42+s13+$0x0], $0xffff  }
0x644: {  	v7 =	vmul.f32 v7, v10;
	v10 =	vld [tilespmem:$0x1F310]  }
0x645: {  	v4 =	vld.idx.msk [tilespmem:v37+s13+$0x0], $0xffff;
	v0 =	vmul.f32 v0, v3  }
0x646: {  	v6 =	vadd.f32 v7, v6;
	v7 =	vld [tilespmem:$0x1F2F0]  }
0x647: {  	v0 =	vadd.f32 v0, v1;
	v1 =	vld [tilespmem:$0x1F2E0]  }
0x648: {  	v8 =	vld.idx.msk [tilespmem:v8+s13+$0x0], $0xffff  }
0x649: {  	v3 =	vld [tilespmem:$0x1F2D0]  }
0x64a: {  	v5 =	vmul.f32 v5, v10;
	_ =	sdelay $0x1  }
0x64b: {  	v4 =	vmul.f32 v4, v7;
	v5 =	vadd.f32 v5, v6;
	v1 =	vmul.f32 v2, v1;
	_ =	sdelay $0x1  }
0x64c: {  	v4 =	vadd.f32 v4, v5;
	v3 =	vmul.f32 v8, v3;
	_ =	sdelay $0x1  }
0x64d: {  	v2 =	vadd.f32 v3, v4;
	v0 =	vadd.f32 v1, v0;
	v1 =	vpop (erf)  }
0x64e: {  	v1 =	vadd.f32 $1.000000000e+00, v1  }
0x64f: {  	v0 =	vadd.f32 v0, v2  }
0x650: {  	(erf) = vrcp.f32 v1  }
0x651: {  	v0 =	vmul.f32 $1.442695020e+00, v0;
	_ =	sdelay $0x1  }
0x652: {  	(erf) = vpow2.f32 v0;
	_ =	sdelay $0x2  }
0x653: {  	s2 =	sshra.s32 s2, $0x2;
	v4 =	vld [tilespmem:$0x1F4A0]  }
0x654: {  	v0 =	vld [tilespmem:s2+$0x18500];
	_ =	sdelay $0x1  }
0x655: {  	v1 =	vld [tilespmem:s2+$0x18300];
	v2 =	vpop (erf)  }
0x656: {  	v2 =	vmax.f32 v2, $9.999999970e-07  }
0x657: {  	v2 =	vmin.f32 v2, $9.999989860e-01  }
0x658: {  	v3 =	vpop (erf);
	v0 =	vmul.f32 v2, v0  }
0x659: {  	v3 =	vmin.f32 v3, $1.000000000e+06  }
0x65a: {  	v1 =	vmul.f32 v3, v1;
	v0 =	vsub.f32 $1.000000000e+00, v0  }
0x65b: {  	[tilespmem:v4+s2+$0x0 ss:$0x1] =	vst.idx.msk $0xffff, v2  }
0x65c: {  	v0 =	vmul.f32 v0, v1;
	v1 =	vld [tilespmem:$0x1F4B0];
	_ =	sdelay $0x7  }
0x65d: {  	[tilespmem:v1+s2+$0x0 ss:$0x1] =	vst.idx.msk $0xffff, v3  }
0x65e: {  	v1 =	vld [tilespmem:$0x1F4C0];
	_ =	sdelay $0x7  }
0x65f: {  	s11 =	simm.s32 $0x1;
	[tilespmem:v1+s2+$0x0 ss:$0x1] =	vst.idx.msk $0xffff, v0  }
0x660: {  	_ =	swait.ge [sflag:s11], $0x100  }
0x661: {  	v51 =	vld [tilespmem:$0x1FEF0]  }
0x662: {  	v36 =	vld [tilespmem:$0x1FF20]  }
0x663: {  	v22 =	vld [tilespmem:$0x1FEE0]  }
0x664: {  	v32 =	vld [tilespmem:$0x1FDC0]  }
0x665: {  	v31 =	vld [tilespmem:$0x1FDA0]  }
0x666: {  	v50 =	vld [tilespmem:$0x1FDD0]  }
0x667: {  	v33 =	vld [tilespmem:$0x1FDB0]  }
0x668: {  	v24 =	vld [tilespmem:$0x1FDE0]  }
0x669: {  	v27 =	vld [tilespmem:$0x1FE40]  }
0x66a: {  	v25 =	vld [tilespmem:$0x1FE60]  }
0x66b: {  	v59 =	vld [tilespmem:$0x1FE80]  }
0x66c: {  	v21 =	vld [tilespmem:$0x1FEA0]  }
0x66d: {  	v35 =	vmov v61;
	v61 =	vld [tilespmem:$0x1FEC0]  }
0x66e: {  	v16 =	vld [tilespmem:$0x1FF40]  }
0x66f: {  	v20 =	vld [tilespmem:$0x1FF30]  }
0x670: {  	v17 =	vld [tilespmem:$0x1FF10]  }
0x671: {  	p0 =	slt.s32 s1, $0x3C;
	v9 =	vld [tilespmem:$0x1FD00]  }
0x672: {  	s1 =	simm.s32 @!p0 $0x3C;
	v10 =	vld [tilespmem:$0x1FD10]  }
0x673: {  	s1 =	sshll.u32 s1, $0x8;
	[sflag:s11] =	ssyncset.done $0x0;
	s25 =	rddreg [dreg:$0x17];
	v15 =	vld [tilespmem:$0x1FD80]  }
0x674: {  	v11 =	vld [tilespmem:$0x1FD20];
	[sflag:s11] =	ssyncadd.s32 $0xFFFFFF00;
	s11 =	simm.s32 $0x100;
	s1 =	sadd.s32 s25, s1  }
0x675: {  	v19 =	vld [tilespmem:$0x1FE20];
	[tilespmem:s18], [sflag:$0x5] =	stream.indirect.gather [hbm4b:s7+s11], $0x80, s6, s11, $0xb8  }
0x676: {  	v8 =	vld [tilespmem:$0x1FCF0];
	s2 =	sshrl.u32 s1, $0x3  }
0x677: {  	v13 =	vld [tilespmem:$0x1FD50];
	s4 =	sadd.s32 s12, s2  }
0x678: {  	v12 =	vld [tilespmem:$0x1FD30];
	[tilespmem:s11], [sflag:$0x2] =	stream.linear.gather [hbm4b:s4+s6], $0x100, $0x38  }
0x679: {  	v14 =	vld [tilespmem:$0x1FD60];
	s31 =	sadd.s32 s8, s1  }
0x67a: {  	v7 =	vld [tilespmem:$0x1FCE0];
	[tilespmem:s13], [sflag:$0x4] =	stream.strided.gather [hbm4b:s31+s26], $0x2000, s28, s26, $0x38  }
0x67b: {  	v23 =	vld [tilespmem:$0x1FE90];
	s1 =	sadd.s32 s17, s1  }
0x67c: {  	v34 =	vld [tilespmem:$0x1FD70];
	[tilespmem:s14], [sflag:$0x4] =	stream.strided.gather [hbm4b:s1+s26], $0x2000, s28, s26, $0x38  }
0x67d: {  	v37 =	vld [tilespmem:$0x1FD40];
	s25 =	sadd.s32 s19, s2;
	s31 =	simm.s32 $0x18300  }
0x67e: {  	v42 =	vld [tilespmem:$0x1FE10];
	[tilespmem:s31], [sflag:$0x4] =	stream.linear.gather [hbm4b:s25+s6], $0x100, $0x38  }
0x67f: {  	s10 =	sadd.s32 $0x1, s10;
	v40 =	vld [tilespmem:$0x1FE00];
	s31 =	rddreg [dreg:$0x19]  }
0x680: {  	v48 =	vld [tilespmem:$0x1FE50];
	p0 =	sne.s32 s10, s31  }
.Ltmp2:
0x681: {  	v41 =	vld [tilespmem:$0x1FD90];
	(pc) =	sbr.rel @p0 .LBB2_3-.Ltmp2, $4  }
0x682: {  	s24 =	sadd.s32 $0x200, s24;
	s5 =	sadd.s32 $0x200, s5;
	v6 =	vld [tilespmem:$0x1FCB0]  }
0x683: {  	s3 =	sadd.s32 $0x200, s3;
	s15 =	sadd.s32 $0x200, s15;
	s16 =	sadd.s32 $0x200, s16;
	v46 =	vld [tilespmem:$0x1FE30]  }
0x684: {  	s0 =	sadd.s32 $0x200, s0;
	v47 =	vld [tilespmem:$0x1FCD0];
	s4 =	sadd.s32 s23, s2;
	s25 =	simm.s32 $0x18500  }
0x685: {  	v29 =	vmov v30;
	v26 =	vmov v28;
	v0 =	vlaneseq.u32;
	v52 =	vld [tilespmem:$0x1FCC0];
	[tilespmem:s25], [sflag:$0x4] =	stream.linear.gather [hbm4b:s4+s6], $0x100, $0x38  }
0x686: {  	s0 =	rddreg [dreg:$0x9]  }
0x687: {  	s1 =	rddreg [dreg:$0x1b]  }
0x688: {  	s0 =	sor.u32 s0, s1  }
0x689: {  	s5 =	rddreg [dreg:$0x7];
	s0 =	sshrl.u32 s0, $0x3  }
0x68a: {  	s2 =	simm.s32 $0x18600;
	s10 =	simm.s32 $0x7;
	s1 =	sadd.s32 s5, s0  }
0x68b: {  	[hbm4b:s1+s6] =	stream.linear.scatter [tilespmem:s2], [sflag:$0x7], $0x800, $0x38;
	[tilespmem:$0x19E00] =	vst v63  }
0x68c: {  	_ =	swait.ge [sflag:s10], $0x800  }
0x68d: {  	[sflag:s10] =	ssyncset.done $0x0;
	s15 =	rddreg [dreg:$0x8]  }
0x68e: {  	s3 =	simm.s32 $0x18E00;
	[sflag:s10] =	ssyncadd.s32 $0xFFFFF800;
	s1 =	sadd.s32 s15, s0  }
0x68f: {  	[hbm4b:s1+s6] =	stream.linear.scatter [tilespmem:s3], [sflag:$0x7], $0x800, $0x38;
	[tilespmem:$0x19E00] =	vst v63  }
0x690: {  	_ =	swait.ge [sflag:s10], $0x800  }
0x691: {  	s16 =	rddreg [dreg:$0xa]  }
0x692: {  	s24 =	simm.s32 $0x19600;
	[sflag:s10] =	ssyncset.done $0x0;
	s25 =	rddreg [dreg:$0x1a]  }
0x693: {  	[sflag:s10] =	ssyncadd.s32 $0xFFFFF800;
	s0 =	sadd.s32 s16, s0;
	s1 =	sadd.s32 $0x1, s25  }
0x694: {  	[hbm4b:s0+s6] =	stream.linear.scatter [tilespmem:s24], [sflag:$0x7], $0x800, $0x38;
	[tilespmem:$0x19E00] =	vst v63  }
0x695: {  	p0 =	sne.s32 s1, $0x8  }
.Ltmp3:
0x696: {  	_ = 	snop;
	(pc) =	sbr.rel @p0 .LBB2_2-.Ltmp3, $4  }
0x697: {  	_ =	swait.ge [sflag:s10], $0x800  }
0x698: {  	s31 =	rddreg [dreg:$0x19]  }
0x699: {  	[sflag:s10] =	ssyncset.done $0x0;
	s0 =	sadd.s32 $0x4, s31  }
0x69a: {  	v30 =	vmov v22;
	[sflag:s10] =	ssyncadd.s32 $0xFFFFF800;
	[dreg:$0x19] =	wrdreg s0  }
0x69b: {  	_ =	swait.ge [sflag:s21], $0x8000  }
0x69c: {  	[sflag:s21] =	ssyncset.done $0x0  }
0x69d: {  	[sflag:s21] =	ssyncadd.s32 $0xFFFF8000  }
0x69e: {  	_ =	swait.ge [sflag:s22], $0x2000  }
0x69f: {  	[sflag:s22] =	ssyncset.done $0x0  }
0x6a0: {  	[sflag:s22] =	ssyncadd.s32 $0xFFFFE000  }
0x6a1: {  	_ =	swait.ge [sflag:s22], $0x2000  }
0x6a2: {  	[sflag:s22] =	ssyncset.done $0x0  }
0x6a3: {  	[sflag:s22] =	ssyncadd.s32 $0xFFFFE000  }
0x6a4: {  	_ =	swait.ge [sflag:s22], $0x100  }
0x6a5: {  	[sflag:s22] =	ssyncset.done $0x0  }
0x6a6: {  	[sflag:s22] =	ssyncadd.s32 $0xFFFFFF00  }
0x6a7: {  	_ =	swait.ge [sflag:s22], $0x100  }
0x6a8: {  	[sflag:s22] =	ssyncset.done $0x0  }
0x6a9: {  	s0 =	simm.s32 $0x2;
	[sflag:s22] =	ssyncadd.s32 $0xFFFFFF00  }
0x6aa: {  	_ =	swait.ge [sflag:s0], $0x100  }
0x6ab: {  	[sflag:s0] =	ssyncset.done $0x0  }
0x6ac: {  	[sflag:s0] =	ssyncadd.s32 $0xFFFFFF00  }
0x6ad: {  	_ =	swait.ge [sflag:s9], $0x2000  }
0x6ae: {  	[sflag:s9] =	ssyncset.done $0x0  }
0x6af: {  	[sflag:s9] =	ssyncadd.s32 $0xFFFFE000  }
0x6b0: {  	_ =	swait.ge [sflag:s9], $0x2000  }
0x6b1: {  	[sflag:s9] =	ssyncset.done $0x0  }
0x6b2: {  	[sflag:s9] =	ssyncadd.s32 $0xFFFFE000  }
0x6b3: {  	_ =	swait.ge [sflag:s9], $0x100  }
0x6b4: {  	[sflag:s9] =	ssyncset.done $0x0  }
0x6b5: {  	[sflag:s9] =	ssyncadd.s32 $0xFFFFFF00  }
0x6b6: {  	_ =	swait.ge [sflag:s9], $0x100  }
0x6b7: {  	s1 =	rddreg [dreg:$0x18]  }
0x6b8: {  	s31 =	rddreg [dreg:$0x15];
	s1 =	sadd.s32 $0x1, s1  }
0x6b9: {  	p0 =	sne.s32 s1, s31  }
.Ltmp4:
0x6ba: {  	_ = 	snop;
	(pc) =	sbr.rel @p0 .LBB2_1-.Ltmp4, $3  }
0x6bb: {  	_ =	sdelay $0x1  }
0x6bc: {  	[sflag:s9] =	ssyncset.done $0x0  }
0x6bd: {  	[sflag:s9] =	ssyncadd.s32 $0xFFFFFF00  }
0x6be: {  	_ =	sfence.sel $0x180000  }
0x6bf: {  	[bflag:$0x0] =	sbarrier.arrive $0xFFFF  }
0x6c0: {  	_ =	strace $0x90000047  }
0x6c1: {  	s0 =	stileid.u32;
	[bflag:$0x2] =	sbarrier.arrive $0xFFFF  }
0x6c2: {  	p0 =	sne.s32 s0, $0x0;
	s0 =	rddreg [dreg:$0x6]  }
0x6c3: {  	s0 =	sadd.s32 @!p0 $0x100000, s0  }
0x6c4: {  	[sflag:s0] =	ssyncadd.tile.s32 @!p0 $0x1;
	_ =	shalt  }
.Lfunc_end2:
_tile_overlayer_lowered:
.L_overlay_start_2:
0x6c5: {  	(tag) =	ssettag $0x2  }
0x6c6: {  	s0 =	rddreg [dreg:$0x0];
	s2 =	stileid.u32  }
0x6c7: {  	s1 =	rddreg [dreg:$0x1];
	p0 =	sne.s32 s2, $0x0  }
0x6c8: {  	s3 =	rddreg [dreg:$0x2];
	[bflag:$0x3] =	sbarrier.arrive $0xFFFF;
	s2 =	simm.s32 @!p0 $0x1C07  }
0x6c9: {  	[timem:s3], [sflag:s2] =	dma.local @!p0 [hbm:s0], s1  }
0x6ca: {  	s0 =	simm.s32 @!p0 $0x7  }
0x6cb: {  	_ =	swait.ge @!p0 [sflag:s0], s1  }
0x6cc: {  	s1 =	ssub.s32 @!p0 $0x0, s1;
	[sflag:s0] =	ssyncset.done @!p0 $0x0  }
0x6cd: {  	[sflag:s0] =	ssyncadd.s32 @!p0 s1  }
0x6ce: {  	[bflag:$0x3] =	sbarrier.arrive $0xFFFF  }
0x6cf: {  	_ =	shalt  }

</sc_bundles>
